<compile_context>
chip_gen: v7x
topology: tpu7x:2x2x1
jax: 0.10.2.dev20260603
libtpu: 0.0.44.dev20260713+nightly
codegen_flags: <defaults>
</compile_context>

<pallas_src>
import functools

import jax
import jax.numpy as jnp
from jax import lax
from jax.experimental import pallas as pl
from jax.experimental.pallas import tpu as pltpu
from jax.experimental.pallas import tpu_sc as plsc

N = 10000
E = 320000
D_HID = 128
D_OUT = 40
D_OUTP = 48
EPS = 1e-5

NC = 2
NS = 16
NW = NC * NS
CHUNK = 128
CH = 80
EPT = CH * CHUNK
ETOT = NW * EPT
NPAD = 10112
SR = 79
DH = 64
NB = 16
BR = NPAD // NB
STRIPE = NPAD // NS
NBUF = 3


def _sc_mesh():
    return plsc.VectorSubcoreMesh(
        core_axis_name="c", subcore_axis_name="s", num_cores=NC, num_subcores=NS
    )


def _sc_degree(dstp, zeros_hbm):

    @functools.partial(
        pl.kernel,
        out_type=jax.ShapeDtypeStruct((NW, NPAD), jnp.float32),
        mesh=_sc_mesh(),
        scratch_types=[
            pltpu.VMEM((CH, CHUNK), jnp.int32),
            pltpu.VMEM((NPAD,), jnp.float32),
        ],
        compiler_params=pltpu.CompilerParams(needs_layout_passes=False),
    )
    def k(dst_hbm, zero_hbm, out_hbm, dst_v, hist_v):
        c = lax.axis_index("c")
        s = lax.axis_index("s")
        wid = c * NS + s
        pltpu.sync_copy(dst_hbm.at[wid], dst_v)
        pltpu.sync_copy(zero_hbm, hist_v)

        ones = jnp.full((16,), 1.0, jnp.float32)

        def body(j, _):
            for kk in range(CHUNK // 16):
                idx = dst_v[j, pl.ds(kk * 16, 16)]
                plsc.addupdate_scatter(hist_v, [idx], ones)
            return 0

        lax.fori_loop(0, CH, body, 0)
        pltpu.sync_copy(hist_v, out_hbm.at[wid])

    return k(dstp, zeros_hbm)


def _tc_degsum(degp):

    def body(p_ref, o_ref):
        o_ref[...] = jnp.sum(p_ref[...], axis=0, keepdims=True) + 1.0

    return pl.pallas_call(
        body,
        out_shape=jax.ShapeDtypeStruct((1, NPAD), jnp.float32),
    )(degp)


def _sc_agg(hs, srcp, dstp, zeros_hbm, offs, pw):

    @functools.partial(
        pl.kernel,
        out_type=jax.ShapeDtypeStruct((NC, NPAD, 128), jnp.float32),
        mesh=_sc_mesh(),
        scratch_types=[
            pltpu.VMEM((CH, CHUNK), jnp.int32),
            pltpu.VMEM((CH, CHUNK), jnp.int32),
            [pltpu.VMEM((CHUNK, pw), jnp.float32) for _ in range(NBUF)],
            [pltpu.SemaphoreType.DMA for _ in range(NBUF)],
            [pltpu.SemaphoreType.DMA for _ in range(NBUF)],
            pltpu.VMEM_SHARED((NPAD, pw), jnp.float32),
            pltpu.VMEM_SHARED((NPAD, pw), jnp.float32),
        ],
        compiler_params=pltpu.CompilerParams(use_tc_tiling_on_sc=False),
    )
    def k(hs_hbm, src_hbm, dst_hbm, zero_hbm, out_hbm,
          src_v, dst_v, rows, gsem, ssem, acc_s, hs_s):
        c = lax.axis_index("c")
        s = lax.axis_index("s")
        wid = c * NS + s
        pltpu.sync_copy(src_hbm.at[wid], src_v)
        pltpu.sync_copy(dst_hbm.at[wid], dst_v)
        base = s * STRIPE

        for off in offs:
            pltpu.sync_copy(zero_hbm, acc_s.at[pl.ds(base, STRIPE)])
            pltpu.sync_copy(
                hs_hbm.at[pl.ds(base, STRIPE), pl.ds(off, pw)],
                hs_s.at[pl.ds(base, STRIPE)])
            plsc.subcore_barrier()

            for q in range(NBUF):
                pltpu.async_copy(hs_s.at[src_v.at[q]], rows[q], gsem[q])

            def body(g, _):
                j = g * NBUF
                for q in range(NBUF):
                    pltpu.make_async_copy(
                        hs_s.at[src_v.at[j + q]], rows[q], gsem[q]).wait()
                    pltpu.async_copy(
                        rows[q], acc_s.at[dst_v.at[j + q]], ssem[q], add=True)
                for q in range(NBUF):
                    pltpu.make_async_copy(
                        rows[q], acc_s.at[dst_v.at[j + q]], ssem[q]).wait()
                    pltpu.async_copy(
                        hs_s.at[src_v.at[j + NBUF + q]], rows[q], gsem[q])
                return 0

            ng = CH // NBUF - 1
            lax.fori_loop(0, ng, body, 0)
            for cchunk in range(ng * NBUF, CH):
                q = cchunk % NBUF
                pltpu.make_async_copy(
                    hs_s.at[src_v.at[cchunk]], rows[q], gsem[q]).wait()
                pltpu.async_copy(
                    rows[q], acc_s.at[dst_v.at[cchunk]], ssem[q], add=True)
                nxt = cchunk + NBUF
                if nxt < CH:
                    pltpu.make_async_copy(
                        rows[q], acc_s.at[dst_v.at[cchunk]], ssem[q]).wait()
                    pltpu.async_copy(hs_s.at[src_v.at[nxt]], rows[q], gsem[q])
            for cchunk in range(CH - NBUF, CH):
                q = cchunk % NBUF
                pltpu.make_async_copy(
                    rows[q], acc_s.at[dst_v.at[cchunk]], ssem[q]).wait()
            plsc.subcore_barrier()

            pltpu.sync_copy(acc_s.at[pl.ds(base, STRIPE)],
                            out_hbm.at[c, pl.ds(base, STRIPE), pl.ds(off, pw)])

    return k(hs, srcp, dstp, zeros_hbm)


def _tc_matmul_scale(xp, W, deg1):
    kdim, d = W.shape

    def body(x_ref, w_ref, deg_ref, o_ref):
        h = jnp.dot(x_ref[...], w_ref[...], preferred_element_type=jnp.float32)
        o_ref[...] = h * lax.rsqrt(deg_ref[...])

    return pl.pallas_call(
        body,
        grid=(NB,),
        in_specs=[
            pl.BlockSpec((BR, kdim), lambda i: (i, 0)),
            pl.BlockSpec((kdim, d), lambda i: (0, 0)),
            pl.BlockSpec((BR, 1), lambda i: (i, 0)),
        ],
        out_specs=pl.BlockSpec((BR, d), lambda i: (i, 0)),
        out_shape=jax.ShapeDtypeStruct((NPAD, d), jnp.float32),
    )(xp, W, deg1)


def _tc_bn_relu_matmul_scale(z, scale, shift, W, deg1):
    kdim, d = W.shape

    def body(z_ref, sc_ref, sh_ref, w_ref, deg_ref, o_ref):
        a = jax.nn.relu(z_ref[...] * sc_ref[...] + sh_ref[...])
        h = jnp.dot(a, w_ref[...], preferred_element_type=jnp.float32)
        o_ref[...] = h * lax.rsqrt(deg_ref[...])

    return pl.pallas_call(
        body,
        grid=(NB,),
        in_specs=[
            pl.BlockSpec((BR, kdim), lambda i: (i, 0)),
            pl.BlockSpec((1, kdim), lambda i: (0, 0)),
            pl.BlockSpec((1, kdim), lambda i: (0, 0)),
            pl.BlockSpec((kdim, d), lambda i: (0, 0)),
            pl.BlockSpec((BR, 1), lambda i: (i, 0)),
        ],
        out_specs=pl.BlockSpec((BR, d), lambda i: (i, 0)),
        out_shape=jax.ShapeDtypeStruct((NPAD, d), jnp.float32),
    )(z, scale, shift, W, deg1)


def _tc_z_stats(p, hs, deg1, b):
    d = 128

    def body(p_ref, hs_ref, deg_ref, b_ref, z_ref, st_ref, acc_ref):
        i = pl.program_id(0)
        agg = p_ref[0] + p_ref[1] + hs_ref[...]
        z = lax.rsqrt(deg_ref[...]) * agg + b_ref[...]
        rows = i * BR + lax.broadcasted_iota(jnp.int32, (BR, d), 0)
        zm = jnp.where(rows < N, z, 0.0)
        z_ref[...] = zm

        @pl.when(i == 0)
        def _():
            acc_ref[...] = jnp.zeros_like(acc_ref)

        sums = jnp.concatenate(
            [jnp.sum(zm, axis=0, keepdims=True),
             jnp.sum(zm * zm, axis=0, keepdims=True)], axis=0)
        acc_ref[...] += sums

        @pl.when(i == NB - 1)
        def _():
            st_ref[...] = acc_ref[...]

    return pl.pallas_call(
        body,
        grid=(NB,),
        in_specs=[
            pl.BlockSpec((NC, BR, d), lambda i: (0, i, 0)),
            pl.BlockSpec((BR, d), lambda i: (i, 0)),
            pl.BlockSpec((BR, 1), lambda i: (i, 0)),
            pl.BlockSpec((1, d), lambda i: (0, 0)),
        ],
        out_specs=[
            pl.BlockSpec((BR, d), lambda i: (i, 0)),
            pl.BlockSpec((2, d), lambda i: (0, 0)),
        ],
        out_shape=[
            jax.ShapeDtypeStruct((NPAD, d), jnp.float32),
            jax.ShapeDtypeStruct((2, d), jnp.float32),
        ],
        scratch_shapes=[pltpu.VMEM((2, d), jnp.float32)],
        compiler_params=pltpu.CompilerParams(dimension_semantics=("arbitrary",)),
    )(p, hs, deg1, b)


def _tc_final(p, hs, deg1, b):
    d = 128
    rb = BR

    def body(p_ref, hs_ref, deg_ref, b_ref, o_ref):
        agg = p_ref[0] + p_ref[1] + hs_ref[...]
        z = lax.rsqrt(deg_ref[...]) * agg + b_ref[...]
        cols = lax.broadcasted_iota(jnp.int32, (rb, d), 1)
        zm = jnp.where(cols < D_OUT, z, -jnp.inf)
        m = jnp.max(zm, axis=1, keepdims=True)
        lse = jnp.log(jnp.sum(jnp.exp(zm - m), axis=1, keepdims=True))
        o_ref[...] = (z - m - lse)[:, :D_OUT]

    return pl.pallas_call(
        body,
        grid=(NB,),
        in_specs=[
            pl.BlockSpec((NC, rb, d), lambda i: (0, i, 0)),
            pl.BlockSpec((rb, d), lambda i: (i, 0)),
            pl.BlockSpec((rb, 1), lambda i: (i, 0)),
            pl.BlockSpec((1, d), lambda i: (0, 0)),
        ],
        out_specs=pl.BlockSpec((rb, D_OUT), lambda i: (i, 0)),
        out_shape=jax.ShapeDtypeStruct((N, D_OUT), jnp.float32),
    )(p, hs, deg1, b)


def kernel(x, edge_index, W1, b1, gamma1, beta1, W2, b2, gamma2, beta2, W3, b3):
    src = edge_index[0]
    dst = edge_index[1]
    padlen = ETOT - E
    fill = jnp.full((padlen,), N, jnp.int32)
    srcp = jnp.concatenate([src, fill]).reshape(NW, CH, CHUNK)
    dstp = jnp.concatenate([dst, fill]).reshape(NW, CH, CHUNK)
    zeros64 = jnp.zeros((STRIPE, DH), jnp.float32)
    zeros48 = jnp.zeros((STRIPE, D_OUTP), jnp.float32)
    zeros1d = jnp.zeros((NPAD,), jnp.float32)
    offs2 = (0, DH)
    offs3 = (0,)

    degp = _sc_degree(dstp, zeros1d)
    deg1 = _tc_degsum(degp).reshape(NPAD, 1)

    xp = jnp.pad(x, ((0, NPAD - N), (0, 0)))

    hs1 = _tc_matmul_scale(xp, W1, deg1)
    p1 = _sc_agg(hs1, srcp, dstp, zeros64, offs2, DH)
    z1, st1 = _tc_z_stats(p1, hs1, deg1, b1.reshape(1, -1))
    mean1 = st1[0] / N
    var1 = st1[1] / N - mean1 * mean1
    isd1 = gamma1 * lax.rsqrt(var1 + EPS)
    sc1 = isd1.reshape(1, -1)
    sh1 = (beta1 - mean1 * isd1).reshape(1, -1)

    hs2 = _tc_bn_relu_matmul_scale(z1, sc1, sh1, W2, deg1)
    p2 = _sc_agg(hs2, srcp, dstp, zeros64, offs2, DH)
    z2, st2 = _tc_z_stats(p2, hs2, deg1, b2.reshape(1, -1))
    mean2 = st2[0] / N
    var2 = st2[1] / N - mean2 * mean2
    isd2 = gamma2 * lax.rsqrt(var2 + EPS)
    sc2 = isd2.reshape(1, -1)
    sh2 = (beta2 - mean2 * isd2).reshape(1, -1)

    W3p = jnp.pad(W3, ((0, 0), (0, 128 - D_OUT)))
    b3p = jnp.pad(b3, (0, 128 - D_OUT)).reshape(1, -1)
    hs3 = _tc_bn_relu_matmul_scale(z2, sc2, sh2, W3p, deg1)
    p3 = _sc_agg(hs3, srcp, dstp, zeros48, offs3, D_OUTP)
    return _tc_final(p3, hs3, deg1, b3p)

# --- scband reference (transcript-rebuilt; emitter-appended) ---
"""Pipeline reference for scband-gcn-68599217652359 (READ-ONLY COPY).

The authoritative reference and input builder live on the scoring server;
editing this copy changes nothing except your own understanding.
"""

import jax, jax.numpy as jnp
import numpy as np

N = 10000
E = 320000
D_IN = 128
D_HID = 128
D_OUT = 40
EPS = 1e-5


def setup_inputs(seed: int = 0) -> dict:
    key = jax.random.key(seed)
    ks = jax.random.split(key, 14)
    x = jax.random.normal(ks[0], (N, D_IN), dtype=jnp.float32)
    edge_index = jax.random.randint(ks[1], (2, E), 0, N, dtype=jnp.int32)
    s1 = 1.0 / np.sqrt(D_IN)
    s2 = 1.0 / np.sqrt(D_HID)
    W1 = jax.random.uniform(ks[2], (D_IN, D_HID), dtype=jnp.float32, minval=-s1, maxval=s1)
    b1 = jnp.zeros((D_HID,), dtype=jnp.float32)
    W2 = jax.random.uniform(ks[3], (D_HID, D_HID), dtype=jnp.float32, minval=-s2, maxval=s2)
    b2 = jnp.zeros((D_HID,), dtype=jnp.float32)
    W3 = jax.random.uniform(ks[4], (D_HID, D_OUT), dtype=jnp.float32, minval=-s2, maxval=s2)
    b3 = jnp.zeros((D_OUT,), dtype=jnp.float32)
    gamma1 = jnp.ones((D_HID,), dtype=jnp.float32)
    beta1 = jnp.zeros((D_HID,), dtype=jnp.float32)
    gamma2 = jnp.ones((D_HID,), dtype=jnp.float32)
    beta2 = jnp.zeros((D_HID,), dtype=jnp.float32)
    return {"x": x, "edge_index": edge_index, "W1": W1, "b1": b1, "gamma1": gamma1, "beta1": beta1, "W2": W2, "b2": b2, "gamma2": gamma2, "beta2": beta2, "W3": W3, "b3": b3}


def gcn_conv(x, edge_index, W, b):
    # PyG-style GCNConv: add self-loops, symmetric normalization, scatter-add aggregation
    loop = jnp.arange(N, dtype=edge_index.dtype)
    src = jnp.concatenate([edge_index[0], loop])
    dst = jnp.concatenate([edge_index[1], loop])
    deg = jnp.zeros((N,), dtype=jnp.float32).at[dst].add(1.0)
    deg_inv_sqrt = jnp.where(deg > 0, jax.lax.rsqrt(deg), 0.0)
    norm = deg_inv_sqrt[src] * deg_inv_sqrt[dst]
    h = x @ W
    msg = h[src] * norm[:, None]
    out = jnp.zeros((N, W.shape[1]), dtype=jnp.float32).at[dst].add(msg)
    return out + b


def batch_norm(x, gamma, beta):
    mean = jnp.mean(x, axis=0)
    var = jnp.var(x, axis=0)
    return (x - mean) * jax.lax.rsqrt(var + EPS) * gamma + beta


def reference(x, edge_index, W1, b1, gamma1, beta1, W2, b2, gamma2, beta2, W3, b3):
    h = gcn_conv(x, edge_index, W1, b1)
    h = batch_norm(h, gamma1, beta1)
    h = jax.nn.relu(h)
    # dropout is identity in deterministic/eval reference
    h = gcn_conv(h, edge_index, W2, b2)
    h = batch_norm(h, gamma2, beta2)
    h = jax.nn.relu(h)
    h = gcn_conv(h, edge_index, W3, b3)
    return jax.nn.log_softmax(h, axis=-1)

if __name__ == "__main__":
    import jax
    _d = setup_inputs()
    print(jax.jit(kernel)(*tuple(_d.values())))

</pallas_src>

<mosaic_0001>
#map = affine_map<(d0, d1) -> (0, 0, 0)>
#map1 = affine_map<(d0, d1) -> (0)>
#map2 = affine_map<(d0, d1) -> (0, 0)>
module attributes {stable_mosaic.version = 14 : i64} {
  func.func @k(%arg0: i32, %arg1: i32, %arg2: memref<32x80x128xi32, #tpu.memory_space<hbm>>, %arg3: memref<10112xf32, #tpu.memory_space<hbm>>, %arg4: memref<32x10112xf32, #tpu.memory_space<hbm>>, %arg5: memref<80x128xi32, #tpu.memory_space<vmem>>, %arg6: memref<10112xf32, #tpu.memory_space<vmem>>) attributes {dimension_semantics = [#tpu.dimension_semantics<core_parallel>, #tpu.dimension_semantics<subcore_parallel>], iteration_bounds = array<i64: 2, 16>, scalar_prefetch = 0 : i64, scratch_operands = 2 : i64, tpu.core_type = #tpu.core_type<sc_vector_subcore>, window_params = [{transform_indices = #map}, {transform_indices = #map1}, {transform_indices = #map2}]} {
    %mul3A = arith.constant 16 : i32
    %mul3A_0 = arith.muli %arg0, %mul3A : i32
    %add3A = arith.addi %mul3A_0, %arg1 : i32
    "tpu.region"() ({
      %run_scoped3A = tpu.sem_alloc : memref<!tpu.dma_semaphore, #tpu.memory_space<semaphore_mem>>
      %dma_start3A = arith.constant 0 : i32
      %dma_start3A_8 = arith.constant 0 : i32
      %dma_start3A_9 = tpu.memref_slice %arg2[%add3A, %dma_start3A, %dma_start3A_8] : memref<32x80x128xi32, #tpu.memory_space<hbm>> -> memref<1x80x128xi32, #tpu.memory_space<hbm>>
      %dma_start3A_10 = tpu.memref_squeeze %dma_start3A_9 : memref<1x80x128xi32, #tpu.memory_space<hbm>> -> memref<80x128xi32, #tpu.memory_space<hbm>>
      %dma_start3A_11 = arith.constant 0 : i32
      %dma_start3A_12 = arith.constant 0 : i32
      %dma_start3A_13 = tpu.memref_slice %arg2[%add3A, %dma_start3A_11, %dma_start3A_12] : memref<32x80x128xi32, #tpu.memory_space<hbm>> -> memref<1x80x128xi32, #tpu.memory_space<hbm>>
      %dma_start3A_14 = tpu.memref_squeeze %dma_start3A_13 : memref<1x80x128xi32, #tpu.memory_space<hbm>> -> memref<80x128xi32, #tpu.memory_space<hbm>>
      tpu.enqueue_dma source(%dma_start3A_14 : memref<80x128xi32, #tpu.memory_space<hbm>>) target(%arg5 : memref<80x128xi32, #tpu.memory_space<vmem>>) target_semaphore(%run_scoped3A : memref<!tpu.dma_semaphore, #tpu.memory_space<semaphore_mem>>)
      %dma_wait3A = arith.constant 0 : i32
      %dma_wait3A_15 = arith.constant 0 : i32
      %dma_wait3A_16 = tpu.memref_slice %arg2[%add3A, %dma_wait3A, %dma_wait3A_15] : memref<32x80x128xi32, #tpu.memory_space<hbm>> -> memref<1x80x128xi32, #tpu.memory_space<hbm>>
      %dma_wait3A_17 = tpu.memref_squeeze %dma_wait3A_16 : memref<1x80x128xi32, #tpu.memory_space<hbm>> -> memref<80x128xi32, #tpu.memory_space<hbm>>
      %dma_wait3A_18 = arith.constant 0 : i32
      %dma_wait3A_19 = arith.constant 0 : i32
      %dma_wait3A_20 = tpu.memref_slice %arg2[%add3A, %dma_wait3A_18, %dma_wait3A_19] : memref<32x80x128xi32, #tpu.memory_space<hbm>> -> memref<1x80x128xi32, #tpu.memory_space<hbm>>
      %dma_wait3A_21 = tpu.memref_squeeze %dma_wait3A_20 : memref<1x80x128xi32, #tpu.memory_space<hbm>> -> memref<80x128xi32, #tpu.memory_space<hbm>>
      tpu.wait_dma2 semaphore(%run_scoped3A : memref<!tpu.dma_semaphore, #tpu.memory_space<semaphore_mem>>) src(%dma_wait3A_21 : memref<80x128xi32, #tpu.memory_space<hbm>>) dst(%arg5 : memref<80x128xi32, #tpu.memory_space<vmem>>)
      tpu.yield
    }) : () -> ()
    "tpu.region"() ({
      %run_scoped3A = tpu.sem_alloc : memref<!tpu.dma_semaphore, #tpu.memory_space<semaphore_mem>>
      tpu.enqueue_dma source(%arg3 : memref<10112xf32, #tpu.memory_space<hbm>>) target(%arg6 : memref<10112xf32, #tpu.memory_space<vmem>>) target_semaphore(%run_scoped3A : memref<!tpu.dma_semaphore, #tpu.memory_space<semaphore_mem>>)
      tpu.wait_dma2 semaphore(%run_scoped3A : memref<!tpu.dma_semaphore, #tpu.memory_space<semaphore_mem>>) src(%arg3 : memref<10112xf32, #tpu.memory_space<hbm>>) dst(%arg6 : memref<10112xf32, #tpu.memory_space<vmem>>)
      tpu.yield
    }) : () -> ()
    %broadcast_in_dim3A = arith.constant 1.000000e+00 : f32
    %broadcast_in_dim3A_1 = vector.broadcast %broadcast_in_dim3A : f32 to vector<16xf32>
    %scan3A = arith.constant 0 : i32
    %scan3A_2 = arith.constant 0 : i32
    %scan3A_3 = arith.constant 80 : i32
    %scan3A_4 = arith.addi %scan3A_2, %scan3A_3 : i32
    %scan3A_5 = arith.constant 1 : i32
    %scan3A_6 = scf.for %scan3A_8 = %scan3A_2 to %scan3A_4 step %scan3A_5 iter_args(%scan3A_9 = %scan3A) -> (i32)  : i32 {
      %get3A = arith.index_cast %scan3A_8 : i32 to index
      %get3A_10 = arith.constant 0 : index
      %get3A_11 = tpu.vector_load %arg5[%get3A, %get3A_10] {strides = array<i32>} : memref<80x128xi32, #tpu.memory_space<vmem>>, vector<16xi32>,
      tpu.vector_store_idx %arg6[%get3A_11], %broadcast_in_dim3A_1 {add = true} : memref<10112xf32, #tpu.memory_space<vmem>>[vector<16xi32>], vector<16xf32>,
      %get3A_12 = arith.index_cast %scan3A_8 : i32 to index
      %get3A_13 = arith.constant 16 : index
      %get3A_14 = tpu.vector_load %arg5[%get3A_12, %get3A_13] {strides = array<i32>} : memref<80x128xi32, #tpu.memory_space<vmem>>, vector<16xi32>,
      tpu.vector_store_idx %arg6[%get3A_14], %broadcast_in_dim3A_1 {add = true} : memref<10112xf32, #tpu.memory_space<vmem>>[vector<16xi32>], vector<16xf32>,
      %get3A_15 = arith.index_cast %scan3A_8 : i32 to index
      %get3A_16 = arith.constant 32 : index
      %get3A_17 = tpu.vector_load %arg5[%get3A_15, %get3A_16] {strides = array<i32>} : memref<80x128xi32, #tpu.memory_space<vmem>>, vector<16xi32>,
      tpu.vector_store_idx %arg6[%get3A_17], %broadcast_in_dim3A_1 {add = true} : memref<10112xf32, #tpu.memory_space<vmem>>[vector<16xi32>], vector<16xf32>,
      %get3A_18 = arith.index_cast %scan3A_8 : i32 to index
      %get3A_19 = arith.constant 48 : index
      %get3A_20 = tpu.vector_load %arg5[%get3A_18, %get3A_19] {strides = array<i32>} : memref<80x128xi32, #tpu.memory_space<vmem>>, vector<16xi32>,
      tpu.vector_store_idx %arg6[%get3A_20], %broadcast_in_dim3A_1 {add = true} : memref<10112xf32, #tpu.memory_space<vmem>>[vector<16xi32>], vector<16xf32>,
      %get3A_21 = arith.index_cast %scan3A_8 : i32 to index
      %get3A_22 = arith.constant 64 : index
      %get3A_23 = tpu.vector_load %arg5[%get3A_21, %get3A_22] {strides = array<i32>} : memref<80x128xi32, #tpu.memory_space<vmem>>, vector<16xi32>,
      tpu.vector_store_idx %arg6[%get3A_23], %broadcast_in_dim3A_1 {add = true} : memref<10112xf32, #tpu.memory_space<vmem>>[vector<16xi32>], vector<16xf32>,
      %get3A_24 = arith.index_cast %scan3A_8 : i32 to index
      %get3A_25 = arith.constant 80 : index
      %get3A_26 = tpu.vector_load %arg5[%get3A_24, %get3A_25] {strides = array<i32>} : memref<80x128xi32, #tpu.memory_space<vmem>>, vector<16xi32>,
      tpu.vector_store_idx %arg6[%get3A_26], %broadcast_in_dim3A_1 {add = true} : memref<10112xf32, #tpu.memory_space<vmem>>[vector<16xi32>], vector<16xf32>,
      %get3A_27 = arith.index_cast %scan3A_8 : i32 to index
      %get3A_28 = arith.constant 96 : index
      %get3A_29 = tpu.vector_load %arg5[%get3A_27, %get3A_28] {strides = array<i32>} : memref<80x128xi32, #tpu.memory_space<vmem>>, vector<16xi32>,
      tpu.vector_store_idx %arg6[%get3A_29], %broadcast_in_dim3A_1 {add = true} : memref<10112xf32, #tpu.memory_space<vmem>>[vector<16xi32>], vector<16xf32>,
      %get3A_30 = arith.index_cast %scan3A_8 : i32 to index
      %get3A_31 = arith.constant 112 : index
      %get3A_32 = tpu.vector_load %arg5[%get3A_30, %get3A_31] {strides = array<i32>} : memref<80x128xi32, #tpu.memory_space<vmem>>, vector<16xi32>,
      tpu.vector_store_idx %arg6[%get3A_32], %broadcast_in_dim3A_1 {add = true} : memref<10112xf32, #tpu.memory_space<vmem>>[vector<16xi32>], vector<16xf32>,
      %scan3A_33 = arith.constant 0 : i32
      scf.yield %scan3A_33 : i32
    }
    %scan3A_7 = arith.constant 80 : i32
    "tpu.region"() ({
      %run_scoped3A = tpu.sem_alloc : memref<!tpu.dma_semaphore, #tpu.memory_space<semaphore_mem>>
      %dma_start3A = arith.constant 0 : i32
      %dma_start3A_8 = tpu.memref_slice %arg4[%add3A, %dma_start3A] : memref<32x10112xf32, #tpu.memory_space<hbm>> -> memref<1x10112xf32, #tpu.memory_space<hbm>>
      %dma_start3A_9 = tpu.memref_squeeze %dma_start3A_8 : memref<1x10112xf32, #tpu.memory_space<hbm>> -> memref<10112xf32, #tpu.memory_space<hbm>>
      %dma_start3A_10 = arith.constant 0 : i32
      %dma_start3A_11 = tpu.memref_slice %arg4[%add3A, %dma_start3A_10] : memref<32x10112xf32, #tpu.memory_space<hbm>> -> memref<1x10112xf32, #tpu.memory_space<hbm>>
      %dma_start3A_12 = tpu.memref_squeeze %dma_start3A_11 : memref<1x10112xf32, #tpu.memory_space<hbm>> -> memref<10112xf32, #tpu.memory_space<hbm>>
      tpu.enqueue_dma source(%arg6 : memref<10112xf32, #tpu.memory_space<vmem>>) target(%dma_start3A_12 : memref<10112xf32, #tpu.memory_space<hbm>>) target_semaphore(%run_scoped3A : memref<!tpu.dma_semaphore, #tpu.memory_space<semaphore_mem>>)
      %dma_wait3A = arith.constant 0 : i32
      %dma_wait3A_13 = tpu.memref_slice %arg4[%add3A, %dma_wait3A] : memref<32x10112xf32, #tpu.memory_space<hbm>> -> memref<1x10112xf32, #tpu.memory_space<hbm>>
      %dma_wait3A_14 = tpu.memref_squeeze %dma_wait3A_13 : memref<1x10112xf32, #tpu.memory_space<hbm>> -> memref<10112xf32, #tpu.memory_space<hbm>>
      %dma_wait3A_15 = arith.constant 0 : i32
      %dma_wait3A_16 = tpu.memref_slice %arg4[%add3A, %dma_wait3A_15] : memref<32x10112xf32, #tpu.memory_space<hbm>> -> memref<1x10112xf32, #tpu.memory_space<hbm>>
      %dma_wait3A_17 = tpu.memref_squeeze %dma_wait3A_16 : memref<1x10112xf32, #tpu.memory_space<hbm>> -> memref<10112xf32, #tpu.memory_space<hbm>>
      tpu.wait_dma2 semaphore(%run_scoped3A : memref<!tpu.dma_semaphore, #tpu.memory_space<semaphore_mem>>) src(%arg6 : memref<10112xf32, #tpu.memory_space<vmem>>) dst(%dma_wait3A_17 : memref<10112xf32, #tpu.memory_space<hbm>>)
      tpu.yield
    }) : () -> ()
    return
  }
}

#map = affine_map<(d0, d1) -> (0, 0)>
#map1 = affine_map<(d0, d1) -> (0, 0, 0)>
module attributes {stable_mosaic.version = 14 : i64} {
  func.func @k(%arg0: i32, %arg1: i32, %arg2: memref<10112x128xf32, #tpu.memory_space<hbm>>, %arg3: memref<32x80x128xi32, #tpu.memory_space<hbm>>, %arg4: memref<32x80x128xi32, #tpu.memory_space<hbm>>, %arg5: memref<632x64xf32, #tpu.memory_space<hbm>>, %arg6: memref<2x10112x128xf32, #tpu.memory_space<hbm>>, %arg7: memref<80x128xi32, #tpu.memory_space<vmem>>, %arg8: memref<80x128xi32, #tpu.memory_space<vmem>>, %arg9: memref<128x64xf32, #tpu.memory_space<vmem>>, %arg10: memref<128x64xf32, #tpu.memory_space<vmem>>, %arg11: memref<128x64xf32, #tpu.memory_space<vmem>>, %arg12: memref<!tpu.dma_semaphore, #tpu.memory_space<semaphore_mem>>, %arg13: memref<!tpu.dma_semaphore, #tpu.memory_space<semaphore_mem>>, %arg14: memref<!tpu.dma_semaphore, #tpu.memory_space<semaphore_mem>>, %arg15: memref<!tpu.dma_semaphore, #tpu.memory_space<semaphore_mem>>, %arg16: memref<!tpu.dma_semaphore, #tpu.memory_space<semaphore_mem>>, %arg17: memref<!tpu.dma_semaphore, #tpu.memory_space<semaphore_mem>>, %arg18: memref<10112x64xf32, #tpu.memory_space<vmem_shared>>, %arg19: memref<10112x64xf32, #tpu.memory_space<vmem_shared>>) attributes {dimension_semantics = [#tpu.dimension_semantics<core_parallel>, #tpu.dimension_semantics<subcore_parallel>], iteration_bounds = array<i64: 2, 16>, scalar_prefetch = 0 : i64, scratch_operands = 13 : i64, tpu.core_type = #tpu.core_type<sc_vector_subcore>, window_params = [{transform_indices = #map}, {transform_indices = #map1}, {transform_indices = #map1}, {transform_indices = #map}, {transform_indices = #map1}]} {
    %mul3A = arith.constant 16 : i32
    %mul3A_0 = arith.muli %arg0, %mul3A : i32
    %add3A = arith.addi %mul3A_0, %arg1 : i32
    "tpu.region"() ({
      %run_scoped3A = tpu.sem_alloc : memref<!tpu.dma_semaphore, #tpu.memory_space<semaphore_mem>>
      %dma_start3A_297 = arith.constant 0 : i32
      %dma_start3A_298 = arith.constant 0 : i32
      %dma_start3A_299 = tpu.memref_slice %arg3[%add3A, %dma_start3A_297, %dma_start3A_298] : memref<32x80x128xi32, #tpu.memory_space<hbm>> -> memref<1x80x128xi32, #tpu.memory_space<hbm>>
      %dma_start3A_300 = tpu.memref_squeeze %dma_start3A_299 : memref<1x80x128xi32, #tpu.memory_space<hbm>> -> memref<80x128xi32, #tpu.memory_space<hbm>>
      %dma_start3A_301 = arith.constant 0 : i32
      %dma_start3A_302 = arith.constant 0 : i32
      %dma_start3A_303 = tpu.memref_slice %arg3[%add3A, %dma_start3A_301, %dma_start3A_302] : memref<32x80x128xi32, #tpu.memory_space<hbm>> -> memref<1x80x128xi32, #tpu.memory_space<hbm>>
      %dma_start3A_304 = tpu.memref_squeeze %dma_start3A_303 : memref<1x80x128xi32, #tpu.memory_space<hbm>> -> memref<80x128xi32, #tpu.memory_space<hbm>>
      tpu.enqueue_dma source(%dma_start3A_304 : memref<80x128xi32, #tpu.memory_space<hbm>>) target(%arg7 : memref<80x128xi32, #tpu.memory_space<vmem>>) target_semaphore(%run_scoped3A : memref<!tpu.dma_semaphore, #tpu.memory_space<semaphore_mem>>)
      %dma_wait3A_305 = arith.constant 0 : i32
      %dma_wait3A_306 = arith.constant 0 : i32
      %dma_wait3A_307 = tpu.memref_slice %arg3[%add3A, %dma_wait3A_305, %dma_wait3A_306] : memref<32x80x128xi32, #tpu.memory_space<hbm>> -> memref<1x80x128xi32, #tpu.memory_space<hbm>>
      %dma_wait3A_308 = tpu.memref_squeeze %dma_wait3A_307 : memref<1x80x128xi32, #tpu.memory_space<hbm>> -> memref<80x128xi32, #tpu.memory_space<hbm>>
      %dma_wait3A_309 = arith.constant 0 : i32
      %dma_wait3A_310 = arith.constant 0 : i32
      %dma_wait3A_311 = tpu.memref_slice %arg3[%add3A, %dma_wait3A_309, %dma_wait3A_310] : memref<32x80x128xi32, #tpu.memory_space<hbm>> -> memref<1x80x128xi32, #tpu.memory_space<hbm>>
      %dma_wait3A_312 = tpu.memref_squeeze %dma_wait3A_311 : memref<1x80x128xi32, #tpu.memory_space<hbm>> -> memref<80x128xi32, #tpu.memory_space<hbm>>
      tpu.wait_dma2 semaphore(%run_scoped3A : memref<!tpu.dma_semaphore, #tpu.memory_space<semaphore_mem>>) src(%dma_wait3A_312 : memref<80x128xi32, #tpu.memory_space<hbm>>) dst(%arg7 : memref<80x128xi32, #tpu.memory_space<vmem>>)
      tpu.yield
    }) : () -> ()
    "tpu.region"() ({
      %run_scoped3A = tpu.sem_alloc : memref<!tpu.dma_semaphore, #tpu.memory_space<semaphore_mem>>
      %dma_start3A_297 = arith.constant 0 : i32
      %dma_start3A_298 = arith.constant 0 : i32
      %dma_start3A_299 = tpu.memref_slice %arg4[%add3A, %dma_start3A_297, %dma_start3A_298] : memref<32x80x128xi32, #tpu.memory_space<hbm>> -> memref<1x80x128xi32, #tpu.memory_space<hbm>>
      %dma_start3A_300 = tpu.memref_squeeze %dma_start3A_299 : memref<1x80x128xi32, #tpu.memory_space<hbm>> -> memref<80x128xi32, #tpu.memory_space<hbm>>
      %dma_start3A_301 = arith.constant 0 : i32
      %dma_start3A_302 = arith.constant 0 : i32
      %dma_start3A_303 = tpu.memref_slice %arg4[%add3A, %dma_start3A_301, %dma_start3A_302] : memref<32x80x128xi32, #tpu.memory_space<hbm>> -> memref<1x80x128xi32, #tpu.memory_space<hbm>>
      %dma_start3A_304 = tpu.memref_squeeze %dma_start3A_303 : memref<1x80x128xi32, #tpu.memory_space<hbm>> -> memref<80x128xi32, #tpu.memory_space<hbm>>
      tpu.enqueue_dma source(%dma_start3A_304 : memref<80x128xi32, #tpu.memory_space<hbm>>) target(%arg8 : memref<80x128xi32, #tpu.memory_space<vmem>>) target_semaphore(%run_scoped3A : memref<!tpu.dma_semaphore, #tpu.memory_space<semaphore_mem>>)
      %dma_wait3A_305 = arith.constant 0 : i32
      %dma_wait3A_306 = arith.constant 0 : i32
      %dma_wait3A_307 = tpu.memref_slice %arg4[%add3A, %dma_wait3A_305, %dma_wait3A_306] : memref<32x80x128xi32, #tpu.memory_space<hbm>> -> memref<1x80x128xi32, #tpu.memory_space<hbm>>
      %dma_wait3A_308 = tpu.memref_squeeze %dma_wait3A_307 : memref<1x80x128xi32, #tpu.memory_space<hbm>> -> memref<80x128xi32, #tpu.memory_space<hbm>>
      %dma_wait3A_309 = arith.constant 0 : i32
      %dma_wait3A_310 = arith.constant 0 : i32
      %dma_wait3A_311 = tpu.memref_slice %arg4[%add3A, %dma_wait3A_309, %dma_wait3A_310] : memref<32x80x128xi32, #tpu.memory_space<hbm>> -> memref<1x80x128xi32, #tpu.memory_space<hbm>>
      %dma_wait3A_312 = tpu.memref_squeeze %dma_wait3A_311 : memref<1x80x128xi32, #tpu.memory_space<hbm>> -> memref<80x128xi32, #tpu.memory_space<hbm>>
      tpu.wait_dma2 semaphore(%run_scoped3A : memref<!tpu.dma_semaphore, #tpu.memory_space<semaphore_mem>>) src(%dma_wait3A_312 : memref<80x128xi32, #tpu.memory_space<hbm>>) dst(%arg8 : memref<80x128xi32, #tpu.memory_space<vmem>>)
      tpu.yield
    }) : () -> ()
    %mul3A_1 = arith.constant 632 : i32
    %mul3A_2 = arith.muli %arg1, %mul3A_1 : i32
    "tpu.region"() ({
      %run_scoped3A = tpu.sem_alloc : memref<!tpu.dma_semaphore, #tpu.memory_space<semaphore_mem>>
      %dma_start3A_297 = arith.constant 0 : i32
      %dma_start3A_298 = tpu.memref_slice %arg18[%mul3A_2, %dma_start3A_297] : memref<10112x64xf32, #tpu.memory_space<vmem_shared>> -> memref<632x64xf32, #tpu.memory_space<vmem_shared>>
      tpu.enqueue_dma source(%arg5 : memref<632x64xf32, #tpu.memory_space<hbm>>) target(%dma_start3A_298 : memref<632x64xf32, #tpu.memory_space<vmem_shared>>) target_semaphore(%run_scoped3A : memref<!tpu.dma_semaphore, #tpu.memory_space<semaphore_mem>>)
      %dma_wait3A_299 = arith.constant 0 : i32
      %dma_wait3A_300 = tpu.memref_slice %arg18[%mul3A_2, %dma_wait3A_299] : memref<10112x64xf32, #tpu.memory_space<vmem_shared>> -> memref<632x64xf32, #tpu.memory_space<vmem_shared>>
      tpu.wait_dma2 semaphore(%run_scoped3A : memref<!tpu.dma_semaphore, #tpu.memory_space<semaphore_mem>>) src(%arg5 : memref<632x64xf32, #tpu.memory_space<hbm>>) dst(%dma_wait3A_300 : memref<632x64xf32, #tpu.memory_space<vmem_shared>>)
      tpu.yield
    }) : () -> ()
    "tpu.region"() ({
      %run_scoped3A = tpu.sem_alloc : memref<!tpu.dma_semaphore, #tpu.memory_space<semaphore_mem>>
      %dma_start3A_297 = arith.constant 0 : i32
      %dma_start3A_298 = tpu.memref_slice %arg19[%mul3A_2, %dma_start3A_297] : memref<10112x64xf32, #tpu.memory_space<vmem_shared>> -> memref<632x64xf32, #tpu.memory_space<vmem_shared>>
      %dma_start3A_299 = arith.constant 0 : i32
      %dma_start3A_300 = tpu.memref_slice %arg2[%mul3A_2, %dma_start3A_299] : memref<10112x128xf32, #tpu.memory_space<hbm>> -> memref<632x64xf32, #tpu.memory_space<hbm>>
      tpu.enqueue_dma source(%dma_start3A_300 : memref<632x64xf32, #tpu.memory_space<hbm>>) target(%dma_start3A_298 : memref<632x64xf32, #tpu.memory_space<vmem_shared>>) target_semaphore(%run_scoped3A : memref<!tpu.dma_semaphore, #tpu.memory_space<semaphore_mem>>)
      %dma_wait3A_301 = arith.constant 0 : i32
      %dma_wait3A_302 = tpu.memref_slice %arg19[%mul3A_2, %dma_wait3A_301] : memref<10112x64xf32, #tpu.memory_space<vmem_shared>> -> memref<632x64xf32, #tpu.memory_space<vmem_shared>>
      %dma_wait3A_303 = arith.constant 0 : i32
      %dma_wait3A_304 = tpu.memref_slice %arg2[%mul3A_2, %dma_wait3A_303] : memref<10112x128xf32, #tpu.memory_space<hbm>> -> memref<632x64xf32, #tpu.memory_space<hbm>>
      tpu.wait_dma2 semaphore(%run_scoped3A : memref<!tpu.dma_semaphore, #tpu.memory_space<semaphore_mem>>) src(%dma_wait3A_304 : memref<632x64xf32, #tpu.memory_space<hbm>>) dst(%dma_wait3A_302 : memref<632x64xf32, #tpu.memory_space<vmem_shared>>)
      tpu.yield
    }) : () -> ()
    %barrier3A = arith.constant 0 : index
    tpu.barrier barrier_id(%barrier3A)
    %dma_start3A = arith.constant 0 : i32
    %dma_start3A_3 = arith.constant 0 : i32
    %dma_start3A_4 = tpu.memref_slice %arg7[%dma_start3A, %dma_start3A_3] : memref<80x128xi32, #tpu.memory_space<vmem>> -> memref<1x128xi32, #tpu.memory_space<vmem>>
    %dma_start3A_5 = tpu.memref_squeeze %dma_start3A_4 : memref<1x128xi32, #tpu.memory_space<vmem>> -> memref<128xi32, #tpu.memory_space<vmem>>
    %dma_start3A_6 = arith.constant 0 : i32
    %dma_start3A_7 = arith.constant 0 : i32
    %dma_start3A_8 = tpu.memref_slice %arg19[%dma_start3A_6, %dma_start3A_7] : memref<10112x64xf32, #tpu.memory_space<vmem_shared>> -> memref<10112x64xf32, #tpu.memory_space<vmem_shared>>
    tpu.enqueue_indirect_dma source(%dma_start3A_8 : memref<10112x64xf32, #tpu.memory_space<vmem_shared>>) target(%arg9 : memref<128x64xf32, #tpu.memory_space<vmem>>) offsets(%dma_start3A_5 : memref<128xi32, #tpu.memory_space<vmem>>) semaphore(%arg12 : memref<!tpu.dma_semaphore, #tpu.memory_space<semaphore_mem>>)
    %dma_start3A_9 = arith.constant 1 : i32
    %dma_start3A_10 = arith.constant 0 : i32
    %dma_start3A_11 = tpu.memref_slice %arg7[%dma_start3A_9, %dma_start3A_10] : memref<80x128xi32, #tpu.memory_space<vmem>> -> memref<1x128xi32, #tpu.memory_space<vmem>>
    %dma_start3A_12 = tpu.memref_squeeze %dma_start3A_11 : memref<1x128xi32, #tpu.memory_space<vmem>> -> memref<128xi32, #tpu.memory_space<vmem>>
    %dma_start3A_13 = arith.constant 0 : i32
    %dma_start3A_14 = arith.constant 0 : i32
    %dma_start3A_15 = tpu.memref_slice %arg19[%dma_start3A_13, %dma_start3A_14] : memref<10112x64xf32, #tpu.memory_space<vmem_shared>> -> memref<10112x64xf32, #tpu.memory_space<vmem_shared>>
    tpu.enqueue_indirect_dma source(%dma_start3A_15 : memref<10112x64xf32, #tpu.memory_space<vmem_shared>>) target(%arg10 : memref<128x64xf32, #tpu.memory_space<vmem>>) offsets(%dma_start3A_12 : memref<128xi32, #tpu.memory_space<vmem>>) semaphore(%arg13 : memref<!tpu.dma_semaphore, #tpu.memory_space<semaphore_mem>>)
    %dma_start3A_16 = arith.constant 2 : i32
    %dma_start3A_17 = arith.constant 0 : i32
    %dma_start3A_18 = tpu.memref_slice %arg7[%dma_start3A_16, %dma_start3A_17] : memref<80x128xi32, #tpu.memory_space<vmem>> -> memref<1x128xi32, #tpu.memory_space<vmem>>
    %dma_start3A_19 = tpu.memref_squeeze %dma_start3A_18 : memref<1x128xi32, #tpu.memory_space<vmem>> -> memref<128xi32, #tpu.memory_space<vmem>>
    %dma_start3A_20 = arith.constant 0 : i32
    %dma_start3A_21 = arith.constant 0 : i32
    %dma_start3A_22 = tpu.memref_slice %arg19[%dma_start3A_20, %dma_start3A_21] : memref<10112x64xf32, #tpu.memory_space<vmem_shared>> -> memref<10112x64xf32, #tpu.memory_space<vmem_shared>>
    tpu.enqueue_indirect_dma source(%dma_start3A_22 : memref<10112x64xf32, #tpu.memory_space<vmem_shared>>) target(%arg11 : memref<128x64xf32, #tpu.memory_space<vmem>>) offsets(%dma_start3A_19 : memref<128xi32, #tpu.memory_space<vmem>>) semaphore(%arg14 : memref<!tpu.dma_semaphore, #tpu.memory_space<semaphore_mem>>)
    %scan3A = arith.constant 0 : i32
    %scan3A_23 = arith.constant 0 : i32
    %scan3A_24 = arith.constant 25 : i32
    %scan3A_25 = arith.addi %scan3A_23, %scan3A_24 : i32
    %scan3A_26 = arith.constant 1 : i32
    %scan3A_27 = scf.for %scan3A_297 = %scan3A_23 to %scan3A_25 step %scan3A_26 iter_args(%scan3A_298 = %scan3A) -> (i32)  : i32 {
      %mul3A_299 = arith.constant 3 : i32
      %mul3A_300 = arith.muli %scan3A_297, %mul3A_299 : i32
      %add3A_301 = arith.constant 0 : i32
      %add3A_302 = arith.addi %mul3A_300, %add3A_301 : i32
      %dma_wait3A_303 = arith.constant 0 : i32
      %dma_wait3A_304 = tpu.memref_slice %arg7[%add3A_302, %dma_wait3A_303] : memref<80x128xi32, #tpu.memory_space<vmem>> -> memref<1x128xi32, #tpu.memory_space<vmem>>
      %dma_wait3A_305 = tpu.memref_squeeze %dma_wait3A_304 : memref<1x128xi32, #tpu.memory_space<vmem>> -> memref<128xi32, #tpu.memory_space<vmem>>
      %dma_wait3A_306 = arith.constant 0 : i32
      %dma_wait3A_307 = arith.constant 0 : i32
      %dma_wait3A_308 = tpu.memref_slice %arg19[%dma_wait3A_306, %dma_wait3A_307] : memref<10112x64xf32, #tpu.memory_space<vmem_shared>> -> memref<10112x64xf32, #tpu.memory_space<vmem_shared>>
      tpu.wait_indirect_dma semaphore(%arg12 : memref<!tpu.dma_semaphore, #tpu.memory_space<semaphore_mem>>) src(%dma_wait3A_308 : memref<10112x64xf32, #tpu.memory_space<vmem_shared>>) dst(%arg9 : memref<128x64xf32, #tpu.memory_space<vmem>>)
      %add3A_309 = arith.constant 0 : i32
      %add3A_310 = arith.addi %mul3A_300, %add3A_309 : i32
      %dma_start3A_311 = arith.constant 0 : i32
      %dma_start3A_312 = tpu.memref_slice %arg8[%add3A_310, %dma_start3A_311] : memref<80x128xi32, #tpu.memory_space<vmem>> -> memref<1x128xi32, #tpu.memory_space<vmem>>
      %dma_start3A_313 = tpu.memref_squeeze %dma_start3A_312 : memref<1x128xi32, #tpu.memory_space<vmem>> -> memref<128xi32, #tpu.memory_space<vmem>>
      %dma_start3A_314 = arith.constant 0 : i32
      %dma_start3A_315 = arith.constant 0 : i32
      %dma_start3A_316 = tpu.memref_slice %arg18[%dma_start3A_314, %dma_start3A_315] : memref<10112x64xf32, #tpu.memory_space<vmem_shared>> -> memref<10112x64xf32, #tpu.memory_space<vmem_shared>>
      tpu.enqueue_indirect_dma source(%arg9 : memref<128x64xf32, #tpu.memory_space<vmem>>) target(%dma_start3A_316 : memref<10112x64xf32, #tpu.memory_space<vmem_shared>>) offsets(%dma_start3A_313 : memref<128xi32, #tpu.memory_space<vmem>>) semaphore(%arg15 : memref<!tpu.dma_semaphore, #tpu.memory_space<semaphore_mem>>) {add = true}
      %add3A_317 = arith.constant 1 : i32
      %add3A_318 = arith.addi %mul3A_300, %add3A_317 : i32
      %dma_wait3A_319 = arith.constant 0 : i32
      %dma_wait3A_320 = tpu.memref_slice %arg7[%add3A_318, %dma_wait3A_319] : memref<80x128xi32, #tpu.memory_space<vmem>> -> memref<1x128xi32, #tpu.memory_space<vmem>>
      %dma_wait3A_321 = tpu.memref_squeeze %dma_wait3A_320 : memref<1x128xi32, #tpu.memory_space<vmem>> -> memref<128xi32, #tpu.memory_space<vmem>>
      %dma_wait3A_322 = arith.constant 0 : i32
      %dma_wait3A_323 = arith.constant 0 : i32
      %dma_wait3A_324 = tpu.memref_slice %arg19[%dma_wait3A_322, %dma_wait3A_323] : memref<10112x64xf32, #tpu.memory_space<vmem_shared>> -> memref<10112x64xf32, #tpu.memory_space<vmem_shared>>
      tpu.wait_indirect_dma semaphore(%arg13 : memref<!tpu.dma_semaphore, #tpu.memory_space<semaphore_mem>>) src(%dma_wait3A_324 : memref<10112x64xf32, #tpu.memory_space<vmem_shared>>) dst(%arg10 : memref<128x64xf32, #tpu.memory_space<vmem>>)
      %add3A_325 = arith.constant 1 : i32
      %add3A_326 = arith.addi %mul3A_300, %add3A_325 : i32
      %dma_start3A_327 = arith.constant 0 : i32
      %dma_start3A_328 = tpu.memref_slice %arg8[%add3A_326, %dma_start3A_327] : memref<80x128xi32, #tpu.memory_space<vmem>> -> memref<1x128xi32, #tpu.memory_space<vmem>>
      %dma_start3A_329 = tpu.memref_squeeze %dma_start3A_328 : memref<1x128xi32, #tpu.memory_space<vmem>> -> memref<128xi32, #tpu.memory_space<vmem>>
      %dma_start3A_330 = arith.constant 0 : i32
      %dma_start3A_331 = arith.constant 0 : i32
      %dma_start3A_332 = tpu.memref_slice %arg18[%dma_start3A_330, %dma_start3A_331] : memref<10112x64xf32, #tpu.memory_space<vmem_shared>> -> memref<10112x64xf32, #tpu.memory_space<vmem_shared>>
      tpu.enqueue_indirect_dma source(%arg10 : memref<128x64xf32, #tpu.memory_space<vmem>>) target(%dma_start3A_332 : memref<10112x64xf32, #tpu.memory_space<vmem_shared>>) offsets(%dma_start3A_329 : memref<128xi32, #tpu.memory_space<vmem>>) semaphore(%arg16 : memref<!tpu.dma_semaphore, #tpu.memory_space<semaphore_mem>>) {add = true}
      %add3A_333 = arith.constant 2 : i32
      %add3A_334 = arith.addi %mul3A_300, %add3A_333 : i32
      %dma_wait3A_335 = arith.constant 0 : i32
      %dma_wait3A_336 = tpu.memref_slice %arg7[%add3A_334, %dma_wait3A_335] : memref<80x128xi32, #tpu.memory_space<vmem>> -> memref<1x128xi32, #tpu.memory_space<vmem>>
      %dma_wait3A_337 = tpu.memref_squeeze %dma_wait3A_336 : memref<1x128xi32, #tpu.memory_space<vmem>> -> memref<128xi32, #tpu.memory_space<vmem>>
      %dma_wait3A_338 = arith.constant 0 : i32
      %dma_wait3A_339 = arith.constant 0 : i32
      %dma_wait3A_340 = tpu.memref_slice %arg19[%dma_wait3A_338, %dma_wait3A_339] : memref<10112x64xf32, #tpu.memory_space<vmem_shared>> -> memref<10112x64xf32, #tpu.memory_space<vmem_shared>>
      tpu.wait_indirect_dma semaphore(%arg14 : memref<!tpu.dma_semaphore, #tpu.memory_space<semaphore_mem>>) src(%dma_wait3A_340 : memref<10112x64xf32, #tpu.memory_space<vmem_shared>>) dst(%arg11 : memref<128x64xf32, #tpu.memory_space<vmem>>)
      %add3A_341 = arith.constant 2 : i32
      %add3A_342 = arith.addi %mul3A_300, %add3A_341 : i32
      %dma_start3A_343 = arith.constant 0 : i32
      %dma_start3A_344 = tpu.memref_slice %arg8[%add3A_342, %dma_start3A_343] : memref<80x128xi32, #tpu.memory_space<vmem>> -> memref<1x128xi32, #tpu.memory_space<vmem>>
      %dma_start3A_345 = tpu.memref_squeeze %dma_start3A_344 : memref<1x128xi32, #tpu.memory_space<vmem>> -> memref<128xi32, #tpu.memory_space<vmem>>
      %dma_start3A_346 = arith.constant 0 : i32
      %dma_start3A_347 = arith.constant 0 : i32
      %dma_start3A_348 = tpu.memref_slice %arg18[%dma_start3A_346, %dma_start3A_347] : memref<10112x64xf32, #tpu.memory_space<vmem_shared>> -> memref<10112x64xf32, #tpu.memory_space<vmem_shared>>
      tpu.enqueue_indirect_dma source(%arg11 : memref<128x64xf32, #tpu.memory_space<vmem>>) target(%dma_start3A_348 : memref<10112x64xf32, #tpu.memory_space<vmem_shared>>) offsets(%dma_start3A_345 : memref<128xi32, #tpu.memory_space<vmem>>) semaphore(%arg17 : memref<!tpu.dma_semaphore, #tpu.memory_space<semaphore_mem>>) {add = true}
      %add3A_349 = arith.constant 0 : i32
      %add3A_350 = arith.addi %mul3A_300, %add3A_349 : i32
      %dma_wait3A_351 = arith.constant 0 : i32
      %dma_wait3A_352 = tpu.memref_slice %arg8[%add3A_350, %dma_wait3A_351] : memref<80x128xi32, #tpu.memory_space<vmem>> -> memref<1x128xi32, #tpu.memory_space<vmem>>
      %dma_wait3A_353 = tpu.memref_squeeze %dma_wait3A_352 : memref<1x128xi32, #tpu.memory_space<vmem>> -> memref<128xi32, #tpu.memory_space<vmem>>
      %dma_wait3A_354 = arith.constant 0 : i32
      %dma_wait3A_355 = arith.constant 0 : i32
      %dma_wait3A_356 = tpu.memref_slice %arg18[%dma_wait3A_354, %dma_wait3A_355] : memref<10112x64xf32, #tpu.memory_space<vmem_shared>> -> memref<10112x64xf32, #tpu.memory_space<vmem_shared>>
      tpu.wait_indirect_dma semaphore(%arg15 : memref<!tpu.dma_semaphore, #tpu.memory_space<semaphore_mem>>) src(%arg9 : memref<128x64xf32, #tpu.memory_space<vmem>>) dst(%dma_wait3A_356 : memref<10112x64xf32, #tpu.memory_space<vmem_shared>>)
      %add3A_357 = arith.constant 3 : i32
      %add3A_358 = arith.addi %mul3A_300, %add3A_357 : i32
      %add3A_359 = arith.constant 0 : i32
      %add3A_360 = arith.addi %add3A_358, %add3A_359 : i32
      %dma_start3A_361 = arith.constant 0 : i32
      %dma_start3A_362 = tpu.memref_slice %arg7[%add3A_360, %dma_start3A_361] : memref<80x128xi32, #tpu.memory_space<vmem>> -> memref<1x128xi32, #tpu.memory_space<vmem>>
      %dma_start3A_363 = tpu.memref_squeeze %dma_start3A_362 : memref<1x128xi32, #tpu.memory_space<vmem>> -> memref<128xi32, #tpu.memory_space<vmem>>
      %dma_start3A_364 = arith.constant 0 : i32
      %dma_start3A_365 = arith.constant 0 : i32
      %dma_start3A_366 = tpu.memref_slice %arg19[%dma_start3A_364, %dma_start3A_365] : memref<10112x64xf32, #tpu.memory_space<vmem_shared>> -> memref<10112x64xf32, #tpu.memory_space<vmem_shared>>
      tpu.enqueue_indirect_dma source(%dma_start3A_366 : memref<10112x64xf32, #tpu.memory_space<vmem_shared>>) target(%arg9 : memref<128x64xf32, #tpu.memory_space<vmem>>) offsets(%dma_start3A_363 : memref<128xi32, #tpu.memory_space<vmem>>) semaphore(%arg12 : memref<!tpu.dma_semaphore, #tpu.memory_space<semaphore_mem>>)
      %add3A_367 = arith.constant 1 : i32
      %add3A_368 = arith.addi %mul3A_300, %add3A_367 : i32
      %dma_wait3A_369 = arith.constant 0 : i32
      %dma_wait3A_370 = tpu.memref_slice %arg8[%add3A_368, %dma_wait3A_369] : memref<80x128xi32, #tpu.memory_space<vmem>> -> memref<1x128xi32, #tpu.memory_space<vmem>>
      %dma_wait3A_371 = tpu.memref_squeeze %dma_wait3A_370 : memref<1x128xi32, #tpu.memory_space<vmem>> -> memref<128xi32, #tpu.memory_space<vmem>>
      %dma_wait3A_372 = arith.constant 0 : i32
      %dma_wait3A_373 = arith.constant 0 : i32
      %dma_wait3A_374 = tpu.memref_slice %arg18[%dma_wait3A_372, %dma_wait3A_373] : memref<10112x64xf32, #tpu.memory_space<vmem_shared>> -> memref<10112x64xf32, #tpu.memory_space<vmem_shared>>
      tpu.wait_indirect_dma semaphore(%arg16 : memref<!tpu.dma_semaphore, #tpu.memory_space<semaphore_mem>>) src(%arg10 : memref<128x64xf32, #tpu.memory_space<vmem>>) dst(%dma_wait3A_374 : memref<10112x64xf32, #tpu.memory_space<vmem_shared>>)
      %add3A_375 = arith.constant 3 : i32
      %add3A_376 = arith.addi %mul3A_300, %add3A_375 : i32
      %add3A_377 = arith.constant 1 : i32
      %add3A_378 = arith.addi %add3A_376, %add3A_377 : i32
      %dma_start3A_379 = arith.constant 0 : i32
      %dma_start3A_380 = tpu.memref_slice %arg7[%add3A_378, %dma_start3A_379] : memref<80x128xi32, #tpu.memory_space<vmem>> -> memref<1x128xi32, #tpu.memory_space<vmem>>
      %dma_start3A_381 = tpu.memref_squeeze %dma_start3A_380 : memref<1x128xi32, #tpu.memory_space<vmem>> -> memref<128xi32, #tpu.memory_space<vmem>>
      %dma_start3A_382 = arith.constant 0 : i32
      %dma_start3A_383 = arith.constant 0 : i32
      %dma_start3A_384 = tpu.memref_slice %arg19[%dma_start3A_382, %dma_start3A_383] : memref<10112x64xf32, #tpu.memory_space<vmem_shared>> -> memref<10112x64xf32, #tpu.memory_space<vmem_shared>>
      tpu.enqueue_indirect_dma source(%dma_start3A_384 : memref<10112x64xf32, #tpu.memory_space<vmem_shared>>) target(%arg10 : memref<128x64xf32, #tpu.memory_space<vmem>>) offsets(%dma_start3A_381 : memref<128xi32, #tpu.memory_space<vmem>>) semaphore(%arg13 : memref<!tpu.dma_semaphore, #tpu.memory_space<semaphore_mem>>)
      %add3A_385 = arith.constant 2 : i32
      %add3A_386 = arith.addi %mul3A_300, %add3A_385 : i32
      %dma_wait3A_387 = arith.constant 0 : i32
      %dma_wait3A_388 = tpu.memref_slice %arg8[%add3A_386, %dma_wait3A_387] : memref<80x128xi32, #tpu.memory_space<vmem>> -> memref<1x128xi32, #tpu.memory_space<vmem>>
      %dma_wait3A_389 = tpu.memref_squeeze %dma_wait3A_388 : memref<1x128xi32, #tpu.memory_space<vmem>> -> memref<128xi32, #tpu.memory_space<vmem>>
      %dma_wait3A_390 = arith.constant 0 : i32
      %dma_wait3A_391 = arith.constant 0 : i32
      %dma_wait3A_392 = tpu.memref_slice %arg18[%dma_wait3A_390, %dma_wait3A_391] : memref<10112x64xf32, #tpu.memory_space<vmem_shared>> -> memref<10112x64xf32, #tpu.memory_space<vmem_shared>>
      tpu.wait_indirect_dma semaphore(%arg17 : memref<!tpu.dma_semaphore, #tpu.memory_space<semaphore_mem>>) src(%arg11 : memref<128x64xf32, #tpu.memory_space<vmem>>) dst(%dma_wait3A_392 : memref<10112x64xf32, #tpu.memory_space<vmem_shared>>)
      %add3A_393 = arith.constant 3 : i32
      %add3A_394 = arith.addi %mul3A_300, %add3A_393 : i32
      %add3A_395 = arith.constant 2 : i32
      %add3A_396 = arith.addi %add3A_394, %add3A_395 : i32
      %dma_start3A_397 = arith.constant 0 : i32
      %dma_start3A_398 = tpu.memref_slice %arg7[%add3A_396, %dma_start3A_397] : memref<80x128xi32, #tpu.memory_space<vmem>> -> memref<1x128xi32, #tpu.memory_space<vmem>>
      %dma_start3A_399 = tpu.memref_squeeze %dma_start3A_398 : memref<1x128xi32, #tpu.memory_space<vmem>> -> memref<128xi32, #tpu.memory_space<vmem>>
      %dma_start3A_400 = arith.constant 0 : i32
      %dma_start3A_401 = arith.constant 0 : i32
      %dma_start3A_402 = tpu.memref_slice %arg19[%dma_start3A_400, %dma_start3A_401] : memref<10112x64xf32, #tpu.memory_space<vmem_shared>> -> memref<10112x64xf32, #tpu.memory_space<vmem_shared>>
      tpu.enqueue_indirect_dma source(%dma_start3A_402 : memref<10112x64xf32, #tpu.memory_space<vmem_shared>>) target(%arg11 : memref<128x64xf32, #tpu.memory_space<vmem>>) offsets(%dma_start3A_399 : memref<128xi32, #tpu.memory_space<vmem>>) semaphore(%arg14 : memref<!tpu.dma_semaphore, #tpu.memory_space<semaphore_mem>>)
      %scan3A_403 = arith.constant 0 : i32
      scf.yield %scan3A_403 : i32
    }
    %scan3A_28 = arith.constant 25 : i32
    %dma_wait3A = arith.constant 75 : i32
    %dma_wait3A_29 = arith.constant 0 : i32
    %dma_wait3A_30 = tpu.memref_slice %arg7[%dma_wait3A, %dma_wait3A_29] : memref<80x128xi32, #tpu.memory_space<vmem>> -> memref<1x128xi32, #tpu.memory_space<vmem>>
    %dma_wait3A_31 = tpu.memref_squeeze %dma_wait3A_30 : memref<1x128xi32, #tpu.memory_space<vmem>> -> memref<128xi32, #tpu.memory_space<vmem>>
    %dma_wait3A_32 = arith.constant 0 : i32
    %dma_wait3A_33 = arith.constant 0 : i32
    %dma_wait3A_34 = tpu.memref_slice %arg19[%dma_wait3A_32, %dma_wait3A_33] : memref<10112x64xf32, #tpu.memory_space<vmem_shared>> -> memref<10112x64xf32, #tpu.memory_space<vmem_shared>>
    tpu.wait_indirect_dma semaphore(%arg12 : memref<!tpu.dma_semaphore, #tpu.memory_space<semaphore_mem>>) src(%dma_wait3A_34 : memref<10112x64xf32, #tpu.memory_space<vmem_shared>>) dst(%arg9 : memref<128x64xf32, #tpu.memory_space<vmem>>)
    %dma_start3A_35 = arith.constant 75 : i32
    %dma_start3A_36 = arith.constant 0 : i32
    %dma_start3A_37 = tpu.memref_slice %arg8[%dma_start3A_35, %dma_start3A_36] : memref<80x128xi32, #tpu.memory_space<vmem>> -> memref<1x128xi32, #tpu.memory_space<vmem>>
    %dma_start3A_38 = tpu.memref_squeeze %dma_start3A_37 : memref<1x128xi32, #tpu.memory_space<vmem>> -> memref<128xi32, #tpu.memory_space<vmem>>
    %dma_start3A_39 = arith.constant 0 : i32
    %dma_start3A_40 = arith.constant 0 : i32
    %dma_start3A_41 = tpu.memref_slice %arg18[%dma_start3A_39, %dma_start3A_40] : memref<10112x64xf32, #tpu.memory_space<vmem_shared>> -> memref<10112x64xf32, #tpu.memory_space<vmem_shared>>
    tpu.enqueue_indirect_dma source(%arg9 : memref<128x64xf32, #tpu.memory_space<vmem>>) target(%dma_start3A_41 : memref<10112x64xf32, #tpu.memory_space<vmem_shared>>) offsets(%dma_start3A_38 : memref<128xi32, #tpu.memory_space<vmem>>) semaphore(%arg15 : memref<!tpu.dma_semaphore, #tpu.memory_space<semaphore_mem>>) {add = true}
    %dma_wait3A_42 = arith.constant 75 : i32
    %dma_wait3A_43 = arith.constant 0 : i32
    %dma_wait3A_44 = tpu.memref_slice %arg8[%dma_wait3A_42, %dma_wait3A_43] : memref<80x128xi32, #tpu.memory_space<vmem>> -> memref<1x128xi32, #tpu.memory_space<vmem>>
    %dma_wait3A_45 = tpu.memref_squeeze %dma_wait3A_44 : memref<1x128xi32, #tpu.memory_space<vmem>> -> memref<128xi32, #tpu.memory_space<vmem>>
    %dma_wait3A_46 = arith.constant 0 : i32
    %dma_wait3A_47 = arith.constant 0 : i32
    %dma_wait3A_48 = tpu.memref_slice %arg18[%dma_wait3A_46, %dma_wait3A_47] : memref<10112x64xf32, #tpu.memory_space<vmem_shared>> -> memref<10112x64xf32, #tpu.memory_space<vmem_shared>>
    tpu.wait_indirect_dma semaphore(%arg15 : memref<!tpu.dma_semaphore, #tpu.memory_space<semaphore_mem>>) src(%arg9 : memref<128x64xf32, #tpu.memory_space<vmem>>) dst(%dma_wait3A_48 : memref<10112x64xf32, #tpu.memory_space<vmem_shared>>)
    %dma_start3A_49 = arith.constant 78 : i32
    %dma_start3A_50 = arith.constant 0 : i32
    %dma_start3A_51 = tpu.memref_slice %arg7[%dma_start3A_49, %dma_start3A_50] : memref<80x128xi32, #tpu.memory_space<vmem>> -> memref<1x128xi32, #tpu.memory_space<vmem>>
    %dma_start3A_52 = tpu.memref_squeeze %dma_start3A_51 : memref<1x128xi32, #tpu.memory_space<vmem>> -> memref<128xi32, #tpu.memory_space<vmem>>
    %dma_start3A_53 = arith.constant 0 : i32
    %dma_start3A_54 = arith.constant 0 : i32
    %dma_start3A_55 = tpu.memref_slice %arg19[%dma_start3A_53, %dma_start3A_54] : memref<10112x64xf32, #tpu.memory_space<vmem_shared>> -> memref<10112x64xf32, #tpu.memory_space<vmem_shared>>
    tpu.enqueue_indirect_dma source(%dma_start3A_55 : memref<10112x64xf32, #tpu.memory_space<vmem_shared>>) target(%arg9 : memref<128x64xf32, #tpu.memory_space<vmem>>) offsets(%dma_start3A_52 : memref<128xi32, #tpu.memory_space<vmem>>) semaphore(%arg12 : memref<!tpu.dma_semaphore, #tpu.memory_space<semaphore_mem>>)
    %dma_wait3A_56 = arith.constant 76 : i32
    %dma_wait3A_57 = arith.constant 0 : i32
    %dma_wait3A_58 = tpu.memref_slice %arg7[%dma_wait3A_56, %dma_wait3A_57] : memref<80x128xi32, #tpu.memory_space<vmem>> -> memref<1x128xi32, #tpu.memory_space<vmem>>
    %dma_wait3A_59 = tpu.memref_squeeze %dma_wait3A_58 : memref<1x128xi32, #tpu.memory_space<vmem>> -> memref<128xi32, #tpu.memory_space<vmem>>
    %dma_wait3A_60 = arith.constant 0 : i32
    %dma_wait3A_61 = arith.constant 0 : i32
    %dma_wait3A_62 = tpu.memref_slice %arg19[%dma_wait3A_60, %dma_wait3A_61] : memref<10112x64xf32, #tpu.memory_space<vmem_shared>> -> memref<10112x64xf32, #tpu.memory_space<vmem_shared>>
    tpu.wait_indirect_dma semaphore(%arg13 : memref<!tpu.dma_semaphore, #tpu.memory_space<semaphore_mem>>) src(%dma_wait3A_62 : memref<10112x64xf32, #tpu.memory_space<vmem_shared>>) dst(%arg10 : memref<128x64xf32, #tpu.memory_space<vmem>>)
    %dma_start3A_63 = arith.constant 76 : i32
    %dma_start3A_64 = arith.constant 0 : i32
    %dma_start3A_65 = tpu.memref_slice %arg8[%dma_start3A_63, %dma_start3A_64] : memref<80x128xi32, #tpu.memory_space<vmem>> -> memref<1x128xi32, #tpu.memory_space<vmem>>
    %dma_start3A_66 = tpu.memref_squeeze %dma_start3A_65 : memref<1x128xi32, #tpu.memory_space<vmem>> -> memref<128xi32, #tpu.memory_space<vmem>>
    %dma_start3A_67 = arith.constant 0 : i32
    %dma_start3A_68 = arith.constant 0 : i32
    %dma_start3A_69 = tpu.memref_slice %arg18[%dma_start3A_67, %dma_start3A_68] : memref<10112x64xf32, #tpu.memory_space<vmem_shared>> -> memref<10112x64xf32, #tpu.memory_space<vmem_shared>>
    tpu.enqueue_indirect_dma source(%arg10 : memref<128x64xf32, #tpu.memory_space<vmem>>) target(%dma_start3A_69 : memref<10112x64xf32, #tpu.memory_space<vmem_shared>>) offsets(%dma_start3A_66 : memref<128xi32, #tpu.memory_space<vmem>>) semaphore(%arg16 : memref<!tpu.dma_semaphore, #tpu.memory_space<semaphore_mem>>) {add = true}
    %dma_wait3A_70 = arith.constant 76 : i32
    %dma_wait3A_71 = arith.constant 0 : i32
    %dma_wait3A_72 = tpu.memref_slice %arg8[%dma_wait3A_70, %dma_wait3A_71] : memref<80x128xi32, #tpu.memory_space<vmem>> -> memref<1x128xi32, #tpu.memory_space<vmem>>
    %dma_wait3A_73 = tpu.memref_squeeze %dma_wait3A_72 : memref<1x128xi32, #tpu.memory_space<vmem>> -> memref<128xi32, #tpu.memory_space<vmem>>
    %dma_wait3A_74 = arith.constant 0 : i32
    %dma_wait3A_75 = arith.constant 0 : i32
    %dma_wait3A_76 = tpu.memref_slice %arg18[%dma_wait3A_74, %dma_wait3A_75] : memref<10112x64xf32, #tpu.memory_space<vmem_shared>> -> memref<10112x64xf32, #tpu.memory_space<vmem_shared>>
    tpu.wait_indirect_dma semaphore(%arg16 : memref<!tpu.dma_semaphore, #tpu.memory_space<semaphore_mem>>) src(%arg10 : memref<128x64xf32, #tpu.memory_space<vmem>>) dst(%dma_wait3A_76 : memref<10112x64xf32, #tpu.memory_space<vmem_shared>>)
    %dma_start3A_77 = arith.constant 79 : i32
    %dma_start3A_78 = arith.constant 0 : i32
    %dma_start3A_79 = tpu.memref_slice %arg7[%dma_start3A_77, %dma_start3A_78] : memref<80x128xi32, #tpu.memory_space<vmem>> -> memref<1x128xi32, #tpu.memory_space<vmem>>
    %dma_start3A_80 = tpu.memref_squeeze %dma_start3A_79 : memref<1x128xi32, #tpu.memory_space<vmem>> -> memref<128xi32, #tpu.memory_space<vmem>>
    %dma_start3A_81 = arith.constant 0 : i32
    %dma_start3A_82 = arith.constant 0 : i32
    %dma_start3A_83 = tpu.memref_slice %arg19[%dma_start3A_81, %dma_start3A_82] : memref<10112x64xf32, #tpu.memory_space<vmem_shared>> -> memref<10112x64xf32, #tpu.memory_space<vmem_shared>>
    tpu.enqueue_indirect_dma source(%dma_start3A_83 : memref<10112x64xf32, #tpu.memory_space<vmem_shared>>) target(%arg10 : memref<128x64xf32, #tpu.memory_space<vmem>>) offsets(%dma_start3A_80 : memref<128xi32, #tpu.memory_space<vmem>>) semaphore(%arg13 : memref<!tpu.dma_semaphore, #tpu.memory_space<semaphore_mem>>)
    %dma_wait3A_84 = arith.constant 77 : i32
    %dma_wait3A_85 = arith.constant 0 : i32
    %dma_wait3A_86 = tpu.memref_slice %arg7[%dma_wait3A_84, %dma_wait3A_85] : memref<80x128xi32, #tpu.memory_space<vmem>> -> memref<1x128xi32, #tpu.memory_space<vmem>>
    %dma_wait3A_87 = tpu.memref_squeeze %dma_wait3A_86 : memref<1x128xi32, #tpu.memory_space<vmem>> -> memref<128xi32, #tpu.memory_space<vmem>>
    %dma_wait3A_88 = arith.constant 0 : i32
    %dma_wait3A_89 = arith.constant 0 : i32
    %dma_wait3A_90 = tpu.memref_slice %arg19[%dma_wait3A_88, %dma_wait3A_89] : memref<10112x64xf32, #tpu.memory_space<vmem_shared>> -> memref<10112x64xf32, #tpu.memory_space<vmem_shared>>
    tpu.wait_indirect_dma semaphore(%arg14 : memref<!tpu.dma_semaphore, #tpu.memory_space<semaphore_mem>>) src(%dma_wait3A_90 : memref<10112x64xf32, #tpu.memory_space<vmem_shared>>) dst(%arg11 : memref<128x64xf32, #tpu.memory_space<vmem>>)
    %dma_start3A_91 = arith.constant 77 : i32
    %dma_start3A_92 = arith.constant 0 : i32
    %dma_start3A_93 = tpu.memref_slice %arg8[%dma_start3A_91, %dma_start3A_92] : memref<80x128xi32, #tpu.memory_space<vmem>> -> memref<1x128xi32, #tpu.memory_space<vmem>>
    %dma_start3A_94 = tpu.memref_squeeze %dma_start3A_93 : memref<1x128xi32, #tpu.memory_space<vmem>> -> memref<128xi32, #tpu.memory_space<vmem>>
    %dma_start3A_95 = arith.constant 0 : i32
    %dma_start3A_96 = arith.constant 0 : i32
    %dma_start3A_97 = tpu.memref_slice %arg18[%dma_start3A_95, %dma_start3A_96] : memref<10112x64xf32, #tpu.memory_space<vmem_shared>> -> memref<10112x64xf32, #tpu.memory_space<vmem_shared>>
    tpu.enqueue_indirect_dma source(%arg11 : memref<128x64xf32, #tpu.memory_space<vmem>>) target(%dma_start3A_97 : memref<10112x64xf32, #tpu.memory_space<vmem_shared>>) offsets(%dma_start3A_94 : memref<128xi32, #tpu.memory_space<vmem>>) semaphore(%arg17 : memref<!tpu.dma_semaphore, #tpu.memory_space<semaphore_mem>>) {add = true}
    %dma_wait3A_98 = arith.constant 78 : i32
    %dma_wait3A_99 = arith.constant 0 : i32
    %dma_wait3A_100 = tpu.memref_slice %arg7[%dma_wait3A_98, %dma_wait3A_99] : memref<80x128xi32, #tpu.memory_space<vmem>> -> memref<1x128xi32, #tpu.memory_space<vmem>>
    %dma_wait3A_101 = tpu.memref_squeeze %dma_wait3A_100 : memref<1x128xi32, #tpu.memory_space<vmem>> -> memref<128xi32, #tpu.memory_space<vmem>>
    %dma_wait3A_102 = arith.constant 0 : i32
    %dma_wait3A_103 = arith.constant 0 : i32
    %dma_wait3A_104 = tpu.memref_slice %arg19[%dma_wait3A_102, %dma_wait3A_103] : memref<10112x64xf32, #tpu.memory_space<vmem_shared>> -> memref<10112x64xf32, #tpu.memory_space<vmem_shared>>
    tpu.wait_indirect_dma semaphore(%arg12 : memref<!tpu.dma_semaphore, #tpu.memory_space<semaphore_mem>>) src(%dma_wait3A_104 : memref<10112x64xf32, #tpu.memory_space<vmem_shared>>) dst(%arg9 : memref<128x64xf32, #tpu.memory_space<vmem>>)
    %dma_start3A_105 = arith.constant 78 : i32
    %dma_start3A_106 = arith.constant 0 : i32
    %dma_start3A_107 = tpu.memref_slice %arg8[%dma_start3A_105, %dma_start3A_106] : memref<80x128xi32, #tpu.memory_space<vmem>> -> memref<1x128xi32, #tpu.memory_space<vmem>>
    %dma_start3A_108 = tpu.memref_squeeze %dma_start3A_107 : memref<1x128xi32, #tpu.memory_space<vmem>> -> memref<128xi32, #tpu.memory_space<vmem>>
    %dma_start3A_109 = arith.constant 0 : i32
    %dma_start3A_110 = arith.constant 0 : i32
    %dma_start3A_111 = tpu.memref_slice %arg18[%dma_start3A_109, %dma_start3A_110] : memref<10112x64xf32, #tpu.memory_space<vmem_shared>> -> memref<10112x64xf32, #tpu.memory_space<vmem_shared>>
    tpu.enqueue_indirect_dma source(%arg9 : memref<128x64xf32, #tpu.memory_space<vmem>>) target(%dma_start3A_111 : memref<10112x64xf32, #tpu.memory_space<vmem_shared>>) offsets(%dma_start3A_108 : memref<128xi32, #tpu.memory_space<vmem>>) semaphore(%arg15 : memref<!tpu.dma_semaphore, #tpu.memory_space<semaphore_mem>>) {add = true}
    %dma_wait3A_112 = arith.constant 79 : i32
    %dma_wait3A_113 = arith.constant 0 : i32
    %dma_wait3A_114 = tpu.memref_slice %arg7[%dma_wait3A_112, %dma_wait3A_113] : memref<80x128xi32, #tpu.memory_space<vmem>> -> memref<1x128xi32, #tpu.memory_space<vmem>>
    %dma_wait3A_115 = tpu.memref_squeeze %dma_wait3A_114 : memref<1x128xi32, #tpu.memory_space<vmem>> -> memref<128xi32, #tpu.memory_space<vmem>>
    %dma_wait3A_116 = arith.constant 0 : i32
    %dma_wait3A_117 = arith.constant 0 : i32
    %dma_wait3A_118 = tpu.memref_slice %arg19[%dma_wait3A_116, %dma_wait3A_117] : memref<10112x64xf32, #tpu.memory_space<vmem_shared>> -> memref<10112x64xf32, #tpu.memory_space<vmem_shared>>
    tpu.wait_indirect_dma semaphore(%arg13 : memref<!tpu.dma_semaphore, #tpu.memory_space<semaphore_mem>>) src(%dma_wait3A_118 : memref<10112x64xf32, #tpu.memory_space<vmem_shared>>) dst(%arg10 : memref<128x64xf32, #tpu.memory_space<vmem>>)
    %dma_start3A_119 = arith.constant 79 : i32
    %dma_start3A_120 = arith.constant 0 : i32
    %dma_start3A_121 = tpu.memref_slice %arg8[%dma_start3A_119, %dma_start3A_120] : memref<80x128xi32, #tpu.memory_space<vmem>> -> memref<1x128xi32, #tpu.memory_space<vmem>>
    %dma_start3A_122 = tpu.memref_squeeze %dma_start3A_121 : memref<1x128xi32, #tpu.memory_space<vmem>> -> memref<128xi32, #tpu.memory_space<vmem>>
    %dma_start3A_123 = arith.constant 0 : i32
    %dma_start3A_124 = arith.constant 0 : i32
    %dma_start3A_125 = tpu.memref_slice %arg18[%dma_start3A_123, %dma_start3A_124] : memref<10112x64xf32, #tpu.memory_space<vmem_shared>> -> memref<10112x64xf32, #tpu.memory_space<vmem_shared>>
    tpu.enqueue_indirect_dma source(%arg10 : memref<128x64xf32, #tpu.memory_space<vmem>>) target(%dma_start3A_125 : memref<10112x64xf32, #tpu.memory_space<vmem_shared>>) offsets(%dma_start3A_122 : memref<128xi32, #tpu.memory_space<vmem>>) semaphore(%arg16 : memref<!tpu.dma_semaphore, #tpu.memory_space<semaphore_mem>>) {add = true}
    %dma_wait3A_126 = arith.constant 77 : i32
    %dma_wait3A_127 = arith.constant 0 : i32
    %dma_wait3A_128 = tpu.memref_slice %arg8[%dma_wait3A_126, %dma_wait3A_127] : memref<80x128xi32, #tpu.memory_space<vmem>> -> memref<1x128xi32, #tpu.memory_space<vmem>>
    %dma_wait3A_129 = tpu.memref_squeeze %dma_wait3A_128 : memref<1x128xi32, #tpu.memory_space<vmem>> -> memref<128xi32, #tpu.memory_space<vmem>>
    %dma_wait3A_130 = arith.constant 0 : i32
    %dma_wait3A_131 = arith.constant 0 : i32
    %dma_wait3A_132 = tpu.memref_slice %arg18[%dma_wait3A_130, %dma_wait3A_131] : memref<10112x64xf32, #tpu.memory_space<vmem_shared>> -> memref<10112x64xf32, #tpu.memory_space<vmem_shared>>
    tpu.wait_indirect_dma semaphore(%arg17 : memref<!tpu.dma_semaphore, #tpu.memory_space<semaphore_mem>>) src(%arg11 : memref<128x64xf32, #tpu.memory_space<vmem>>) dst(%dma_wait3A_132 : memref<10112x64xf32, #tpu.memory_space<vmem_shared>>)
    %dma_wait3A_133 = arith.constant 78 : i32
    %dma_wait3A_134 = arith.constant 0 : i32
    %dma_wait3A_135 = tpu.memref_slice %arg8[%dma_wait3A_133, %dma_wait3A_134] : memref<80x128xi32, #tpu.memory_space<vmem>> -> memref<1x128xi32, #tpu.memory_space<vmem>>
    %dma_wait3A_136 = tpu.memref_squeeze %dma_wait3A_135 : memref<1x128xi32, #tpu.memory_space<vmem>> -> memref<128xi32, #tpu.memory_space<vmem>>
    %dma_wait3A_137 = arith.constant 0 : i32
    %dma_wait3A_138 = arith.constant 0 : i32
    %dma_wait3A_139 = tpu.memref_slice %arg18[%dma_wait3A_137, %dma_wait3A_138] : memref<10112x64xf32, #tpu.memory_space<vmem_shared>> -> memref<10112x64xf32, #tpu.memory_space<vmem_shared>>
    tpu.wait_indirect_dma semaphore(%arg15 : memref<!tpu.dma_semaphore, #tpu.memory_space<semaphore_mem>>) src(%arg9 : memref<128x64xf32, #tpu.memory_space<vmem>>) dst(%dma_wait3A_139 : memref<10112x64xf32, #tpu.memory_space<vmem_shared>>)
    %dma_wait3A_140 = arith.constant 79 : i32
    %dma_wait3A_141 = arith.constant 0 : i32
    %dma_wait3A_142 = tpu.memref_slice %arg8[%dma_wait3A_140, %dma_wait3A_141] : memref<80x128xi32, #tpu.memory_space<vmem>> -> memref<1x128xi32, #tpu.memory_space<vmem>>
    %dma_wait3A_143 = tpu.memref_squeeze %dma_wait3A_142 : memref<1x128xi32, #tpu.memory_space<vmem>> -> memref<128xi32, #tpu.memory_space<vmem>>
    %dma_wait3A_144 = arith.constant 0 : i32
    %dma_wait3A_145 = arith.constant 0 : i32
    %dma_wait3A_146 = tpu.memref_slice %arg18[%dma_wait3A_144, %dma_wait3A_145] : memref<10112x64xf32, #tpu.memory_space<vmem_shared>> -> memref<10112x64xf32, #tpu.memory_space<vmem_shared>>
    tpu.wait_indirect_dma semaphore(%arg16 : memref<!tpu.dma_semaphore, #tpu.memory_space<semaphore_mem>>) src(%arg10 : memref<128x64xf32, #tpu.memory_space<vmem>>) dst(%dma_wait3A_146 : memref<10112x64xf32, #tpu.memory_space<vmem_shared>>)
    %barrier3A_147 = arith.constant 0 : index
    tpu.barrier barrier_id(%barrier3A_147)
    "tpu.region"() ({
      %run_scoped3A = tpu.sem_alloc : memref<!tpu.dma_semaphore, #tpu.memory_space<semaphore_mem>>
      %dma_start3A_297 = arith.constant 0 : i32
      %dma_start3A_298 = tpu.memref_slice %arg6[%arg0, %mul3A_2, %dma_start3A_297] : memref<2x10112x128xf32, #tpu.memory_space<hbm>> -> memref<1x632x64xf32, #tpu.memory_space<hbm>>
      %dma_start3A_299 = tpu.memref_squeeze %dma_start3A_298 : memref<1x632x64xf32, #tpu.memory_space<hbm>> -> memref<632x64xf32, #tpu.memory_space<hbm>>
      %dma_start3A_300 = arith.constant 0 : i32
      %dma_start3A_301 = tpu.memref_slice %arg18[%mul3A_2, %dma_start3A_300] : memref<10112x64xf32, #tpu.memory_space<vmem_shared>> -> memref<632x64xf32, #tpu.memory_space<vmem_shared>>
      tpu.enqueue_dma source(%dma_start3A_301 : memref<632x64xf32, #tpu.memory_space<vmem_shared>>) target(%dma_start3A_299 : memref<632x64xf32, #tpu.memory_space<hbm>>) target_semaphore(%run_scoped3A : memref<!tpu.dma_semaphore, #tpu.memory_space<semaphore_mem>>)
      %dma_wait3A_302 = arith.constant 0 : i32
      %dma_wait3A_303 = tpu.memref_slice %arg6[%arg0, %mul3A_2, %dma_wait3A_302] : memref<2x10112x128xf32, #tpu.memory_space<hbm>> -> memref<1x632x64xf32, #tpu.memory_space<hbm>>
      %dma_wait3A_304 = tpu.memref_squeeze %dma_wait3A_303 : memref<1x632x64xf32, #tpu.memory_space<hbm>> -> memref<632x64xf32, #tpu.memory_space<hbm>>
      %dma_wait3A_305 = arith.constant 0 : i32
      %dma_wait3A_306 = tpu.memref_slice %arg18[%mul3A_2, %dma_wait3A_305] : memref<10112x64xf32, #tpu.memory_space<vmem_shared>> -> memref<632x64xf32, #tpu.memory_space<vmem_shared>>
      tpu.wait_dma2 semaphore(%run_scoped3A : memref<!tpu.dma_semaphore, #tpu.memory_space<semaphore_mem>>) src(%dma_wait3A_306 : memref<632x64xf32, #tpu.memory_space<vmem_shared>>) dst(%dma_wait3A_304 : memref<632x64xf32, #tpu.memory_space<hbm>>)
      tpu.yield
    }) : () -> ()
    "tpu.region"() ({
      %run_scoped3A = tpu.sem_alloc : memref<!tpu.dma_semaphore, #tpu.memory_space<semaphore_mem>>
      %dma_start3A_297 = arith.constant 0 : i32
      %dma_start3A_298 = tpu.memref_slice %arg18[%mul3A_2, %dma_start3A_297] : memref<10112x64xf32, #tpu.memory_space<vmem_shared>> -> memref<632x64xf32, #tpu.memory_space<vmem_shared>>
      tpu.enqueue_dma source(%arg5 : memref<632x64xf32, #tpu.memory_space<hbm>>) target(%dma_start3A_298 : memref<632x64xf32, #tpu.memory_space<vmem_shared>>) target_semaphore(%run_scoped3A : memref<!tpu.dma_semaphore, #tpu.memory_space<semaphore_mem>>)
      %dma_wait3A_299 = arith.constant 0 : i32
      %dma_wait3A_300 = tpu.memref_slice %arg18[%mul3A_2, %dma_wait3A_299] : memref<10112x64xf32, #tpu.memory_space<vmem_shared>> -> memref<632x64xf32, #tpu.memory_space<vmem_shared>>
      tpu.wait_dma2 semaphore(%run_scoped3A : memref<!tpu.dma_semaphore, #tpu.memory_space<semaphore_mem>>) src(%arg5 : memref<632x64xf32, #tpu.memory_space<hbm>>) dst(%dma_wait3A_300 : memref<632x64xf32, #tpu.memory_space<vmem_shared>>)
      tpu.yield
    }) : () -> ()
    "tpu.region"() ({
      %run_scoped3A = tpu.sem_alloc : memref<!tpu.dma_semaphore, #tpu.memory_space<semaphore_mem>>
      %dma_start3A_297 = arith.constant 0 : i32
      %dma_start3A_298 = tpu.memref_slice %arg19[%mul3A_2, %dma_start3A_297] : memref<10112x64xf32, #tpu.memory_space<vmem_shared>> -> memref<632x64xf32, #tpu.memory_space<vmem_shared>>
      %dma_start3A_299 = arith.constant 64 : i32
      %dma_start3A_300 = tpu.memref_slice %arg2[%mul3A_2, %dma_start3A_299] : memref<10112x128xf32, #tpu.memory_space<hbm>> -> memref<632x64xf32, #tpu.memory_space<hbm>>
      tpu.enqueue_dma source(%dma_start3A_300 : memref<632x64xf32, #tpu.memory_space<hbm>>) target(%dma_start3A_298 : memref<632x64xf32, #tpu.memory_space<vmem_shared>>) target_semaphore(%run_scoped3A : memref<!tpu.dma_semaphore, #tpu.memory_space<semaphore_mem>>)
      %dma_wait3A_301 = arith.constant 0 : i32
      %dma_wait3A_302 = tpu.memref_slice %arg19[%mul3A_2, %dma_wait3A_301] : memref<10112x64xf32, #tpu.memory_space<vmem_shared>> -> memref<632x64xf32, #tpu.memory_space<vmem_shared>>
      %dma_wait3A_303 = arith.constant 64 : i32
      %dma_wait3A_304 = tpu.memref_slice %arg2[%mul3A_2, %dma_wait3A_303] : memref<10112x128xf32, #tpu.memory_space<hbm>> -> memref<632x64xf32, #tpu.memory_space<hbm>>
      tpu.wait_dma2 semaphore(%run_scoped3A : memref<!tpu.dma_semaphore, #tpu.memory_space<semaphore_mem>>) src(%dma_wait3A_304 : memref<632x64xf32, #tpu.memory_space<hbm>>) dst(%dma_wait3A_302 : memref<632x64xf32, #tpu.memory_space<vmem_shared>>)
      tpu.yield
    }) : () -> ()
    %barrier3A_148 = arith.constant 0 : index
    tpu.barrier barrier_id(%barrier3A_148)
    %dma_start3A_149 = arith.constant 0 : i32
    %dma_start3A_150 = arith.constant 0 : i32
    %dma_start3A_151 = tpu.memref_slice %arg7[%dma_start3A_149, %dma_start3A_150] : memref<80x128xi32, #tpu.memory_space<vmem>> -> memref<1x128xi32, #tpu.memory_space<vmem>>
    %dma_start3A_152 = tpu.memref_squeeze %dma_start3A_151 : memref<1x128xi32, #tpu.memory_space<vmem>> -> memref<128xi32, #tpu.memory_space<vmem>>
    %dma_start3A_153 = arith.constant 0 : i32
    %dma_start3A_154 = arith.constant 0 : i32
    %dma_start3A_155 = tpu.memref_slice %arg19[%dma_start3A_153, %dma_start3A_154] : memref<10112x64xf32, #tpu.memory_space<vmem_shared>> -> memref<10112x64xf32, #tpu.memory_space<vmem_shared>>
    tpu.enqueue_indirect_dma source(%dma_start3A_155 : memref<10112x64xf32, #tpu.memory_space<vmem_shared>>) target(%arg9 : memref<128x64xf32, #tpu.memory_space<vmem>>) offsets(%dma_start3A_152 : memref<128xi32, #tpu.memory_space<vmem>>) semaphore(%arg12 : memref<!tpu.dma_semaphore, #tpu.memory_space<semaphore_mem>>)
    %dma_start3A_156 = arith.constant 1 : i32
    %dma_start3A_157 = arith.constant 0 : i32
    %dma_start3A_158 = tpu.memref_slice %arg7[%dma_start3A_156, %dma_start3A_157] : memref<80x128xi32, #tpu.memory_space<vmem>> -> memref<1x128xi32, #tpu.memory_space<vmem>>
    %dma_start3A_159 = tpu.memref_squeeze %dma_start3A_158 : memref<1x128xi32, #tpu.memory_space<vmem>> -> memref<128xi32, #tpu.memory_space<vmem>>
    %dma_start3A_160 = arith.constant 0 : i32
    %dma_start3A_161 = arith.constant 0 : i32
    %dma_start3A_162 = tpu.memref_slice %arg19[%dma_start3A_160, %dma_start3A_161] : memref<10112x64xf32, #tpu.memory_space<vmem_shared>> -> memref<10112x64xf32, #tpu.memory_space<vmem_shared>>
    tpu.enqueue_indirect_dma source(%dma_start3A_162 : memref<10112x64xf32, #tpu.memory_space<vmem_shared>>) target(%arg10 : memref<128x64xf32, #tpu.memory_space<vmem>>) offsets(%dma_start3A_159 : memref<128xi32, #tpu.memory_space<vmem>>) semaphore(%arg13 : memref<!tpu.dma_semaphore, #tpu.memory_space<semaphore_mem>>)
    %dma_start3A_163 = arith.constant 2 : i32
    %dma_start3A_164 = arith.constant 0 : i32
    %dma_start3A_165 = tpu.memref_slice %arg7[%dma_start3A_163, %dma_start3A_164] : memref<80x128xi32, #tpu.memory_space<vmem>> -> memref<1x128xi32, #tpu.memory_space<vmem>>
    %dma_start3A_166 = tpu.memref_squeeze %dma_start3A_165 : memref<1x128xi32, #tpu.memory_space<vmem>> -> memref<128xi32, #tpu.memory_space<vmem>>
    %dma_start3A_167 = arith.constant 0 : i32
    %dma_start3A_168 = arith.constant 0 : i32
    %dma_start3A_169 = tpu.memref_slice %arg19[%dma_start3A_167, %dma_start3A_168] : memref<10112x64xf32, #tpu.memory_space<vmem_shared>> -> memref<10112x64xf32, #tpu.memory_space<vmem_shared>>
    tpu.enqueue_indirect_dma source(%dma_start3A_169 : memref<10112x64xf32, #tpu.memory_space<vmem_shared>>) target(%arg11 : memref<128x64xf32, #tpu.memory_space<vmem>>) offsets(%dma_start3A_166 : memref<128xi32, #tpu.memory_space<vmem>>) semaphore(%arg14 : memref<!tpu.dma_semaphore, #tpu.memory_space<semaphore_mem>>)
    %scan3A_170 = arith.constant 0 : i32
    %scan3A_171 = arith.constant 0 : i32
    %scan3A_172 = arith.constant 25 : i32
    %scan3A_173 = arith.addi %scan3A_171, %scan3A_172 : i32
    %scan3A_174 = arith.constant 1 : i32
    %scan3A_175 = scf.for %scan3A_297 = %scan3A_171 to %scan3A_173 step %scan3A_174 iter_args(%scan3A_298 = %scan3A_170) -> (i32)  : i32 {
      %mul3A_299 = arith.constant 3 : i32
      %mul3A_300 = arith.muli %scan3A_297, %mul3A_299 : i32
      %add3A_301 = arith.constant 0 : i32
      %add3A_302 = arith.addi %mul3A_300, %add3A_301 : i32
      %dma_wait3A_303 = arith.constant 0 : i32
      %dma_wait3A_304 = tpu.memref_slice %arg7[%add3A_302, %dma_wait3A_303] : memref<80x128xi32, #tpu.memory_space<vmem>> -> memref<1x128xi32, #tpu.memory_space<vmem>>
      %dma_wait3A_305 = tpu.memref_squeeze %dma_wait3A_304 : memref<1x128xi32, #tpu.memory_space<vmem>> -> memref<128xi32, #tpu.memory_space<vmem>>
      %dma_wait3A_306 = arith.constant 0 : i32
      %dma_wait3A_307 = arith.constant 0 : i32
      %dma_wait3A_308 = tpu.memref_slice %arg19[%dma_wait3A_306, %dma_wait3A_307] : memref<10112x64xf32, #tpu.memory_space<vmem_shared>> -> memref<10112x64xf32, #tpu.memory_space<vmem_shared>>
      tpu.wait_indirect_dma semaphore(%arg12 : memref<!tpu.dma_semaphore, #tpu.memory_space<semaphore_mem>>) src(%dma_wait3A_308 : memref<10112x64xf32, #tpu.memory_space<vmem_shared>>) dst(%arg9 : memref<128x64xf32, #tpu.memory_space<vmem>>)
      %add3A_309 = arith.constant 0 : i32
      %add3A_310 = arith.addi %mul3A_300, %add3A_309 : i32
      %dma_start3A_311 = arith.constant 0 : i32
      %dma_start3A_312 = tpu.memref_slice %arg8[%add3A_310, %dma_start3A_311] : memref<80x128xi32, #tpu.memory_space<vmem>> -> memref<1x128xi32, #tpu.memory_space<vmem>>
      %dma_start3A_313 = tpu.memref_squeeze %dma_start3A_312 : memref<1x128xi32, #tpu.memory_space<vmem>> -> memref<128xi32, #tpu.memory_space<vmem>>
      %dma_start3A_314 = arith.constant 0 : i32
      %dma_start3A_315 = arith.constant 0 : i32
      %dma_start3A_316 = tpu.memref_slice %arg18[%dma_start3A_314, %dma_start3A_315] : memref<10112x64xf32, #tpu.memory_space<vmem_shared>> -> memref<10112x64xf32, #tpu.memory_space<vmem_shared>>
      tpu.enqueue_indirect_dma source(%arg9 : memref<128x64xf32, #tpu.memory_space<vmem>>) target(%dma_start3A_316 : memref<10112x64xf32, #tpu.memory_space<vmem_shared>>) offsets(%dma_start3A_313 : memref<128xi32, #tpu.memory_space<vmem>>) semaphore(%arg15 : memref<!tpu.dma_semaphore, #tpu.memory_space<semaphore_mem>>) {add = true}
      %add3A_317 = arith.constant 1 : i32
      %add3A_318 = arith.addi %mul3A_300, %add3A_317 : i32
      %dma_wait3A_319 = arith.constant 0 : i32
      %dma_wait3A_320 = tpu.memref_slice %arg7[%add3A_318, %dma_wait3A_319] : memref<80x128xi32, #tpu.memory_space<vmem>> -> memref<1x128xi32, #tpu.memory_space<vmem>>
      %dma_wait3A_321 = tpu.memref_squeeze %dma_wait3A_320 : memref<1x128xi32, #tpu.memory_space<vmem>> -> memref<128xi32, #tpu.memory_space<vmem>>
      %dma_wait3A_322 = arith.constant 0 : i32
      %dma_wait3A_323 = arith.constant 0 : i32
      %dma_wait3A_324 = tpu.memref_slice %arg19[%dma_wait3A_322, %dma_wait3A_323] : memref<10112x64xf32, #tpu.memory_space<vmem_shared>> -> memref<10112x64xf32, #tpu.memory_space<vmem_shared>>
      tpu.wait_indirect_dma semaphore(%arg13 : memref<!tpu.dma_semaphore, #tpu.memory_space<semaphore_mem>>) src(%dma_wait3A_324 : memref<10112x64xf32, #tpu.memory_space<vmem_shared>>) dst(%arg10 : memref<128x64xf32, #tpu.memory_space<vmem>>)
      %add3A_325 = arith.constant 1 : i32
      %add3A_326 = arith.addi %mul3A_300, %add3A_325 : i32
      %dma_start3A_327 = arith.constant 0 : i32
      %dma_start3A_328 = tpu.memref_slice %arg8[%add3A_326, %dma_start3A_327] : memref<80x128xi32, #tpu.memory_space<vmem>> -> memref<1x128xi32, #tpu.memory_space<vmem>>
      %dma_start3A_329 = tpu.memref_squeeze %dma_start3A_328 : memref<1x128xi32, #tpu.memory_space<vmem>> -> memref<128xi32, #tpu.memory_space<vmem>>
      %dma_start3A_330 = arith.constant 0 : i32
      %dma_start3A_331 = arith.constant 0 : i32
      %dma_start3A_332 = tpu.memref_slice %arg18[%dma_start3A_330, %dma_start3A_331] : memref<10112x64xf32, #tpu.memory_space<vmem_shared>> -> memref<10112x64xf32, #tpu.memory_space<vmem_shared>>
      tpu.enqueue_indirect_dma source(%arg10 : memref<128x64xf32, #tpu.memory_space<vmem>>) target(%dma_start3A_332 : memref<10112x64xf32, #tpu.memory_space<vmem_shared>>) offsets(%dma_start3A_329 : memref<128xi32, #tpu.memory_space<vmem>>) semaphore(%arg16 : memref<!tpu.dma_semaphore, #tpu.memory_space<semaphore_mem>>) {add = true}
      %add3A_333 = arith.constant 2 : i32
      %add3A_334 = arith.addi %mul3A_300, %add3A_333 : i32
      %dma_wait3A_335 = arith.constant 0 : i32
      %dma_wait3A_336 = tpu.memref_slice %arg7[%add3A_334, %dma_wait3A_335] : memref<80x128xi32, #tpu.memory_space<vmem>> -> memref<1x128xi32, #tpu.memory_space<vmem>>
      %dma_wait3A_337 = tpu.memref_squeeze %dma_wait3A_336 : memref<1x128xi32, #tpu.memory_space<vmem>> -> memref<128xi32, #tpu.memory_space<vmem>>
      %dma_wait3A_338 = arith.constant 0 : i32
      %dma_wait3A_339 = arith.constant 0 : i32
      %dma_wait3A_340 = tpu.memref_slice %arg19[%dma_wait3A_338, %dma_wait3A_339] : memref<10112x64xf32, #tpu.memory_space<vmem_shared>> -> memref<10112x64xf32, #tpu.memory_space<vmem_shared>>
      tpu.wait_indirect_dma semaphore(%arg14 : memref<!tpu.dma_semaphore, #tpu.memory_space<semaphore_mem>>) src(%dma_wait3A_340 : memref<10112x64xf32, #tpu.memory_space<vmem_shared>>) dst(%arg11 : memref<128x64xf32, #tpu.memory_space<vmem>>)
      %add3A_341 = arith.constant 2 : i32
      %add3A_342 = arith.addi %mul3A_300, %add3A_341 : i32
      %dma_start3A_343 = arith.constant 0 : i32
      %dma_start3A_344 = tpu.memref_slice %arg8[%add3A_342, %dma_start3A_343] : memref<80x128xi32, #tpu.memory_space<vmem>> -> memref<1x128xi32, #tpu.memory_space<vmem>>
      %dma_start3A_345 = tpu.memref_squeeze %dma_start3A_344 : memref<1x128xi32, #tpu.memory_space<vmem>> -> memref<128xi32, #tpu.memory_space<vmem>>
      %dma_start3A_346 = arith.constant 0 : i32
      %dma_start3A_347 = arith.constant 0 : i32
      %dma_start3A_348 = tpu.memref_slice %arg18[%dma_start3A_346, %dma_start3A_347] : memref<10112x64xf32, #tpu.memory_space<vmem_shared>> -> memref<10112x64xf32, #tpu.memory_space<vmem_shared>>
      tpu.enqueue_indirect_dma source(%arg11 : memref<128x64xf32, #tpu.memory_space<vmem>>) target(%dma_start3A_348 : memref<10112x64xf32, #tpu.memory_space<vmem_shared>>) offsets(%dma_start3A_345 : memref<128xi32, #tpu.memory_space<vmem>>) semaphore(%arg17 : memref<!tpu.dma_semaphore, #tpu.memory_space<semaphore_mem>>) {add = true}
      %add3A_349 = arith.constant 0 : i32
      %add3A_350 = arith.addi %mul3A_300, %add3A_349 : i32
      %dma_wait3A_351 = arith.constant 0 : i32
      %dma_wait3A_352 = tpu.memref_slice %arg8[%add3A_350, %dma_wait3A_351] : memref<80x128xi32, #tpu.memory_space<vmem>> -> memref<1x128xi32, #tpu.memory_space<vmem>>
      %dma_wait3A_353 = tpu.memref_squeeze %dma_wait3A_352 : memref<1x128xi32, #tpu.memory_space<vmem>> -> memref<128xi32, #tpu.memory_space<vmem>>
      %dma_wait3A_354 = arith.constant 0 : i32
      %dma_wait3A_355 = arith.constant 0 : i32
      %dma_wait3A_356 = tpu.memref_slice %arg18[%dma_wait3A_354, %dma_wait3A_355] : memref<10112x64xf32, #tpu.memory_space<vmem_shared>> -> memref<10112x64xf32, #tpu.memory_space<vmem_shared>>
      tpu.wait_indirect_dma semaphore(%arg15 : memref<!tpu.dma_semaphore, #tpu.memory_space<semaphore_mem>>) src(%arg9 : memref<128x64xf32, #tpu.memory_space<vmem>>) dst(%dma_wait3A_356 : memref<10112x64xf32, #tpu.memory_space<vmem_shared>>)
      %add3A_357 = arith.constant 3 : i32
      %add3A_358 = arith.addi %mul3A_300, %add3A_357 : i32
      %add3A_359 = arith.constant 0 : i32
      %add3A_360 = arith.addi %add3A_358, %add3A_359 : i32
      %dma_start3A_361 = arith.constant 0 : i32
      %dma_start3A_362 = tpu.memref_slice %arg7[%add3A_360, %dma_start3A_361] : memref<80x128xi32, #tpu.memory_space<vmem>> -> memref<1x128xi32, #tpu.memory_space<vmem>>
      %dma_start3A_363 = tpu.memref_squeeze %dma_start3A_362 : memref<1x128xi32, #tpu.memory_space<vmem>> -> memref<128xi32, #tpu.memory_space<vmem>>
      %dma_start3A_364 = arith.constant 0 : i32
      %dma_start3A_365 = arith.constant 0 : i32
      %dma_start3A_366 = tpu.memref_slice %arg19[%dma_start3A_364, %dma_start3A_365] : memref<10112x64xf32, #tpu.memory_space<vmem_shared>> -> memref<10112x64xf32, #tpu.memory_space<vmem_shared>>
      tpu.enqueue_indirect_dma source(%dma_start3A_366 : memref<10112x64xf32, #tpu.memory_space<vmem_shared>>) target(%arg9 : memref<128x64xf32, #tpu.memory_space<vmem>>) offsets(%dma_start3A_363 : memref<128xi32, #tpu.memory_space<vmem>>) semaphore(%arg12 : memref<!tpu.dma_semaphore, #tpu.memory_space<semaphore_mem>>)
      %add3A_367 = arith.constant 1 : i32
      %add3A_368 = arith.addi %mul3A_300, %add3A_367 : i32
      %dma_wait3A_369 = arith.constant 0 : i32
      %dma_wait3A_370 = tpu.memref_slice %arg8[%add3A_368, %dma_wait3A_369] : memref<80x128xi32, #tpu.memory_space<vmem>> -> memref<1x128xi32, #tpu.memory_space<vmem>>
      %dma_wait3A_371 = tpu.memref_squeeze %dma_wait3A_370 : memref<1x128xi32, #tpu.memory_space<vmem>> -> memref<128xi32, #tpu.memory_space<vmem>>
      %dma_wait3A_372 = arith.constant 0 : i32
      %dma_wait3A_373 = arith.constant 0 : i32
      %dma_wait3A_374 = tpu.memref_slice %arg18[%dma_wait3A_372, %dma_wait3A_373] : memref<10112x64xf32, #tpu.memory_space<vmem_shared>> -> memref<10112x64xf32, #tpu.memory_space<vmem_shared>>
      tpu.wait_indirect_dma semaphore(%arg16 : memref<!tpu.dma_semaphore, #tpu.memory_space<semaphore_mem>>) src(%arg10 : memref<128x64xf32, #tpu.memory_space<vmem>>) dst(%dma_wait3A_374 : memref<10112x64xf32, #tpu.memory_space<vmem_shared>>)
      %add3A_375 = arith.constant 3 : i32
      %add3A_376 = arith.addi %mul3A_300, %add3A_375 : i32
      %add3A_377 = arith.constant 1 : i32
      %add3A_378 = arith.addi %add3A_376, %add3A_377 : i32
      %dma_start3A_379 = arith.constant 0 : i32
      %dma_start3A_380 = tpu.memref_slice %arg7[%add3A_378, %dma_start3A_379] : memref<80x128xi32, #tpu.memory_space<vmem>> -> memref<1x128xi32, #tpu.memory_space<vmem>>
      %dma_start3A_381 = tpu.memref_squeeze %dma_start3A_380 : memref<1x128xi32, #tpu.memory_space<vmem>> -> memref<128xi32, #tpu.memory_space<vmem>>
      %dma_start3A_382 = arith.constant 0 : i32
      %dma_start3A_383 = arith.constant 0 : i32
      %dma_start3A_384 = tpu.memref_slice %arg19[%dma_start3A_382, %dma_start3A_383] : memref<10112x64xf32, #tpu.memory_space<vmem_shared>> -> memref<10112x64xf32, #tpu.memory_space<vmem_shared>>
      tpu.enqueue_indirect_dma source(%dma_start3A_384 : memref<10112x64xf32, #tpu.memory_space<vmem_shared>>) target(%arg10 : memref<128x64xf32, #tpu.memory_space<vmem>>) offsets(%dma_start3A_381 : memref<128xi32, #tpu.memory_space<vmem>>) semaphore(%arg13 : memref<!tpu.dma_semaphore, #tpu.memory_space<semaphore_mem>>)
      %add3A_385 = arith.constant 2 : i32
      %add3A_386 = arith.addi %mul3A_300, %add3A_385 : i32
      %dma_wait3A_387 = arith.constant 0 : i32
      %dma_wait3A_388 = tpu.memref_slice %arg8[%add3A_386, %dma_wait3A_387] : memref<80x128xi32, #tpu.memory_space<vmem>> -> memref<1x128xi32, #tpu.memory_space<vmem>>
      %dma_wait3A_389 = tpu.memref_squeeze %dma_wait3A_388 : memref<1x128xi32, #tpu.memory_space<vmem>> -> memref<128xi32, #tpu.memory_space<vmem>>
      %dma_wait3A_390 = arith.constant 0 : i32
      %dma_wait3A_391 = arith.constant 0 : i32
      %dma_wait3A_392 = tpu.memref_slice %arg18[%dma_wait3A_390, %dma_wait3A_391] : memref<10112x64xf32, #tpu.memory_space<vmem_shared>> -> memref<10112x64xf32, #tpu.memory_space<vmem_shared>>
      tpu.wait_indirect_dma semaphore(%arg17 : memref<!tpu.dma_semaphore, #tpu.memory_space<semaphore_mem>>) src(%arg11 : memref<128x64xf32, #tpu.memory_space<vmem>>) dst(%dma_wait3A_392 : memref<10112x64xf32, #tpu.memory_space<vmem_shared>>)
      %add3A_393 = arith.constant 3 : i32
      %add3A_394 = arith.addi %mul3A_300, %add3A_393 : i32
      %add3A_395 = arith.constant 2 : i32
      %add3A_396 = arith.addi %add3A_394, %add3A_395 : i32
      %dma_start3A_397 = arith.constant 0 : i32
      %dma_start3A_398 = tpu.memref_slice %arg7[%add3A_396, %dma_start3A_397] : memref<80x128xi32, #tpu.memory_space<vmem>> -> memref<1x128xi32, #tpu.memory_space<vmem>>
      %dma_start3A_399 = tpu.memref_squeeze %dma_start3A_398 : memref<1x128xi32, #tpu.memory_space<vmem>> -> memref<128xi32, #tpu.memory_space<vmem>>
      %dma_start3A_400 = arith.constant 0 : i32
      %dma_start3A_401 = arith.constant 0 : i32
      %dma_start3A_402 = tpu.memref_slice %arg19[%dma_start3A_400, %dma_start3A_401] : memref<10112x64xf32, #tpu.memory_space<vmem_shared>> -> memref<10112x64xf32, #tpu.memory_space<vmem_shared>>
      tpu.enqueue_indirect_dma source(%dma_start3A_402 : memref<10112x64xf32, #tpu.memory_space<vmem_shared>>) target(%arg11 : memref<128x64xf32, #tpu.memory_space<vmem>>) offsets(%dma_start3A_399 : memref<128xi32, #tpu.memory_space<vmem>>) semaphore(%arg14 : memref<!tpu.dma_semaphore, #tpu.memory_space<semaphore_mem>>)
      %scan3A_403 = arith.constant 0 : i32
      scf.yield %scan3A_403 : i32
    }
    %scan3A_176 = arith.constant 25 : i32
    %dma_wait3A_177 = arith.constant 75 : i32
    %dma_wait3A_178 = arith.constant 0 : i32
    %dma_wait3A_179 = tpu.memref_slice %arg7[%dma_wait3A_177, %dma_wait3A_178] : memref<80x128xi32, #tpu.memory_space<vmem>> -> memref<1x128xi32, #tpu.memory_space<vmem>>
    %dma_wait3A_180 = tpu.memref_squeeze %dma_wait3A_179 : memref<1x128xi32, #tpu.memory_space<vmem>> -> memref<128xi32, #tpu.memory_space<vmem>>
    %dma_wait3A_181 = arith.constant 0 : i32
    %dma_wait3A_182 = arith.constant 0 : i32
    %dma_wait3A_183 = tpu.memref_slice %arg19[%dma_wait3A_181, %dma_wait3A_182] : memref<10112x64xf32, #tpu.memory_space<vmem_shared>> -> memref<10112x64xf32, #tpu.memory_space<vmem_shared>>
    tpu.wait_indirect_dma semaphore(%arg12 : memref<!tpu.dma_semaphore, #tpu.memory_space<semaphore_mem>>) src(%dma_wait3A_183 : memref<10112x64xf32, #tpu.memory_space<vmem_shared>>) dst(%arg9 : memref<128x64xf32, #tpu.memory_space<vmem>>)
    %dma_start3A_184 = arith.constant 75 : i32
    %dma_start3A_185 = arith.constant 0 : i32
    %dma_start3A_186 = tpu.memref_slice %arg8[%dma_start3A_184, %dma_start3A_185] : memref<80x128xi32, #tpu.memory_space<vmem>> -> memref<1x128xi32, #tpu.memory_space<vmem>>
    %dma_start3A_187 = tpu.memref_squeeze %dma_start3A_186 : memref<1x128xi32, #tpu.memory_space<vmem>> -> memref<128xi32, #tpu.memory_space<vmem>>
    %dma_start3A_188 = arith.constant 0 : i32
    %dma_start3A_189 = arith.constant 0 : i32
    %dma_start3A_190 = tpu.memref_slice %arg18[%dma_start3A_188, %dma_start3A_189] : memref<10112x64xf32, #tpu.memory_space<vmem_shared>> -> memref<10112x64xf32, #tpu.memory_space<vmem_shared>>
    tpu.enqueue_indirect_dma source(%arg9 : memref<128x64xf32, #tpu.memory_space<vmem>>) target(%dma_start3A_190 : memref<10112x64xf32, #tpu.memory_space<vmem_shared>>) offsets(%dma_start3A_187 : memref<128xi32, #tpu.memory_space<vmem>>) semaphore(%arg15 : memref<!tpu.dma_semaphore, #tpu.memory_space<semaphore_mem>>) {add = true}
    %dma_wait3A_191 = arith.constant 75 : i32
    %dma_wait3A_192 = arith.constant 0 : i32
    %dma_wait3A_193 = tpu.memref_slice %arg8[%dma_wait3A_191, %dma_wait3A_192] : memref<80x128xi32, #tpu.memory_space<vmem>> -> memref<1x128xi32, #tpu.memory_space<vmem>>
    %dma_wait3A_194 = tpu.memref_squeeze %dma_wait3A_193 : memref<1x128xi32, #tpu.memory_space<vmem>> -> memref<128xi32, #tpu.memory_space<vmem>>
    %dma_wait3A_195 = arith.constant 0 : i32
    %dma_wait3A_196 = arith.constant 0 : i32
    %dma_wait3A_197 = tpu.memref_slice %arg18[%dma_wait3A_195, %dma_wait3A_196] : memref<10112x64xf32, #tpu.memory_space<vmem_shared>> -> memref<10112x64xf32, #tpu.memory_space<vmem_shared>>
    tpu.wait_indirect_dma semaphore(%arg15 : memref<!tpu.dma_semaphore, #tpu.memory_space<semaphore_mem>>) src(%arg9 : memref<128x64xf32, #tpu.memory_space<vmem>>) dst(%dma_wait3A_197 : memref<10112x64xf32, #tpu.memory_space<vmem_shared>>)
    %dma_start3A_198 = arith.constant 78 : i32
    %dma_start3A_199 = arith.constant 0 : i32
    %dma_start3A_200 = tpu.memref_slice %arg7[%dma_start3A_198, %dma_start3A_199] : memref<80x128xi32, #tpu.memory_space<vmem>> -> memref<1x128xi32, #tpu.memory_space<vmem>>
    %dma_start3A_201 = tpu.memref_squeeze %dma_start3A_200 : memref<1x128xi32, #tpu.memory_space<vmem>> -> memref<128xi32, #tpu.memory_space<vmem>>
    %dma_start3A_202 = arith.constant 0 : i32
    %dma_start3A_203 = arith.constant 0 : i32
    %dma_start3A_204 = tpu.memref_slice %arg19[%dma_start3A_202, %dma_start3A_203] : memref<10112x64xf32, #tpu.memory_space<vmem_shared>> -> memref<10112x64xf32, #tpu.memory_space<vmem_shared>>
    tpu.enqueue_indirect_dma source(%dma_start3A_204 : memref<10112x64xf32, #tpu.memory_space<vmem_shared>>) target(%arg9 : memref<128x64xf32, #tpu.memory_space<vmem>>) offsets(%dma_start3A_201 : memref<128xi32, #tpu.memory_space<vmem>>) semaphore(%arg12 : memref<!tpu.dma_semaphore, #tpu.memory_space<semaphore_mem>>)
    %dma_wait3A_205 = arith.constant 76 : i32
    %dma_wait3A_206 = arith.constant 0 : i32
    %dma_wait3A_207 = tpu.memref_slice %arg7[%dma_wait3A_205, %dma_wait3A_206] : memref<80x128xi32, #tpu.memory_space<vmem>> -> memref<1x128xi32, #tpu.memory_space<vmem>>
    %dma_wait3A_208 = tpu.memref_squeeze %dma_wait3A_207 : memref<1x128xi32, #tpu.memory_space<vmem>> -> memref<128xi32, #tpu.memory_space<vmem>>
    %dma_wait3A_209 = arith.constant 0 : i32
    %dma_wait3A_210 = arith.constant 0 : i32
    %dma_wait3A_211 = tpu.memref_slice %arg19[%dma_wait3A_209, %dma_wait3A_210] : memref<10112x64xf32, #tpu.memory_space<vmem_shared>> -> memref<10112x64xf32, #tpu.memory_space<vmem_shared>>
    tpu.wait_indirect_dma semaphore(%arg13 : memref<!tpu.dma_semaphore, #tpu.memory_space<semaphore_mem>>) src(%dma_wait3A_211 : memref<10112x64xf32, #tpu.memory_space<vmem_shared>>) dst(%arg10 : memref<128x64xf32, #tpu.memory_space<vmem>>)
    %dma_start3A_212 = arith.constant 76 : i32
    %dma_start3A_213 = arith.constant 0 : i32
    %dma_start3A_214 = tpu.memref_slice %arg8[%dma_start3A_212, %dma_start3A_213] : memref<80x128xi32, #tpu.memory_space<vmem>> -> memref<1x128xi32, #tpu.memory_space<vmem>>
    %dma_start3A_215 = tpu.memref_squeeze %dma_start3A_214 : memref<1x128xi32, #tpu.memory_space<vmem>> -> memref<128xi32, #tpu.memory_space<vmem>>
    %dma_start3A_216 = arith.constant 0 : i32
    %dma_start3A_217 = arith.constant 0 : i32
    %dma_start3A_218 = tpu.memref_slice %arg18[%dma_start3A_216, %dma_start3A_217] : memref<10112x64xf32, #tpu.memory_space<vmem_shared>> -> memref<10112x64xf32, #tpu.memory_space<vmem_shared>>
    tpu.enqueue_indirect_dma source(%arg10 : memref<128x64xf32, #tpu.memory_space<vmem>>) target(%dma_start3A_218 : memref<10112x64xf32, #tpu.memory_space<vmem_shared>>) offsets(%dma_start3A_215 : memref<128xi32, #tpu.memory_space<vmem>>) semaphore(%arg16 : memref<!tpu.dma_semaphore, #tpu.memory_space<semaphore_mem>>) {add = true}
    %dma_wait3A_219 = arith.constant 76 : i32
    %dma_wait3A_220 = arith.constant 0 : i32
    %dma_wait3A_221 = tpu.memref_slice %arg8[%dma_wait3A_219, %dma_wait3A_220] : memref<80x128xi32, #tpu.memory_space<vmem>> -> memref<1x128xi32, #tpu.memory_space<vmem>>
    %dma_wait3A_222 = tpu.memref_squeeze %dma_wait3A_221 : memref<1x128xi32, #tpu.memory_space<vmem>> -> memref<128xi32, #tpu.memory_space<vmem>>
    %dma_wait3A_223 = arith.constant 0 : i32
    %dma_wait3A_224 = arith.constant 0 : i32
    %dma_wait3A_225 = tpu.memref_slice %arg18[%dma_wait3A_223, %dma_wait3A_224] : memref<10112x64xf32, #tpu.memory_space<vmem_shared>> -> memref<10112x64xf32, #tpu.memory_space<vmem_shared>>
    tpu.wait_indirect_dma semaphore(%arg16 : memref<!tpu.dma_semaphore, #tpu.memory_space<semaphore_mem>>) src(%arg10 : memref<128x64xf32, #tpu.memory_space<vmem>>) dst(%dma_wait3A_225 : memref<10112x64xf32, #tpu.memory_space<vmem_shared>>)
    %dma_start3A_226 = arith.constant 79 : i32
    %dma_start3A_227 = arith.constant 0 : i32
    %dma_start3A_228 = tpu.memref_slice %arg7[%dma_start3A_226, %dma_start3A_227] : memref<80x128xi32, #tpu.memory_space<vmem>> -> memref<1x128xi32, #tpu.memory_space<vmem>>
    %dma_start3A_229 = tpu.memref_squeeze %dma_start3A_228 : memref<1x128xi32, #tpu.memory_space<vmem>> -> memref<128xi32, #tpu.memory_space<vmem>>
    %dma_start3A_230 = arith.constant 0 : i32
    %dma_start3A_231 = arith.constant 0 : i32
    %dma_start3A_232 = tpu.memref_slice %arg19[%dma_start3A_230, %dma_start3A_231] : memref<10112x64xf32, #tpu.memory_space<vmem_shared>> -> memref<10112x64xf32, #tpu.memory_space<vmem_shared>>
    tpu.enqueue_indirect_dma source(%dma_start3A_232 : memref<10112x64xf32, #tpu.memory_space<vmem_shared>>) target(%arg10 : memref<128x64xf32, #tpu.memory_space<vmem>>) offsets(%dma_start3A_229 : memref<128xi32, #tpu.memory_space<vmem>>) semaphore(%arg13 : memref<!tpu.dma_semaphore, #tpu.memory_space<semaphore_mem>>)
    %dma_wait3A_233 = arith.constant 77 : i32
    %dma_wait3A_234 = arith.constant 0 : i32
    %dma_wait3A_235 = tpu.memref_slice %arg7[%dma_wait3A_233, %dma_wait3A_234] : memref<80x128xi32, #tpu.memory_space<vmem>> -> memref<1x128xi32, #tpu.memory_space<vmem>>
    %dma_wait3A_236 = tpu.memref_squeeze %dma_wait3A_235 : memref<1x128xi32, #tpu.memory_space<vmem>> -> memref<128xi32, #tpu.memory_space<vmem>>
    %dma_wait3A_237 = arith.constant 0 : i32
    %dma_wait3A_238 = arith.constant 0 : i32
    %dma_wait3A_239 = tpu.memref_slice %arg19[%dma_wait3A_237, %dma_wait3A_238] : memref<10112x64xf32, #tpu.memory_space<vmem_shared>> -> memref<10112x64xf32, #tpu.memory_space<vmem_shared>>
    tpu.wait_indirect_dma semaphore(%arg14 : memref<!tpu.dma_semaphore, #tpu.memory_space<semaphore_mem>>) src(%dma_wait3A_239 : memref<10112x64xf32, #tpu.memory_space<vmem_shared>>) dst(%arg11 : memref<128x64xf32, #tpu.memory_space<vmem>>)
    %dma_start3A_240 = arith.constant 77 : i32
    %dma_start3A_241 = arith.constant 0 : i32
    %dma_start3A_242 = tpu.memref_slice %arg8[%dma_start3A_240, %dma_start3A_241] : memref<80x128xi32, #tpu.memory_space<vmem>> -> memref<1x128xi32, #tpu.memory_space<vmem>>
    %dma_start3A_243 = tpu.memref_squeeze %dma_start3A_242 : memref<1x128xi32, #tpu.memory_space<vmem>> -> memref<128xi32, #tpu.memory_space<vmem>>
    %dma_start3A_244 = arith.constant 0 : i32
    %dma_start3A_245 = arith.constant 0 : i32
    %dma_start3A_246 = tpu.memref_slice %arg18[%dma_start3A_244, %dma_start3A_245] : memref<10112x64xf32, #tpu.memory_space<vmem_shared>> -> memref<10112x64xf32, #tpu.memory_space<vmem_shared>>
    tpu.enqueue_indirect_dma source(%arg11 : memref<128x64xf32, #tpu.memory_space<vmem>>) target(%dma_start3A_246 : memref<10112x64xf32, #tpu.memory_space<vmem_shared>>) offsets(%dma_start3A_243 : memref<128xi32, #tpu.memory_space<vmem>>) semaphore(%arg17 : memref<!tpu.dma_semaphore, #tpu.memory_space<semaphore_mem>>) {add = true}
    %dma_wait3A_247 = arith.constant 78 : i32
    %dma_wait3A_248 = arith.constant 0 : i32
    %dma_wait3A_249 = tpu.memref_slice %arg7[%dma_wait3A_247, %dma_wait3A_248] : memref<80x128xi32, #tpu.memory_space<vmem>> -> memref<1x128xi32, #tpu.memory_space<vmem>>
    %dma_wait3A_250 = tpu.memref_squeeze %dma_wait3A_249 : memref<1x128xi32, #tpu.memory_space<vmem>> -> memref<128xi32, #tpu.memory_space<vmem>>
    %dma_wait3A_251 = arith.constant 0 : i32
    %dma_wait3A_252 = arith.constant 0 : i32
    %dma_wait3A_253 = tpu.memref_slice %arg19[%dma_wait3A_251, %dma_wait3A_252] : memref<10112x64xf32, #tpu.memory_space<vmem_shared>> -> memref<10112x64xf32, #tpu.memory_space<vmem_shared>>
    tpu.wait_indirect_dma semaphore(%arg12 : memref<!tpu.dma_semaphore, #tpu.memory_space<semaphore_mem>>) src(%dma_wait3A_253 : memref<10112x64xf32, #tpu.memory_space<vmem_shared>>) dst(%arg9 : memref<128x64xf32, #tpu.memory_space<vmem>>)
    %dma_start3A_254 = arith.constant 78 : i32
    %dma_start3A_255 = arith.constant 0 : i32
    %dma_start3A_256 = tpu.memref_slice %arg8[%dma_start3A_254, %dma_start3A_255] : memref<80x128xi32, #tpu.memory_space<vmem>> -> memref<1x128xi32, #tpu.memory_space<vmem>>
    %dma_start3A_257 = tpu.memref_squeeze %dma_start3A_256 : memref<1x128xi32, #tpu.memory_space<vmem>> -> memref<128xi32, #tpu.memory_space<vmem>>
    %dma_start3A_258 = arith.constant 0 : i32
    %dma_start3A_259 = arith.constant 0 : i32
    %dma_start3A_260 = tpu.memref_slice %arg18[%dma_start3A_258, %dma_start3A_259] : memref<10112x64xf32, #tpu.memory_space<vmem_shared>> -> memref<10112x64xf32, #tpu.memory_space<vmem_shared>>
    tpu.enqueue_indirect_dma source(%arg9 : memref<128x64xf32, #tpu.memory_space<vmem>>) target(%dma_start3A_260 : memref<10112x64xf32, #tpu.memory_space<vmem_shared>>) offsets(%dma_start3A_257 : memref<128xi32, #tpu.memory_space<vmem>>) semaphore(%arg15 : memref<!tpu.dma_semaphore, #tpu.memory_space<semaphore_mem>>) {add = true}
    %dma_wait3A_261 = arith.constant 79 : i32
    %dma_wait3A_262 = arith.constant 0 : i32
    %dma_wait3A_263 = tpu.memref_slice %arg7[%dma_wait3A_261, %dma_wait3A_262] : memref<80x128xi32, #tpu.memory_space<vmem>> -> memref<1x128xi32, #tpu.memory_space<vmem>>
    %dma_wait3A_264 = tpu.memref_squeeze %dma_wait3A_263 : memref<1x128xi32, #tpu.memory_space<vmem>> -> memref<128xi32, #tpu.memory_space<vmem>>
    %dma_wait3A_265 = arith.constant 0 : i32
    %dma_wait3A_266 = arith.constant 0 : i32
    %dma_wait3A_267 = tpu.memref_slice %arg19[%dma_wait3A_265, %dma_wait3A_266] : memref<10112x64xf32, #tpu.memory_space<vmem_shared>> -> memref<10112x64xf32, #tpu.memory_space<vmem_shared>>
    tpu.wait_indirect_dma semaphore(%arg13 : memref<!tpu.dma_semaphore, #tpu.memory_space<semaphore_mem>>) src(%dma_wait3A_267 : memref<10112x64xf32, #tpu.memory_space<vmem_shared>>) dst(%arg10 : memref<128x64xf32, #tpu.memory_space<vmem>>)
    %dma_start3A_268 = arith.constant 79 : i32
    %dma_start3A_269 = arith.constant 0 : i32
    %dma_start3A_270 = tpu.memref_slice %arg8[%dma_start3A_268, %dma_start3A_269] : memref<80x128xi32, #tpu.memory_space<vmem>> -> memref<1x128xi32, #tpu.memory_space<vmem>>
    %dma_start3A_271 = tpu.memref_squeeze %dma_start3A_270 : memref<1x128xi32, #tpu.memory_space<vmem>> -> memref<128xi32, #tpu.memory_space<vmem>>
    %dma_start3A_272 = arith.constant 0 : i32
    %dma_start3A_273 = arith.constant 0 : i32
    %dma_start3A_274 = tpu.memref_slice %arg18[%dma_start3A_272, %dma_start3A_273] : memref<10112x64xf32, #tpu.memory_space<vmem_shared>> -> memref<10112x64xf32, #tpu.memory_space<vmem_shared>>
    tpu.enqueue_indirect_dma source(%arg10 : memref<128x64xf32, #tpu.memory_space<vmem>>) target(%dma_start3A_274 : memref<10112x64xf32, #tpu.memory_space<vmem_shared>>) offsets(%dma_start3A_271 : memref<128xi32, #tpu.memory_space<vmem>>) semaphore(%arg16 : memref<!tpu.dma_semaphore, #tpu.memory_space<semaphore_mem>>) {add = true}
    %dma_wait3A_275 = arith.constant 77 : i32
    %dma_wait3A_276 = arith.constant 0 : i32
    %dma_wait3A_277 = tpu.memref_slice %arg8[%dma_wait3A_275, %dma_wait3A_276] : memref<80x128xi32, #tpu.memory_space<vmem>> -> memref<1x128xi32, #tpu.memory_space<vmem>>
    %dma_wait3A_278 = tpu.memref_squeeze %dma_wait3A_277 : memref<1x128xi32, #tpu.memory_space<vmem>> -> memref<128xi32, #tpu.memory_space<vmem>>
    %dma_wait3A_279 = arith.constant 0 : i32
    %dma_wait3A_280 = arith.constant 0 : i32
    %dma_wait3A_281 = tpu.memref_slice %arg18[%dma_wait3A_279, %dma_wait3A_280] : memref<10112x64xf32, #tpu.memory_space<vmem_shared>> -> memref<10112x64xf32, #tpu.memory_space<vmem_shared>>
    tpu.wait_indirect_dma semaphore(%arg17 : memref<!tpu.dma_semaphore, #tpu.memory_space<semaphore_mem>>) src(%arg11 : memref<128x64xf32, #tpu.memory_space<vmem>>) dst(%dma_wait3A_281 : memref<10112x64xf32, #tpu.memory_space<vmem_shared>>)
    %dma_wait3A_282 = arith.constant 78 : i32
    %dma_wait3A_283 = arith.constant 0 : i32
    %dma_wait3A_284 = tpu.memref_slice %arg8[%dma_wait3A_282, %dma_wait3A_283] : memref<80x128xi32, #tpu.memory_space<vmem>> -> memref<1x128xi32, #tpu.memory_space<vmem>>
    %dma_wait3A_285 = tpu.memref_squeeze %dma_wait3A_284 : memref<1x128xi32, #tpu.memory_space<vmem>> -> memref<128xi32, #tpu.memory_space<vmem>>
    %dma_wait3A_286 = arith.constant 0 : i32
    %dma_wait3A_287 = arith.constant 0 : i32
    %dma_wait3A_288 = tpu.memref_slice %arg18[%dma_wait3A_286, %dma_wait3A_287] : memref<10112x64xf32, #tpu.memory_space<vmem_shared>> -> memref<10112x64xf32, #tpu.memory_space<vmem_shared>>
    tpu.wait_indirect_dma semaphore(%arg15 : memref<!tpu.dma_semaphore, #tpu.memory_space<semaphore_mem>>) src(%arg9 : memref<128x64xf32, #tpu.memory_space<vmem>>) dst(%dma_wait3A_288 : memref<10112x64xf32, #tpu.memory_space<vmem_shared>>)
    %dma_wait3A_289 = arith.constant 79 : i32
    %dma_wait3A_290 = arith.constant 0 : i32
    %dma_wait3A_291 = tpu.memref_slice %arg8[%dma_wait3A_289, %dma_wait3A_290] : memref<80x128xi32, #tpu.memory_space<vmem>> -> memref<1x128xi32, #tpu.memory_space<vmem>>
    %dma_wait3A_292 = tpu.memref_squeeze %dma_wait3A_291 : memref<1x128xi32, #tpu.memory_space<vmem>> -> memref<128xi32, #tpu.memory_space<vmem>>
    %dma_wait3A_293 = arith.constant 0 : i32
    %dma_wait3A_294 = arith.constant 0 : i32
    %dma_wait3A_295 = tpu.memref_slice %arg18[%dma_wait3A_293, %dma_wait3A_294] : memref<10112x64xf32, #tpu.memory_space<vmem_shared>> -> memref<10112x64xf32, #tpu.memory_space<vmem_shared>>
    tpu.wait_indirect_dma semaphore(%arg16 : memref<!tpu.dma_semaphore, #tpu.memory_space<semaphore_mem>>) src(%arg10 : memref<128x64xf32, #tpu.memory_space<vmem>>) dst(%dma_wait3A_295 : memref<10112x64xf32, #tpu.memory_space<vmem_shared>>)
    %barrier3A_296 = arith.constant 0 : index
    tpu.barrier barrier_id(%barrier3A_296)
    "tpu.region"() ({
      %run_scoped3A = tpu.sem_alloc : memref<!tpu.dma_semaphore, #tpu.memory_space<semaphore_mem>>
      %dma_start3A_297 = arith.constant 64 : i32
      %dma_start3A_298 = tpu.memref_slice %arg6[%arg0, %mul3A_2, %dma_start3A_297] : memref<2x10112x128xf32, #tpu.memory_space<hbm>> -> memref<1x632x64xf32, #tpu.memory_space<hbm>>
      %dma_start3A_299 = tpu.memref_squeeze %dma_start3A_298 : memref<1x632x64xf32, #tpu.memory_space<hbm>> -> memref<632x64xf32, #tpu.memory_space<hbm>>
      %dma_start3A_300 = arith.constant 0 : i32
      %dma_start3A_301 = tpu.memref_slice %arg18[%mul3A_2, %dma_start3A_300] : memref<10112x64xf32, #tpu.memory_space<vmem_shared>> -> memref<632x64xf32, #tpu.memory_space<vmem_shared>>
      tpu.enqueue_dma source(%dma_start3A_301 : memref<632x64xf32, #tpu.memory_space<vmem_shared>>) target(%dma_start3A_299 : memref<632x64xf32, #tpu.memory_space<hbm>>) target_semaphore(%run_scoped3A : memref<!tpu.dma_semaphore, #tpu.memory_space<semaphore_mem>>)
      %dma_wait3A_302 = arith.constant 64 : i32
      %dma_wait3A_303 = tpu.memref_slice %arg6[%arg0, %mul3A_2, %dma_wait3A_302] : memref<2x10112x128xf32, #tpu.memory_space<hbm>> -> memref<1x632x64xf32, #tpu.memory_space<hbm>>
      %dma_wait3A_304 = tpu.memref_squeeze %dma_wait3A_303 : memref<1x632x64xf32, #tpu.memory_space<hbm>> -> memref<632x64xf32, #tpu.memory_space<hbm>>
      %dma_wait3A_305 = arith.constant 0 : i32
      %dma_wait3A_306 = tpu.memref_slice %arg18[%mul3A_2, %dma_wait3A_305] : memref<10112x64xf32, #tpu.memory_space<vmem_shared>> -> memref<632x64xf32, #tpu.memory_space<vmem_shared>>
      tpu.wait_dma2 semaphore(%run_scoped3A : memref<!tpu.dma_semaphore, #tpu.memory_space<semaphore_mem>>) src(%dma_wait3A_306 : memref<632x64xf32, #tpu.memory_space<vmem_shared>>) dst(%dma_wait3A_304 : memref<632x64xf32, #tpu.memory_space<hbm>>)
      tpu.yield
    }) : () -> ()
    return
  }
}

#map = affine_map<(d0, d1) -> (0, 0)>
#map1 = affine_map<(d0, d1) -> (0, 0, 0)>
module attributes {stable_mosaic.version = 14 : i64} {
  func.func @k(%arg0: i32, %arg1: i32, %arg2: memref<10112x128xf32, #tpu.memory_space<hbm>>, %arg3: memref<32x80x128xi32, #tpu.memory_space<hbm>>, %arg4: memref<32x80x128xi32, #tpu.memory_space<hbm>>, %arg5: memref<632x48xf32, #tpu.memory_space<hbm>>, %arg6: memref<2x10112x128xf32, #tpu.memory_space<hbm>>, %arg7: memref<80x128xi32, #tpu.memory_space<vmem>>, %arg8: memref<80x128xi32, #tpu.memory_space<vmem>>, %arg9: memref<128x48xf32, #tpu.memory_space<vmem>>, %arg10: memref<128x48xf32, #tpu.memory_space<vmem>>, %arg11: memref<128x48xf32, #tpu.memory_space<vmem>>, %arg12: memref<!tpu.dma_semaphore, #tpu.memory_space<semaphore_mem>>, %arg13: memref<!tpu.dma_semaphore, #tpu.memory_space<semaphore_mem>>, %arg14: memref<!tpu.dma_semaphore, #tpu.memory_space<semaphore_mem>>, %arg15: memref<!tpu.dma_semaphore, #tpu.memory_space<semaphore_mem>>, %arg16: memref<!tpu.dma_semaphore, #tpu.memory_space<semaphore_mem>>, %arg17: memref<!tpu.dma_semaphore, #tpu.memory_space<semaphore_mem>>, %arg18: memref<10112x48xf32, #tpu.memory_space<vmem_shared>>, %arg19: memref<10112x48xf32, #tpu.memory_space<vmem_shared>>) attributes {dimension_semantics = [#tpu.dimension_semantics<core_parallel>, #tpu.dimension_semantics<subcore_parallel>], iteration_bounds = array<i64: 2, 16>, scalar_prefetch = 0 : i64, scratch_operands = 13 : i64, tpu.core_type = #tpu.core_type<sc_vector_subcore>, window_params = [{transform_indices = #map}, {transform_indices = #map1}, {transform_indices = #map1}, {transform_indices = #map}, {transform_indices = #map1}]} {
    %mul3A = arith.constant 16 : i32
    %mul3A_0 = arith.muli %arg0, %mul3A : i32
    %add3A = arith.addi %mul3A_0, %arg1 : i32
    "tpu.region"() ({
      %run_scoped3A = tpu.sem_alloc : memref<!tpu.dma_semaphore, #tpu.memory_space<semaphore_mem>>
      %dma_start3A_148 = arith.constant 0 : i32
      %dma_start3A_149 = arith.constant 0 : i32
      %dma_start3A_150 = tpu.memref_slice %arg3[%add3A, %dma_start3A_148, %dma_start3A_149] : memref<32x80x128xi32, #tpu.memory_space<hbm>> -> memref<1x80x128xi32, #tpu.memory_space<hbm>>
      %dma_start3A_151 = tpu.memref_squeeze %dma_start3A_150 : memref<1x80x128xi32, #tpu.memory_space<hbm>> -> memref<80x128xi32, #tpu.memory_space<hbm>>
      %dma_start3A_152 = arith.constant 0 : i32
      %dma_start3A_153 = arith.constant 0 : i32
      %dma_start3A_154 = tpu.memref_slice %arg3[%add3A, %dma_start3A_152, %dma_start3A_153] : memref<32x80x128xi32, #tpu.memory_space<hbm>> -> memref<1x80x128xi32, #tpu.memory_space<hbm>>
      %dma_start3A_155 = tpu.memref_squeeze %dma_start3A_154 : memref<1x80x128xi32, #tpu.memory_space<hbm>> -> memref<80x128xi32, #tpu.memory_space<hbm>>
      tpu.enqueue_dma source(%dma_start3A_155 : memref<80x128xi32, #tpu.memory_space<hbm>>) target(%arg7 : memref<80x128xi32, #tpu.memory_space<vmem>>) target_semaphore(%run_scoped3A : memref<!tpu.dma_semaphore, #tpu.memory_space<semaphore_mem>>)
      %dma_wait3A_156 = arith.constant 0 : i32
      %dma_wait3A_157 = arith.constant 0 : i32
      %dma_wait3A_158 = tpu.memref_slice %arg3[%add3A, %dma_wait3A_156, %dma_wait3A_157] : memref<32x80x128xi32, #tpu.memory_space<hbm>> -> memref<1x80x128xi32, #tpu.memory_space<hbm>>
      %dma_wait3A_159 = tpu.memref_squeeze %dma_wait3A_158 : memref<1x80x128xi32, #tpu.memory_space<hbm>> -> memref<80x128xi32, #tpu.memory_space<hbm>>
      %dma_wait3A_160 = arith.constant 0 : i32
      %dma_wait3A_161 = arith.constant 0 : i32
      %dma_wait3A_162 = tpu.memref_slice %arg3[%add3A, %dma_wait3A_160, %dma_wait3A_161] : memref<32x80x128xi32, #tpu.memory_space<hbm>> -> memref<1x80x128xi32, #tpu.memory_space<hbm>>
      %dma_wait3A_163 = tpu.memref_squeeze %dma_wait3A_162 : memref<1x80x128xi32, #tpu.memory_space<hbm>> -> memref<80x128xi32, #tpu.memory_space<hbm>>
      tpu.wait_dma2 semaphore(%run_scoped3A : memref<!tpu.dma_semaphore, #tpu.memory_space<semaphore_mem>>) src(%dma_wait3A_163 : memref<80x128xi32, #tpu.memory_space<hbm>>) dst(%arg7 : memref<80x128xi32, #tpu.memory_space<vmem>>)
      tpu.yield
    }) : () -> ()
    "tpu.region"() ({
      %run_scoped3A = tpu.sem_alloc : memref<!tpu.dma_semaphore, #tpu.memory_space<semaphore_mem>>
      %dma_start3A_148 = arith.constant 0 : i32
      %dma_start3A_149 = arith.constant 0 : i32
      %dma_start3A_150 = tpu.memref_slice %arg4[%add3A, %dma_start3A_148, %dma_start3A_149] : memref<32x80x128xi32, #tpu.memory_space<hbm>> -> memref<1x80x128xi32, #tpu.memory_space<hbm>>
      %dma_start3A_151 = tpu.memref_squeeze %dma_start3A_150 : memref<1x80x128xi32, #tpu.memory_space<hbm>> -> memref<80x128xi32, #tpu.memory_space<hbm>>
      %dma_start3A_152 = arith.constant 0 : i32
      %dma_start3A_153 = arith.constant 0 : i32
      %dma_start3A_154 = tpu.memref_slice %arg4[%add3A, %dma_start3A_152, %dma_start3A_153] : memref<32x80x128xi32, #tpu.memory_space<hbm>> -> memref<1x80x128xi32, #tpu.memory_space<hbm>>
      %dma_start3A_155 = tpu.memref_squeeze %dma_start3A_154 : memref<1x80x128xi32, #tpu.memory_space<hbm>> -> memref<80x128xi32, #tpu.memory_space<hbm>>
      tpu.enqueue_dma source(%dma_start3A_155 : memref<80x128xi32, #tpu.memory_space<hbm>>) target(%arg8 : memref<80x128xi32, #tpu.memory_space<vmem>>) target_semaphore(%run_scoped3A : memref<!tpu.dma_semaphore, #tpu.memory_space<semaphore_mem>>)
      %dma_wait3A_156 = arith.constant 0 : i32
      %dma_wait3A_157 = arith.constant 0 : i32
      %dma_wait3A_158 = tpu.memref_slice %arg4[%add3A, %dma_wait3A_156, %dma_wait3A_157] : memref<32x80x128xi32, #tpu.memory_space<hbm>> -> memref<1x80x128xi32, #tpu.memory_space<hbm>>
      %dma_wait3A_159 = tpu.memref_squeeze %dma_wait3A_158 : memref<1x80x128xi32, #tpu.memory_space<hbm>> -> memref<80x128xi32, #tpu.memory_space<hbm>>
      %dma_wait3A_160 = arith.constant 0 : i32
      %dma_wait3A_161 = arith.constant 0 : i32
      %dma_wait3A_162 = tpu.memref_slice %arg4[%add3A, %dma_wait3A_160, %dma_wait3A_161] : memref<32x80x128xi32, #tpu.memory_space<hbm>> -> memref<1x80x128xi32, #tpu.memory_space<hbm>>
      %dma_wait3A_163 = tpu.memref_squeeze %dma_wait3A_162 : memref<1x80x128xi32, #tpu.memory_space<hbm>> -> memref<80x128xi32, #tpu.memory_space<hbm>>
      tpu.wait_dma2 semaphore(%run_scoped3A : memref<!tpu.dma_semaphore, #tpu.memory_space<semaphore_mem>>) src(%dma_wait3A_163 : memref<80x128xi32, #tpu.memory_space<hbm>>) dst(%arg8 : memref<80x128xi32, #tpu.memory_space<vmem>>)
      tpu.yield
    }) : () -> ()
    %mul3A_1 = arith.constant 632 : i32
    %mul3A_2 = arith.muli %arg1, %mul3A_1 : i32
    "tpu.region"() ({
      %run_scoped3A = tpu.sem_alloc : memref<!tpu.dma_semaphore, #tpu.memory_space<semaphore_mem>>
      %dma_start3A_148 = arith.constant 0 : i32
      %dma_start3A_149 = tpu.memref_slice %arg18[%mul3A_2, %dma_start3A_148] : memref<10112x48xf32, #tpu.memory_space<vmem_shared>> -> memref<632x48xf32, #tpu.memory_space<vmem_shared>>
      tpu.enqueue_dma source(%arg5 : memref<632x48xf32, #tpu.memory_space<hbm>>) target(%dma_start3A_149 : memref<632x48xf32, #tpu.memory_space<vmem_shared>>) target_semaphore(%run_scoped3A : memref<!tpu.dma_semaphore, #tpu.memory_space<semaphore_mem>>)
      %dma_wait3A_150 = arith.constant 0 : i32
      %dma_wait3A_151 = tpu.memref_slice %arg18[%mul3A_2, %dma_wait3A_150] : memref<10112x48xf32, #tpu.memory_space<vmem_shared>> -> memref<632x48xf32, #tpu.memory_space<vmem_shared>>
      tpu.wait_dma2 semaphore(%run_scoped3A : memref<!tpu.dma_semaphore, #tpu.memory_space<semaphore_mem>>) src(%arg5 : memref<632x48xf32, #tpu.memory_space<hbm>>) dst(%dma_wait3A_151 : memref<632x48xf32, #tpu.memory_space<vmem_shared>>)
      tpu.yield
    }) : () -> ()
    "tpu.region"() ({
      %run_scoped3A = tpu.sem_alloc : memref<!tpu.dma_semaphore, #tpu.memory_space<semaphore_mem>>
      %dma_start3A_148 = arith.constant 0 : i32
      %dma_start3A_149 = tpu.memref_slice %arg19[%mul3A_2, %dma_start3A_148] : memref<10112x48xf32, #tpu.memory_space<vmem_shared>> -> memref<632x48xf32, #tpu.memory_space<vmem_shared>>
      %dma_start3A_150 = arith.constant 0 : i32
      %dma_start3A_151 = tpu.memref_slice %arg2[%mul3A_2, %dma_start3A_150] : memref<10112x128xf32, #tpu.memory_space<hbm>> -> memref<632x48xf32, #tpu.memory_space<hbm>>
      tpu.enqueue_dma source(%dma_start3A_151 : memref<632x48xf32, #tpu.memory_space<hbm>>) target(%dma_start3A_149 : memref<632x48xf32, #tpu.memory_space<vmem_shared>>) target_semaphore(%run_scoped3A : memref<!tpu.dma_semaphore, #tpu.memory_space<semaphore_mem>>)
      %dma_wait3A_152 = arith.constant 0 : i32
      %dma_wait3A_153 = tpu.memref_slice %arg19[%mul3A_2, %dma_wait3A_152] : memref<10112x48xf32, #tpu.memory_space<vmem_shared>> -> memref<632x48xf32, #tpu.memory_space<vmem_shared>>
      %dma_wait3A_154 = arith.constant 0 : i32
      %dma_wait3A_155 = tpu.memref_slice %arg2[%mul3A_2, %dma_wait3A_154] : memref<10112x128xf32, #tpu.memory_space<hbm>> -> memref<632x48xf32, #tpu.memory_space<hbm>>
      tpu.wait_dma2 semaphore(%run_scoped3A : memref<!tpu.dma_semaphore, #tpu.memory_space<semaphore_mem>>) src(%dma_wait3A_155 : memref<632x48xf32, #tpu.memory_space<hbm>>) dst(%dma_wait3A_153 : memref<632x48xf32, #tpu.memory_space<vmem_shared>>)
      tpu.yield
    }) : () -> ()
    %barrier3A = arith.constant 0 : index
    tpu.barrier barrier_id(%barrier3A)
    %dma_start3A = arith.constant 0 : i32
    %dma_start3A_3 = arith.constant 0 : i32
    %dma_start3A_4 = tpu.memref_slice %arg7[%dma_start3A, %dma_start3A_3] : memref<80x128xi32, #tpu.memory_space<vmem>> -> memref<1x128xi32, #tpu.memory_space<vmem>>
    %dma_start3A_5 = tpu.memref_squeeze %dma_start3A_4 : memref<1x128xi32, #tpu.memory_space<vmem>> -> memref<128xi32, #tpu.memory_space<vmem>>
    %dma_start3A_6 = arith.constant 0 : i32
    %dma_start3A_7 = arith.constant 0 : i32
    %dma_start3A_8 = tpu.memref_slice %arg19[%dma_start3A_6, %dma_start3A_7] : memref<10112x48xf32, #tpu.memory_space<vmem_shared>> -> memref<10112x48xf32, #tpu.memory_space<vmem_shared>>
    tpu.enqueue_indirect_dma source(%dma_start3A_8 : memref<10112x48xf32, #tpu.memory_space<vmem_shared>>) target(%arg9 : memref<128x48xf32, #tpu.memory_space<vmem>>) offsets(%dma_start3A_5 : memref<128xi32, #tpu.memory_space<vmem>>) semaphore(%arg12 : memref<!tpu.dma_semaphore, #tpu.memory_space<semaphore_mem>>)
    %dma_start3A_9 = arith.constant 1 : i32
    %dma_start3A_10 = arith.constant 0 : i32
    %dma_start3A_11 = tpu.memref_slice %arg7[%dma_start3A_9, %dma_start3A_10] : memref<80x128xi32, #tpu.memory_space<vmem>> -> memref<1x128xi32, #tpu.memory_space<vmem>>
    %dma_start3A_12 = tpu.memref_squeeze %dma_start3A_11 : memref<1x128xi32, #tpu.memory_space<vmem>> -> memref<128xi32, #tpu.memory_space<vmem>>
    %dma_start3A_13 = arith.constant 0 : i32
    %dma_start3A_14 = arith.constant 0 : i32
    %dma_start3A_15 = tpu.memref_slice %arg19[%dma_start3A_13, %dma_start3A_14] : memref<10112x48xf32, #tpu.memory_space<vmem_shared>> -> memref<10112x48xf32, #tpu.memory_space<vmem_shared>>
    tpu.enqueue_indirect_dma source(%dma_start3A_15 : memref<10112x48xf32, #tpu.memory_space<vmem_shared>>) target(%arg10 : memref<128x48xf32, #tpu.memory_space<vmem>>) offsets(%dma_start3A_12 : memref<128xi32, #tpu.memory_space<vmem>>) semaphore(%arg13 : memref<!tpu.dma_semaphore, #tpu.memory_space<semaphore_mem>>)
    %dma_start3A_16 = arith.constant 2 : i32
    %dma_start3A_17 = arith.constant 0 : i32
    %dma_start3A_18 = tpu.memref_slice %arg7[%dma_start3A_16, %dma_start3A_17] : memref<80x128xi32, #tpu.memory_space<vmem>> -> memref<1x128xi32, #tpu.memory_space<vmem>>
    %dma_start3A_19 = tpu.memref_squeeze %dma_start3A_18 : memref<1x128xi32, #tpu.memory_space<vmem>> -> memref<128xi32, #tpu.memory_space<vmem>>
    %dma_start3A_20 = arith.constant 0 : i32
    %dma_start3A_21 = arith.constant 0 : i32
    %dma_start3A_22 = tpu.memref_slice %arg19[%dma_start3A_20, %dma_start3A_21] : memref<10112x48xf32, #tpu.memory_space<vmem_shared>> -> memref<10112x48xf32, #tpu.memory_space<vmem_shared>>
    tpu.enqueue_indirect_dma source(%dma_start3A_22 : memref<10112x48xf32, #tpu.memory_space<vmem_shared>>) target(%arg11 : memref<128x48xf32, #tpu.memory_space<vmem>>) offsets(%dma_start3A_19 : memref<128xi32, #tpu.memory_space<vmem>>) semaphore(%arg14 : memref<!tpu.dma_semaphore, #tpu.memory_space<semaphore_mem>>)
    %scan3A = arith.constant 0 : i32
    %scan3A_23 = arith.constant 0 : i32
    %scan3A_24 = arith.constant 25 : i32
    %scan3A_25 = arith.addi %scan3A_23, %scan3A_24 : i32
    %scan3A_26 = arith.constant 1 : i32
    %scan3A_27 = scf.for %scan3A_148 = %scan3A_23 to %scan3A_25 step %scan3A_26 iter_args(%scan3A_149 = %scan3A) -> (i32)  : i32 {
      %mul3A_150 = arith.constant 3 : i32
      %mul3A_151 = arith.muli %scan3A_148, %mul3A_150 : i32
      %add3A_152 = arith.constant 0 : i32
      %add3A_153 = arith.addi %mul3A_151, %add3A_152 : i32
      %dma_wait3A_154 = arith.constant 0 : i32
      %dma_wait3A_155 = tpu.memref_slice %arg7[%add3A_153, %dma_wait3A_154] : memref<80x128xi32, #tpu.memory_space<vmem>> -> memref<1x128xi32, #tpu.memory_space<vmem>>
      %dma_wait3A_156 = tpu.memref_squeeze %dma_wait3A_155 : memref<1x128xi32, #tpu.memory_space<vmem>> -> memref<128xi32, #tpu.memory_space<vmem>>
      %dma_wait3A_157 = arith.constant 0 : i32
      %dma_wait3A_158 = arith.constant 0 : i32
      %dma_wait3A_159 = tpu.memref_slice %arg19[%dma_wait3A_157, %dma_wait3A_158] : memref<10112x48xf32, #tpu.memory_space<vmem_shared>> -> memref<10112x48xf32, #tpu.memory_space<vmem_shared>>
      tpu.wait_indirect_dma semaphore(%arg12 : memref<!tpu.dma_semaphore, #tpu.memory_space<semaphore_mem>>) src(%dma_wait3A_159 : memref<10112x48xf32, #tpu.memory_space<vmem_shared>>) dst(%arg9 : memref<128x48xf32, #tpu.memory_space<vmem>>)
      %add3A_160 = arith.constant 0 : i32
      %add3A_161 = arith.addi %mul3A_151, %add3A_160 : i32
      %dma_start3A_162 = arith.constant 0 : i32
      %dma_start3A_163 = tpu.memref_slice %arg8[%add3A_161, %dma_start3A_162] : memref<80x128xi32, #tpu.memory_space<vmem>> -> memref<1x128xi32, #tpu.memory_space<vmem>>
      %dma_start3A_164 = tpu.memref_squeeze %dma_start3A_163 : memref<1x128xi32, #tpu.memory_space<vmem>> -> memref<128xi32, #tpu.memory_space<vmem>>
      %dma_start3A_165 = arith.constant 0 : i32
      %dma_start3A_166 = arith.constant 0 : i32
      %dma_start3A_167 = tpu.memref_slice %arg18[%dma_start3A_165, %dma_start3A_166] : memref<10112x48xf32, #tpu.memory_space<vmem_shared>> -> memref<10112x48xf32, #tpu.memory_space<vmem_shared>>
      tpu.enqueue_indirect_dma source(%arg9 : memref<128x48xf32, #tpu.memory_space<vmem>>) target(%dma_start3A_167 : memref<10112x48xf32, #tpu.memory_space<vmem_shared>>) offsets(%dma_start3A_164 : memref<128xi32, #tpu.memory_space<vmem>>) semaphore(%arg15 : memref<!tpu.dma_semaphore, #tpu.memory_space<semaphore_mem>>) {add = true}
      %add3A_168 = arith.constant 1 : i32
      %add3A_169 = arith.addi %mul3A_151, %add3A_168 : i32
      %dma_wait3A_170 = arith.constant 0 : i32
      %dma_wait3A_171 = tpu.memref_slice %arg7[%add3A_169, %dma_wait3A_170] : memref<80x128xi32, #tpu.memory_space<vmem>> -> memref<1x128xi32, #tpu.memory_space<vmem>>
      %dma_wait3A_172 = tpu.memref_squeeze %dma_wait3A_171 : memref<1x128xi32, #tpu.memory_space<vmem>> -> memref<128xi32, #tpu.memory_space<vmem>>
      %dma_wait3A_173 = arith.constant 0 : i32
      %dma_wait3A_174 = arith.constant 0 : i32
      %dma_wait3A_175 = tpu.memref_slice %arg19[%dma_wait3A_173, %dma_wait3A_174] : memref<10112x48xf32, #tpu.memory_space<vmem_shared>> -> memref<10112x48xf32, #tpu.memory_space<vmem_shared>>
      tpu.wait_indirect_dma semaphore(%arg13 : memref<!tpu.dma_semaphore, #tpu.memory_space<semaphore_mem>>) src(%dma_wait3A_175 : memref<10112x48xf32, #tpu.memory_space<vmem_shared>>) dst(%arg10 : memref<128x48xf32, #tpu.memory_space<vmem>>)
      %add3A_176 = arith.constant 1 : i32
      %add3A_177 = arith.addi %mul3A_151, %add3A_176 : i32
      %dma_start3A_178 = arith.constant 0 : i32
      %dma_start3A_179 = tpu.memref_slice %arg8[%add3A_177, %dma_start3A_178] : memref<80x128xi32, #tpu.memory_space<vmem>> -> memref<1x128xi32, #tpu.memory_space<vmem>>
      %dma_start3A_180 = tpu.memref_squeeze %dma_start3A_179 : memref<1x128xi32, #tpu.memory_space<vmem>> -> memref<128xi32, #tpu.memory_space<vmem>>
      %dma_start3A_181 = arith.constant 0 : i32
      %dma_start3A_182 = arith.constant 0 : i32
      %dma_start3A_183 = tpu.memref_slice %arg18[%dma_start3A_181, %dma_start3A_182] : memref<10112x48xf32, #tpu.memory_space<vmem_shared>> -> memref<10112x48xf32, #tpu.memory_space<vmem_shared>>
      tpu.enqueue_indirect_dma source(%arg10 : memref<128x48xf32, #tpu.memory_space<vmem>>) target(%dma_start3A_183 : memref<10112x48xf32, #tpu.memory_space<vmem_shared>>) offsets(%dma_start3A_180 : memref<128xi32, #tpu.memory_space<vmem>>) semaphore(%arg16 : memref<!tpu.dma_semaphore, #tpu.memory_space<semaphore_mem>>) {add = true}
      %add3A_184 = arith.constant 2 : i32
      %add3A_185 = arith.addi %mul3A_151, %add3A_184 : i32
      %dma_wait3A_186 = arith.constant 0 : i32
      %dma_wait3A_187 = tpu.memref_slice %arg7[%add3A_185, %dma_wait3A_186] : memref<80x128xi32, #tpu.memory_space<vmem>> -> memref<1x128xi32, #tpu.memory_space<vmem>>
      %dma_wait3A_188 = tpu.memref_squeeze %dma_wait3A_187 : memref<1x128xi32, #tpu.memory_space<vmem>> -> memref<128xi32, #tpu.memory_space<vmem>>
      %dma_wait3A_189 = arith.constant 0 : i32
      %dma_wait3A_190 = arith.constant 0 : i32
      %dma_wait3A_191 = tpu.memref_slice %arg19[%dma_wait3A_189, %dma_wait3A_190] : memref<10112x48xf32, #tpu.memory_space<vmem_shared>> -> memref<10112x48xf32, #tpu.memory_space<vmem_shared>>
      tpu.wait_indirect_dma semaphore(%arg14 : memref<!tpu.dma_semaphore, #tpu.memory_space<semaphore_mem>>) src(%dma_wait3A_191 : memref<10112x48xf32, #tpu.memory_space<vmem_shared>>) dst(%arg11 : memref<128x48xf32, #tpu.memory_space<vmem>>)
      %add3A_192 = arith.constant 2 : i32
      %add3A_193 = arith.addi %mul3A_151, %add3A_192 : i32
      %dma_start3A_194 = arith.constant 0 : i32
      %dma_start3A_195 = tpu.memref_slice %arg8[%add3A_193, %dma_start3A_194] : memref<80x128xi32, #tpu.memory_space<vmem>> -> memref<1x128xi32, #tpu.memory_space<vmem>>
      %dma_start3A_196 = tpu.memref_squeeze %dma_start3A_195 : memref<1x128xi32, #tpu.memory_space<vmem>> -> memref<128xi32, #tpu.memory_space<vmem>>
      %dma_start3A_197 = arith.constant 0 : i32
      %dma_start3A_198 = arith.constant 0 : i32
      %dma_start3A_199 = tpu.memref_slice %arg18[%dma_start3A_197, %dma_start3A_198] : memref<10112x48xf32, #tpu.memory_space<vmem_shared>> -> memref<10112x48xf32, #tpu.memory_space<vmem_shared>>
      tpu.enqueue_indirect_dma source(%arg11 : memref<128x48xf32, #tpu.memory_space<vmem>>) target(%dma_start3A_199 : memref<10112x48xf32, #tpu.memory_space<vmem_shared>>) offsets(%dma_start3A_196 : memref<128xi32, #tpu.memory_space<vmem>>) semaphore(%arg17 : memref<!tpu.dma_semaphore, #tpu.memory_space<semaphore_mem>>) {add = true}
      %add3A_200 = arith.constant 0 : i32
      %add3A_201 = arith.addi %mul3A_151, %add3A_200 : i32
      %dma_wait3A_202 = arith.constant 0 : i32
      %dma_wait3A_203 = tpu.memref_slice %arg8[%add3A_201, %dma_wait3A_202] : memref<80x128xi32, #tpu.memory_space<vmem>> -> memref<1x128xi32, #tpu.memory_space<vmem>>
      %dma_wait3A_204 = tpu.memref_squeeze %dma_wait3A_203 : memref<1x128xi32, #tpu.memory_space<vmem>> -> memref<128xi32, #tpu.memory_space<vmem>>
      %dma_wait3A_205 = arith.constant 0 : i32
      %dma_wait3A_206 = arith.constant 0 : i32
      %dma_wait3A_207 = tpu.memref_slice %arg18[%dma_wait3A_205, %dma_wait3A_206] : memref<10112x48xf32, #tpu.memory_space<vmem_shared>> -> memref<10112x48xf32, #tpu.memory_space<vmem_shared>>
      tpu.wait_indirect_dma semaphore(%arg15 : memref<!tpu.dma_semaphore, #tpu.memory_space<semaphore_mem>>) src(%arg9 : memref<128x48xf32, #tpu.memory_space<vmem>>) dst(%dma_wait3A_207 : memref<10112x48xf32, #tpu.memory_space<vmem_shared>>)
      %add3A_208 = arith.constant 3 : i32
      %add3A_209 = arith.addi %mul3A_151, %add3A_208 : i32
      %add3A_210 = arith.constant 0 : i32
      %add3A_211 = arith.addi %add3A_209, %add3A_210 : i32
      %dma_start3A_212 = arith.constant 0 : i32
      %dma_start3A_213 = tpu.memref_slice %arg7[%add3A_211, %dma_start3A_212] : memref<80x128xi32, #tpu.memory_space<vmem>> -> memref<1x128xi32, #tpu.memory_space<vmem>>
      %dma_start3A_214 = tpu.memref_squeeze %dma_start3A_213 : memref<1x128xi32, #tpu.memory_space<vmem>> -> memref<128xi32, #tpu.memory_space<vmem>>
      %dma_start3A_215 = arith.constant 0 : i32
      %dma_start3A_216 = arith.constant 0 : i32
      %dma_start3A_217 = tpu.memref_slice %arg19[%dma_start3A_215, %dma_start3A_216] : memref<10112x48xf32, #tpu.memory_space<vmem_shared>> -> memref<10112x48xf32, #tpu.memory_space<vmem_shared>>
      tpu.enqueue_indirect_dma source(%dma_start3A_217 : memref<10112x48xf32, #tpu.memory_space<vmem_shared>>) target(%arg9 : memref<128x48xf32, #tpu.memory_space<vmem>>) offsets(%dma_start3A_214 : memref<128xi32, #tpu.memory_space<vmem>>) semaphore(%arg12 : memref<!tpu.dma_semaphore, #tpu.memory_space<semaphore_mem>>)
      %add3A_218 = arith.constant 1 : i32
      %add3A_219 = arith.addi %mul3A_151, %add3A_218 : i32
      %dma_wait3A_220 = arith.constant 0 : i32
      %dma_wait3A_221 = tpu.memref_slice %arg8[%add3A_219, %dma_wait3A_220] : memref<80x128xi32, #tpu.memory_space<vmem>> -> memref<1x128xi32, #tpu.memory_space<vmem>>
      %dma_wait3A_222 = tpu.memref_squeeze %dma_wait3A_221 : memref<1x128xi32, #tpu.memory_space<vmem>> -> memref<128xi32, #tpu.memory_space<vmem>>
      %dma_wait3A_223 = arith.constant 0 : i32
      %dma_wait3A_224 = arith.constant 0 : i32
      %dma_wait3A_225 = tpu.memref_slice %arg18[%dma_wait3A_223, %dma_wait3A_224] : memref<10112x48xf32, #tpu.memory_space<vmem_shared>> -> memref<10112x48xf32, #tpu.memory_space<vmem_shared>>
      tpu.wait_indirect_dma semaphore(%arg16 : memref<!tpu.dma_semaphore, #tpu.memory_space<semaphore_mem>>) src(%arg10 : memref<128x48xf32, #tpu.memory_space<vmem>>) dst(%dma_wait3A_225 : memref<10112x48xf32, #tpu.memory_space<vmem_shared>>)
      %add3A_226 = arith.constant 3 : i32
      %add3A_227 = arith.addi %mul3A_151, %add3A_226 : i32
      %add3A_228 = arith.constant 1 : i32
      %add3A_229 = arith.addi %add3A_227, %add3A_228 : i32
      %dma_start3A_230 = arith.constant 0 : i32
      %dma_start3A_231 = tpu.memref_slice %arg7[%add3A_229, %dma_start3A_230] : memref<80x128xi32, #tpu.memory_space<vmem>> -> memref<1x128xi32, #tpu.memory_space<vmem>>
      %dma_start3A_232 = tpu.memref_squeeze %dma_start3A_231 : memref<1x128xi32, #tpu.memory_space<vmem>> -> memref<128xi32, #tpu.memory_space<vmem>>
      %dma_start3A_233 = arith.constant 0 : i32
      %dma_start3A_234 = arith.constant 0 : i32
      %dma_start3A_235 = tpu.memref_slice %arg19[%dma_start3A_233, %dma_start3A_234] : memref<10112x48xf32, #tpu.memory_space<vmem_shared>> -> memref<10112x48xf32, #tpu.memory_space<vmem_shared>>
      tpu.enqueue_indirect_dma source(%dma_start3A_235 : memref<10112x48xf32, #tpu.memory_space<vmem_shared>>) target(%arg10 : memref<128x48xf32, #tpu.memory_space<vmem>>) offsets(%dma_start3A_232 : memref<128xi32, #tpu.memory_space<vmem>>) semaphore(%arg13 : memref<!tpu.dma_semaphore, #tpu.memory_space<semaphore_mem>>)
      %add3A_236 = arith.constant 2 : i32
      %add3A_237 = arith.addi %mul3A_151, %add3A_236 : i32
      %dma_wait3A_238 = arith.constant 0 : i32
      %dma_wait3A_239 = tpu.memref_slice %arg8[%add3A_237, %dma_wait3A_238] : memref<80x128xi32, #tpu.memory_space<vmem>> -> memref<1x128xi32, #tpu.memory_space<vmem>>
      %dma_wait3A_240 = tpu.memref_squeeze %dma_wait3A_239 : memref<1x128xi32, #tpu.memory_space<vmem>> -> memref<128xi32, #tpu.memory_space<vmem>>
      %dma_wait3A_241 = arith.constant 0 : i32
      %dma_wait3A_242 = arith.constant 0 : i32
      %dma_wait3A_243 = tpu.memref_slice %arg18[%dma_wait3A_241, %dma_wait3A_242] : memref<10112x48xf32, #tpu.memory_space<vmem_shared>> -> memref<10112x48xf32, #tpu.memory_space<vmem_shared>>
      tpu.wait_indirect_dma semaphore(%arg17 : memref<!tpu.dma_semaphore, #tpu.memory_space<semaphore_mem>>) src(%arg11 : memref<128x48xf32, #tpu.memory_space<vmem>>) dst(%dma_wait3A_243 : memref<10112x48xf32, #tpu.memory_space<vmem_shared>>)
      %add3A_244 = arith.constant 3 : i32
      %add3A_245 = arith.addi %mul3A_151, %add3A_244 : i32
      %add3A_246 = arith.constant 2 : i32
      %add3A_247 = arith.addi %add3A_245, %add3A_246 : i32
      %dma_start3A_248 = arith.constant 0 : i32
      %dma_start3A_249 = tpu.memref_slice %arg7[%add3A_247, %dma_start3A_248] : memref<80x128xi32, #tpu.memory_space<vmem>> -> memref<1x128xi32, #tpu.memory_space<vmem>>
      %dma_start3A_250 = tpu.memref_squeeze %dma_start3A_249 : memref<1x128xi32, #tpu.memory_space<vmem>> -> memref<128xi32, #tpu.memory_space<vmem>>
      %dma_start3A_251 = arith.constant 0 : i32
      %dma_start3A_252 = arith.constant 0 : i32
      %dma_start3A_253 = tpu.memref_slice %arg19[%dma_start3A_251, %dma_start3A_252] : memref<10112x48xf32, #tpu.memory_space<vmem_shared>> -> memref<10112x48xf32, #tpu.memory_space<vmem_shared>>
      tpu.enqueue_indirect_dma source(%dma_start3A_253 : memref<10112x48xf32, #tpu.memory_space<vmem_shared>>) target(%arg11 : memref<128x48xf32, #tpu.memory_space<vmem>>) offsets(%dma_start3A_250 : memref<128xi32, #tpu.memory_space<vmem>>) semaphore(%arg14 : memref<!tpu.dma_semaphore, #tpu.memory_space<semaphore_mem>>)
      %scan3A_254 = arith.constant 0 : i32
      scf.yield %scan3A_254 : i32
    }
    %scan3A_28 = arith.constant 25 : i32
    %dma_wait3A = arith.constant 75 : i32
    %dma_wait3A_29 = arith.constant 0 : i32
    %dma_wait3A_30 = tpu.memref_slice %arg7[%dma_wait3A, %dma_wait3A_29] : memref<80x128xi32, #tpu.memory_space<vmem>> -> memref<1x128xi32, #tpu.memory_space<vmem>>
    %dma_wait3A_31 = tpu.memref_squeeze %dma_wait3A_30 : memref<1x128xi32, #tpu.memory_space<vmem>> -> memref<128xi32, #tpu.memory_space<vmem>>
    %dma_wait3A_32 = arith.constant 0 : i32
    %dma_wait3A_33 = arith.constant 0 : i32
    %dma_wait3A_34 = tpu.memref_slice %arg19[%dma_wait3A_32, %dma_wait3A_33] : memref<10112x48xf32, #tpu.memory_space<vmem_shared>> -> memref<10112x48xf32, #tpu.memory_space<vmem_shared>>
    tpu.wait_indirect_dma semaphore(%arg12 : memref<!tpu.dma_semaphore, #tpu.memory_space<semaphore_mem>>) src(%dma_wait3A_34 : memref<10112x48xf32, #tpu.memory_space<vmem_shared>>) dst(%arg9 : memref<128x48xf32, #tpu.memory_space<vmem>>)
    %dma_start3A_35 = arith.constant 75 : i32
    %dma_start3A_36 = arith.constant 0 : i32
    %dma_start3A_37 = tpu.memref_slice %arg8[%dma_start3A_35, %dma_start3A_36] : memref<80x128xi32, #tpu.memory_space<vmem>> -> memref<1x128xi32, #tpu.memory_space<vmem>>
    %dma_start3A_38 = tpu.memref_squeeze %dma_start3A_37 : memref<1x128xi32, #tpu.memory_space<vmem>> -> memref<128xi32, #tpu.memory_space<vmem>>
    %dma_start3A_39 = arith.constant 0 : i32
    %dma_start3A_40 = arith.constant 0 : i32
    %dma_start3A_41 = tpu.memref_slice %arg18[%dma_start3A_39, %dma_start3A_40] : memref<10112x48xf32, #tpu.memory_space<vmem_shared>> -> memref<10112x48xf32, #tpu.memory_space<vmem_shared>>
    tpu.enqueue_indirect_dma source(%arg9 : memref<128x48xf32, #tpu.memory_space<vmem>>) target(%dma_start3A_41 : memref<10112x48xf32, #tpu.memory_space<vmem_shared>>) offsets(%dma_start3A_38 : memref<128xi32, #tpu.memory_space<vmem>>) semaphore(%arg15 : memref<!tpu.dma_semaphore, #tpu.memory_space<semaphore_mem>>) {add = true}
    %dma_wait3A_42 = arith.constant 75 : i32
    %dma_wait3A_43 = arith.constant 0 : i32
    %dma_wait3A_44 = tpu.memref_slice %arg8[%dma_wait3A_42, %dma_wait3A_43] : memref<80x128xi32, #tpu.memory_space<vmem>> -> memref<1x128xi32, #tpu.memory_space<vmem>>
    %dma_wait3A_45 = tpu.memref_squeeze %dma_wait3A_44 : memref<1x128xi32, #tpu.memory_space<vmem>> -> memref<128xi32, #tpu.memory_space<vmem>>
    %dma_wait3A_46 = arith.constant 0 : i32
    %dma_wait3A_47 = arith.constant 0 : i32
    %dma_wait3A_48 = tpu.memref_slice %arg18[%dma_wait3A_46, %dma_wait3A_47] : memref<10112x48xf32, #tpu.memory_space<vmem_shared>> -> memref<10112x48xf32, #tpu.memory_space<vmem_shared>>
    tpu.wait_indirect_dma semaphore(%arg15 : memref<!tpu.dma_semaphore, #tpu.memory_space<semaphore_mem>>) src(%arg9 : memref<128x48xf32, #tpu.memory_space<vmem>>) dst(%dma_wait3A_48 : memref<10112x48xf32, #tpu.memory_space<vmem_shared>>)
    %dma_start3A_49 = arith.constant 78 : i32
    %dma_start3A_50 = arith.constant 0 : i32
    %dma_start3A_51 = tpu.memref_slice %arg7[%dma_start3A_49, %dma_start3A_50] : memref<80x128xi32, #tpu.memory_space<vmem>> -> memref<1x128xi32, #tpu.memory_space<vmem>>
    %dma_start3A_52 = tpu.memref_squeeze %dma_start3A_51 : memref<1x128xi32, #tpu.memory_space<vmem>> -> memref<128xi32, #tpu.memory_space<vmem>>
    %dma_start3A_53 = arith.constant 0 : i32
    %dma_start3A_54 = arith.constant 0 : i32
    %dma_start3A_55 = tpu.memref_slice %arg19[%dma_start3A_53, %dma_start3A_54] : memref<10112x48xf32, #tpu.memory_space<vmem_shared>> -> memref<10112x48xf32, #tpu.memory_space<vmem_shared>>
    tpu.enqueue_indirect_dma source(%dma_start3A_55 : memref<10112x48xf32, #tpu.memory_space<vmem_shared>>) target(%arg9 : memref<128x48xf32, #tpu.memory_space<vmem>>) offsets(%dma_start3A_52 : memref<128xi32, #tpu.memory_space<vmem>>) semaphore(%arg12 : memref<!tpu.dma_semaphore, #tpu.memory_space<semaphore_mem>>)
    %dma_wait3A_56 = arith.constant 76 : i32
    %dma_wait3A_57 = arith.constant 0 : i32
    %dma_wait3A_58 = tpu.memref_slice %arg7[%dma_wait3A_56, %dma_wait3A_57] : memref<80x128xi32, #tpu.memory_space<vmem>> -> memref<1x128xi32, #tpu.memory_space<vmem>>
    %dma_wait3A_59 = tpu.memref_squeeze %dma_wait3A_58 : memref<1x128xi32, #tpu.memory_space<vmem>> -> memref<128xi32, #tpu.memory_space<vmem>>
    %dma_wait3A_60 = arith.constant 0 : i32
    %dma_wait3A_61 = arith.constant 0 : i32
    %dma_wait3A_62 = tpu.memref_slice %arg19[%dma_wait3A_60, %dma_wait3A_61] : memref<10112x48xf32, #tpu.memory_space<vmem_shared>> -> memref<10112x48xf32, #tpu.memory_space<vmem_shared>>
    tpu.wait_indirect_dma semaphore(%arg13 : memref<!tpu.dma_semaphore, #tpu.memory_space<semaphore_mem>>) src(%dma_wait3A_62 : memref<10112x48xf32, #tpu.memory_space<vmem_shared>>) dst(%arg10 : memref<128x48xf32, #tpu.memory_space<vmem>>)
    %dma_start3A_63 = arith.constant 76 : i32
    %dma_start3A_64 = arith.constant 0 : i32
    %dma_start3A_65 = tpu.memref_slice %arg8[%dma_start3A_63, %dma_start3A_64] : memref<80x128xi32, #tpu.memory_space<vmem>> -> memref<1x128xi32, #tpu.memory_space<vmem>>
    %dma_start3A_66 = tpu.memref_squeeze %dma_start3A_65 : memref<1x128xi32, #tpu.memory_space<vmem>> -> memref<128xi32, #tpu.memory_space<vmem>>
    %dma_start3A_67 = arith.constant 0 : i32
    %dma_start3A_68 = arith.constant 0 : i32
    %dma_start3A_69 = tpu.memref_slice %arg18[%dma_start3A_67, %dma_start3A_68] : memref<10112x48xf32, #tpu.memory_space<vmem_shared>> -> memref<10112x48xf32, #tpu.memory_space<vmem_shared>>
    tpu.enqueue_indirect_dma source(%arg10 : memref<128x48xf32, #tpu.memory_space<vmem>>) target(%dma_start3A_69 : memref<10112x48xf32, #tpu.memory_space<vmem_shared>>) offsets(%dma_start3A_66 : memref<128xi32, #tpu.memory_space<vmem>>) semaphore(%arg16 : memref<!tpu.dma_semaphore, #tpu.memory_space<semaphore_mem>>) {add = true}
    %dma_wait3A_70 = arith.constant 76 : i32
    %dma_wait3A_71 = arith.constant 0 : i32
    %dma_wait3A_72 = tpu.memref_slice %arg8[%dma_wait3A_70, %dma_wait3A_71] : memref<80x128xi32, #tpu.memory_space<vmem>> -> memref<1x128xi32, #tpu.memory_space<vmem>>
    %dma_wait3A_73 = tpu.memref_squeeze %dma_wait3A_72 : memref<1x128xi32, #tpu.memory_space<vmem>> -> memref<128xi32, #tpu.memory_space<vmem>>
    %dma_wait3A_74 = arith.constant 0 : i32
    %dma_wait3A_75 = arith.constant 0 : i32
    %dma_wait3A_76 = tpu.memref_slice %arg18[%dma_wait3A_74, %dma_wait3A_75] : memref<10112x48xf32, #tpu.memory_space<vmem_shared>> -> memref<10112x48xf32, #tpu.memory_space<vmem_shared>>
    tpu.wait_indirect_dma semaphore(%arg16 : memref<!tpu.dma_semaphore, #tpu.memory_space<semaphore_mem>>) src(%arg10 : memref<128x48xf32, #tpu.memory_space<vmem>>) dst(%dma_wait3A_76 : memref<10112x48xf32, #tpu.memory_space<vmem_shared>>)
    %dma_start3A_77 = arith.constant 79 : i32
    %dma_start3A_78 = arith.constant 0 : i32
    %dma_start3A_79 = tpu.memref_slice %arg7[%dma_start3A_77, %dma_start3A_78] : memref<80x128xi32, #tpu.memory_space<vmem>> -> memref<1x128xi32, #tpu.memory_space<vmem>>
    %dma_start3A_80 = tpu.memref_squeeze %dma_start3A_79 : memref<1x128xi32, #tpu.memory_space<vmem>> -> memref<128xi32, #tpu.memory_space<vmem>>
    %dma_start3A_81 = arith.constant 0 : i32
    %dma_start3A_82 = arith.constant 0 : i32
    %dma_start3A_83 = tpu.memref_slice %arg19[%dma_start3A_81, %dma_start3A_82] : memref<10112x48xf32, #tpu.memory_space<vmem_shared>> -> memref<10112x48xf32, #tpu.memory_space<vmem_shared>>
    tpu.enqueue_indirect_dma source(%dma_start3A_83 : memref<10112x48xf32, #tpu.memory_space<vmem_shared>>) target(%arg10 : memref<128x48xf32, #tpu.memory_space<vmem>>) offsets(%dma_start3A_80 : memref<128xi32, #tpu.memory_space<vmem>>) semaphore(%arg13 : memref<!tpu.dma_semaphore, #tpu.memory_space<semaphore_mem>>)
    %dma_wait3A_84 = arith.constant 77 : i32
    %dma_wait3A_85 = arith.constant 0 : i32
    %dma_wait3A_86 = tpu.memref_slice %arg7[%dma_wait3A_84, %dma_wait3A_85] : memref<80x128xi32, #tpu.memory_space<vmem>> -> memref<1x128xi32, #tpu.memory_space<vmem>>
    %dma_wait3A_87 = tpu.memref_squeeze %dma_wait3A_86 : memref<1x128xi32, #tpu.memory_space<vmem>> -> memref<128xi32, #tpu.memory_space<vmem>>
    %dma_wait3A_88 = arith.constant 0 : i32
    %dma_wait3A_89 = arith.constant 0 : i32
    %dma_wait3A_90 = tpu.memref_slice %arg19[%dma_wait3A_88, %dma_wait3A_89] : memref<10112x48xf32, #tpu.memory_space<vmem_shared>> -> memref<10112x48xf32, #tpu.memory_space<vmem_shared>>
    tpu.wait_indirect_dma semaphore(%arg14 : memref<!tpu.dma_semaphore, #tpu.memory_space<semaphore_mem>>) src(%dma_wait3A_90 : memref<10112x48xf32, #tpu.memory_space<vmem_shared>>) dst(%arg11 : memref<128x48xf32, #tpu.memory_space<vmem>>)
    %dma_start3A_91 = arith.constant 77 : i32
    %dma_start3A_92 = arith.constant 0 : i32
    %dma_start3A_93 = tpu.memref_slice %arg8[%dma_start3A_91, %dma_start3A_92] : memref<80x128xi32, #tpu.memory_space<vmem>> -> memref<1x128xi32, #tpu.memory_space<vmem>>
    %dma_start3A_94 = tpu.memref_squeeze %dma_start3A_93 : memref<1x128xi32, #tpu.memory_space<vmem>> -> memref<128xi32, #tpu.memory_space<vmem>>
    %dma_start3A_95 = arith.constant 0 : i32
    %dma_start3A_96 = arith.constant 0 : i32
    %dma_start3A_97 = tpu.memref_slice %arg18[%dma_start3A_95, %dma_start3A_96] : memref<10112x48xf32, #tpu.memory_space<vmem_shared>> -> memref<10112x48xf32, #tpu.memory_space<vmem_shared>>
    tpu.enqueue_indirect_dma source(%arg11 : memref<128x48xf32, #tpu.memory_space<vmem>>) target(%dma_start3A_97 : memref<10112x48xf32, #tpu.memory_space<vmem_shared>>) offsets(%dma_start3A_94 : memref<128xi32, #tpu.memory_space<vmem>>) semaphore(%arg17 : memref<!tpu.dma_semaphore, #tpu.memory_space<semaphore_mem>>) {add = true}
    %dma_wait3A_98 = arith.constant 78 : i32
    %dma_wait3A_99 = arith.constant 0 : i32
    %dma_wait3A_100 = tpu.memref_slice %arg7[%dma_wait3A_98, %dma_wait3A_99] : memref<80x128xi32, #tpu.memory_space<vmem>> -> memref<1x128xi32, #tpu.memory_space<vmem>>
    %dma_wait3A_101 = tpu.memref_squeeze %dma_wait3A_100 : memref<1x128xi32, #tpu.memory_space<vmem>> -> memref<128xi32, #tpu.memory_space<vmem>>
    %dma_wait3A_102 = arith.constant 0 : i32
    %dma_wait3A_103 = arith.constant 0 : i32
    %dma_wait3A_104 = tpu.memref_slice %arg19[%dma_wait3A_102, %dma_wait3A_103] : memref<10112x48xf32, #tpu.memory_space<vmem_shared>> -> memref<10112x48xf32, #tpu.memory_space<vmem_shared>>
    tpu.wait_indirect_dma semaphore(%arg12 : memref<!tpu.dma_semaphore, #tpu.memory_space<semaphore_mem>>) src(%dma_wait3A_104 : memref<10112x48xf32, #tpu.memory_space<vmem_shared>>) dst(%arg9 : memref<128x48xf32, #tpu.memory_space<vmem>>)
    %dma_start3A_105 = arith.constant 78 : i32
    %dma_start3A_106 = arith.constant 0 : i32
    %dma_start3A_107 = tpu.memref_slice %arg8[%dma_start3A_105, %dma_start3A_106] : memref<80x128xi32, #tpu.memory_space<vmem>> -> memref<1x128xi32, #tpu.memory_space<vmem>>
    %dma_start3A_108 = tpu.memref_squeeze %dma_start3A_107 : memref<1x128xi32, #tpu.memory_space<vmem>> -> memref<128xi32, #tpu.memory_space<vmem>>
    %dma_start3A_109 = arith.constant 0 : i32
    %dma_start3A_110 = arith.constant 0 : i32
    %dma_start3A_111 = tpu.memref_slice %arg18[%dma_start3A_109, %dma_start3A_110] : memref<10112x48xf32, #tpu.memory_space<vmem_shared>> -> memref<10112x48xf32, #tpu.memory_space<vmem_shared>>
    tpu.enqueue_indirect_dma source(%arg9 : memref<128x48xf32, #tpu.memory_space<vmem>>) target(%dma_start3A_111 : memref<10112x48xf32, #tpu.memory_space<vmem_shared>>) offsets(%dma_start3A_108 : memref<128xi32, #tpu.memory_space<vmem>>) semaphore(%arg15 : memref<!tpu.dma_semaphore, #tpu.memory_space<semaphore_mem>>) {add = true}
    %dma_wait3A_112 = arith.constant 79 : i32
    %dma_wait3A_113 = arith.constant 0 : i32
    %dma_wait3A_114 = tpu.memref_slice %arg7[%dma_wait3A_112, %dma_wait3A_113] : memref<80x128xi32, #tpu.memory_space<vmem>> -> memref<1x128xi32, #tpu.memory_space<vmem>>
    %dma_wait3A_115 = tpu.memref_squeeze %dma_wait3A_114 : memref<1x128xi32, #tpu.memory_space<vmem>> -> memref<128xi32, #tpu.memory_space<vmem>>
    %dma_wait3A_116 = arith.constant 0 : i32
    %dma_wait3A_117 = arith.constant 0 : i32
    %dma_wait3A_118 = tpu.memref_slice %arg19[%dma_wait3A_116, %dma_wait3A_117] : memref<10112x48xf32, #tpu.memory_space<vmem_shared>> -> memref<10112x48xf32, #tpu.memory_space<vmem_shared>>
    tpu.wait_indirect_dma semaphore(%arg13 : memref<!tpu.dma_semaphore, #tpu.memory_space<semaphore_mem>>) src(%dma_wait3A_118 : memref<10112x48xf32, #tpu.memory_space<vmem_shared>>) dst(%arg10 : memref<128x48xf32, #tpu.memory_space<vmem>>)
    %dma_start3A_119 = arith.constant 79 : i32
    %dma_start3A_120 = arith.constant 0 : i32
    %dma_start3A_121 = tpu.memref_slice %arg8[%dma_start3A_119, %dma_start3A_120] : memref<80x128xi32, #tpu.memory_space<vmem>> -> memref<1x128xi32, #tpu.memory_space<vmem>>
    %dma_start3A_122 = tpu.memref_squeeze %dma_start3A_121 : memref<1x128xi32, #tpu.memory_space<vmem>> -> memref<128xi32, #tpu.memory_space<vmem>>
    %dma_start3A_123 = arith.constant 0 : i32
    %dma_start3A_124 = arith.constant 0 : i32
    %dma_start3A_125 = tpu.memref_slice %arg18[%dma_start3A_123, %dma_start3A_124] : memref<10112x48xf32, #tpu.memory_space<vmem_shared>> -> memref<10112x48xf32, #tpu.memory_space<vmem_shared>>
    tpu.enqueue_indirect_dma source(%arg10 : memref<128x48xf32, #tpu.memory_space<vmem>>) target(%dma_start3A_125 : memref<10112x48xf32, #tpu.memory_space<vmem_shared>>) offsets(%dma_start3A_122 : memref<128xi32, #tpu.memory_space<vmem>>) semaphore(%arg16 : memref<!tpu.dma_semaphore, #tpu.memory_space<semaphore_mem>>) {add = true}
    %dma_wait3A_126 = arith.constant 77 : i32
    %dma_wait3A_127 = arith.constant 0 : i32
    %dma_wait3A_128 = tpu.memref_slice %arg8[%dma_wait3A_126, %dma_wait3A_127] : memref<80x128xi32, #tpu.memory_space<vmem>> -> memref<1x128xi32, #tpu.memory_space<vmem>>
    %dma_wait3A_129 = tpu.memref_squeeze %dma_wait3A_128 : memref<1x128xi32, #tpu.memory_space<vmem>> -> memref<128xi32, #tpu.memory_space<vmem>>
    %dma_wait3A_130 = arith.constant 0 : i32
    %dma_wait3A_131 = arith.constant 0 : i32
    %dma_wait3A_132 = tpu.memref_slice %arg18[%dma_wait3A_130, %dma_wait3A_131] : memref<10112x48xf32, #tpu.memory_space<vmem_shared>> -> memref<10112x48xf32, #tpu.memory_space<vmem_shared>>
    tpu.wait_indirect_dma semaphore(%arg17 : memref<!tpu.dma_semaphore, #tpu.memory_space<semaphore_mem>>) src(%arg11 : memref<128x48xf32, #tpu.memory_space<vmem>>) dst(%dma_wait3A_132 : memref<10112x48xf32, #tpu.memory_space<vmem_shared>>)
    %dma_wait3A_133 = arith.constant 78 : i32
    %dma_wait3A_134 = arith.constant 0 : i32
    %dma_wait3A_135 = tpu.memref_slice %arg8[%dma_wait3A_133, %dma_wait3A_134] : memref<80x128xi32, #tpu.memory_space<vmem>> -> memref<1x128xi32, #tpu.memory_space<vmem>>
    %dma_wait3A_136 = tpu.memref_squeeze %dma_wait3A_135 : memref<1x128xi32, #tpu.memory_space<vmem>> -> memref<128xi32, #tpu.memory_space<vmem>>
    %dma_wait3A_137 = arith.constant 0 : i32
    %dma_wait3A_138 = arith.constant 0 : i32
    %dma_wait3A_139 = tpu.memref_slice %arg18[%dma_wait3A_137, %dma_wait3A_138] : memref<10112x48xf32, #tpu.memory_space<vmem_shared>> -> memref<10112x48xf32, #tpu.memory_space<vmem_shared>>
    tpu.wait_indirect_dma semaphore(%arg15 : memref<!tpu.dma_semaphore, #tpu.memory_space<semaphore_mem>>) src(%arg9 : memref<128x48xf32, #tpu.memory_space<vmem>>) dst(%dma_wait3A_139 : memref<10112x48xf32, #tpu.memory_space<vmem_shared>>)
    %dma_wait3A_140 = arith.constant 79 : i32
    %dma_wait3A_141 = arith.constant 0 : i32
    %dma_wait3A_142 = tpu.memref_slice %arg8[%dma_wait3A_140, %dma_wait3A_141] : memref<80x128xi32, #tpu.memory_space<vmem>> -> memref<1x128xi32, #tpu.memory_space<vmem>>
    %dma_wait3A_143 = tpu.memref_squeeze %dma_wait3A_142 : memref<1x128xi32, #tpu.memory_space<vmem>> -> memref<128xi32, #tpu.memory_space<vmem>>
    %dma_wait3A_144 = arith.constant 0 : i32
    %dma_wait3A_145 = arith.constant 0 : i32
    %dma_wait3A_146 = tpu.memref_slice %arg18[%dma_wait3A_144, %dma_wait3A_145] : memref<10112x48xf32, #tpu.memory_space<vmem_shared>> -> memref<10112x48xf32, #tpu.memory_space<vmem_shared>>
    tpu.wait_indirect_dma semaphore(%arg16 : memref<!tpu.dma_semaphore, #tpu.memory_space<semaphore_mem>>) src(%arg10 : memref<128x48xf32, #tpu.memory_space<vmem>>) dst(%dma_wait3A_146 : memref<10112x48xf32, #tpu.memory_space<vmem_shared>>)
    %barrier3A_147 = arith.constant 0 : index
    tpu.barrier barrier_id(%barrier3A_147)
    "tpu.region"() ({
      %run_scoped3A = tpu.sem_alloc : memref<!tpu.dma_semaphore, #tpu.memory_space<semaphore_mem>>
      %dma_start3A_148 = arith.constant 0 : i32
      %dma_start3A_149 = tpu.memref_slice %arg6[%arg0, %mul3A_2, %dma_start3A_148] : memref<2x10112x128xf32, #tpu.memory_space<hbm>> -> memref<1x632x48xf32, #tpu.memory_space<hbm>>
      %dma_start3A_150 = tpu.memref_squeeze %dma_start3A_149 : memref<1x632x48xf32, #tpu.memory_space<hbm>> -> memref<632x48xf32, #tpu.memory_space<hbm>>
      %dma_start3A_151 = arith.constant 0 : i32
      %dma_start3A_152 = tpu.memref_slice %arg18[%mul3A_2, %dma_start3A_151] : memref<10112x48xf32, #tpu.memory_space<vmem_shared>> -> memref<632x48xf32, #tpu.memory_space<vmem_shared>>
      tpu.enqueue_dma source(%dma_start3A_152 : memref<632x48xf32, #tpu.memory_space<vmem_shared>>) target(%dma_start3A_150 : memref<632x48xf32, #tpu.memory_space<hbm>>) target_semaphore(%run_scoped3A : memref<!tpu.dma_semaphore, #tpu.memory_space<semaphore_mem>>)
      %dma_wait3A_153 = arith.constant 0 : i32
      %dma_wait3A_154 = tpu.memref_slice %arg6[%arg0, %mul3A_2, %dma_wait3A_153] : memref<2x10112x128xf32, #tpu.memory_space<hbm>> -> memref<1x632x48xf32, #tpu.memory_space<hbm>>
      %dma_wait3A_155 = tpu.memref_squeeze %dma_wait3A_154 : memref<1x632x48xf32, #tpu.memory_space<hbm>> -> memref<632x48xf32, #tpu.memory_space<hbm>>
      %dma_wait3A_156 = arith.constant 0 : i32
      %dma_wait3A_157 = tpu.memref_slice %arg18[%mul3A_2, %dma_wait3A_156] : memref<10112x48xf32, #tpu.memory_space<vmem_shared>> -> memref<632x48xf32, #tpu.memory_space<vmem_shared>>
      tpu.wait_dma2 semaphore(%run_scoped3A : memref<!tpu.dma_semaphore, #tpu.memory_space<semaphore_mem>>) src(%dma_wait3A_157 : memref<632x48xf32, #tpu.memory_space<vmem_shared>>) dst(%dma_wait3A_155 : memref<632x48xf32, #tpu.memory_space<hbm>>)
      tpu.yield
    }) : () -> ()
    return
  }
}

#map = affine_map<(d0, d1) -> (0, 0)>
#map1 = affine_map<(d0, d1) -> (0, 0, 0)>
module attributes {stable_mosaic.version = 14 : i64} {
  func.func @k(%arg0: i32, %arg1: i32, %arg2: memref<10112x128xf32, #tpu.memory_space<hbm>>, %arg3: memref<32x80x128xi32, #tpu.memory_space<hbm>>, %arg4: memref<32x80x128xi32, #tpu.memory_space<hbm>>, %arg5: memref<632x64xf32, #tpu.memory_space<hbm>>, %arg6: memref<2x10112x128xf32, #tpu.memory_space<hbm>>, %arg7: memref<80x128xi32, #tpu.memory_space<vmem>>, %arg8: memref<80x128xi32, #tpu.memory_space<vmem>>, %arg9: memref<128x64xf32, #tpu.memory_space<vmem>>, %arg10: memref<128x64xf32, #tpu.memory_space<vmem>>, %arg11: memref<128x64xf32, #tpu.memory_space<vmem>>, %arg12: memref<!tpu.dma_semaphore, #tpu.memory_space<semaphore_mem>>, %arg13: memref<!tpu.dma_semaphore, #tpu.memory_space<semaphore_mem>>, %arg14: memref<!tpu.dma_semaphore, #tpu.memory_space<semaphore_mem>>, %arg15: memref<!tpu.dma_semaphore, #tpu.memory_space<semaphore_mem>>, %arg16: memref<!tpu.dma_semaphore, #tpu.memory_space<semaphore_mem>>, %arg17: memref<!tpu.dma_semaphore, #tpu.memory_space<semaphore_mem>>, %arg18: memref<10112x64xf32, #tpu.memory_space<vmem_shared>>, %arg19: memref<10112x64xf32, #tpu.memory_space<vmem_shared>>) attributes {dimension_semantics = [#tpu.dimension_semantics<core_parallel>, #tpu.dimension_semantics<subcore_parallel>], iteration_bounds = array<i64: 2, 16>, scalar_prefetch = 0 : i64, scratch_operands = 13 : i64, tpu.core_type = #tpu.core_type<sc_vector_subcore>, window_params = [{transform_indices = #map}, {transform_indices = #map1}, {transform_indices = #map1}, {transform_indices = #map}, {transform_indices = #map1}]} {
    %mul3A = arith.constant 16 : i32
    %mul3A_0 = arith.muli %arg0, %mul3A : i32
    %add3A = arith.addi %mul3A_0, %arg1 : i32
    "tpu.region"() ({
      %run_scoped3A = tpu.sem_alloc : memref<!tpu.dma_semaphore, #tpu.memory_space<semaphore_mem>>
      %dma_start3A_297 = arith.constant 0 : i32
      %dma_start3A_298 = arith.constant 0 : i32
      %dma_start3A_299 = tpu.memref_slice %arg3[%add3A, %dma_start3A_297, %dma_start3A_298] : memref<32x80x128xi32, #tpu.memory_space<hbm>> -> memref<1x80x128xi32, #tpu.memory_space<hbm>>
      %dma_start3A_300 = tpu.memref_squeeze %dma_start3A_299 : memref<1x80x128xi32, #tpu.memory_space<hbm>> -> memref<80x128xi32, #tpu.memory_space<hbm>>
      %dma_start3A_301 = arith.constant 0 : i32
      %dma_start3A_302 = arith.constant 0 : i32
      %dma_start3A_303 = tpu.memref_slice %arg3[%add3A, %dma_start3A_301, %dma_start3A_302] : memref<32x80x128xi32, #tpu.memory_space<hbm>> -> memref<1x80x128xi32, #tpu.memory_space<hbm>>
      %dma_start3A_304 = tpu.memref_squeeze %dma_start3A_303 : memref<1x80x128xi32, #tpu.memory_space<hbm>> -> memref<80x128xi32, #tpu.memory_space<hbm>>
      tpu.enqueue_dma source(%dma_start3A_304 : memref<80x128xi32, #tpu.memory_space<hbm>>) target(%arg7 : memref<80x128xi32, #tpu.memory_space<vmem>>) target_semaphore(%run_scoped3A : memref<!tpu.dma_semaphore, #tpu.memory_space<semaphore_mem>>)
      %dma_wait3A_305 = arith.constant 0 : i32
      %dma_wait3A_306 = arith.constant 0 : i32
      %dma_wait3A_307 = tpu.memref_slice %arg3[%add3A, %dma_wait3A_305, %dma_wait3A_306] : memref<32x80x128xi32, #tpu.memory_space<hbm>> -> memref<1x80x128xi32, #tpu.memory_space<hbm>>
      %dma_wait3A_308 = tpu.memref_squeeze %dma_wait3A_307 : memref<1x80x128xi32, #tpu.memory_space<hbm>> -> memref<80x128xi32, #tpu.memory_space<hbm>>
      %dma_wait3A_309 = arith.constant 0 : i32
      %dma_wait3A_310 = arith.constant 0 : i32
      %dma_wait3A_311 = tpu.memref_slice %arg3[%add3A, %dma_wait3A_309, %dma_wait3A_310] : memref<32x80x128xi32, #tpu.memory_space<hbm>> -> memref<1x80x128xi32, #tpu.memory_space<hbm>>
      %dma_wait3A_312 = tpu.memref_squeeze %dma_wait3A_311 : memref<1x80x128xi32, #tpu.memory_space<hbm>> -> memref<80x128xi32, #tpu.memory_space<hbm>>
      tpu.wait_dma2 semaphore(%run_scoped3A : memref<!tpu.dma_semaphore, #tpu.memory_space<semaphore_mem>>) src(%dma_wait3A_312 : memref<80x128xi32, #tpu.memory_space<hbm>>) dst(%arg7 : memref<80x128xi32, #tpu.memory_space<vmem>>)
      tpu.yield
    }) : () -> ()
    "tpu.region"() ({
      %run_scoped3A = tpu.sem_alloc : memref<!tpu.dma_semaphore, #tpu.memory_space<semaphore_mem>>
      %dma_start3A_297 = arith.constant 0 : i32
      %dma_start3A_298 = arith.constant 0 : i32
      %dma_start3A_299 = tpu.memref_slice %arg4[%add3A, %dma_start3A_297, %dma_start3A_298] : memref<32x80x128xi32, #tpu.memory_space<hbm>> -> memref<1x80x128xi32, #tpu.memory_space<hbm>>
      %dma_start3A_300 = tpu.memref_squeeze %dma_start3A_299 : memref<1x80x128xi32, #tpu.memory_space<hbm>> -> memref<80x128xi32, #tpu.memory_space<hbm>>
      %dma_start3A_301 = arith.constant 0 : i32
      %dma_start3A_302 = arith.constant 0 : i32
      %dma_start3A_303 = tpu.memref_slice %arg4[%add3A, %dma_start3A_301, %dma_start3A_302] : memref<32x80x128xi32, #tpu.memory_space<hbm>> -> memref<1x80x128xi32, #tpu.memory_space<hbm>>
      %dma_start3A_304 = tpu.memref_squeeze %dma_start3A_303 : memref<1x80x128xi32, #tpu.memory_space<hbm>> -> memref<80x128xi32, #tpu.memory_space<hbm>>
      tpu.enqueue_dma source(%dma_start3A_304 : memref<80x128xi32, #tpu.memory_space<hbm>>) target(%arg8 : memref<80x128xi32, #tpu.memory_space<vmem>>) target_semaphore(%run_scoped3A : memref<!tpu.dma_semaphore, #tpu.memory_space<semaphore_mem>>)
      %dma_wait3A_305 = arith.constant 0 : i32
      %dma_wait3A_306 = arith.constant 0 : i32
      %dma_wait3A_307 = tpu.memref_slice %arg4[%add3A, %dma_wait3A_305, %dma_wait3A_306] : memref<32x80x128xi32, #tpu.memory_space<hbm>> -> memref<1x80x128xi32, #tpu.memory_space<hbm>>
      %dma_wait3A_308 = tpu.memref_squeeze %dma_wait3A_307 : memref<1x80x128xi32, #tpu.memory_space<hbm>> -> memref<80x128xi32, #tpu.memory_space<hbm>>
      %dma_wait3A_309 = arith.constant 0 : i32
      %dma_wait3A_310 = arith.constant 0 : i32
      %dma_wait3A_311 = tpu.memref_slice %arg4[%add3A, %dma_wait3A_309, %dma_wait3A_310] : memref<32x80x128xi32, #tpu.memory_space<hbm>> -> memref<1x80x128xi32, #tpu.memory_space<hbm>>
      %dma_wait3A_312 = tpu.memref_squeeze %dma_wait3A_311 : memref<1x80x128xi32, #tpu.memory_space<hbm>> -> memref<80x128xi32, #tpu.memory_space<hbm>>
      tpu.wait_dma2 semaphore(%run_scoped3A : memref<!tpu.dma_semaphore, #tpu.memory_space<semaphore_mem>>) src(%dma_wait3A_312 : memref<80x128xi32, #tpu.memory_space<hbm>>) dst(%arg8 : memref<80x128xi32, #tpu.memory_space<vmem>>)
      tpu.yield
    }) : () -> ()
    %mul3A_1 = arith.constant 632 : i32
    %mul3A_2 = arith.muli %arg1, %mul3A_1 : i32
    "tpu.region"() ({
      %run_scoped3A = tpu.sem_alloc : memref<!tpu.dma_semaphore, #tpu.memory_space<semaphore_mem>>
      %dma_start3A_297 = arith.constant 0 : i32
      %dma_start3A_298 = tpu.memref_slice %arg18[%mul3A_2, %dma_start3A_297] : memref<10112x64xf32, #tpu.memory_space<vmem_shared>> -> memref<632x64xf32, #tpu.memory_space<vmem_shared>>
      tpu.enqueue_dma source(%arg5 : memref<632x64xf32, #tpu.memory_space<hbm>>) target(%dma_start3A_298 : memref<632x64xf32, #tpu.memory_space<vmem_shared>>) target_semaphore(%run_scoped3A : memref<!tpu.dma_semaphore, #tpu.memory_space<semaphore_mem>>)
      %dma_wait3A_299 = arith.constant 0 : i32
      %dma_wait3A_300 = tpu.memref_slice %arg18[%mul3A_2, %dma_wait3A_299] : memref<10112x64xf32, #tpu.memory_space<vmem_shared>> -> memref<632x64xf32, #tpu.memory_space<vmem_shared>>
      tpu.wait_dma2 semaphore(%run_scoped3A : memref<!tpu.dma_semaphore, #tpu.memory_space<semaphore_mem>>) src(%arg5 : memref<632x64xf32, #tpu.memory_space<hbm>>) dst(%dma_wait3A_300 : memref<632x64xf32, #tpu.memory_space<vmem_shared>>)
      tpu.yield
    }) : () -> ()
    "tpu.region"() ({
      %run_scoped3A = tpu.sem_alloc : memref<!tpu.dma_semaphore, #tpu.memory_space<semaphore_mem>>
      %dma_start3A_297 = arith.constant 0 : i32
      %dma_start3A_298 = tpu.memref_slice %arg19[%mul3A_2, %dma_start3A_297] : memref<10112x64xf32, #tpu.memory_space<vmem_shared>> -> memref<632x64xf32, #tpu.memory_space<vmem_shared>>
      %dma_start3A_299 = arith.constant 0 : i32
      %dma_start3A_300 = tpu.memref_slice %arg2[%mul3A_2, %dma_start3A_299] : memref<10112x128xf32, #tpu.memory_space<hbm>> -> memref<632x64xf32, #tpu.memory_space<hbm>>
      tpu.enqueue_dma source(%dma_start3A_300 : memref<632x64xf32, #tpu.memory_space<hbm>>) target(%dma_start3A_298 : memref<632x64xf32, #tpu.memory_space<vmem_shared>>) target_semaphore(%run_scoped3A : memref<!tpu.dma_semaphore, #tpu.memory_space<semaphore_mem>>)
      %dma_wait3A_301 = arith.constant 0 : i32
      %dma_wait3A_302 = tpu.memref_slice %arg19[%mul3A_2, %dma_wait3A_301] : memref<10112x64xf32, #tpu.memory_space<vmem_shared>> -> memref<632x64xf32, #tpu.memory_space<vmem_shared>>
      %dma_wait3A_303 = arith.constant 0 : i32
      %dma_wait3A_304 = tpu.memref_slice %arg2[%mul3A_2, %dma_wait3A_303] : memref<10112x128xf32, #tpu.memory_space<hbm>> -> memref<632x64xf32, #tpu.memory_space<hbm>>
      tpu.wait_dma2 semaphore(%run_scoped3A : memref<!tpu.dma_semaphore, #tpu.memory_space<semaphore_mem>>) src(%dma_wait3A_304 : memref<632x64xf32, #tpu.memory_space<hbm>>) dst(%dma_wait3A_302 : memref<632x64xf32, #tpu.memory_space<vmem_shared>>)
      tpu.yield
    }) : () -> ()
    %barrier3A = arith.constant 0 : index
    tpu.barrier barrier_id(%barrier3A)
    %dma_start3A = arith.constant 0 : i32
    %dma_start3A_3 = arith.constant 0 : i32
    %dma_start3A_4 = tpu.memref_slice %arg7[%dma_start3A, %dma_start3A_3] : memref<80x128xi32, #tpu.memory_space<vmem>> -> memref<1x128xi32, #tpu.memory_space<vmem>>
    %dma_start3A_5 = tpu.memref_squeeze %dma_start3A_4 : memref<1x128xi32, #tpu.memory_space<vmem>> -> memref<128xi32, #tpu.memory_space<vmem>>
    %dma_start3A_6 = arith.constant 0 : i32
    %dma_start3A_7 = arith.constant 0 : i32
    %dma_start3A_8 = tpu.memref_slice %arg19[%dma_start3A_6, %dma_start3A_7] : memref<10112x64xf32, #tpu.memory_space<vmem_shared>> -> memref<10112x64xf32, #tpu.memory_space<vmem_shared>>
    tpu.enqueue_indirect_dma source(%dma_start3A_8 : memref<10112x64xf32, #tpu.memory_space<vmem_shared>>) target(%arg9 : memref<128x64xf32, #tpu.memory_space<vmem>>) offsets(%dma_start3A_5 : memref<128xi32, #tpu.memory_space<vmem>>) semaphore(%arg12 : memref<!tpu.dma_semaphore, #tpu.memory_space<semaphore_mem>>)
    %dma_start3A_9 = arith.constant 1 : i32
    %dma_start3A_10 = arith.constant 0 : i32
    %dma_start3A_11 = tpu.memref_slice %arg7[%dma_start3A_9, %dma_start3A_10] : memref<80x128xi32, #tpu.memory_space<vmem>> -> memref<1x128xi32, #tpu.memory_space<vmem>>
    %dma_start3A_12 = tpu.memref_squeeze %dma_start3A_11 : memref<1x128xi32, #tpu.memory_space<vmem>> -> memref<128xi32, #tpu.memory_space<vmem>>
    %dma_start3A_13 = arith.constant 0 : i32
    %dma_start3A_14 = arith.constant 0 : i32
    %dma_start3A_15 = tpu.memref_slice %arg19[%dma_start3A_13, %dma_start3A_14] : memref<10112x64xf32, #tpu.memory_space<vmem_shared>> -> memref<10112x64xf32, #tpu.memory_space<vmem_shared>>
    tpu.enqueue_indirect_dma source(%dma_start3A_15 : memref<10112x64xf32, #tpu.memory_space<vmem_shared>>) target(%arg10 : memref<128x64xf32, #tpu.memory_space<vmem>>) offsets(%dma_start3A_12 : memref<128xi32, #tpu.memory_space<vmem>>) semaphore(%arg13 : memref<!tpu.dma_semaphore, #tpu.memory_space<semaphore_mem>>)
    %dma_start3A_16 = arith.constant 2 : i32
    %dma_start3A_17 = arith.constant 0 : i32
    %dma_start3A_18 = tpu.memref_slice %arg7[%dma_start3A_16, %dma_start3A_17] : memref<80x128xi32, #tpu.memory_space<vmem>> -> memref<1x128xi32, #tpu.memory_space<vmem>>
    %dma_start3A_19 = tpu.memref_squeeze %dma_start3A_18 : memref<1x128xi32, #tpu.memory_space<vmem>> -> memref<128xi32, #tpu.memory_space<vmem>>
    %dma_start3A_20 = arith.constant 0 : i32
    %dma_start3A_21 = arith.constant 0 : i32
    %dma_start3A_22 = tpu.memref_slice %arg19[%dma_start3A_20, %dma_start3A_21] : memref<10112x64xf32, #tpu.memory_space<vmem_shared>> -> memref<10112x64xf32, #tpu.memory_space<vmem_shared>>
    tpu.enqueue_indirect_dma source(%dma_start3A_22 : memref<10112x64xf32, #tpu.memory_space<vmem_shared>>) target(%arg11 : memref<128x64xf32, #tpu.memory_space<vmem>>) offsets(%dma_start3A_19 : memref<128xi32, #tpu.memory_space<vmem>>) semaphore(%arg14 : memref<!tpu.dma_semaphore, #tpu.memory_space<semaphore_mem>>)
    %scan3A = arith.constant 0 : i32
    %scan3A_23 = arith.constant 0 : i32
    %scan3A_24 = arith.constant 25 : i32
    %scan3A_25 = arith.addi %scan3A_23, %scan3A_24 : i32
    %scan3A_26 = arith.constant 1 : i32
    %scan3A_27 = scf.for %scan3A_297 = %scan3A_23 to %scan3A_25 step %scan3A_26 iter_args(%scan3A_298 = %scan3A) -> (i32)  : i32 {
      %mul3A_299 = arith.constant 3 : i32
      %mul3A_300 = arith.muli %scan3A_297, %mul3A_299 : i32
      %add3A_301 = arith.constant 0 : i32
      %add3A_302 = arith.addi %mul3A_300, %add3A_301 : i32
      %dma_wait3A_303 = arith.constant 0 : i32
      %dma_wait3A_304 = tpu.memref_slice %arg7[%add3A_302, %dma_wait3A_303] : memref<80x128xi32, #tpu.memory_space<vmem>> -> memref<1x128xi32, #tpu.memory_space<vmem>>
      %dma_wait3A_305 = tpu.memref_squeeze %dma_wait3A_304 : memref<1x128xi32, #tpu.memory_space<vmem>> -> memref<128xi32, #tpu.memory_space<vmem>>
      %dma_wait3A_306 = arith.constant 0 : i32
      %dma_wait3A_307 = arith.constant 0 : i32
      %dma_wait3A_308 = tpu.memref_slice %arg19[%dma_wait3A_306, %dma_wait3A_307] : memref<10112x64xf32, #tpu.memory_space<vmem_shared>> -> memref<10112x64xf32, #tpu.memory_space<vmem_shared>>
      tpu.wait_indirect_dma semaphore(%arg12 : memref<!tpu.dma_semaphore, #tpu.memory_space<semaphore_mem>>) src(%dma_wait3A_308 : memref<10112x64xf32, #tpu.memory_space<vmem_shared>>) dst(%arg9 : memref<128x64xf32, #tpu.memory_space<vmem>>)
      %add3A_309 = arith.constant 0 : i32
      %add3A_310 = arith.addi %mul3A_300, %add3A_309 : i32
      %dma_start3A_311 = arith.constant 0 : i32
      %dma_start3A_312 = tpu.memref_slice %arg8[%add3A_310, %dma_start3A_311] : memref<80x128xi32, #tpu.memory_space<vmem>> -> memref<1x128xi32, #tpu.memory_space<vmem>>
      %dma_start3A_313 = tpu.memref_squeeze %dma_start3A_312 : memref<1x128xi32, #tpu.memory_space<vmem>> -> memref<128xi32, #tpu.memory_space<vmem>>
      %dma_start3A_314 = arith.constant 0 : i32
      %dma_start3A_315 = arith.constant 0 : i32
      %dma_start3A_316 = tpu.memref_slice %arg18[%dma_start3A_314, %dma_start3A_315] : memref<10112x64xf32, #tpu.memory_space<vmem_shared>> -> memref<10112x64xf32, #tpu.memory_space<vmem_shared>>
      tpu.enqueue_indirect_dma source(%arg9 : memref<128x64xf32, #tpu.memory_space<vmem>>) target(%dma_start3A_316 : memref<10112x64xf32, #tpu.memory_space<vmem_shared>>) offsets(%dma_start3A_313 : memref<128xi32, #tpu.memory_space<vmem>>) semaphore(%arg15 : memref<!tpu.dma_semaphore, #tpu.memory_space<semaphore_mem>>) {add = true}
      %add3A_317 = arith.constant 1 : i32
      %add3A_318 = arith.addi %mul3A_300, %add3A_317 : i32
      %dma_wait3A_319 = arith.constant 0 : i32
      %dma_wait3A_320 = tpu.memref_slice %arg7[%add3A_318, %dma_wait3A_319] : memref<80x128xi32, #tpu.memory_space<vmem>> -> memref<1x128xi32, #tpu.memory_space<vmem>>
      %dma_wait3A_321 = tpu.memref_squeeze %dma_wait3A_320 : memref<1x128xi32, #tpu.memory_space<vmem>> -> memref<128xi32, #tpu.memory_space<vmem>>
      %dma_wait3A_322 = arith.constant 0 : i32
      %dma_wait3A_323 = arith.constant 0 : i32
      %dma_wait3A_324 = tpu.memref_slice %arg19[%dma_wait3A_322, %dma_wait3A_323] : memref<10112x64xf32, #tpu.memory_space<vmem_shared>> -> memref<10112x64xf32, #tpu.memory_space<vmem_shared>>
      tpu.wait_indirect_dma semaphore(%arg13 : memref<!tpu.dma_semaphore, #tpu.memory_space<semaphore_mem>>) src(%dma_wait3A_324 : memref<10112x64xf32, #tpu.memory_space<vmem_shared>>) dst(%arg10 : memref<128x64xf32, #tpu.memory_space<vmem>>)
      %add3A_325 = arith.constant 1 : i32
      %add3A_326 = arith.addi %mul3A_300, %add3A_325 : i32
      %dma_start3A_327 = arith.constant 0 : i32
      %dma_start3A_328 = tpu.memref_slice %arg8[%add3A_326, %dma_start3A_327] : memref<80x128xi32, #tpu.memory_space<vmem>> -> memref<1x128xi32, #tpu.memory_space<vmem>>
      %dma_start3A_329 = tpu.memref_squeeze %dma_start3A_328 : memref<1x128xi32, #tpu.memory_space<vmem>> -> memref<128xi32, #tpu.memory_space<vmem>>
      %dma_start3A_330 = arith.constant 0 : i32
      %dma_start3A_331 = arith.constant 0 : i32
      %dma_start3A_332 = tpu.memref_slice %arg18[%dma_start3A_330, %dma_start3A_331] : memref<10112x64xf32, #tpu.memory_space<vmem_shared>> -> memref<10112x64xf32, #tpu.memory_space<vmem_shared>>
      tpu.enqueue_indirect_dma source(%arg10 : memref<128x64xf32, #tpu.memory_space<vmem>>) target(%dma_start3A_332 : memref<10112x64xf32, #tpu.memory_space<vmem_shared>>) offsets(%dma_start3A_329 : memref<128xi32, #tpu.memory_space<vmem>>) semaphore(%arg16 : memref<!tpu.dma_semaphore, #tpu.memory_space<semaphore_mem>>) {add = true}
      %add3A_333 = arith.constant 2 : i32
      %add3A_334 = arith.addi %mul3A_300, %add3A_333 : i32
      %dma_wait3A_335 = arith.constant 0 : i32
      %dma_wait3A_336 = tpu.memref_slice %arg7[%add3A_334, %dma_wait3A_335] : memref<80x128xi32, #tpu.memory_space<vmem>> -> memref<1x128xi32, #tpu.memory_space<vmem>>
      %dma_wait3A_337 = tpu.memref_squeeze %dma_wait3A_336 : memref<1x128xi32, #tpu.memory_space<vmem>> -> memref<128xi32, #tpu.memory_space<vmem>>
      %dma_wait3A_338 = arith.constant 0 : i32
      %dma_wait3A_339 = arith.constant 0 : i32
      %dma_wait3A_340 = tpu.memref_slice %arg19[%dma_wait3A_338, %dma_wait3A_339] : memref<10112x64xf32, #tpu.memory_space<vmem_shared>> -> memref<10112x64xf32, #tpu.memory_space<vmem_shared>>
      tpu.wait_indirect_dma semaphore(%arg14 : memref<!tpu.dma_semaphore, #tpu.memory_space<semaphore_mem>>) src(%dma_wait3A_340 : memref<10112x64xf32, #tpu.memory_space<vmem_shared>>) dst(%arg11 : memref<128x64xf32, #tpu.memory_space<vmem>>)
      %add3A_341 = arith.constant 2 : i32
      %add3A_342 = arith.addi %mul3A_300, %add3A_341 : i32
      %dma_start3A_343 = arith.constant 0 : i32
      %dma_start3A_344 = tpu.memref_slice %arg8[%add3A_342, %dma_start3A_343] : memref<80x128xi32, #tpu.memory_space<vmem>> -> memref<1x128xi32, #tpu.memory_space<vmem>>
      %dma_start3A_345 = tpu.memref_squeeze %dma_start3A_344 : memref<1x128xi32, #tpu.memory_space<vmem>> -> memref<128xi32, #tpu.memory_space<vmem>>
      %dma_start3A_346 = arith.constant 0 : i32
      %dma_start3A_347 = arith.constant 0 : i32
      %dma_start3A_348 = tpu.memref_slice %arg18[%dma_start3A_346, %dma_start3A_347] : memref<10112x64xf32, #tpu.memory_space<vmem_shared>> -> memref<10112x64xf32, #tpu.memory_space<vmem_shared>>
      tpu.enqueue_indirect_dma source(%arg11 : memref<128x64xf32, #tpu.memory_space<vmem>>) target(%dma_start3A_348 : memref<10112x64xf32, #tpu.memory_space<vmem_shared>>) offsets(%dma_start3A_345 : memref<128xi32, #tpu.memory_space<vmem>>) semaphore(%arg17 : memref<!tpu.dma_semaphore, #tpu.memory_space<semaphore_mem>>) {add = true}
      %add3A_349 = arith.constant 0 : i32
      %add3A_350 = arith.addi %mul3A_300, %add3A_349 : i32
      %dma_wait3A_351 = arith.constant 0 : i32
      %dma_wait3A_352 = tpu.memref_slice %arg8[%add3A_350, %dma_wait3A_351] : memref<80x128xi32, #tpu.memory_space<vmem>> -> memref<1x128xi32, #tpu.memory_space<vmem>>
      %dma_wait3A_353 = tpu.memref_squeeze %dma_wait3A_352 : memref<1x128xi32, #tpu.memory_space<vmem>> -> memref<128xi32, #tpu.memory_space<vmem>>
      %dma_wait3A_354 = arith.constant 0 : i32
      %dma_wait3A_355 = arith.constant 0 : i32
      %dma_wait3A_356 = tpu.memref_slice %arg18[%dma_wait3A_354, %dma_wait3A_355] : memref<10112x64xf32, #tpu.memory_space<vmem_shared>> -> memref<10112x64xf32, #tpu.memory_space<vmem_shared>>
      tpu.wait_indirect_dma semaphore(%arg15 : memref<!tpu.dma_semaphore, #tpu.memory_space<semaphore_mem>>) src(%arg9 : memref<128x64xf32, #tpu.memory_space<vmem>>) dst(%dma_wait3A_356 : memref<10112x64xf32, #tpu.memory_space<vmem_shared>>)
      %add3A_357 = arith.constant 3 : i32
      %add3A_358 = arith.addi %mul3A_300, %add3A_357 : i32
      %add3A_359 = arith.constant 0 : i32
      %add3A_360 = arith.addi %add3A_358, %add3A_359 : i32
      %dma_start3A_361 = arith.constant 0 : i32
      %dma_start3A_362 = tpu.memref_slice %arg7[%add3A_360, %dma_start3A_361] : memref<80x128xi32, #tpu.memory_space<vmem>> -> memref<1x128xi32, #tpu.memory_space<vmem>>
      %dma_start3A_363 = tpu.memref_squeeze %dma_start3A_362 : memref<1x128xi32, #tpu.memory_space<vmem>> -> memref<128xi32, #tpu.memory_space<vmem>>
      %dma_start3A_364 = arith.constant 0 : i32
      %dma_start3A_365 = arith.constant 0 : i32
      %dma_start3A_366 = tpu.memref_slice %arg19[%dma_start3A_364, %dma_start3A_365] : memref<10112x64xf32, #tpu.memory_space<vmem_shared>> -> memref<10112x64xf32, #tpu.memory_space<vmem_shared>>
      tpu.enqueue_indirect_dma source(%dma_start3A_366 : memref<10112x64xf32, #tpu.memory_space<vmem_shared>>) target(%arg9 : memref<128x64xf32, #tpu.memory_space<vmem>>) offsets(%dma_start3A_363 : memref<128xi32, #tpu.memory_space<vmem>>) semaphore(%arg12 : memref<!tpu.dma_semaphore, #tpu.memory_space<semaphore_mem>>)
      %add3A_367 = arith.constant 1 : i32
      %add3A_368 = arith.addi %mul3A_300, %add3A_367 : i32
      %dma_wait3A_369 = arith.constant 0 : i32
      %dma_wait3A_370 = tpu.memref_slice %arg8[%add3A_368, %dma_wait3A_369] : memref<80x128xi32, #tpu.memory_space<vmem>> -> memref<1x128xi32, #tpu.memory_space<vmem>>
      %dma_wait3A_371 = tpu.memref_squeeze %dma_wait3A_370 : memref<1x128xi32, #tpu.memory_space<vmem>> -> memref<128xi32, #tpu.memory_space<vmem>>
      %dma_wait3A_372 = arith.constant 0 : i32
      %dma_wait3A_373 = arith.constant 0 : i32
      %dma_wait3A_374 = tpu.memref_slice %arg18[%dma_wait3A_372, %dma_wait3A_373] : memref<10112x64xf32, #tpu.memory_space<vmem_shared>> -> memref<10112x64xf32, #tpu.memory_space<vmem_shared>>
      tpu.wait_indirect_dma semaphore(%arg16 : memref<!tpu.dma_semaphore, #tpu.memory_space<semaphore_mem>>) src(%arg10 : memref<128x64xf32, #tpu.memory_space<vmem>>) dst(%dma_wait3A_374 : memref<10112x64xf32, #tpu.memory_space<vmem_shared>>)
      %add3A_375 = arith.constant 3 : i32
      %add3A_376 = arith.addi %mul3A_300, %add3A_375 : i32
      %add3A_377 = arith.constant 1 : i32
      %add3A_378 = arith.addi %add3A_376, %add3A_377 : i32
      %dma_start3A_379 = arith.constant 0 : i32
      %dma_start3A_380 = tpu.memref_slice %arg7[%add3A_378, %dma_start3A_379] : memref<80x128xi32, #tpu.memory_space<vmem>> -> memref<1x128xi32, #tpu.memory_space<vmem>>
      %dma_start3A_381 = tpu.memref_squeeze %dma_start3A_380 : memref<1x128xi32, #tpu.memory_space<vmem>> -> memref<128xi32, #tpu.memory_space<vmem>>
      %dma_start3A_382 = arith.constant 0 : i32
      %dma_start3A_383 = arith.constant 0 : i32
      %dma_start3A_384 = tpu.memref_slice %arg19[%dma_start3A_382, %dma_start3A_383] : memref<10112x64xf32, #tpu.memory_space<vmem_shared>> -> memref<10112x64xf32, #tpu.memory_space<vmem_shared>>
      tpu.enqueue_indirect_dma source(%dma_start3A_384 : memref<10112x64xf32, #tpu.memory_space<vmem_shared>>) target(%arg10 : memref<128x64xf32, #tpu.memory_space<vmem>>) offsets(%dma_start3A_381 : memref<128xi32, #tpu.memory_space<vmem>>) semaphore(%arg13 : memref<!tpu.dma_semaphore, #tpu.memory_space<semaphore_mem>>)
      %add3A_385 = arith.constant 2 : i32
      %add3A_386 = arith.addi %mul3A_300, %add3A_385 : i32
      %dma_wait3A_387 = arith.constant 0 : i32
      %dma_wait3A_388 = tpu.memref_slice %arg8[%add3A_386, %dma_wait3A_387] : memref<80x128xi32, #tpu.memory_space<vmem>> -> memref<1x128xi32, #tpu.memory_space<vmem>>
      %dma_wait3A_389 = tpu.memref_squeeze %dma_wait3A_388 : memref<1x128xi32, #tpu.memory_space<vmem>> -> memref<128xi32, #tpu.memory_space<vmem>>
      %dma_wait3A_390 = arith.constant 0 : i32
      %dma_wait3A_391 = arith.constant 0 : i32
      %dma_wait3A_392 = tpu.memref_slice %arg18[%dma_wait3A_390, %dma_wait3A_391] : memref<10112x64xf32, #tpu.memory_space<vmem_shared>> -> memref<10112x64xf32, #tpu.memory_space<vmem_shared>>
      tpu.wait_indirect_dma semaphore(%arg17 : memref<!tpu.dma_semaphore, #tpu.memory_space<semaphore_mem>>) src(%arg11 : memref<128x64xf32, #tpu.memory_space<vmem>>) dst(%dma_wait3A_392 : memref<10112x64xf32, #tpu.memory_space<vmem_shared>>)
      %add3A_393 = arith.constant 3 : i32
      %add3A_394 = arith.addi %mul3A_300, %add3A_393 : i32
      %add3A_395 = arith.constant 2 : i32
      %add3A_396 = arith.addi %add3A_394, %add3A_395 : i32
      %dma_start3A_397 = arith.constant 0 : i32
      %dma_start3A_398 = tpu.memref_slice %arg7[%add3A_396, %dma_start3A_397] : memref<80x128xi32, #tpu.memory_space<vmem>> -> memref<1x128xi32, #tpu.memory_space<vmem>>
      %dma_start3A_399 = tpu.memref_squeeze %dma_start3A_398 : memref<1x128xi32, #tpu.memory_space<vmem>> -> memref<128xi32, #tpu.memory_space<vmem>>
      %dma_start3A_400 = arith.constant 0 : i32
      %dma_start3A_401 = arith.constant 0 : i32
      %dma_start3A_402 = tpu.memref_slice %arg19[%dma_start3A_400, %dma_start3A_401] : memref<10112x64xf32, #tpu.memory_space<vmem_shared>> -> memref<10112x64xf32, #tpu.memory_space<vmem_shared>>
      tpu.enqueue_indirect_dma source(%dma_start3A_402 : memref<10112x64xf32, #tpu.memory_space<vmem_shared>>) target(%arg11 : memref<128x64xf32, #tpu.memory_space<vmem>>) offsets(%dma_start3A_399 : memref<128xi32, #tpu.memory_space<vmem>>) semaphore(%arg14 : memref<!tpu.dma_semaphore, #tpu.memory_space<semaphore_mem>>)
      %scan3A_403 = arith.constant 0 : i32
      scf.yield %scan3A_403 : i32
    }
    %scan3A_28 = arith.constant 25 : i32
    %dma_wait3A = arith.constant 75 : i32
    %dma_wait3A_29 = arith.constant 0 : i32
    %dma_wait3A_30 = tpu.memref_slice %arg7[%dma_wait3A, %dma_wait3A_29] : memref<80x128xi32, #tpu.memory_space<vmem>> -> memref<1x128xi32, #tpu.memory_space<vmem>>
    %dma_wait3A_31 = tpu.memref_squeeze %dma_wait3A_30 : memref<1x128xi32, #tpu.memory_space<vmem>> -> memref<128xi32, #tpu.memory_space<vmem>>
    %dma_wait3A_32 = arith.constant 0 : i32
    %dma_wait3A_33 = arith.constant 0 : i32
    %dma_wait3A_34 = tpu.memref_slice %arg19[%dma_wait3A_32, %dma_wait3A_33] : memref<10112x64xf32, #tpu.memory_space<vmem_shared>> -> memref<10112x64xf32, #tpu.memory_space<vmem_shared>>
    tpu.wait_indirect_dma semaphore(%arg12 : memref<!tpu.dma_semaphore, #tpu.memory_space<semaphore_mem>>) src(%dma_wait3A_34 : memref<10112x64xf32, #tpu.memory_space<vmem_shared>>) dst(%arg9 : memref<128x64xf32, #tpu.memory_space<vmem>>)
    %dma_start3A_35 = arith.constant 75 : i32
    %dma_start3A_36 = arith.constant 0 : i32
    %dma_start3A_37 = tpu.memref_slice %arg8[%dma_start3A_35, %dma_start3A_36] : memref<80x128xi32, #tpu.memory_space<vmem>> -> memref<1x128xi32, #tpu.memory_space<vmem>>
    %dma_start3A_38 = tpu.memref_squeeze %dma_start3A_37 : memref<1x128xi32, #tpu.memory_space<vmem>> -> memref<128xi32, #tpu.memory_space<vmem>>
    %dma_start3A_39 = arith.constant 0 : i32
    %dma_start3A_40 = arith.constant 0 : i32
    %dma_start3A_41 = tpu.memref_slice %arg18[%dma_start3A_39, %dma_start3A_40] : memref<10112x64xf32, #tpu.memory_space<vmem_shared>> -> memref<10112x64xf32, #tpu.memory_space<vmem_shared>>
    tpu.enqueue_indirect_dma source(%arg9 : memref<128x64xf32, #tpu.memory_space<vmem>>) target(%dma_start3A_41 : memref<10112x64xf32, #tpu.memory_space<vmem_shared>>) offsets(%dma_start3A_38 : memref<128xi32, #tpu.memory_space<vmem>>) semaphore(%arg15 : memref<!tpu.dma_semaphore, #tpu.memory_space<semaphore_mem>>) {add = true}
    %dma_wait3A_42 = arith.constant 75 : i32
    %dma_wait3A_43 = arith.constant 0 : i32
    %dma_wait3A_44 = tpu.memref_slice %arg8[%dma_wait3A_42, %dma_wait3A_43] : memref<80x128xi32, #tpu.memory_space<vmem>> -> memref<1x128xi32, #tpu.memory_space<vmem>>
    %dma_wait3A_45 = tpu.memref_squeeze %dma_wait3A_44 : memref<1x128xi32, #tpu.memory_space<vmem>> -> memref<128xi32, #tpu.memory_space<vmem>>
    %dma_wait3A_46 = arith.constant 0 : i32
    %dma_wait3A_47 = arith.constant 0 : i32
    %dma_wait3A_48 = tpu.memref_slice %arg18[%dma_wait3A_46, %dma_wait3A_47] : memref<10112x64xf32, #tpu.memory_space<vmem_shared>> -> memref<10112x64xf32, #tpu.memory_space<vmem_shared>>
    tpu.wait_indirect_dma semaphore(%arg15 : memref<!tpu.dma_semaphore, #tpu.memory_space<semaphore_mem>>) src(%arg9 : memref<128x64xf32, #tpu.memory_space<vmem>>) dst(%dma_wait3A_48 : memref<10112x64xf32, #tpu.memory_space<vmem_shared>>)
    %dma_start3A_49 = arith.constant 78 : i32
    %dma_start3A_50 = arith.constant 0 : i32
    %dma_start3A_51 = tpu.memref_slice %arg7[%dma_start3A_49, %dma_start3A_50] : memref<80x128xi32, #tpu.memory_space<vmem>> -> memref<1x128xi32, #tpu.memory_space<vmem>>
    %dma_start3A_52 = tpu.memref_squeeze %dma_start3A_51 : memref<1x128xi32, #tpu.memory_space<vmem>> -> memref<128xi32, #tpu.memory_space<vmem>>
    %dma_start3A_53 = arith.constant 0 : i32
    %dma_start3A_54 = arith.constant 0 : i32
    %dma_start3A_55 = tpu.memref_slice %arg19[%dma_start3A_53, %dma_start3A_54] : memref<10112x64xf32, #tpu.memory_space<vmem_shared>> -> memref<10112x64xf32, #tpu.memory_space<vmem_shared>>
    tpu.enqueue_indirect_dma source(%dma_start3A_55 : memref<10112x64xf32, #tpu.memory_space<vmem_shared>>) target(%arg9 : memref<128x64xf32, #tpu.memory_space<vmem>>) offsets(%dma_start3A_52 : memref<128xi32, #tpu.memory_space<vmem>>) semaphore(%arg12 : memref<!tpu.dma_semaphore, #tpu.memory_space<semaphore_mem>>)
    %dma_wait3A_56 = arith.constant 76 : i32
    %dma_wait3A_57 = arith.constant 0 : i32
    %dma_wait3A_58 = tpu.memref_slice %arg7[%dma_wait3A_56, %dma_wait3A_57] : memref<80x128xi32, #tpu.memory_space<vmem>> -> memref<1x128xi32, #tpu.memory_space<vmem>>
    %dma_wait3A_59 = tpu.memref_squeeze %dma_wait3A_58 : memref<1x128xi32, #tpu.memory_space<vmem>> -> memref<128xi32, #tpu.memory_space<vmem>>
    %dma_wait3A_60 = arith.constant 0 : i32
    %dma_wait3A_61 = arith.constant 0 : i32
    %dma_wait3A_62 = tpu.memref_slice %arg19[%dma_wait3A_60, %dma_wait3A_61] : memref<10112x64xf32, #tpu.memory_space<vmem_shared>> -> memref<10112x64xf32, #tpu.memory_space<vmem_shared>>
    tpu.wait_indirect_dma semaphore(%arg13 : memref<!tpu.dma_semaphore, #tpu.memory_space<semaphore_mem>>) src(%dma_wait3A_62 : memref<10112x64xf32, #tpu.memory_space<vmem_shared>>) dst(%arg10 : memref<128x64xf32, #tpu.memory_space<vmem>>)
    %dma_start3A_63 = arith.constant 76 : i32
    %dma_start3A_64 = arith.constant 0 : i32
    %dma_start3A_65 = tpu.memref_slice %arg8[%dma_start3A_63, %dma_start3A_64] : memref<80x128xi32, #tpu.memory_space<vmem>> -> memref<1x128xi32, #tpu.memory_space<vmem>>
    %dma_start3A_66 = tpu.memref_squeeze %dma_start3A_65 : memref<1x128xi32, #tpu.memory_space<vmem>> -> memref<128xi32, #tpu.memory_space<vmem>>
    %dma_start3A_67 = arith.constant 0 : i32
    %dma_start3A_68 = arith.constant 0 : i32
    %dma_start3A_69 = tpu.memref_slice %arg18[%dma_start3A_67, %dma_start3A_68] : memref<10112x64xf32, #tpu.memory_space<vmem_shared>> -> memref<10112x64xf32, #tpu.memory_space<vmem_shared>>
    tpu.enqueue_indirect_dma source(%arg10 : memref<128x64xf32, #tpu.memory_space<vmem>>) target(%dma_start3A_69 : memref<10112x64xf32, #tpu.memory_space<vmem_shared>>) offsets(%dma_start3A_66 : memref<128xi32, #tpu.memory_space<vmem>>) semaphore(%arg16 : memref<!tpu.dma_semaphore, #tpu.memory_space<semaphore_mem>>) {add = true}
    %dma_wait3A_70 = arith.constant 76 : i32
    %dma_wait3A_71 = arith.constant 0 : i32
    %dma_wait3A_72 = tpu.memref_slice %arg8[%dma_wait3A_70, %dma_wait3A_71] : memref<80x128xi32, #tpu.memory_space<vmem>> -> memref<1x128xi32, #tpu.memory_space<vmem>>
    %dma_wait3A_73 = tpu.memref_squeeze %dma_wait3A_72 : memref<1x128xi32, #tpu.memory_space<vmem>> -> memref<128xi32, #tpu.memory_space<vmem>>
    %dma_wait3A_74 = arith.constant 0 : i32
    %dma_wait3A_75 = arith.constant 0 : i32
    %dma_wait3A_76 = tpu.memref_slice %arg18[%dma_wait3A_74, %dma_wait3A_75] : memref<10112x64xf32, #tpu.memory_space<vmem_shared>> -> memref<10112x64xf32, #tpu.memory_space<vmem_shared>>
    tpu.wait_indirect_dma semaphore(%arg16 : memref<!tpu.dma_semaphore, #tpu.memory_space<semaphore_mem>>) src(%arg10 : memref<128x64xf32, #tpu.memory_space<vmem>>) dst(%dma_wait3A_76 : memref<10112x64xf32, #tpu.memory_space<vmem_shared>>)
    %dma_start3A_77 = arith.constant 79 : i32
    %dma_start3A_78 = arith.constant 0 : i32
    %dma_start3A_79 = tpu.memref_slice %arg7[%dma_start3A_77, %dma_start3A_78] : memref<80x128xi32, #tpu.memory_space<vmem>> -> memref<1x128xi32, #tpu.memory_space<vmem>>
    %dma_start3A_80 = tpu.memref_squeeze %dma_start3A_79 : memref<1x128xi32, #tpu.memory_space<vmem>> -> memref<128xi32, #tpu.memory_space<vmem>>
    %dma_start3A_81 = arith.constant 0 : i32
    %dma_start3A_82 = arith.constant 0 : i32
    %dma_start3A_83 = tpu.memref_slice %arg19[%dma_start3A_81, %dma_start3A_82] : memref<10112x64xf32, #tpu.memory_space<vmem_shared>> -> memref<10112x64xf32, #tpu.memory_space<vmem_shared>>
    tpu.enqueue_indirect_dma source(%dma_start3A_83 : memref<10112x64xf32, #tpu.memory_space<vmem_shared>>) target(%arg10 : memref<128x64xf32, #tpu.memory_space<vmem>>) offsets(%dma_start3A_80 : memref<128xi32, #tpu.memory_space<vmem>>) semaphore(%arg13 : memref<!tpu.dma_semaphore, #tpu.memory_space<semaphore_mem>>)
    %dma_wait3A_84 = arith.constant 77 : i32
    %dma_wait3A_85 = arith.constant 0 : i32
    %dma_wait3A_86 = tpu.memref_slice %arg7[%dma_wait3A_84, %dma_wait3A_85] : memref<80x128xi32, #tpu.memory_space<vmem>> -> memref<1x128xi32, #tpu.memory_space<vmem>>
    %dma_wait3A_87 = tpu.memref_squeeze %dma_wait3A_86 : memref<1x128xi32, #tpu.memory_space<vmem>> -> memref<128xi32, #tpu.memory_space<vmem>>
    %dma_wait3A_88 = arith.constant 0 : i32
    %dma_wait3A_89 = arith.constant 0 : i32
    %dma_wait3A_90 = tpu.memref_slice %arg19[%dma_wait3A_88, %dma_wait3A_89] : memref<10112x64xf32, #tpu.memory_space<vmem_shared>> -> memref<10112x64xf32, #tpu.memory_space<vmem_shared>>
    tpu.wait_indirect_dma semaphore(%arg14 : memref<!tpu.dma_semaphore, #tpu.memory_space<semaphore_mem>>) src(%dma_wait3A_90 : memref<10112x64xf32, #tpu.memory_space<vmem_shared>>) dst(%arg11 : memref<128x64xf32, #tpu.memory_space<vmem>>)
    %dma_start3A_91 = arith.constant 77 : i32
    %dma_start3A_92 = arith.constant 0 : i32
    %dma_start3A_93 = tpu.memref_slice %arg8[%dma_start3A_91, %dma_start3A_92] : memref<80x128xi32, #tpu.memory_space<vmem>> -> memref<1x128xi32, #tpu.memory_space<vmem>>
    %dma_start3A_94 = tpu.memref_squeeze %dma_start3A_93 : memref<1x128xi32, #tpu.memory_space<vmem>> -> memref<128xi32, #tpu.memory_space<vmem>>
    %dma_start3A_95 = arith.constant 0 : i32
    %dma_start3A_96 = arith.constant 0 : i32
    %dma_start3A_97 = tpu.memref_slice %arg18[%dma_start3A_95, %dma_start3A_96] : memref<10112x64xf32, #tpu.memory_space<vmem_shared>> -> memref<10112x64xf32, #tpu.memory_space<vmem_shared>>
    tpu.enqueue_indirect_dma source(%arg11 : memref<128x64xf32, #tpu.memory_space<vmem>>) target(%dma_start3A_97 : memref<10112x64xf32, #tpu.memory_space<vmem_shared>>) offsets(%dma_start3A_94 : memref<128xi32, #tpu.memory_space<vmem>>) semaphore(%arg17 : memref<!tpu.dma_semaphore, #tpu.memory_space<semaphore_mem>>) {add = true}
    %dma_wait3A_98 = arith.constant 78 : i32
    %dma_wait3A_99 = arith.constant 0 : i32
    %dma_wait3A_100 = tpu.memref_slice %arg7[%dma_wait3A_98, %dma_wait3A_99] : memref<80x128xi32, #tpu.memory_space<vmem>> -> memref<1x128xi32, #tpu.memory_space<vmem>>
    %dma_wait3A_101 = tpu.memref_squeeze %dma_wait3A_100 : memref<1x128xi32, #tpu.memory_space<vmem>> -> memref<128xi32, #tpu.memory_space<vmem>>
    %dma_wait3A_102 = arith.constant 0 : i32
    %dma_wait3A_103 = arith.constant 0 : i32
    %dma_wait3A_104 = tpu.memref_slice %arg19[%dma_wait3A_102, %dma_wait3A_103] : memref<10112x64xf32, #tpu.memory_space<vmem_shared>> -> memref<10112x64xf32, #tpu.memory_space<vmem_shared>>
    tpu.wait_indirect_dma semaphore(%arg12 : memref<!tpu.dma_semaphore, #tpu.memory_space<semaphore_mem>>) src(%dma_wait3A_104 : memref<10112x64xf32, #tpu.memory_space<vmem_shared>>) dst(%arg9 : memref<128x64xf32, #tpu.memory_space<vmem>>)
    %dma_start3A_105 = arith.constant 78 : i32
    %dma_start3A_106 = arith.constant 0 : i32
    %dma_start3A_107 = tpu.memref_slice %arg8[%dma_start3A_105, %dma_start3A_106] : memref<80x128xi32, #tpu.memory_space<vmem>> -> memref<1x128xi32, #tpu.memory_space<vmem>>
    %dma_start3A_108 = tpu.memref_squeeze %dma_start3A_107 : memref<1x128xi32, #tpu.memory_space<vmem>> -> memref<128xi32, #tpu.memory_space<vmem>>
    %dma_start3A_109 = arith.constant 0 : i32
    %dma_start3A_110 = arith.constant 0 : i32
    %dma_start3A_111 = tpu.memref_slice %arg18[%dma_start3A_109, %dma_start3A_110] : memref<10112x64xf32, #tpu.memory_space<vmem_shared>> -> memref<10112x64xf32, #tpu.memory_space<vmem_shared>>
    tpu.enqueue_indirect_dma source(%arg9 : memref<128x64xf32, #tpu.memory_space<vmem>>) target(%dma_start3A_111 : memref<10112x64xf32, #tpu.memory_space<vmem_shared>>) offsets(%dma_start3A_108 : memref<128xi32, #tpu.memory_space<vmem>>) semaphore(%arg15 : memref<!tpu.dma_semaphore, #tpu.memory_space<semaphore_mem>>) {add = true}
    %dma_wait3A_112 = arith.constant 79 : i32
    %dma_wait3A_113 = arith.constant 0 : i32
    %dma_wait3A_114 = tpu.memref_slice %arg7[%dma_wait3A_112, %dma_wait3A_113] : memref<80x128xi32, #tpu.memory_space<vmem>> -> memref<1x128xi32, #tpu.memory_space<vmem>>
    %dma_wait3A_115 = tpu.memref_squeeze %dma_wait3A_114 : memref<1x128xi32, #tpu.memory_space<vmem>> -> memref<128xi32, #tpu.memory_space<vmem>>
    %dma_wait3A_116 = arith.constant 0 : i32
    %dma_wait3A_117 = arith.constant 0 : i32
    %dma_wait3A_118 = tpu.memref_slice %arg19[%dma_wait3A_116, %dma_wait3A_117] : memref<10112x64xf32, #tpu.memory_space<vmem_shared>> -> memref<10112x64xf32, #tpu.memory_space<vmem_shared>>
    tpu.wait_indirect_dma semaphore(%arg13 : memref<!tpu.dma_semaphore, #tpu.memory_space<semaphore_mem>>) src(%dma_wait3A_118 : memref<10112x64xf32, #tpu.memory_space<vmem_shared>>) dst(%arg10 : memref<128x64xf32, #tpu.memory_space<vmem>>)
    %dma_start3A_119 = arith.constant 79 : i32
    %dma_start3A_120 = arith.constant 0 : i32
    %dma_start3A_121 = tpu.memref_slice %arg8[%dma_start3A_119, %dma_start3A_120] : memref<80x128xi32, #tpu.memory_space<vmem>> -> memref<1x128xi32, #tpu.memory_space<vmem>>
    %dma_start3A_122 = tpu.memref_squeeze %dma_start3A_121 : memref<1x128xi32, #tpu.memory_space<vmem>> -> memref<128xi32, #tpu.memory_space<vmem>>
    %dma_start3A_123 = arith.constant 0 : i32
    %dma_start3A_124 = arith.constant 0 : i32
    %dma_start3A_125 = tpu.memref_slice %arg18[%dma_start3A_123, %dma_start3A_124] : memref<10112x64xf32, #tpu.memory_space<vmem_shared>> -> memref<10112x64xf32, #tpu.memory_space<vmem_shared>>
    tpu.enqueue_indirect_dma source(%arg10 : memref<128x64xf32, #tpu.memory_space<vmem>>) target(%dma_start3A_125 : memref<10112x64xf32, #tpu.memory_space<vmem_shared>>) offsets(%dma_start3A_122 : memref<128xi32, #tpu.memory_space<vmem>>) semaphore(%arg16 : memref<!tpu.dma_semaphore, #tpu.memory_space<semaphore_mem>>) {add = true}
    %dma_wait3A_126 = arith.constant 77 : i32
    %dma_wait3A_127 = arith.constant 0 : i32
    %dma_wait3A_128 = tpu.memref_slice %arg8[%dma_wait3A_126, %dma_wait3A_127] : memref<80x128xi32, #tpu.memory_space<vmem>> -> memref<1x128xi32, #tpu.memory_space<vmem>>
    %dma_wait3A_129 = tpu.memref_squeeze %dma_wait3A_128 : memref<1x128xi32, #tpu.memory_space<vmem>> -> memref<128xi32, #tpu.memory_space<vmem>>
    %dma_wait3A_130 = arith.constant 0 : i32
    %dma_wait3A_131 = arith.constant 0 : i32
    %dma_wait3A_132 = tpu.memref_slice %arg18[%dma_wait3A_130, %dma_wait3A_131] : memref<10112x64xf32, #tpu.memory_space<vmem_shared>> -> memref<10112x64xf32, #tpu.memory_space<vmem_shared>>
    tpu.wait_indirect_dma semaphore(%arg17 : memref<!tpu.dma_semaphore, #tpu.memory_space<semaphore_mem>>) src(%arg11 : memref<128x64xf32, #tpu.memory_space<vmem>>) dst(%dma_wait3A_132 : memref<10112x64xf32, #tpu.memory_space<vmem_shared>>)
    %dma_wait3A_133 = arith.constant 78 : i32
    %dma_wait3A_134 = arith.constant 0 : i32
    %dma_wait3A_135 = tpu.memref_slice %arg8[%dma_wait3A_133, %dma_wait3A_134] : memref<80x128xi32, #tpu.memory_space<vmem>> -> memref<1x128xi32, #tpu.memory_space<vmem>>
    %dma_wait3A_136 = tpu.memref_squeeze %dma_wait3A_135 : memref<1x128xi32, #tpu.memory_space<vmem>> -> memref<128xi32, #tpu.memory_space<vmem>>
    %dma_wait3A_137 = arith.constant 0 : i32
    %dma_wait3A_138 = arith.constant 0 : i32
    %dma_wait3A_139 = tpu.memref_slice %arg18[%dma_wait3A_137, %dma_wait3A_138] : memref<10112x64xf32, #tpu.memory_space<vmem_shared>> -> memref<10112x64xf32, #tpu.memory_space<vmem_shared>>
    tpu.wait_indirect_dma semaphore(%arg15 : memref<!tpu.dma_semaphore, #tpu.memory_space<semaphore_mem>>) src(%arg9 : memref<128x64xf32, #tpu.memory_space<vmem>>) dst(%dma_wait3A_139 : memref<10112x64xf32, #tpu.memory_space<vmem_shared>>)
    %dma_wait3A_140 = arith.constant 79 : i32
    %dma_wait3A_141 = arith.constant 0 : i32
    %dma_wait3A_142 = tpu.memref_slice %arg8[%dma_wait3A_140, %dma_wait3A_141] : memref<80x128xi32, #tpu.memory_space<vmem>> -> memref<1x128xi32, #tpu.memory_space<vmem>>
    %dma_wait3A_143 = tpu.memref_squeeze %dma_wait3A_142 : memref<1x128xi32, #tpu.memory_space<vmem>> -> memref<128xi32, #tpu.memory_space<vmem>>
    %dma_wait3A_144 = arith.constant 0 : i32
    %dma_wait3A_145 = arith.constant 0 : i32
    %dma_wait3A_146 = tpu.memref_slice %arg18[%dma_wait3A_144, %dma_wait3A_145] : memref<10112x64xf32, #tpu.memory_space<vmem_shared>> -> memref<10112x64xf32, #tpu.memory_space<vmem_shared>>
    tpu.wait_indirect_dma semaphore(%arg16 : memref<!tpu.dma_semaphore, #tpu.memory_space<semaphore_mem>>) src(%arg10 : memref<128x64xf32, #tpu.memory_space<vmem>>) dst(%dma_wait3A_146 : memref<10112x64xf32, #tpu.memory_space<vmem_shared>>)
    %barrier3A_147 = arith.constant 0 : index
    tpu.barrier barrier_id(%barrier3A_147)
    "tpu.region"() ({
      %run_scoped3A = tpu.sem_alloc : memref<!tpu.dma_semaphore, #tpu.memory_space<semaphore_mem>>
      %dma_start3A_297 = arith.constant 0 : i32
      %dma_start3A_298 = tpu.memref_slice %arg6[%arg0, %mul3A_2, %dma_start3A_297] : memref<2x10112x128xf32, #tpu.memory_space<hbm>> -> memref<1x632x64xf32, #tpu.memory_space<hbm>>
      %dma_start3A_299 = tpu.memref_squeeze %dma_start3A_298 : memref<1x632x64xf32, #tpu.memory_space<hbm>> -> memref<632x64xf32, #tpu.memory_space<hbm>>
      %dma_start3A_300 = arith.constant 0 : i32
      %dma_start3A_301 = tpu.memref_slice %arg18[%mul3A_2, %dma_start3A_300] : memref<10112x64xf32, #tpu.memory_space<vmem_shared>> -> memref<632x64xf32, #tpu.memory_space<vmem_shared>>
      tpu.enqueue_dma source(%dma_start3A_301 : memref<632x64xf32, #tpu.memory_space<vmem_shared>>) target(%dma_start3A_299 : memref<632x64xf32, #tpu.memory_space<hbm>>) target_semaphore(%run_scoped3A : memref<!tpu.dma_semaphore, #tpu.memory_space<semaphore_mem>>)
      %dma_wait3A_302 = arith.constant 0 : i32
      %dma_wait3A_303 = tpu.memref_slice %arg6[%arg0, %mul3A_2, %dma_wait3A_302] : memref<2x10112x128xf32, #tpu.memory_space<hbm>> -> memref<1x632x64xf32, #tpu.memory_space<hbm>>
      %dma_wait3A_304 = tpu.memref_squeeze %dma_wait3A_303 : memref<1x632x64xf32, #tpu.memory_space<hbm>> -> memref<632x64xf32, #tpu.memory_space<hbm>>
      %dma_wait3A_305 = arith.constant 0 : i32
      %dma_wait3A_306 = tpu.memref_slice %arg18[%mul3A_2, %dma_wait3A_305] : memref<10112x64xf32, #tpu.memory_space<vmem_shared>> -> memref<632x64xf32, #tpu.memory_space<vmem_shared>>
      tpu.wait_dma2 semaphore(%run_scoped3A : memref<!tpu.dma_semaphore, #tpu.memory_space<semaphore_mem>>) src(%dma_wait3A_306 : memref<632x64xf32, #tpu.memory_space<vmem_shared>>) dst(%dma_wait3A_304 : memref<632x64xf32, #tpu.memory_space<hbm>>)
      tpu.yield
    }) : () -> ()
    "tpu.region"() ({
      %run_scoped3A = tpu.sem_alloc : memref<!tpu.dma_semaphore, #tpu.memory_space<semaphore_mem>>
      %dma_start3A_297 = arith.constant 0 : i32
      %dma_start3A_298 = tpu.memref_slice %arg18[%mul3A_2, %dma_start3A_297] : memref<10112x64xf32, #tpu.memory_space<vmem_shared>> -> memref<632x64xf32, #tpu.memory_space<vmem_shared>>
      tpu.enqueue_dma source(%arg5 : memref<632x64xf32, #tpu.memory_space<hbm>>) target(%dma_start3A_298 : memref<632x64xf32, #tpu.memory_space<vmem_shared>>) target_semaphore(%run_scoped3A : memref<!tpu.dma_semaphore, #tpu.memory_space<semaphore_mem>>)
      %dma_wait3A_299 = arith.constant 0 : i32
      %dma_wait3A_300 = tpu.memref_slice %arg18[%mul3A_2, %dma_wait3A_299] : memref<10112x64xf32, #tpu.memory_space<vmem_shared>> -> memref<632x64xf32, #tpu.memory_space<vmem_shared>>
      tpu.wait_dma2 semaphore(%run_scoped3A : memref<!tpu.dma_semaphore, #tpu.memory_space<semaphore_mem>>) src(%arg5 : memref<632x64xf32, #tpu.memory_space<hbm>>) dst(%dma_wait3A_300 : memref<632x64xf32, #tpu.memory_space<vmem_shared>>)
      tpu.yield
    }) : () -> ()
    "tpu.region"() ({
      %run_scoped3A = tpu.sem_alloc : memref<!tpu.dma_semaphore, #tpu.memory_space<semaphore_mem>>
      %dma_start3A_297 = arith.constant 0 : i32
      %dma_start3A_298 = tpu.memref_slice %arg19[%mul3A_2, %dma_start3A_297] : memref<10112x64xf32, #tpu.memory_space<vmem_shared>> -> memref<632x64xf32, #tpu.memory_space<vmem_shared>>
      %dma_start3A_299 = arith.constant 64 : i32
      %dma_start3A_300 = tpu.memref_slice %arg2[%mul3A_2, %dma_start3A_299] : memref<10112x128xf32, #tpu.memory_space<hbm>> -> memref<632x64xf32, #tpu.memory_space<hbm>>
      tpu.enqueue_dma source(%dma_start3A_300 : memref<632x64xf32, #tpu.memory_space<hbm>>) target(%dma_start3A_298 : memref<632x64xf32, #tpu.memory_space<vmem_shared>>) target_semaphore(%run_scoped3A : memref<!tpu.dma_semaphore, #tpu.memory_space<semaphore_mem>>)
      %dma_wait3A_301 = arith.constant 0 : i32
      %dma_wait3A_302 = tpu.memref_slice %arg19[%mul3A_2, %dma_wait3A_301] : memref<10112x64xf32, #tpu.memory_space<vmem_shared>> -> memref<632x64xf32, #tpu.memory_space<vmem_shared>>
      %dma_wait3A_303 = arith.constant 64 : i32
      %dma_wait3A_304 = tpu.memref_slice %arg2[%mul3A_2, %dma_wait3A_303] : memref<10112x128xf32, #tpu.memory_space<hbm>> -> memref<632x64xf32, #tpu.memory_space<hbm>>
      tpu.wait_dma2 semaphore(%run_scoped3A : memref<!tpu.dma_semaphore, #tpu.memory_space<semaphore_mem>>) src(%dma_wait3A_304 : memref<632x64xf32, #tpu.memory_space<hbm>>) dst(%dma_wait3A_302 : memref<632x64xf32, #tpu.memory_space<vmem_shared>>)
      tpu.yield
    }) : () -> ()
    %barrier3A_148 = arith.constant 0 : index
    tpu.barrier barrier_id(%barrier3A_148)
    %dma_start3A_149 = arith.constant 0 : i32
    %dma_start3A_150 = arith.constant 0 : i32
    %dma_start3A_151 = tpu.memref_slice %arg7[%dma_start3A_149, %dma_start3A_150] : memref<80x128xi32, #tpu.memory_space<vmem>> -> memref<1x128xi32, #tpu.memory_space<vmem>>
    %dma_start3A_152 = tpu.memref_squeeze %dma_start3A_151 : memref<1x128xi32, #tpu.memory_space<vmem>> -> memref<128xi32, #tpu.memory_space<vmem>>
    %dma_start3A_153 = arith.constant 0 : i32
    %dma_start3A_154 = arith.constant 0 : i32
    %dma_start3A_155 = tpu.memref_slice %arg19[%dma_start3A_153, %dma_start3A_154] : memref<10112x64xf32, #tpu.memory_space<vmem_shared>> -> memref<10112x64xf32, #tpu.memory_space<vmem_shared>>
    tpu.enqueue_indirect_dma source(%dma_start3A_155 : memref<10112x64xf32, #tpu.memory_space<vmem_shared>>) target(%arg9 : memref<128x64xf32, #tpu.memory_space<vmem>>) offsets(%dma_start3A_152 : memref<128xi32, #tpu.memory_space<vmem>>) semaphore(%arg12 : memref<!tpu.dma_semaphore, #tpu.memory_space<semaphore_mem>>)
    %dma_start3A_156 = arith.constant 1 : i32
    %dma_start3A_157 = arith.constant 0 : i32
    %dma_start3A_158 = tpu.memref_slice %arg7[%dma_start3A_156, %dma_start3A_157] : memref<80x128xi32, #tpu.memory_space<vmem>> -> memref<1x128xi32, #tpu.memory_space<vmem>>
    %dma_start3A_159 = tpu.memref_squeeze %dma_start3A_158 : memref<1x128xi32, #tpu.memory_space<vmem>> -> memref<128xi32, #tpu.memory_space<vmem>>
    %dma_start3A_160 = arith.constant 0 : i32
    %dma_start3A_161 = arith.constant 0 : i32
    %dma_start3A_162 = tpu.memref_slice %arg19[%dma_start3A_160, %dma_start3A_161] : memref<10112x64xf32, #tpu.memory_space<vmem_shared>> -> memref<10112x64xf32, #tpu.memory_space<vmem_shared>>
    tpu.enqueue_indirect_dma source(%dma_start3A_162 : memref<10112x64xf32, #tpu.memory_space<vmem_shared>>) target(%arg10 : memref<128x64xf32, #tpu.memory_space<vmem>>) offsets(%dma_start3A_159 : memref<128xi32, #tpu.memory_space<vmem>>) semaphore(%arg13 : memref<!tpu.dma_semaphore, #tpu.memory_space<semaphore_mem>>)
    %dma_start3A_163 = arith.constant 2 : i32
    %dma_start3A_164 = arith.constant 0 : i32
    %dma_start3A_165 = tpu.memref_slice %arg7[%dma_start3A_163, %dma_start3A_164] : memref<80x128xi32, #tpu.memory_space<vmem>> -> memref<1x128xi32, #tpu.memory_space<vmem>>
    %dma_start3A_166 = tpu.memref_squeeze %dma_start3A_165 : memref<1x128xi32, #tpu.memory_space<vmem>> -> memref<128xi32, #tpu.memory_space<vmem>>
    %dma_start3A_167 = arith.constant 0 : i32
    %dma_start3A_168 = arith.constant 0 : i32
    %dma_start3A_169 = tpu.memref_slice %arg19[%dma_start3A_167, %dma_start3A_168] : memref<10112x64xf32, #tpu.memory_space<vmem_shared>> -> memref<10112x64xf32, #tpu.memory_space<vmem_shared>>
    tpu.enqueue_indirect_dma source(%dma_start3A_169 : memref<10112x64xf32, #tpu.memory_space<vmem_shared>>) target(%arg11 : memref<128x64xf32, #tpu.memory_space<vmem>>) offsets(%dma_start3A_166 : memref<128xi32, #tpu.memory_space<vmem>>) semaphore(%arg14 : memref<!tpu.dma_semaphore, #tpu.memory_space<semaphore_mem>>)
    %scan3A_170 = arith.constant 0 : i32
    %scan3A_171 = arith.constant 0 : i32
    %scan3A_172 = arith.constant 25 : i32
    %scan3A_173 = arith.addi %scan3A_171, %scan3A_172 : i32
    %scan3A_174 = arith.constant 1 : i32
    %scan3A_175 = scf.for %scan3A_297 = %scan3A_171 to %scan3A_173 step %scan3A_174 iter_args(%scan3A_298 = %scan3A_170) -> (i32)  : i32 {
      %mul3A_299 = arith.constant 3 : i32
      %mul3A_300 = arith.muli %scan3A_297, %mul3A_299 : i32
      %add3A_301 = arith.constant 0 : i32
      %add3A_302 = arith.addi %mul3A_300, %add3A_301 : i32
      %dma_wait3A_303 = arith.constant 0 : i32
      %dma_wait3A_304 = tpu.memref_slice %arg7[%add3A_302, %dma_wait3A_303] : memref<80x128xi32, #tpu.memory_space<vmem>> -> memref<1x128xi32, #tpu.memory_space<vmem>>
      %dma_wait3A_305 = tpu.memref_squeeze %dma_wait3A_304 : memref<1x128xi32, #tpu.memory_space<vmem>> -> memref<128xi32, #tpu.memory_space<vmem>>
      %dma_wait3A_306 = arith.constant 0 : i32
      %dma_wait3A_307 = arith.constant 0 : i32
      %dma_wait3A_308 = tpu.memref_slice %arg19[%dma_wait3A_306, %dma_wait3A_307] : memref<10112x64xf32, #tpu.memory_space<vmem_shared>> -> memref<10112x64xf32, #tpu.memory_space<vmem_shared>>
      tpu.wait_indirect_dma semaphore(%arg12 : memref<!tpu.dma_semaphore, #tpu.memory_space<semaphore_mem>>) src(%dma_wait3A_308 : memref<10112x64xf32, #tpu.memory_space<vmem_shared>>) dst(%arg9 : memref<128x64xf32, #tpu.memory_space<vmem>>)
      %add3A_309 = arith.constant 0 : i32
      %add3A_310 = arith.addi %mul3A_300, %add3A_309 : i32
      %dma_start3A_311 = arith.constant 0 : i32
      %dma_start3A_312 = tpu.memref_slice %arg8[%add3A_310, %dma_start3A_311] : memref<80x128xi32, #tpu.memory_space<vmem>> -> memref<1x128xi32, #tpu.memory_space<vmem>>
      %dma_start3A_313 = tpu.memref_squeeze %dma_start3A_312 : memref<1x128xi32, #tpu.memory_space<vmem>> -> memref<128xi32, #tpu.memory_space<vmem>>
      %dma_start3A_314 = arith.constant 0 : i32
      %dma_start3A_315 = arith.constant 0 : i32
      %dma_start3A_316 = tpu.memref_slice %arg18[%dma_start3A_314, %dma_start3A_315] : memref<10112x64xf32, #tpu.memory_space<vmem_shared>> -> memref<10112x64xf32, #tpu.memory_space<vmem_shared>>
      tpu.enqueue_indirect_dma source(%arg9 : memref<128x64xf32, #tpu.memory_space<vmem>>) target(%dma_start3A_316 : memref<10112x64xf32, #tpu.memory_space<vmem_shared>>) offsets(%dma_start3A_313 : memref<128xi32, #tpu.memory_space<vmem>>) semaphore(%arg15 : memref<!tpu.dma_semaphore, #tpu.memory_space<semaphore_mem>>) {add = true}
      %add3A_317 = arith.constant 1 : i32
      %add3A_318 = arith.addi %mul3A_300, %add3A_317 : i32
      %dma_wait3A_319 = arith.constant 0 : i32
      %dma_wait3A_320 = tpu.memref_slice %arg7[%add3A_318, %dma_wait3A_319] : memref<80x128xi32, #tpu.memory_space<vmem>> -> memref<1x128xi32, #tpu.memory_space<vmem>>
      %dma_wait3A_321 = tpu.memref_squeeze %dma_wait3A_320 : memref<1x128xi32, #tpu.memory_space<vmem>> -> memref<128xi32, #tpu.memory_space<vmem>>
      %dma_wait3A_322 = arith.constant 0 : i32
      %dma_wait3A_323 = arith.constant 0 : i32
      %dma_wait3A_324 = tpu.memref_slice %arg19[%dma_wait3A_322, %dma_wait3A_323] : memref<10112x64xf32, #tpu.memory_space<vmem_shared>> -> memref<10112x64xf32, #tpu.memory_space<vmem_shared>>
      tpu.wait_indirect_dma semaphore(%arg13 : memref<!tpu.dma_semaphore, #tpu.memory_space<semaphore_mem>>) src(%dma_wait3A_324 : memref<10112x64xf32, #tpu.memory_space<vmem_shared>>) dst(%arg10 : memref<128x64xf32, #tpu.memory_space<vmem>>)
      %add3A_325 = arith.constant 1 : i32
      %add3A_326 = arith.addi %mul3A_300, %add3A_325 : i32
      %dma_start3A_327 = arith.constant 0 : i32
      %dma_start3A_328 = tpu.memref_slice %arg8[%add3A_326, %dma_start3A_327] : memref<80x128xi32, #tpu.memory_space<vmem>> -> memref<1x128xi32, #tpu.memory_space<vmem>>
      %dma_start3A_329 = tpu.memref_squeeze %dma_start3A_328 : memref<1x128xi32, #tpu.memory_space<vmem>> -> memref<128xi32, #tpu.memory_space<vmem>>
      %dma_start3A_330 = arith.constant 0 : i32
      %dma_start3A_331 = arith.constant 0 : i32
      %dma_start3A_332 = tpu.memref_slice %arg18[%dma_start3A_330, %dma_start3A_331] : memref<10112x64xf32, #tpu.memory_space<vmem_shared>> -> memref<10112x64xf32, #tpu.memory_space<vmem_shared>>
      tpu.enqueue_indirect_dma source(%arg10 : memref<128x64xf32, #tpu.memory_space<vmem>>) target(%dma_start3A_332 : memref<10112x64xf32, #tpu.memory_space<vmem_shared>>) offsets(%dma_start3A_329 : memref<128xi32, #tpu.memory_space<vmem>>) semaphore(%arg16 : memref<!tpu.dma_semaphore, #tpu.memory_space<semaphore_mem>>) {add = true}
      %add3A_333 = arith.constant 2 : i32
      %add3A_334 = arith.addi %mul3A_300, %add3A_333 : i32
      %dma_wait3A_335 = arith.constant 0 : i32
      %dma_wait3A_336 = tpu.memref_slice %arg7[%add3A_334, %dma_wait3A_335] : memref<80x128xi32, #tpu.memory_space<vmem>> -> memref<1x128xi32, #tpu.memory_space<vmem>>
      %dma_wait3A_337 = tpu.memref_squeeze %dma_wait3A_336 : memref<1x128xi32, #tpu.memory_space<vmem>> -> memref<128xi32, #tpu.memory_space<vmem>>
      %dma_wait3A_338 = arith.constant 0 : i32
      %dma_wait3A_339 = arith.constant 0 : i32
      %dma_wait3A_340 = tpu.memref_slice %arg19[%dma_wait3A_338, %dma_wait3A_339] : memref<10112x64xf32, #tpu.memory_space<vmem_shared>> -> memref<10112x64xf32, #tpu.memory_space<vmem_shared>>
      tpu.wait_indirect_dma semaphore(%arg14 : memref<!tpu.dma_semaphore, #tpu.memory_space<semaphore_mem>>) src(%dma_wait3A_340 : memref<10112x64xf32, #tpu.memory_space<vmem_shared>>) dst(%arg11 : memref<128x64xf32, #tpu.memory_space<vmem>>)
      %add3A_341 = arith.constant 2 : i32
      %add3A_342 = arith.addi %mul3A_300, %add3A_341 : i32
      %dma_start3A_343 = arith.constant 0 : i32
      %dma_start3A_344 = tpu.memref_slice %arg8[%add3A_342, %dma_start3A_343] : memref<80x128xi32, #tpu.memory_space<vmem>> -> memref<1x128xi32, #tpu.memory_space<vmem>>
      %dma_start3A_345 = tpu.memref_squeeze %dma_start3A_344 : memref<1x128xi32, #tpu.memory_space<vmem>> -> memref<128xi32, #tpu.memory_space<vmem>>
      %dma_start3A_346 = arith.constant 0 : i32
      %dma_start3A_347 = arith.constant 0 : i32
      %dma_start3A_348 = tpu.memref_slice %arg18[%dma_start3A_346, %dma_start3A_347] : memref<10112x64xf32, #tpu.memory_space<vmem_shared>> -> memref<10112x64xf32, #tpu.memory_space<vmem_shared>>
      tpu.enqueue_indirect_dma source(%arg11 : memref<128x64xf32, #tpu.memory_space<vmem>>) target(%dma_start3A_348 : memref<10112x64xf32, #tpu.memory_space<vmem_shared>>) offsets(%dma_start3A_345 : memref<128xi32, #tpu.memory_space<vmem>>) semaphore(%arg17 : memref<!tpu.dma_semaphore, #tpu.memory_space<semaphore_mem>>) {add = true}
      %add3A_349 = arith.constant 0 : i32
      %add3A_350 = arith.addi %mul3A_300, %add3A_349 : i32
      %dma_wait3A_351 = arith.constant 0 : i32
      %dma_wait3A_352 = tpu.memref_slice %arg8[%add3A_350, %dma_wait3A_351] : memref<80x128xi32, #tpu.memory_space<vmem>> -> memref<1x128xi32, #tpu.memory_space<vmem>>
      %dma_wait3A_353 = tpu.memref_squeeze %dma_wait3A_352 : memref<1x128xi32, #tpu.memory_space<vmem>> -> memref<128xi32, #tpu.memory_space<vmem>>
      %dma_wait3A_354 = arith.constant 0 : i32
      %dma_wait3A_355 = arith.constant 0 : i32
      %dma_wait3A_356 = tpu.memref_slice %arg18[%dma_wait3A_354, %dma_wait3A_355] : memref<10112x64xf32, #tpu.memory_space<vmem_shared>> -> memref<10112x64xf32, #tpu.memory_space<vmem_shared>>
      tpu.wait_indirect_dma semaphore(%arg15 : memref<!tpu.dma_semaphore, #tpu.memory_space<semaphore_mem>>) src(%arg9 : memref<128x64xf32, #tpu.memory_space<vmem>>) dst(%dma_wait3A_356 : memref<10112x64xf32, #tpu.memory_space<vmem_shared>>)
      %add3A_357 = arith.constant 3 : i32
      %add3A_358 = arith.addi %mul3A_300, %add3A_357 : i32
      %add3A_359 = arith.constant 0 : i32
      %add3A_360 = arith.addi %add3A_358, %add3A_359 : i32
      %dma_start3A_361 = arith.constant 0 : i32
      %dma_start3A_362 = tpu.memref_slice %arg7[%add3A_360, %dma_start3A_361] : memref<80x128xi32, #tpu.memory_space<vmem>> -> memref<1x128xi32, #tpu.memory_space<vmem>>
      %dma_start3A_363 = tpu.memref_squeeze %dma_start3A_362 : memref<1x128xi32, #tpu.memory_space<vmem>> -> memref<128xi32, #tpu.memory_space<vmem>>
      %dma_start3A_364 = arith.constant 0 : i32
      %dma_start3A_365 = arith.constant 0 : i32
      %dma_start3A_366 = tpu.memref_slice %arg19[%dma_start3A_364, %dma_start3A_365] : memref<10112x64xf32, #tpu.memory_space<vmem_shared>> -> memref<10112x64xf32, #tpu.memory_space<vmem_shared>>
      tpu.enqueue_indirect_dma source(%dma_start3A_366 : memref<10112x64xf32, #tpu.memory_space<vmem_shared>>) target(%arg9 : memref<128x64xf32, #tpu.memory_space<vmem>>) offsets(%dma_start3A_363 : memref<128xi32, #tpu.memory_space<vmem>>) semaphore(%arg12 : memref<!tpu.dma_semaphore, #tpu.memory_space<semaphore_mem>>)
      %add3A_367 = arith.constant 1 : i32
      %add3A_368 = arith.addi %mul3A_300, %add3A_367 : i32
      %dma_wait3A_369 = arith.constant 0 : i32
      %dma_wait3A_370 = tpu.memref_slice %arg8[%add3A_368, %dma_wait3A_369] : memref<80x128xi32, #tpu.memory_space<vmem>> -> memref<1x128xi32, #tpu.memory_space<vmem>>
      %dma_wait3A_371 = tpu.memref_squeeze %dma_wait3A_370 : memref<1x128xi32, #tpu.memory_space<vmem>> -> memref<128xi32, #tpu.memory_space<vmem>>
      %dma_wait3A_372 = arith.constant 0 : i32
      %dma_wait3A_373 = arith.constant 0 : i32
      %dma_wait3A_374 = tpu.memref_slice %arg18[%dma_wait3A_372, %dma_wait3A_373] : memref<10112x64xf32, #tpu.memory_space<vmem_shared>> -> memref<10112x64xf32, #tpu.memory_space<vmem_shared>>
      tpu.wait_indirect_dma semaphore(%arg16 : memref<!tpu.dma_semaphore, #tpu.memory_space<semaphore_mem>>) src(%arg10 : memref<128x64xf32, #tpu.memory_space<vmem>>) dst(%dma_wait3A_374 : memref<10112x64xf32, #tpu.memory_space<vmem_shared>>)
      %add3A_375 = arith.constant 3 : i32
      %add3A_376 = arith.addi %mul3A_300, %add3A_375 : i32
      %add3A_377 = arith.constant 1 : i32
      %add3A_378 = arith.addi %add3A_376, %add3A_377 : i32
      %dma_start3A_379 = arith.constant 0 : i32
      %dma_start3A_380 = tpu.memref_slice %arg7[%add3A_378, %dma_start3A_379] : memref<80x128xi32, #tpu.memory_space<vmem>> -> memref<1x128xi32, #tpu.memory_space<vmem>>
      %dma_start3A_381 = tpu.memref_squeeze %dma_start3A_380 : memref<1x128xi32, #tpu.memory_space<vmem>> -> memref<128xi32, #tpu.memory_space<vmem>>
      %dma_start3A_382 = arith.constant 0 : i32
      %dma_start3A_383 = arith.constant 0 : i32
      %dma_start3A_384 = tpu.memref_slice %arg19[%dma_start3A_382, %dma_start3A_383] : memref<10112x64xf32, #tpu.memory_space<vmem_shared>> -> memref<10112x64xf32, #tpu.memory_space<vmem_shared>>
      tpu.enqueue_indirect_dma source(%dma_start3A_384 : memref<10112x64xf32, #tpu.memory_space<vmem_shared>>) target(%arg10 : memref<128x64xf32, #tpu.memory_space<vmem>>) offsets(%dma_start3A_381 : memref<128xi32, #tpu.memory_space<vmem>>) semaphore(%arg13 : memref<!tpu.dma_semaphore, #tpu.memory_space<semaphore_mem>>)
      %add3A_385 = arith.constant 2 : i32
      %add3A_386 = arith.addi %mul3A_300, %add3A_385 : i32
      %dma_wait3A_387 = arith.constant 0 : i32
      %dma_wait3A_388 = tpu.memref_slice %arg8[%add3A_386, %dma_wait3A_387] : memref<80x128xi32, #tpu.memory_space<vmem>> -> memref<1x128xi32, #tpu.memory_space<vmem>>
      %dma_wait3A_389 = tpu.memref_squeeze %dma_wait3A_388 : memref<1x128xi32, #tpu.memory_space<vmem>> -> memref<128xi32, #tpu.memory_space<vmem>>
      %dma_wait3A_390 = arith.constant 0 : i32
      %dma_wait3A_391 = arith.constant 0 : i32
      %dma_wait3A_392 = tpu.memref_slice %arg18[%dma_wait3A_390, %dma_wait3A_391] : memref<10112x64xf32, #tpu.memory_space<vmem_shared>> -> memref<10112x64xf32, #tpu.memory_space<vmem_shared>>
      tpu.wait_indirect_dma semaphore(%arg17 : memref<!tpu.dma_semaphore, #tpu.memory_space<semaphore_mem>>) src(%arg11 : memref<128x64xf32, #tpu.memory_space<vmem>>) dst(%dma_wait3A_392 : memref<10112x64xf32, #tpu.memory_space<vmem_shared>>)
      %add3A_393 = arith.constant 3 : i32
      %add3A_394 = arith.addi %mul3A_300, %add3A_393 : i32
      %add3A_395 = arith.constant 2 : i32
      %add3A_396 = arith.addi %add3A_394, %add3A_395 : i32
      %dma_start3A_397 = arith.constant 0 : i32
      %dma_start3A_398 = tpu.memref_slice %arg7[%add3A_396, %dma_start3A_397] : memref<80x128xi32, #tpu.memory_space<vmem>> -> memref<1x128xi32, #tpu.memory_space<vmem>>
      %dma_start3A_399 = tpu.memref_squeeze %dma_start3A_398 : memref<1x128xi32, #tpu.memory_space<vmem>> -> memref<128xi32, #tpu.memory_space<vmem>>
      %dma_start3A_400 = arith.constant 0 : i32
      %dma_start3A_401 = arith.constant 0 : i32
      %dma_start3A_402 = tpu.memref_slice %arg19[%dma_start3A_400, %dma_start3A_401] : memref<10112x64xf32, #tpu.memory_space<vmem_shared>> -> memref<10112x64xf32, #tpu.memory_space<vmem_shared>>
      tpu.enqueue_indirect_dma source(%dma_start3A_402 : memref<10112x64xf32, #tpu.memory_space<vmem_shared>>) target(%arg11 : memref<128x64xf32, #tpu.memory_space<vmem>>) offsets(%dma_start3A_399 : memref<128xi32, #tpu.memory_space<vmem>>) semaphore(%arg14 : memref<!tpu.dma_semaphore, #tpu.memory_space<semaphore_mem>>)
      %scan3A_403 = arith.constant 0 : i32
      scf.yield %scan3A_403 : i32
    }
    %scan3A_176 = arith.constant 25 : i32
    %dma_wait3A_177 = arith.constant 75 : i32
    %dma_wait3A_178 = arith.constant 0 : i32
    %dma_wait3A_179 = tpu.memref_slice %arg7[%dma_wait3A_177, %dma_wait3A_178] : memref<80x128xi32, #tpu.memory_space<vmem>> -> memref<1x128xi32, #tpu.memory_space<vmem>>
    %dma_wait3A_180 = tpu.memref_squeeze %dma_wait3A_179 : memref<1x128xi32, #tpu.memory_space<vmem>> -> memref<128xi32, #tpu.memory_space<vmem>>
    %dma_wait3A_181 = arith.constant 0 : i32
    %dma_wait3A_182 = arith.constant 0 : i32
    %dma_wait3A_183 = tpu.memref_slice %arg19[%dma_wait3A_181, %dma_wait3A_182] : memref<10112x64xf32, #tpu.memory_space<vmem_shared>> -> memref<10112x64xf32, #tpu.memory_space<vmem_shared>>
    tpu.wait_indirect_dma semaphore(%arg12 : memref<!tpu.dma_semaphore, #tpu.memory_space<semaphore_mem>>) src(%dma_wait3A_183 : memref<10112x64xf32, #tpu.memory_space<vmem_shared>>) dst(%arg9 : memref<128x64xf32, #tpu.memory_space<vmem>>)
    %dma_start3A_184 = arith.constant 75 : i32
    %dma_start3A_185 = arith.constant 0 : i32
    %dma_start3A_186 = tpu.memref_slice %arg8[%dma_start3A_184, %dma_start3A_185] : memref<80x128xi32, #tpu.memory_space<vmem>> -> memref<1x128xi32, #tpu.memory_space<vmem>>
    %dma_start3A_187 = tpu.memref_squeeze %dma_start3A_186 : memref<1x128xi32, #tpu.memory_space<vmem>> -> memref<128xi32, #tpu.memory_space<vmem>>
    %dma_start3A_188 = arith.constant 0 : i32
    %dma_start3A_189 = arith.constant 0 : i32
    %dma_start3A_190 = tpu.memref_slice %arg18[%dma_start3A_188, %dma_start3A_189] : memref<10112x64xf32, #tpu.memory_space<vmem_shared>> -> memref<10112x64xf32, #tpu.memory_space<vmem_shared>>
    tpu.enqueue_indirect_dma source(%arg9 : memref<128x64xf32, #tpu.memory_space<vmem>>) target(%dma_start3A_190 : memref<10112x64xf32, #tpu.memory_space<vmem_shared>>) offsets(%dma_start3A_187 : memref<128xi32, #tpu.memory_space<vmem>>) semaphore(%arg15 : memref<!tpu.dma_semaphore, #tpu.memory_space<semaphore_mem>>) {add = true}
    %dma_wait3A_191 = arith.constant 75 : i32
    %dma_wait3A_192 = arith.constant 0 : i32
    %dma_wait3A_193 = tpu.memref_slice %arg8[%dma_wait3A_191, %dma_wait3A_192] : memref<80x128xi32, #tpu.memory_space<vmem>> -> memref<1x128xi32, #tpu.memory_space<vmem>>
    %dma_wait3A_194 = tpu.memref_squeeze %dma_wait3A_193 : memref<1x128xi32, #tpu.memory_space<vmem>> -> memref<128xi32, #tpu.memory_space<vmem>>
    %dma_wait3A_195 = arith.constant 0 : i32
    %dma_wait3A_196 = arith.constant 0 : i32
    %dma_wait3A_197 = tpu.memref_slice %arg18[%dma_wait3A_195, %dma_wait3A_196] : memref<10112x64xf32, #tpu.memory_space<vmem_shared>> -> memref<10112x64xf32, #tpu.memory_space<vmem_shared>>
    tpu.wait_indirect_dma semaphore(%arg15 : memref<!tpu.dma_semaphore, #tpu.memory_space<semaphore_mem>>) src(%arg9 : memref<128x64xf32, #tpu.memory_space<vmem>>) dst(%dma_wait3A_197 : memref<10112x64xf32, #tpu.memory_space<vmem_shared>>)
    %dma_start3A_198 = arith.constant 78 : i32
    %dma_start3A_199 = arith.constant 0 : i32
    %dma_start3A_200 = tpu.memref_slice %arg7[%dma_start3A_198, %dma_start3A_199] : memref<80x128xi32, #tpu.memory_space<vmem>> -> memref<1x128xi32, #tpu.memory_space<vmem>>
    %dma_start3A_201 = tpu.memref_squeeze %dma_start3A_200 : memref<1x128xi32, #tpu.memory_space<vmem>> -> memref<128xi32, #tpu.memory_space<vmem>>
    %dma_start3A_202 = arith.constant 0 : i32
    %dma_start3A_203 = arith.constant 0 : i32
    %dma_start3A_204 = tpu.memref_slice %arg19[%dma_start3A_202, %dma_start3A_203] : memref<10112x64xf32, #tpu.memory_space<vmem_shared>> -> memref<10112x64xf32, #tpu.memory_space<vmem_shared>>
    tpu.enqueue_indirect_dma source(%dma_start3A_204 : memref<10112x64xf32, #tpu.memory_space<vmem_shared>>) target(%arg9 : memref<128x64xf32, #tpu.memory_space<vmem>>) offsets(%dma_start3A_201 : memref<128xi32, #tpu.memory_space<vmem>>) semaphore(%arg12 : memref<!tpu.dma_semaphore, #tpu.memory_space<semaphore_mem>>)
    %dma_wait3A_205 = arith.constant 76 : i32
    %dma_wait3A_206 = arith.constant 0 : i32
    %dma_wait3A_207 = tpu.memref_slice %arg7[%dma_wait3A_205, %dma_wait3A_206] : memref<80x128xi32, #tpu.memory_space<vmem>> -> memref<1x128xi32, #tpu.memory_space<vmem>>
    %dma_wait3A_208 = tpu.memref_squeeze %dma_wait3A_207 : memref<1x128xi32, #tpu.memory_space<vmem>> -> memref<128xi32, #tpu.memory_space<vmem>>
    %dma_wait3A_209 = arith.constant 0 : i32
    %dma_wait3A_210 = arith.constant 0 : i32
    %dma_wait3A_211 = tpu.memref_slice %arg19[%dma_wait3A_209, %dma_wait3A_210] : memref<10112x64xf32, #tpu.memory_space<vmem_shared>> -> memref<10112x64xf32, #tpu.memory_space<vmem_shared>>
    tpu.wait_indirect_dma semaphore(%arg13 : memref<!tpu.dma_semaphore, #tpu.memory_space<semaphore_mem>>) src(%dma_wait3A_211 : memref<10112x64xf32, #tpu.memory_space<vmem_shared>>) dst(%arg10 : memref<128x64xf32, #tpu.memory_space<vmem>>)
    %dma_start3A_212 = arith.constant 76 : i32
    %dma_start3A_213 = arith.constant 0 : i32
    %dma_start3A_214 = tpu.memref_slice %arg8[%dma_start3A_212, %dma_start3A_213] : memref<80x128xi32, #tpu.memory_space<vmem>> -> memref<1x128xi32, #tpu.memory_space<vmem>>
    %dma_start3A_215 = tpu.memref_squeeze %dma_start3A_214 : memref<1x128xi32, #tpu.memory_space<vmem>> -> memref<128xi32, #tpu.memory_space<vmem>>
    %dma_start3A_216 = arith.constant 0 : i32
    %dma_start3A_217 = arith.constant 0 : i32
    %dma_start3A_218 = tpu.memref_slice %arg18[%dma_start3A_216, %dma_start3A_217] : memref<10112x64xf32, #tpu.memory_space<vmem_shared>> -> memref<10112x64xf32, #tpu.memory_space<vmem_shared>>
    tpu.enqueue_indirect_dma source(%arg10 : memref<128x64xf32, #tpu.memory_space<vmem>>) target(%dma_start3A_218 : memref<10112x64xf32, #tpu.memory_space<vmem_shared>>) offsets(%dma_start3A_215 : memref<128xi32, #tpu.memory_space<vmem>>) semaphore(%arg16 : memref<!tpu.dma_semaphore, #tpu.memory_space<semaphore_mem>>) {add = true}
    %dma_wait3A_219 = arith.constant 76 : i32
    %dma_wait3A_220 = arith.constant 0 : i32
    %dma_wait3A_221 = tpu.memref_slice %arg8[%dma_wait3A_219, %dma_wait3A_220] : memref<80x128xi32, #tpu.memory_space<vmem>> -> memref<1x128xi32, #tpu.memory_space<vmem>>
    %dma_wait3A_222 = tpu.memref_squeeze %dma_wait3A_221 : memref<1x128xi32, #tpu.memory_space<vmem>> -> memref<128xi32, #tpu.memory_space<vmem>>
    %dma_wait3A_223 = arith.constant 0 : i32
    %dma_wait3A_224 = arith.constant 0 : i32
    %dma_wait3A_225 = tpu.memref_slice %arg18[%dma_wait3A_223, %dma_wait3A_224] : memref<10112x64xf32, #tpu.memory_space<vmem_shared>> -> memref<10112x64xf32, #tpu.memory_space<vmem_shared>>
    tpu.wait_indirect_dma semaphore(%arg16 : memref<!tpu.dma_semaphore, #tpu.memory_space<semaphore_mem>>) src(%arg10 : memref<128x64xf32, #tpu.memory_space<vmem>>) dst(%dma_wait3A_225 : memref<10112x64xf32, #tpu.memory_space<vmem_shared>>)
    %dma_start3A_226 = arith.constant 79 : i32
    %dma_start3A_227 = arith.constant 0 : i32
    %dma_start3A_228 = tpu.memref_slice %arg7[%dma_start3A_226, %dma_start3A_227] : memref<80x128xi32, #tpu.memory_space<vmem>> -> memref<1x128xi32, #tpu.memory_space<vmem>>
    %dma_start3A_229 = tpu.memref_squeeze %dma_start3A_228 : memref<1x128xi32, #tpu.memory_space<vmem>> -> memref<128xi32, #tpu.memory_space<vmem>>
    %dma_start3A_230 = arith.constant 0 : i32
    %dma_start3A_231 = arith.constant 0 : i32
    %dma_start3A_232 = tpu.memref_slice %arg19[%dma_start3A_230, %dma_start3A_231] : memref<10112x64xf32, #tpu.memory_space<vmem_shared>> -> memref<10112x64xf32, #tpu.memory_space<vmem_shared>>
    tpu.enqueue_indirect_dma source(%dma_start3A_232 : memref<10112x64xf32, #tpu.memory_space<vmem_shared>>) target(%arg10 : memref<128x64xf32, #tpu.memory_space<vmem>>) offsets(%dma_start3A_229 : memref<128xi32, #tpu.memory_space<vmem>>) semaphore(%arg13 : memref<!tpu.dma_semaphore, #tpu.memory_space<semaphore_mem>>)
    %dma_wait3A_233 = arith.constant 77 : i32
    %dma_wait3A_234 = arith.constant 0 : i32
    %dma_wait3A_235 = tpu.memref_slice %arg7[%dma_wait3A_233, %dma_wait3A_234] : memref<80x128xi32, #tpu.memory_space<vmem>> -> memref<1x128xi32, #tpu.memory_space<vmem>>
    %dma_wait3A_236 = tpu.memref_squeeze %dma_wait3A_235 : memref<1x128xi32, #tpu.memory_space<vmem>> -> memref<128xi32, #tpu.memory_space<vmem>>
    %dma_wait3A_237 = arith.constant 0 : i32
    %dma_wait3A_238 = arith.constant 0 : i32
    %dma_wait3A_239 = tpu.memref_slice %arg19[%dma_wait3A_237, %dma_wait3A_238] : memref<10112x64xf32, #tpu.memory_space<vmem_shared>> -> memref<10112x64xf32, #tpu.memory_space<vmem_shared>>
    tpu.wait_indirect_dma semaphore(%arg14 : memref<!tpu.dma_semaphore, #tpu.memory_space<semaphore_mem>>) src(%dma_wait3A_239 : memref<10112x64xf32, #tpu.memory_space<vmem_shared>>) dst(%arg11 : memref<128x64xf32, #tpu.memory_space<vmem>>)
    %dma_start3A_240 = arith.constant 77 : i32
    %dma_start3A_241 = arith.constant 0 : i32
    %dma_start3A_242 = tpu.memref_slice %arg8[%dma_start3A_240, %dma_start3A_241] : memref<80x128xi32, #tpu.memory_space<vmem>> -> memref<1x128xi32, #tpu.memory_space<vmem>>
    %dma_start3A_243 = tpu.memref_squeeze %dma_start3A_242 : memref<1x128xi32, #tpu.memory_space<vmem>> -> memref<128xi32, #tpu.memory_space<vmem>>
    %dma_start3A_244 = arith.constant 0 : i32
    %dma_start3A_245 = arith.constant 0 : i32
    %dma_start3A_246 = tpu.memref_slice %arg18[%dma_start3A_244, %dma_start3A_245] : memref<10112x64xf32, #tpu.memory_space<vmem_shared>> -> memref<10112x64xf32, #tpu.memory_space<vmem_shared>>
    tpu.enqueue_indirect_dma source(%arg11 : memref<128x64xf32, #tpu.memory_space<vmem>>) target(%dma_start3A_246 : memref<10112x64xf32, #tpu.memory_space<vmem_shared>>) offsets(%dma_start3A_243 : memref<128xi32, #tpu.memory_space<vmem>>) semaphore(%arg17 : memref<!tpu.dma_semaphore, #tpu.memory_space<semaphore_mem>>) {add = true}
    %dma_wait3A_247 = arith.constant 78 : i32
    %dma_wait3A_248 = arith.constant 0 : i32
    %dma_wait3A_249 = tpu.memref_slice %arg7[%dma_wait3A_247, %dma_wait3A_248] : memref<80x128xi32, #tpu.memory_space<vmem>> -> memref<1x128xi32, #tpu.memory_space<vmem>>
    %dma_wait3A_250 = tpu.memref_squeeze %dma_wait3A_249 : memref<1x128xi32, #tpu.memory_space<vmem>> -> memref<128xi32, #tpu.memory_space<vmem>>
    %dma_wait3A_251 = arith.constant 0 : i32
    %dma_wait3A_252 = arith.constant 0 : i32
    %dma_wait3A_253 = tpu.memref_slice %arg19[%dma_wait3A_251, %dma_wait3A_252] : memref<10112x64xf32, #tpu.memory_space<vmem_shared>> -> memref<10112x64xf32, #tpu.memory_space<vmem_shared>>
    tpu.wait_indirect_dma semaphore(%arg12 : memref<!tpu.dma_semaphore, #tpu.memory_space<semaphore_mem>>) src(%dma_wait3A_253 : memref<10112x64xf32, #tpu.memory_space<vmem_shared>>) dst(%arg9 : memref<128x64xf32, #tpu.memory_space<vmem>>)
    %dma_start3A_254 = arith.constant 78 : i32
    %dma_start3A_255 = arith.constant 0 : i32
    %dma_start3A_256 = tpu.memref_slice %arg8[%dma_start3A_254, %dma_start3A_255] : memref<80x128xi32, #tpu.memory_space<vmem>> -> memref<1x128xi32, #tpu.memory_space<vmem>>
    %dma_start3A_257 = tpu.memref_squeeze %dma_start3A_256 : memref<1x128xi32, #tpu.memory_space<vmem>> -> memref<128xi32, #tpu.memory_space<vmem>>
    %dma_start3A_258 = arith.constant 0 : i32
    %dma_start3A_259 = arith.constant 0 : i32
    %dma_start3A_260 = tpu.memref_slice %arg18[%dma_start3A_258, %dma_start3A_259] : memref<10112x64xf32, #tpu.memory_space<vmem_shared>> -> memref<10112x64xf32, #tpu.memory_space<vmem_shared>>
    tpu.enqueue_indirect_dma source(%arg9 : memref<128x64xf32, #tpu.memory_space<vmem>>) target(%dma_start3A_260 : memref<10112x64xf32, #tpu.memory_space<vmem_shared>>) offsets(%dma_start3A_257 : memref<128xi32, #tpu.memory_space<vmem>>) semaphore(%arg15 : memref<!tpu.dma_semaphore, #tpu.memory_space<semaphore_mem>>) {add = true}
    %dma_wait3A_261 = arith.constant 79 : i32
    %dma_wait3A_262 = arith.constant 0 : i32
    %dma_wait3A_263 = tpu.memref_slice %arg7[%dma_wait3A_261, %dma_wait3A_262] : memref<80x128xi32, #tpu.memory_space<vmem>> -> memref<1x128xi32, #tpu.memory_space<vmem>>
    %dma_wait3A_264 = tpu.memref_squeeze %dma_wait3A_263 : memref<1x128xi32, #tpu.memory_space<vmem>> -> memref<128xi32, #tpu.memory_space<vmem>>
    %dma_wait3A_265 = arith.constant 0 : i32
    %dma_wait3A_266 = arith.constant 0 : i32
    %dma_wait3A_267 = tpu.memref_slice %arg19[%dma_wait3A_265, %dma_wait3A_266] : memref<10112x64xf32, #tpu.memory_space<vmem_shared>> -> memref<10112x64xf32, #tpu.memory_space<vmem_shared>>
    tpu.wait_indirect_dma semaphore(%arg13 : memref<!tpu.dma_semaphore, #tpu.memory_space<semaphore_mem>>) src(%dma_wait3A_267 : memref<10112x64xf32, #tpu.memory_space<vmem_shared>>) dst(%arg10 : memref<128x64xf32, #tpu.memory_space<vmem>>)
    %dma_start3A_268 = arith.constant 79 : i32
    %dma_start3A_269 = arith.constant 0 : i32
    %dma_start3A_270 = tpu.memref_slice %arg8[%dma_start3A_268, %dma_start3A_269] : memref<80x128xi32, #tpu.memory_space<vmem>> -> memref<1x128xi32, #tpu.memory_space<vmem>>
    %dma_start3A_271 = tpu.memref_squeeze %dma_start3A_270 : memref<1x128xi32, #tpu.memory_space<vmem>> -> memref<128xi32, #tpu.memory_space<vmem>>
    %dma_start3A_272 = arith.constant 0 : i32
    %dma_start3A_273 = arith.constant 0 : i32
    %dma_start3A_274 = tpu.memref_slice %arg18[%dma_start3A_272, %dma_start3A_273] : memref<10112x64xf32, #tpu.memory_space<vmem_shared>> -> memref<10112x64xf32, #tpu.memory_space<vmem_shared>>
    tpu.enqueue_indirect_dma source(%arg10 : memref<128x64xf32, #tpu.memory_space<vmem>>) target(%dma_start3A_274 : memref<10112x64xf32, #tpu.memory_space<vmem_shared>>) offsets(%dma_start3A_271 : memref<128xi32, #tpu.memory_space<vmem>>) semaphore(%arg16 : memref<!tpu.dma_semaphore, #tpu.memory_space<semaphore_mem>>) {add = true}
    %dma_wait3A_275 = arith.constant 77 : i32
    %dma_wait3A_276 = arith.constant 0 : i32
    %dma_wait3A_277 = tpu.memref_slice %arg8[%dma_wait3A_275, %dma_wait3A_276] : memref<80x128xi32, #tpu.memory_space<vmem>> -> memref<1x128xi32, #tpu.memory_space<vmem>>
    %dma_wait3A_278 = tpu.memref_squeeze %dma_wait3A_277 : memref<1x128xi32, #tpu.memory_space<vmem>> -> memref<128xi32, #tpu.memory_space<vmem>>
    %dma_wait3A_279 = arith.constant 0 : i32
    %dma_wait3A_280 = arith.constant 0 : i32
    %dma_wait3A_281 = tpu.memref_slice %arg18[%dma_wait3A_279, %dma_wait3A_280] : memref<10112x64xf32, #tpu.memory_space<vmem_shared>> -> memref<10112x64xf32, #tpu.memory_space<vmem_shared>>
    tpu.wait_indirect_dma semaphore(%arg17 : memref<!tpu.dma_semaphore, #tpu.memory_space<semaphore_mem>>) src(%arg11 : memref<128x64xf32, #tpu.memory_space<vmem>>) dst(%dma_wait3A_281 : memref<10112x64xf32, #tpu.memory_space<vmem_shared>>)
    %dma_wait3A_282 = arith.constant 78 : i32
    %dma_wait3A_283 = arith.constant 0 : i32
    %dma_wait3A_284 = tpu.memref_slice %arg8[%dma_wait3A_282, %dma_wait3A_283] : memref<80x128xi32, #tpu.memory_space<vmem>> -> memref<1x128xi32, #tpu.memory_space<vmem>>
    %dma_wait3A_285 = tpu.memref_squeeze %dma_wait3A_284 : memref<1x128xi32, #tpu.memory_space<vmem>> -> memref<128xi32, #tpu.memory_space<vmem>>
    %dma_wait3A_286 = arith.constant 0 : i32
    %dma_wait3A_287 = arith.constant 0 : i32
    %dma_wait3A_288 = tpu.memref_slice %arg18[%dma_wait3A_286, %dma_wait3A_287] : memref<10112x64xf32, #tpu.memory_space<vmem_shared>> -> memref<10112x64xf32, #tpu.memory_space<vmem_shared>>
    tpu.wait_indirect_dma semaphore(%arg15 : memref<!tpu.dma_semaphore, #tpu.memory_space<semaphore_mem>>) src(%arg9 : memref<128x64xf32, #tpu.memory_space<vmem>>) dst(%dma_wait3A_288 : memref<10112x64xf32, #tpu.memory_space<vmem_shared>>)
    %dma_wait3A_289 = arith.constant 79 : i32
    %dma_wait3A_290 = arith.constant 0 : i32
    %dma_wait3A_291 = tpu.memref_slice %arg8[%dma_wait3A_289, %dma_wait3A_290] : memref<80x128xi32, #tpu.memory_space<vmem>> -> memref<1x128xi32, #tpu.memory_space<vmem>>
    %dma_wait3A_292 = tpu.memref_squeeze %dma_wait3A_291 : memref<1x128xi32, #tpu.memory_space<vmem>> -> memref<128xi32, #tpu.memory_space<vmem>>
    %dma_wait3A_293 = arith.constant 0 : i32
    %dma_wait3A_294 = arith.constant 0 : i32
    %dma_wait3A_295 = tpu.memref_slice %arg18[%dma_wait3A_293, %dma_wait3A_294] : memref<10112x64xf32, #tpu.memory_space<vmem_shared>> -> memref<10112x64xf32, #tpu.memory_space<vmem_shared>>
    tpu.wait_indirect_dma semaphore(%arg16 : memref<!tpu.dma_semaphore, #tpu.memory_space<semaphore_mem>>) src(%arg10 : memref<128x64xf32, #tpu.memory_space<vmem>>) dst(%dma_wait3A_295 : memref<10112x64xf32, #tpu.memory_space<vmem_shared>>)
    %barrier3A_296 = arith.constant 0 : index
    tpu.barrier barrier_id(%barrier3A_296)
    "tpu.region"() ({
      %run_scoped3A = tpu.sem_alloc : memref<!tpu.dma_semaphore, #tpu.memory_space<semaphore_mem>>
      %dma_start3A_297 = arith.constant 64 : i32
      %dma_start3A_298 = tpu.memref_slice %arg6[%arg0, %mul3A_2, %dma_start3A_297] : memref<2x10112x128xf32, #tpu.memory_space<hbm>> -> memref<1x632x64xf32, #tpu.memory_space<hbm>>
      %dma_start3A_299 = tpu.memref_squeeze %dma_start3A_298 : memref<1x632x64xf32, #tpu.memory_space<hbm>> -> memref<632x64xf32, #tpu.memory_space<hbm>>
      %dma_start3A_300 = arith.constant 0 : i32
      %dma_start3A_301 = tpu.memref_slice %arg18[%mul3A_2, %dma_start3A_300] : memref<10112x64xf32, #tpu.memory_space<vmem_shared>> -> memref<632x64xf32, #tpu.memory_space<vmem_shared>>
      tpu.enqueue_dma source(%dma_start3A_301 : memref<632x64xf32, #tpu.memory_space<vmem_shared>>) target(%dma_start3A_299 : memref<632x64xf32, #tpu.memory_space<hbm>>) target_semaphore(%run_scoped3A : memref<!tpu.dma_semaphore, #tpu.memory_space<semaphore_mem>>)
      %dma_wait3A_302 = arith.constant 64 : i32
      %dma_wait3A_303 = tpu.memref_slice %arg6[%arg0, %mul3A_2, %dma_wait3A_302] : memref<2x10112x128xf32, #tpu.memory_space<hbm>> -> memref<1x632x64xf32, #tpu.memory_space<hbm>>
      %dma_wait3A_304 = tpu.memref_squeeze %dma_wait3A_303 : memref<1x632x64xf32, #tpu.memory_space<hbm>> -> memref<632x64xf32, #tpu.memory_space<hbm>>
      %dma_wait3A_305 = arith.constant 0 : i32
      %dma_wait3A_306 = tpu.memref_slice %arg18[%mul3A_2, %dma_wait3A_305] : memref<10112x64xf32, #tpu.memory_space<vmem_shared>> -> memref<632x64xf32, #tpu.memory_space<vmem_shared>>
      tpu.wait_dma2 semaphore(%run_scoped3A : memref<!tpu.dma_semaphore, #tpu.memory_space<semaphore_mem>>) src(%dma_wait3A_306 : memref<632x64xf32, #tpu.memory_space<vmem_shared>>) dst(%dma_wait3A_304 : memref<632x64xf32, #tpu.memory_space<hbm>>)
      tpu.yield
    }) : () -> ()
    return
  }
}

module attributes {stable_mosaic.version = 14 : i64} {
  func.func @body(%arg0: memref<32x10112xf32, #tpu.memory_space<vmem>>, %arg1: memref<1x10112xf32, #tpu.memory_space<vmem>>) attributes {dimension_semantics = [], scalar_prefetch = 0 : i64, scratch_operands = 0 : i64, tpu.core_type = #tpu.core_type<tc>} {
    %get3A = arith.constant 0 : index
    %get3A_0 = arith.constant 0 : index
    %get3A_1 = vector.load %arg0[%get3A, %get3A_0] : memref<32x10112xf32, #tpu.memory_space<vmem>>, vector<32x10112xf32>
    %reduce_sum3A = arith.constant dense<0.000000e+00> : vector<10112xf32>
    %reduce_sum3A_2 = vector.multi_reduction <add>, %get3A_1, %reduce_sum3A [0] : vector<32x10112xf32> to vector<10112xf32>
    %broadcast_in_dim3A = vector.shape_cast %reduce_sum3A_2 : vector<10112xf32> to vector<1x10112xf32>
    %add3A = arith.constant 1.000000e+00 : f32
    %add3A_3 = vector.broadcast %add3A : f32 to vector<1x10112xf32>
    %add3A_4 = arith.addf %broadcast_in_dim3A, %add3A_3 : vector<1x10112xf32>
    %swap3A = arith.constant 0 : index
    %swap3A_5 = arith.constant 0 : index
    %swap3A_6 = vector.load %arg1[%swap3A, %swap3A_5] : memref<1x10112xf32, #tpu.memory_space<vmem>>, vector<1x10112xf32>
    tpu.vector_store %arg1[%swap3A, %swap3A_5], %add3A_4 {strides = array<i32>} : memref<1x10112xf32, #tpu.memory_space<vmem>>, vector<1x10112xf32>,
    return
  }
}

module attributes {stable_mosaic.version = 14 : i64} {
  func.func @body(%arg0: i32, %arg1: memref<632x128xf32, #tpu.memory_space<vmem>>, %arg2: memref<128x128xf32, #tpu.memory_space<vmem>>, %arg3: memref<632x1xf32, #tpu.memory_space<vmem>>, %arg4: memref<632x128xf32, #tpu.memory_space<vmem>>) attributes {dimension_semantics = [#tpu.dimension_semantics<arbitrary>], iteration_bounds = array<i64: 16>, scalar_prefetch = 0 : i64, scratch_operands = 0 : i64, tpu.core_type = #tpu.core_type<tc>, window_params = [{transform_indices = @transform_0, window_bounds = array<i64: 632, 128>}, {pipeline_mode = #tpu.pipeline_mode<synchronous>, transform_indices = @transform_1, window_bounds = array<i64: 128, 128>}, {transform_indices = @transform_2, window_bounds = array<i64: 632, 1>}, {transform_indices = @transform_3, window_bounds = array<i64: 632, 128>}]} {
    %get3A = arith.constant 0 : index
    %get3A_0 = arith.constant 0 : index
    %get3A_1 = vector.load %arg1[%get3A, %get3A_0] : memref<632x128xf32, #tpu.memory_space<vmem>>, vector<632x128xf32>
    %get3A_2 = arith.constant 0 : index
    %get3A_3 = arith.constant 0 : index
    %get3A_4 = vector.load %arg2[%get3A_2, %get3A_3] : memref<128x128xf32, #tpu.memory_space<vmem>>, vector<128x128xf32>
    %dot_general3A = arith.constant dense<0.000000e+00> : vector<632x128xf32>
    %dot_general3A_5 = tpu.matmul %get3A_1, %get3A_4, %dot_general3A {dimension_numbers = #tpu.dot_dimension_numbers<[1], [0], [0], [1], [0, 0, 1, 1], [], []>, transpose_lhs_hint = false} : vector<632x128xf32>, vector<128x128xf32>, vector<632x128xf32> -> vector<632x128xf32>
    %get3A_6 = arith.constant 0 : index
    %get3A_7 = arith.constant 0 : index
    %get3A_8 = vector.load %arg3[%get3A_6, %get3A_7] : memref<632x1xf32, #tpu.memory_space<vmem>>, vector<632x1xf32>
    %rsqrt3A = math.rsqrt %get3A_8 : vector<632x1xf32>
    %mul3A = vector.broadcast %rsqrt3A : vector<632x1xf32> to vector<632x128xf32>
    %mul3A_9 = arith.mulf %dot_general3A_5, %mul3A : vector<632x128xf32>
    %swap3A = arith.constant 0 : index
    %swap3A_10 = arith.constant 0 : index
    %swap3A_11 = vector.load %arg4[%swap3A, %swap3A_10] : memref<632x128xf32, #tpu.memory_space<vmem>>, vector<632x128xf32>
    tpu.vector_store %arg4[%swap3A, %swap3A_10], %mul3A_9 {strides = array<i32>} : memref<632x128xf32, #tpu.memory_space<vmem>>, vector<632x128xf32>,
    return
  }
  func.func @transform_0(%arg0: i32) -> (i32, i32) {
    %c0_i32 = arith.constant 0 : i32
    %c0_i32_0 = arith.constant 0 : i32
    return %arg0, %c0_i32 : i32, i32
  }
  func.func @transform_1(%arg0: i32) -> (i32, i32) {
    %c0_i32 = arith.constant 0 : i32
    %c0_i32_0 = arith.constant 0 : i32
    %c0_i32_1 = arith.constant 0 : i32
    return %c0_i32, %c0_i32_0 : i32, i32
  }
  func.func @transform_2(%arg0: i32) -> (i32, i32) {
    %c0_i32 = arith.constant 0 : i32
    %c0_i32_0 = arith.constant 0 : i32
    return %arg0, %c0_i32 : i32, i32
  }
  func.func @transform_3(%arg0: i32) -> (i32, i32) {
    %c0_i32 = arith.constant 0 : i32
    %c0_i32_0 = arith.constant 0 : i32
    return %arg0, %c0_i32 : i32, i32
  }
}

module attributes {stable_mosaic.version = 14 : i64} {
  func.func @body(%arg0: i32, %arg1: memref<2x632x128xf32, #tpu.memory_space<vmem>>, %arg2: memref<632x128xf32, #tpu.memory_space<vmem>>, %arg3: memref<632x1xf32, #tpu.memory_space<vmem>>, %arg4: memref<1x128xf32, #tpu.memory_space<vmem>>, %arg5: memref<632x128xf32, #tpu.memory_space<vmem>>, %arg6: memref<2x128xf32, #tpu.memory_space<vmem>>, %arg7: memref<2x128xf32, #tpu.memory_space<vmem>>) attributes {dimension_semantics = [#tpu.dimension_semantics<arbitrary>], iteration_bounds = array<i64: 16>, scalar_prefetch = 0 : i64, scratch_operands = 1 : i64, tpu.core_type = #tpu.core_type<tc>, window_params = [{transform_indices = @transform_0, window_bounds = array<i64: 2, 632, 128>}, {transform_indices = @transform_1, window_bounds = array<i64: 632, 128>}, {transform_indices = @transform_2, window_bounds = array<i64: 632, 1>}, {pipeline_mode = #tpu.pipeline_mode<synchronous>, transform_indices = @transform_3, window_bounds = array<i64: 1, 128>}, {transform_indices = @transform_4, window_bounds = array<i64: 632, 128>}, {pipeline_mode = #tpu.pipeline_mode<synchronous>, transform_indices = @transform_5, window_bounds = array<i64: 2, 128>}]} {
    %get3A = arith.constant 0 : index
    %get3A_0 = arith.constant 0 : index
    %get3A_1 = arith.constant 0 : index
    %get3A_2 = vector.load %arg1[%get3A, %get3A_0, %get3A_1] : memref<2x632x128xf32, #tpu.memory_space<vmem>>, vector<1x632x128xf32>
    %get3A_3 = vector.shape_cast %get3A_2 : vector<1x632x128xf32> to vector<632x128xf32>
    %get3A_4 = arith.constant 1 : index
    %get3A_5 = arith.constant 0 : index
    %get3A_6 = arith.constant 0 : index
    %get3A_7 = vector.load %arg1[%get3A_4, %get3A_5, %get3A_6] : memref<2x632x128xf32, #tpu.memory_space<vmem>>, vector<1x632x128xf32>
    %get3A_8 = vector.shape_cast %get3A_7 : vector<1x632x128xf32> to vector<632x128xf32>
    %add3A = arith.addf %get3A_3, %get3A_8 : vector<632x128xf32>
    %get3A_9 = arith.constant 0 : index
    %get3A_10 = arith.constant 0 : index
    %get3A_11 = vector.load %arg2[%get3A_9, %get3A_10] : memref<632x128xf32, #tpu.memory_space<vmem>>, vector<632x128xf32>
    %add3A_12 = arith.addf %add3A, %get3A_11 : vector<632x128xf32>
    %get3A_13 = arith.constant 0 : index
    %get3A_14 = arith.constant 0 : index
    %get3A_15 = vector.load %arg3[%get3A_13, %get3A_14] : memref<632x1xf32, #tpu.memory_space<vmem>>, vector<632x1xf32>
    %rsqrt3A = math.rsqrt %get3A_15 : vector<632x1xf32>
    %mul3A = vector.broadcast %rsqrt3A : vector<632x1xf32> to vector<632x128xf32>
    %mul3A_16 = arith.mulf %mul3A, %add3A_12 : vector<632x128xf32>
    %get3A_17 = arith.constant 0 : index
    %get3A_18 = arith.constant 0 : index
    %get3A_19 = vector.load %arg4[%get3A_17, %get3A_18] : memref<1x128xf32, #tpu.memory_space<vmem>>, vector<1x128xf32>
    %add3A_20 = vector.broadcast %get3A_19 : vector<1x128xf32> to vector<632x128xf32>
    %add3A_21 = arith.addf %mul3A_16, %add3A_20 : vector<632x128xf32>
    %mul3A_22 = arith.constant 632 : i32
    %mul3A_23 = arith.muli %arg0, %mul3A_22 : i32
    %iota3A = tpu.iota {dimensions = array<i32: 0>} : vector<632x128xi32>
    %add3A_24 = vector.broadcast %mul3A_23 : i32 to vector<632x128xi32>
    %add3A_25 = arith.addi %add3A_24, %iota3A : vector<632x128xi32>
    %lt3A = arith.constant 10000 : i32
    %lt3A_26 = vector.broadcast %lt3A : i32 to vector<632x128xi32>
    %lt3A_27 = arith.cmpi slt, %add3A_25, %lt3A_26 : vector<632x128xi32>
    %jit3A = arith.constant 0.000000e+00 : f32
    %broadcast_in_dim3A = vector.broadcast %jit3A : f32 to vector<632x128xf32>
    %select_n3A = arith.select %lt3A_27, %add3A_21, %broadcast_in_dim3A : vector<632x128xi1>, vector<632x128xf32>
    %swap3A = arith.constant 0 : index
    %swap3A_28 = arith.constant 0 : index
    %swap3A_29 = vector.load %arg5[%swap3A, %swap3A_28] : memref<632x128xf32, #tpu.memory_space<vmem>>, vector<632x128xf32>
    tpu.vector_store %arg5[%swap3A, %swap3A_28], %select_n3A {strides = array<i32>} : memref<632x128xf32, #tpu.memory_space<vmem>>, vector<632x128xf32>,
    %eq3A = arith.constant 0 : i32
    %eq3A_30 = arith.cmpi eq, %arg0, %eq3A : i32
    %convert_element_type3A = arith.extui %eq3A_30 : i1 to i32
    %cond3A = arith.constant 0 : i32
    %cond3A_31 = arith.cmpi ne, %convert_element_type3A, %cond3A : i32
    scf.if %cond3A_31 {
      %broadcast_in_dim3A_50 = arith.constant 0.000000e+00 : f32
      %broadcast_in_dim3A_51 = vector.broadcast %broadcast_in_dim3A_50 : f32 to vector<2x128xf32>
      %swap3A_52 = arith.constant 0 : index
      %swap3A_53 = arith.constant 0 : index
      %swap3A_54 = vector.load %arg7[%swap3A_52, %swap3A_53] : memref<2x128xf32, #tpu.memory_space<vmem>>, vector<2x128xf32>
      tpu.vector_store %arg7[%swap3A_52, %swap3A_53], %broadcast_in_dim3A_51 {strides = array<i32>} : memref<2x128xf32, #tpu.memory_space<vmem>>, vector<2x128xf32>,
    } else {
    }
    %reduce_sum3A = arith.constant dense<0.000000e+00> : vector<128xf32>
    %reduce_sum3A_32 = vector.multi_reduction <add>, %select_n3A, %reduce_sum3A [0] : vector<632x128xf32> to vector<128xf32>
    %broadcast_in_dim3A_33 = vector.shape_cast %reduce_sum3A_32 : vector<128xf32> to vector<1x128xf32>
    %mul3A_34 = arith.mulf %select_n3A, %select_n3A : vector<632x128xf32>
    %reduce_sum3A_35 = arith.constant dense<0.000000e+00> : vector<128xf32>
    %reduce_sum3A_36 = vector.multi_reduction <add>, %mul3A_34, %reduce_sum3A_35 [0] : vector<632x128xf32> to vector<128xf32>
    %broadcast_in_dim3A_37 = vector.shape_cast %reduce_sum3A_36 : vector<128xf32> to vector<1x128xf32>
    %concatenate3A = tpu.concatenate %broadcast_in_dim3A_33, %broadcast_in_dim3A_37 in 0 : vector<1x128xf32>, vector<1x128xf32> -> vector<2x128xf32>
    %get3A_38 = arith.constant 0 : index
    %get3A_39 = arith.constant 0 : index
    %get3A_40 = vector.load %arg7[%get3A_38, %get3A_39] : memref<2x128xf32, #tpu.memory_space<vmem>>, vector<2x128xf32>
    %add3A_41 = arith.addf %get3A_40, %concatenate3A : vector<2x128xf32>
    %swap3A_42 = arith.constant 0 : index
    %swap3A_43 = arith.constant 0 : index
    %swap3A_44 = vector.load %arg7[%swap3A_42, %swap3A_43] : memref<2x128xf32, #tpu.memory_space<vmem>>, vector<2x128xf32>
    tpu.vector_store %arg7[%swap3A_42, %swap3A_43], %add3A_41 {strides = array<i32>} : memref<2x128xf32, #tpu.memory_space<vmem>>, vector<2x128xf32>,
    %eq3A_45 = arith.constant 15 : i32
    %eq3A_46 = arith.cmpi eq, %arg0, %eq3A_45 : i32
    %convert_element_type3A_47 = arith.extui %eq3A_46 : i1 to i32
    %cond3A_48 = arith.constant 0 : i32
    %cond3A_49 = arith.cmpi ne, %convert_element_type3A_47, %cond3A_48 : i32
    scf.if %cond3A_49 {
      %get3A_50 = arith.constant 0 : index
      %get3A_51 = arith.constant 0 : index
      %get3A_52 = vector.load %arg7[%get3A_50, %get3A_51] : memref<2x128xf32, #tpu.memory_space<vmem>>, vector<2x128xf32>
      %swap3A_53 = arith.constant 0 : index
      %swap3A_54 = arith.constant 0 : index
      %swap3A_55 = vector.load %arg6[%swap3A_53, %swap3A_54] : memref<2x128xf32, #tpu.memory_space<vmem>>, vector<2x128xf32>
      tpu.vector_store %arg6[%swap3A_53, %swap3A_54], %get3A_52 {strides = array<i32>} : memref<2x128xf32, #tpu.memory_space<vmem>>, vector<2x128xf32>,
    } else {
    }
    return
  }
  func.func @transform_0(%arg0: i32) -> (i32, i32, i32) {
    %c0_i32 = arith.constant 0 : i32
    %c0_i32_0 = arith.constant 0 : i32
    %c0_i32_1 = arith.constant 0 : i32
    return %c0_i32, %arg0, %c0_i32_0 : i32, i32, i32
  }
  func.func @transform_1(%arg0: i32) -> (i32, i32) {
    %c0_i32 = arith.constant 0 : i32
    %c0_i32_0 = arith.constant 0 : i32
    return %arg0, %c0_i32 : i32, i32
  }
  func.func @transform_2(%arg0: i32) -> (i32, i32) {
    %c0_i32 = arith.constant 0 : i32
    %c0_i32_0 = arith.constant 0 : i32
    return %arg0, %c0_i32 : i32, i32
  }
  func.func @transform_3(%arg0: i32) -> (i32, i32) {
    %c0_i32 = arith.constant 0 : i32
    %c0_i32_0 = arith.constant 0 : i32
    %c0_i32_1 = arith.constant 0 : i32
    return %c0_i32, %c0_i32_0 : i32, i32
  }
  func.func @transform_4(%arg0: i32) -> (i32, i32) {
    %c0_i32 = arith.constant 0 : i32
    %c0_i32_0 = arith.constant 0 : i32
    return %arg0, %c0_i32 : i32, i32
  }
  func.func @transform_5(%arg0: i32) -> (i32, i32) {
    %c0_i32 = arith.constant 0 : i32
    %c0_i32_0 = arith.constant 0 : i32
    %c0_i32_1 = arith.constant 0 : i32
    return %c0_i32, %c0_i32_0 : i32, i32
  }
}

module attributes {stable_mosaic.version = 14 : i64} {
  func.func @body(%arg0: i32, %arg1: memref<632x128xf32, #tpu.memory_space<vmem>>, %arg2: memref<1x128xf32, #tpu.memory_space<vmem>>, %arg3: memref<1x128xf32, #tpu.memory_space<vmem>>, %arg4: memref<128x128xf32, #tpu.memory_space<vmem>>, %arg5: memref<632x1xf32, #tpu.memory_space<vmem>>, %arg6: memref<632x128xf32, #tpu.memory_space<vmem>>) attributes {dimension_semantics = [#tpu.dimension_semantics<arbitrary>], iteration_bounds = array<i64: 16>, scalar_prefetch = 0 : i64, scratch_operands = 0 : i64, tpu.core_type = #tpu.core_type<tc>, window_params = [{transform_indices = @transform_0, window_bounds = array<i64: 632, 128>}, {pipeline_mode = #tpu.pipeline_mode<synchronous>, transform_indices = @transform_1, window_bounds = array<i64: 1, 128>}, {pipeline_mode = #tpu.pipeline_mode<synchronous>, transform_indices = @transform_2, window_bounds = array<i64: 1, 128>}, {pipeline_mode = #tpu.pipeline_mode<synchronous>, transform_indices = @transform_3, window_bounds = array<i64: 128, 128>}, {transform_indices = @transform_4, window_bounds = array<i64: 632, 1>}, {transform_indices = @transform_5, window_bounds = array<i64: 632, 128>}]} {
    %get3A = arith.constant 0 : index
    %get3A_0 = arith.constant 0 : index
    %get3A_1 = vector.load %arg1[%get3A, %get3A_0] : memref<632x128xf32, #tpu.memory_space<vmem>>, vector<632x128xf32>
    %get3A_2 = arith.constant 0 : index
    %get3A_3 = arith.constant 0 : index
    %get3A_4 = vector.load %arg2[%get3A_2, %get3A_3] : memref<1x128xf32, #tpu.memory_space<vmem>>, vector<1x128xf32>
    %mul3A = vector.broadcast %get3A_4 : vector<1x128xf32> to vector<632x128xf32>
    %mul3A_5 = arith.mulf %get3A_1, %mul3A : vector<632x128xf32>
    %get3A_6 = arith.constant 0 : index
    %get3A_7 = arith.constant 0 : index
    %get3A_8 = vector.load %arg3[%get3A_6, %get3A_7] : memref<1x128xf32, #tpu.memory_space<vmem>>, vector<1x128xf32>
    %add3A = vector.broadcast %get3A_8 : vector<1x128xf32> to vector<632x128xf32>
    %add3A_9 = arith.addf %mul3A_5, %add3A : vector<632x128xf32>
    %max3A = arith.constant 0.000000e+00 : f32
    %max3A_10 = vector.broadcast %max3A : f32 to vector<632x128xf32>
    %max3A_11 = arith.maximumf %add3A_9, %max3A_10 : vector<632x128xf32>
    %get3A_12 = arith.constant 0 : index
    %get3A_13 = arith.constant 0 : index
    %get3A_14 = vector.load %arg4[%get3A_12, %get3A_13] : memref<128x128xf32, #tpu.memory_space<vmem>>, vector<128x128xf32>
    %dot_general3A = arith.constant dense<0.000000e+00> : vector<632x128xf32>
    %dot_general3A_15 = tpu.matmul %max3A_11, %get3A_14, %dot_general3A {dimension_numbers = #tpu.dot_dimension_numbers<[1], [0], [0], [1], [0, 0, 1, 1], [], []>, transpose_lhs_hint = false} : vector<632x128xf32>, vector<128x128xf32>, vector<632x128xf32> -> vector<632x128xf32>
    %get3A_16 = arith.constant 0 : index
    %get3A_17 = arith.constant 0 : index
    %get3A_18 = vector.load %arg5[%get3A_16, %get3A_17] : memref<632x1xf32, #tpu.memory_space<vmem>>, vector<632x1xf32>
    %rsqrt3A = math.rsqrt %get3A_18 : vector<632x1xf32>
    %mul3A_19 = vector.broadcast %rsqrt3A : vector<632x1xf32> to vector<632x128xf32>
    %mul3A_20 = arith.mulf %dot_general3A_15, %mul3A_19 : vector<632x128xf32>
    %swap3A = arith.constant 0 : index
    %swap3A_21 = arith.constant 0 : index
    %swap3A_22 = vector.load %arg6[%swap3A, %swap3A_21] : memref<632x128xf32, #tpu.memory_space<vmem>>, vector<632x128xf32>
    tpu.vector_store %arg6[%swap3A, %swap3A_21], %mul3A_20 {strides = array<i32>} : memref<632x128xf32, #tpu.memory_space<vmem>>, vector<632x128xf32>,
    return
  }
  func.func @transform_0(%arg0: i32) -> (i32, i32) {
    %c0_i32 = arith.constant 0 : i32
    %c0_i32_0 = arith.constant 0 : i32
    return %arg0, %c0_i32 : i32, i32
  }
  func.func @transform_1(%arg0: i32) -> (i32, i32) {
    %c0_i32 = arith.constant 0 : i32
    %c0_i32_0 = arith.constant 0 : i32
    %c0_i32_1 = arith.constant 0 : i32
    return %c0_i32, %c0_i32_0 : i32, i32
  }
  func.func @transform_2(%arg0: i32) -> (i32, i32) {
    %c0_i32 = arith.constant 0 : i32
    %c0_i32_0 = arith.constant 0 : i32
    %c0_i32_1 = arith.constant 0 : i32
    return %c0_i32, %c0_i32_0 : i32, i32
  }
  func.func @transform_3(%arg0: i32) -> (i32, i32) {
    %c0_i32 = arith.constant 0 : i32
    %c0_i32_0 = arith.constant 0 : i32
    %c0_i32_1 = arith.constant 0 : i32
    return %c0_i32, %c0_i32_0 : i32, i32
  }
  func.func @transform_4(%arg0: i32) -> (i32, i32) {
    %c0_i32 = arith.constant 0 : i32
    %c0_i32_0 = arith.constant 0 : i32
    return %arg0, %c0_i32 : i32, i32
  }
  func.func @transform_5(%arg0: i32) -> (i32, i32) {
    %c0_i32 = arith.constant 0 : i32
    %c0_i32_0 = arith.constant 0 : i32
    return %arg0, %c0_i32 : i32, i32
  }
}

module attributes {stable_mosaic.version = 14 : i64} {
  func.func @body(%arg0: i32, %arg1: memref<2x632x128xf32, #tpu.memory_space<vmem>>, %arg2: memref<632x128xf32, #tpu.memory_space<vmem>>, %arg3: memref<632x1xf32, #tpu.memory_space<vmem>>, %arg4: memref<1x128xf32, #tpu.memory_space<vmem>>, %arg5: memref<632x40xf32, #tpu.memory_space<vmem>>) attributes {dimension_semantics = [#tpu.dimension_semantics<arbitrary>], iteration_bounds = array<i64: 16>, scalar_prefetch = 0 : i64, scratch_operands = 0 : i64, tpu.core_type = #tpu.core_type<tc>, window_params = [{transform_indices = @transform_0, window_bounds = array<i64: 2, 632, 128>}, {transform_indices = @transform_1, window_bounds = array<i64: 632, 128>}, {transform_indices = @transform_2, window_bounds = array<i64: 632, 1>}, {pipeline_mode = #tpu.pipeline_mode<synchronous>, transform_indices = @transform_3, window_bounds = array<i64: 1, 128>}, {transform_indices = @transform_4, window_bounds = array<i64: 632, 40>}]} {
    %get3A = arith.constant 0 : index
    %get3A_0 = arith.constant 0 : index
    %get3A_1 = arith.constant 0 : index
    %get3A_2 = vector.load %arg1[%get3A, %get3A_0, %get3A_1] : memref<2x632x128xf32, #tpu.memory_space<vmem>>, vector<1x632x128xf32>
    %get3A_3 = vector.shape_cast %get3A_2 : vector<1x632x128xf32> to vector<632x128xf32>
    %get3A_4 = arith.constant 1 : index
    %get3A_5 = arith.constant 0 : index
    %get3A_6 = arith.constant 0 : index
    %get3A_7 = vector.load %arg1[%get3A_4, %get3A_5, %get3A_6] : memref<2x632x128xf32, #tpu.memory_space<vmem>>, vector<1x632x128xf32>
    %get3A_8 = vector.shape_cast %get3A_7 : vector<1x632x128xf32> to vector<632x128xf32>
    %add3A = arith.addf %get3A_3, %get3A_8 : vector<632x128xf32>
    %get3A_9 = arith.constant 0 : index
    %get3A_10 = arith.constant 0 : index
    %get3A_11 = vector.load %arg2[%get3A_9, %get3A_10] : memref<632x128xf32, #tpu.memory_space<vmem>>, vector<632x128xf32>
    %add3A_12 = arith.addf %add3A, %get3A_11 : vector<632x128xf32>
    %get3A_13 = arith.constant 0 : index
    %get3A_14 = arith.constant 0 : index
    %get3A_15 = vector.load %arg3[%get3A_13, %get3A_14] : memref<632x1xf32, #tpu.memory_space<vmem>>, vector<632x1xf32>
    %rsqrt3A = math.rsqrt %get3A_15 : vector<632x1xf32>
    %mul3A = vector.broadcast %rsqrt3A : vector<632x1xf32> to vector<632x128xf32>
    %mul3A_16 = arith.mulf %mul3A, %add3A_12 : vector<632x128xf32>
    %get3A_17 = arith.constant 0 : index
    %get3A_18 = arith.constant 0 : index
    %get3A_19 = vector.load %arg4[%get3A_17, %get3A_18] : memref<1x128xf32, #tpu.memory_space<vmem>>, vector<1x128xf32>
    %add3A_20 = vector.broadcast %get3A_19 : vector<1x128xf32> to vector<632x128xf32>
    %add3A_21 = arith.addf %mul3A_16, %add3A_20 : vector<632x128xf32>
    %iota3A = tpu.iota {dimensions = array<i32: 1>} : vector<632x128xi32>
    %lt3A = arith.constant 40 : i32
    %lt3A_22 = vector.broadcast %lt3A : i32 to vector<632x128xi32>
    %lt3A_23 = arith.cmpi slt, %iota3A, %lt3A_22 : vector<632x128xi32>
    %jit3A = arith.constant 0xFF800000 : f32
    %broadcast_in_dim3A = vector.broadcast %jit3A : f32 to vector<632x128xf32>
    %select_n3A = arith.select %lt3A_23, %add3A_21, %broadcast_in_dim3A : vector<632x128xi1>, vector<632x128xf32>
    %reduce_max3A = arith.constant dense<0xFF800000> : vector<632xf32>
    %reduce_max3A_24 = vector.multi_reduction <maximumf>, %select_n3A, %reduce_max3A [1] : vector<632x128xf32> to vector<632xf32>
    %broadcast_in_dim3A_25 = vector.shape_cast %reduce_max3A_24 : vector<632xf32> to vector<632x1xf32>
    %sub3A = vector.broadcast %broadcast_in_dim3A_25 : vector<632x1xf32> to vector<632x128xf32>
    %sub3A_26 = arith.subf %select_n3A, %sub3A : vector<632x128xf32>
    %exp3A = math.exp %sub3A_26 : vector<632x128xf32>
    %reduce_sum3A = arith.constant dense<0.000000e+00> : vector<632xf32>
    %reduce_sum3A_27 = vector.multi_reduction <add>, %exp3A, %reduce_sum3A [1] : vector<632x128xf32> to vector<632xf32>
    %broadcast_in_dim3A_28 = vector.shape_cast %reduce_sum3A_27 : vector<632xf32> to vector<632x1xf32>
    %log3A = math.log %broadcast_in_dim3A_28 : vector<632x1xf32>
    %sub3A_29 = vector.broadcast %broadcast_in_dim3A_25 : vector<632x1xf32> to vector<632x128xf32>
    %sub3A_30 = arith.subf %add3A_21, %sub3A_29 : vector<632x128xf32>
    %sub3A_31 = vector.broadcast %log3A : vector<632x1xf32> to vector<632x128xf32>
    %sub3A_32 = arith.subf %sub3A_30, %sub3A_31 : vector<632x128xf32>
    %slice3A = vector.extract_strided_slice %sub3A_32 {offsets = [0, 0], sizes = [632, 40], strides = [1, 1]} : vector<632x128xf32> to vector<632x40xf32>
    %swap3A = arith.constant 0 : index
    %swap3A_33 = arith.constant 0 : index
    %swap3A_34 = vector.load %arg5[%swap3A, %swap3A_33] : memref<632x40xf32, #tpu.memory_space<vmem>>, vector<632x40xf32>
    tpu.vector_store %arg5[%swap3A, %swap3A_33], %slice3A {strides = array<i32>} : memref<632x40xf32, #tpu.memory_space<vmem>>, vector<632x40xf32>,
    return
  }
  func.func @transform_0(%arg0: i32) -> (i32, i32, i32) {
    %c0_i32 = arith.constant 0 : i32
    %c0_i32_0 = arith.constant 0 : i32
    %c0_i32_1 = arith.constant 0 : i32
    return %c0_i32, %arg0, %c0_i32_0 : i32, i32, i32
  }
  func.func @transform_1(%arg0: i32) -> (i32, i32) {
    %c0_i32 = arith.constant 0 : i32
    %c0_i32_0 = arith.constant 0 : i32
    return %arg0, %c0_i32 : i32, i32
  }
  func.func @transform_2(%arg0: i32) -> (i32, i32) {
    %c0_i32 = arith.constant 0 : i32
    %c0_i32_0 = arith.constant 0 : i32
    return %arg0, %c0_i32 : i32, i32
  }
  func.func @transform_3(%arg0: i32) -> (i32, i32) {
    %c0_i32 = arith.constant 0 : i32
    %c0_i32_0 = arith.constant 0 : i32
    %c0_i32_1 = arith.constant 0 : i32
    return %c0_i32, %c0_i32_0 : i32, i32
  }
  func.func @transform_4(%arg0: i32) -> (i32, i32) {
    %c0_i32 = arith.constant 0 : i32
    %c0_i32_0 = arith.constant 0 : i32
    return %arg0, %c0_i32 : i32, i32
  }
}

</mosaic_0001>

<sc_bundles>
// kernel: kernel.13.cloned.1.call-start
scs
__scs_entry_jumppad:
0x0: {  	(pc) =	sbr.rel $0x88, $3  }
0x1: {  	(tag) =	ssettag $0x0;
	lr =	simm.s32 $0x1  }
0x2: {  	[smem:$0x3F95] =	sst lr;
	_ =	strace $0xD0000000  }
0x3: {  	_ = 	snop  }
0x4: {  	_ = 	snop  }
0x5: {  	_ = 	snop  }
0x6: {  	_ = 	snop  }
0x7: {  	_ = 	snop  }
__scs_overlays_trampoline_lowered:
0x8: {  	[smem:$0x3FA4] =	sst s0  }
0x9: {  	[smem:$0x3FA5] =	sst s1  }
0xa: {  	[smem:$0x3FA6] =	sst s2  }
0xb: {  	[smem:$0x3FA7] =	sst s3  }
0xc: {  	[smem:$0x3FA8] =	sst s4  }
0xd: {  	[smem:$0x3FA9] =	sst s5  }
0xe: {  	[smem:$0x3FAA] =	sst s6  }
0xf: {  	[smem:$0x3FAB] =	sst s7  }
0x10: {  	[smem:$0x3FAC] =	sst s8  }
0x11: {  	[smem:$0x3FAD] =	sst s9;
	s0 =	simm.s32 @!p0 $0x0  }
0x12: {  	s1 =	sld [smem:$0x3F93];
	s0 =	simm.s32 @p0 $0x1  }
0x13: {  	[smem:$0x3FAE] =	sst s0;
	s0 =	simm.s32 @!p1 $0x0  }
0x14: {  	s2 =	sld [smem:$0x3F92];
	s0 =	simm.s32 @p1 $0x1  }
0x15: {  	[smem:$0x3FAF] =	sst s0;
	s0 =	simm.s32 @!p2 $0x0  }
0x16: {  	s3 =	sld [smem:$0x3FDB];
	s0 =	simm.s32 @p2 $0x1  }
0x17: {  	s4 =	simm.s32 $0x1BF5;
	[smem:$0x3FB1] =	sst s0  }
0x18: {  	s0 =	sld [smem:$0x3F94];
	_ =	swait.ge [sflag:s4], $0x0  }
0x19: {  	s7 =	sld [smem:$0x3F95]  }
0x1a: {  	s8 =	sadd.s32 $0xFFFFE003, lr  }
0x1b: {  	s9 =	sadd.s32 $0xFFFFFEF7, lr;
	s5 =	simm.s32 $0xFFFFFFFF;
	p2 =	slt.u32 s8, $0xFFFFF086  }
0x1c: {  	p1 =	slt.u32 s9, $0xF7A;
	s5 =	simm.s32 @!p2 $0x0  }
0x1d: {  	s5 =	simm.s32 @p1 $0x1;
	p0 =	seq.s32 s7, s2  }
0x1e: {  	s7 =	smul.u32 @!p0 $0xF7A, s2;
	p2 =	seq.s32 @!p0 s5, $0x0  }
0x1f: {  	s9 =	smul.u32 $0xF7A, s1;
	s8 =	simm.s32 @!p0 $0x1BF5;
	p2 =	por !p2, p0  }
0x20: {  	[sflag:s8] =	ssyncset.s32 @!p0 $0xFFFFF086;
	s6 =	sadd.s32 @!p0 s3, s7;
	s7 =	simm.s32 @!p0 $0x108  }
0x21: {  	s3 =	sadd.s32 s3, s9;
	s6 =	sadd.s32 @!p0 $0x88, s6;
	s7 =	simm.s32 @p2 $0x1082  }
0x22: {  	[simem:s7], [sflag:s8] =	dma.local @!p0 [hbm:s6], $0xF7A  }
0x23: {  	s9 =	sor.u32 $0xD0000000, s2;
	s6 =	simm.s32 $0x108;
	_ =	swait.ge @!p0 [sflag:s8], $0x0  }
0x24: {  	s3 =	sadd.s32 $0x88, s3;
	s6 =	simm.s32 @!p1 $0x1082;
	[sflag:s4] =	ssyncset.s32 $0xFFFFF086  }
0x25: {  	[simem:s6], [sflag:s4] =	dma.local [hbm:s3], $0xF7A  }
0x26: {  	[smem:$0x3F95] =	sst s1;
	(tag) =	ssettag s2;
	_ =	strace s9  }
0x27: {  	s1 =	sld [smem:$0x3FA5]  }
0x28: {  	s2 =	sld [smem:$0x3FA6]  }
0x29: {  	s4 =	sld [smem:$0x3FA8]  }
0x2a: {  	p0 =	seq.s32 s5, $0x0;
	s5 =	sld [smem:$0x3FA9]  }
0x2b: {  	s6 =	sld [smem:$0x3FAA]  }
0x2c: {  	s7 =	sld [smem:$0x3FAB]  }
0x2d: {  	s3 =	simm.s32 $0x108;
	s8 =	sld [smem:$0x3FAC]  }
0x2e: {  	s3 =	simm.s32 @!p0 $0x1082;
	s9 =	sld [smem:$0x3FAD]  }
0x2f: {  	lr =	sadd.s32 s0, s3;
	s0 =	sld [smem:$0x3FA4]  }
0x30: {  	s3 =	sld [smem:$0x3FA7]  }
0x31: {  	[smem:$0x3FB0] =	sst s10  }
0x32: {  	s10 =	sld [smem:$0x3FAE];
	_ =	sdelay $0x3  }
0x33: {  	p0 =	seq.s32 s10, $0x1;
	s10 =	sld [smem:$0x3FB0];
	_ =	sdelay $0x3  }
0x34: {  	[smem:$0x3FB0] =	sst s10  }
0x35: {  	s10 =	sld [smem:$0x3FAF];
	_ =	sdelay $0x3  }
0x36: {  	p1 =	seq.s32 s10, $0x1;
	s10 =	sld [smem:$0x3FB0];
	_ =	sdelay $0x3  }
0x37: {  	[smem:$0x3FB0] =	sst s10  }
0x38: {  	s10 =	sld [smem:$0x3FB1]  }
0x39: {  	_ = 	snop;
	(pc) =	sbr.ind lr, $3  }
0x3a: {  	_ = 	snop  }
0x3b: {  	_ = 	snop  }
0x3c: {  	p2 =	seq.s32 s10, $0x1;
	s10 =	sld [smem:$0x3FB0]  }
0x3d: {  	_ =	shalt  }
0x3e: {  	_ =	shalt  }
0x3f: {  	_ =	shalt  }
0x40: {  	_ =	shalt  }
0x41: {  	_ =	shalt  }
0x42: {  	_ =	shalt  }
0x43: {  	_ =	shalt  }
0x44: {  	_ =	shalt  }
0x45: {  	_ =	shalt  }
0x46: {  	_ =	shalt  }
0x47: {  	_ =	shalt  }
0x48: {  	_ =	shalt  }
0x49: {  	_ =	shalt  }
0x4a: {  	_ =	shalt  }
0x4b: {  	_ =	shalt  }
0x4c: {  	_ =	shalt  }
0x4d: {  	_ =	shalt  }
0x4e: {  	_ =	shalt  }
0x4f: {  	_ =	shalt  }
0x50: {  	_ =	shalt  }
0x51: {  	_ =	shalt  }
0x52: {  	_ =	shalt  }
0x53: {  	_ =	shalt  }
0x54: {  	_ =	shalt  }
0x55: {  	_ =	shalt  }
0x56: {  	_ =	shalt  }
0x57: {  	_ =	shalt  }
0x58: {  	_ =	shalt  }
0x59: {  	_ =	shalt  }
0x5a: {  	_ =	shalt  }
0x5b: {  	_ =	shalt  }
0x5c: {  	_ =	shalt  }
0x5d: {  	_ =	shalt  }
0x5e: {  	_ =	shalt  }
0x5f: {  	_ =	shalt  }
0x60: {  	_ =	shalt  }
0x61: {  	_ =	shalt  }
0x62: {  	_ =	shalt  }
0x63: {  	_ =	shalt  }
0x64: {  	_ =	shalt  }
0x65: {  	_ =	shalt  }
0x66: {  	_ =	shalt  }
0x67: {  	_ =	shalt  }
0x68: {  	_ =	shalt  }
0x69: {  	_ =	shalt  }
0x6a: {  	_ =	shalt  }
0x6b: {  	_ =	shalt  }
0x6c: {  	_ =	shalt  }
0x6d: {  	_ =	shalt  }
0x6e: {  	_ =	shalt  }
0x6f: {  	_ =	shalt  }
0x70: {  	_ =	shalt  }
0x71: {  	_ =	shalt  }
0x72: {  	_ =	shalt  }
0x73: {  	_ =	shalt  }
0x74: {  	_ =	shalt  }
0x75: {  	_ =	shalt  }
0x76: {  	_ =	shalt  }
0x77: {  	_ =	shalt  }
0x78: {  	_ =	shalt  }
0x79: {  	_ =	shalt  }
0x7a: {  	_ =	shalt  }
0x7b: {  	_ =	shalt  }
0x7c: {  	_ =	shalt  }
0x7d: {  	_ =	shalt  }
0x7e: {  	_ =	shalt  }
0x7f: {  	_ =	shalt  }
0x80: {  	_ =	shalt  }
0x81: {  	_ =	shalt  }
0x82: {  	_ =	shalt  }
0x83: {  	_ =	shalt  }
0x84: {  	_ =	shalt  }
0x85: {  	_ =	shalt  }
0x86: {  	_ =	shalt  }
0x87: {  	_ =	shalt  }
.Lfunc_end0:
.L_simem_size_0:
called_computation_lowered:
.L_overlay_start_0:
0x88: {  	s2 =	sld [smem:$0x3FD9]  }
0x89: {  	s3 =	sld [smem:$0x3FFE];
	_ =	sdelay $0x1  }
0x8a: {  	s1 =	srdreg.scid  }
0x8b: {  	s0 =	sand.u32 $0x1, s1  }
0x8c: {  	s17 =	sshll.u32 s0, $0xA;
	s2 =	sadd.s32 s3, s2  }
0x8d: {  	s2 =	sadd.s32 s2, s17  }
0x8e: {  	[smem:$0x3FBC] =	sst s2  }
0x8f: {  	_ = 	snop  }
0x90: {  	s2 =	sld [smem:$0x3FD0];
	(tm) =	ssettm $0x1  }
0x91: {  	s18 =	sld [smem:$0x3FFB];
	_ =	sdelay $0x3  }
0x92: {  	_ =	strace s18  }
0x93: {  	s3 =	sld [smem:$0x3FFC];
	_ =	sdelay $0x3  }
0x94: {  	_ =	strace s3  }
0x95: {  	s3 =	sld [smem:$0x3FFD];
	_ =	sdelay $0x3  }
0x96: {  	_ =	strace s3  }
0x97: {  	_ =	strace $0x8FFFFFFF  }
0x98: {  	s19 =	sld [smem:$0x3FDB];
	_ =	sdelay $0x1  }
0x99: {  	s4 =	simm.s32 $_scs_section_size  }
0x9a: {  	s5 =	simm.s32 $_size__tile_overlayer_lowered;
	s6 =	simm.s32 $_tile_overlayer_lowered  }
0x9b: {  	s22 =	simm.s32 $0x1BFF;
	s21 =	sshll.u32 s6, $0x1;
	s3 =	sadd.s32 s4, s19  }
0x9c: {  	s7 =	simm.s32 $0x0;
	s20 =	sshll.u32 s5, $0x1;
	s5 =	sadd.s32 s21, s3  }
0x9d: {  	[timem:s7], [sflag:s22] =	dma.local [hbm:s5], s20  }
0x9e: {  	_ =	swait.ge [sflag:s22], s20  }
0x9f: {  	s4 =	ssub.s32 $0x0, s20;
	[sflag:s22] =	ssyncset.done $0x0  }
0xa0: {  	[sflag:s22] =	ssyncadd.s32 s4;
	_ =	sdelay $0x1  }
0xa1: {  	s23 =	simm.s32 $0x1B8B  }
0xa2: {  	_ =	swait.ge [sflag:s23], $0x1  }
0xa3: {  	[sflag:s23] =	ssyncset.done $0x0  }
0xa4: {  	s25 =	simm.s32 $0x1B8E;
	s24 =	sld [smem:$0x3FFE];
	[sflag:s23] =	ssyncadd.s32 $0xFFFFFFFF  }
0xa5: {  	s26 =	simm.s32 $execute0_lowered;
	[smem:$0x3FD2] =	sst s25  }
0xa6: {  	s5 =	sshll.u32 s26, $0x1;
	_ =	strace $0x80000046;
	[dreg:$0x1] =	wrdreg $0xFFFFFFFF  }
0xa7: {  	s28 =	simm.s32 $_size_execute0_lowered;
	s3 =	sadd.s32 s3, s5;
	[dreg:$0x0] =	wrdreg $0x0  }
0xa8: {  	s5 =	sshll.u32 s28, $0x1;
	[dreg:$0x2] =	wrdreg s3  }
0xa9: {  	[dreg:$0x3] =	wrdreg s5  }
0xaa: {  	[dreg:$0x4] =	wrdreg $0xC0  }
0xab: {  	_ =	task [dreg:s7], $0x5FFFF  }
0xac: {  	[dreg:$0x1] =	wrdreg $0xFFFFFFFF  }
0xad: {  	[dreg:$0x0] =	wrdreg $0x60  }
0xae: {  	[dreg:$0x2] =	wrdreg s2  }
0xaf: {  	[dreg:$0x3] =	wrdreg s24  }
0xb0: {  	[dreg:$0x4] =	wrdreg $0x9  }
0xb1: {  	_ =	task.clear_ibuf [dreg:s7], $0x5FFFF;
	_ =	strace $0x90000046  }
0xb2: {  	s29 =	simm.s32 $0x9;
	_ =	strace $0x80000048  }
0xb3: {  	_ =	swait.ge [sflag:s29], $0x1  }
0xb4: {  	[sflag:s29] =	ssyncadd.s32 $0xFFFFFFFF  }
0xb5: {  	_ =	strace $0x90000048  }
0xb6: {  	_ =	sfence  }
0xb7: {  	s30 =	sld [smem:$0x0];
	_ =	sdelay $0x2  }
0xb8: {  	s31 =	sshll.u32 s1, $0xD;
	s1 =	sshrl.u32 s1, $0x2  }
0xb9: {  	s3 =	sand.u32 $0x4000, s31;
	s1 =	sadd.s32 s1, s30  }
0xba: {  	s0 =	sor.u32 s3, s0;
	s1 =	sshll.u32 s1, $0x11  }
0xbb: {  	s0 =	sor.u32 s1, s0  }
0xbc: {  	s0 =	sadd.s32 $0x8F2B, s0  }
0xbd: {  	[sflag:s0] =	ssyncadd.remote.s32 $0x1  }
0xbe: {  	_ =	sfence.sel $0xFFFF  }
0xbf: {  	[dreg:$0x0] =	wrdreg $0xFFFFFFFF;
	(pc) =	sbr.abs _section_cstart, $3  }
0xc0: {  	[dreg:$0x1] =	wrdreg $0xFFFFFFFF  }
0xc1: {  	_ =	task.clear_ibuf [dreg:s7], $0x2FFFF;
	_ =	strace $0x9FFFFFFF  }
0xc2: {  	(tm) =	ssettm $0x7FFFFFFF  }
0xc3: {  	_ =	shalt  }
tec
execute0_lowered:
.L_overlay_start_1:
0x0: {  	(tag) =	ssettag $0x1  }
0x1: {  	s0 =	srdreg.scid;
	s4 =	rddreg [dreg:$0x0]  }
0x2: {  	s5 =	rddreg [dreg:$0x1];
	s3 =	sand.u32 $0x1, s0  }
0x3: {  	s2 =	simm.s32 $0x0;
	s0 =	stileid.u32;
	s1 =	sshll.u32 s3, $0x4  }
0x4: {  	s9 =	simm.s32 $0x80;
	s10 =	simm.s32 $0x400;
	s6 =	sor.u32 s0, s1  }
0x5: {  	s11 =	simm.s32 $0x0;
	[smem:$0x7FF] =	sst s2;
	s7 =	sshrl.u32 s6, $0x3  }
0x6: {  	s8 =	sshll.u32 s0, $0x7;
	s30 =	ssub.s32 $0x2, s3;
	s7 =	smul.u32 $0x13C00, s7  }
0x7: {  	s3 =	sadd.s32 $0x3A00, s5;
	s8 =	sand.u32 $0x380, s8;
	s6 =	smul.u32 $0x500, s6  }
0x8: {  	s1 =	rddreg [dreg:$0x2];
	_ =	strace $0x80000047;
	s7 =	sor.u32 s8, s7  }
0x9: {  	s31 =	sshrl.u32 s30, $0x1;
	s4 =	sadd.s32 s4, s6;
	s7 =	sshrl.u32 s7, $0x3  }
0xa: {  	s8 =	simm.s32 $0x2800;
	s5 =	sadd.s32 s7, s5;
	s7 =	ssub.s32 s30, s31  }
0xb: {  	v0 =	vimm.f32 $1.000000000e+00;
	s5 =	sadd.s32 $0x4000, s5;
	s6 =	smax.u32 s7, $0x1;
	s7 =	simm.s32 $0x1  }
.LBB2_1:
0xc: {  	[tilespmem:s2], [sflag:$0x1] =	stream.linear.gather [hbm4b:s4+s2], $0x2800, $0x38;
	[tilespmem:$0x4F80] =	vst v63  }
0xd: {  	_ =	swait.ge [sflag:s7], $0x2800  }
0xe: {  	[sflag:s7] =	ssyncset.done $0x0  }
0xf: {  	[sflag:s7] =	ssyncadd.s32 $0xFFFFD800  }
0x10: {  	[tilespmem:s8], [sflag:$0x1] =	stream.linear.gather [hbm4b:s3+s2], $0x2780, $0x38;
	[tilespmem:$0x4F80] =	vst v63  }
0x11: {  	_ =	swait.ge [sflag:s7], $0x2780  }
0x12: {  	[sflag:s7] =	ssyncset.done $0x0  }
0x13: {  	s12 =	simm.s32 $0x0;
	[sflag:s7] =	ssyncadd.s32 $0xFFFFD880  }
.LBB2_2:
0x14: {  	s13 =	sshra.s32 s12, $0x2  }
0x15: {  	v1 =	vld [tilespmem:s13+$0x0];
	_ =	sdelay $0x7  }
0x16: {  	[tilespmem:v1+s8+$0x0] =	vst.idx.add.f32.msk $0xffff, v0  }
0x17: {  	v1 =	vld [tilespmem:s13+$0x10];
	_ =	sdelay $0x7  }
0x18: {  	[tilespmem:v1+s8+$0x0] =	vst.idx.add.f32.msk $0xffff, v0  }
0x19: {  	v1 =	vld [tilespmem:s13+$0x20];
	_ =	sdelay $0x7  }
0x1a: {  	[tilespmem:v1+s8+$0x0] =	vst.idx.add.f32.msk $0xffff, v0  }
0x1b: {  	v1 =	vld [tilespmem:s13+$0x30];
	_ =	sdelay $0x7  }
0x1c: {  	[tilespmem:v1+s8+$0x0] =	vst.idx.add.f32.msk $0xffff, v0  }
0x1d: {  	v1 =	vld [tilespmem:s13+$0x40];
	_ =	sdelay $0x7  }
0x1e: {  	[tilespmem:v1+s8+$0x0] =	vst.idx.add.f32.msk $0xffff, v0  }
0x1f: {  	v1 =	vld [tilespmem:s13+$0x50];
	_ =	sdelay $0x7  }
0x20: {  	[tilespmem:v1+s8+$0x0] =	vst.idx.add.f32.msk $0xffff, v0  }
0x21: {  	v1 =	vld [tilespmem:s13+$0x60];
	_ =	sdelay $0x7  }
0x22: {  	[tilespmem:v1+s8+$0x0] =	vst.idx.add.f32.msk $0xffff, v0  }
0x23: {  	v1 =	vld [tilespmem:s13+$0x70];
	_ =	sdelay $0x2  }
0x24: {  	p0 =	sne.s32 s12, $0x9E00  }
.Ltmp0:
0x25: {  	_ = 	snop;
	(pc) =	sbr.rel @p0 .LBB2_2-.Ltmp0, $2  }
0x26: {  	_ =	sdelay $0x2  }
0x27: {  	s12 =	sadd.s32 $0x200, s12;
	[tilespmem:v1+s8+$0x0] =	vst.idx.add.f32.msk $0xffff, v0  }
0x28: {  	s11 =	sadd.s32 $0x1, s11  }
0x29: {  	p0 =	sne.s32 s11, s6  }
.Ltmp1:
0x2a: {  	_ = 	snop;
	(pc) =	sbr.rel @p0 .LBB2_1-.Ltmp1, $4  }
0x2b: {  	[hbm4b:s5+s9] =	stream.strided.scatter [tilespmem:s8], [sflag:$0x1], $0x2780, s10, s9, $0x38;
	[tilespmem:$0x4F80] =	vst v63  }
0x2c: {  	_ =	swait.ge [sflag:s7], $0x2780  }
0x2d: {  	[sflag:s7] =	ssyncset.done $0x0  }
0x2e: {  	[sflag:s7] =	ssyncadd.s32 $0xFFFFD880  }
0x2f: {  	_ =	sfence.sel $0x180000  }
0x30: {  	[bflag:$0x0] =	sbarrier.arrive $0xFFFF  }
0x31: {  	p0 =	sne.s32 s0, $0x0;
	_ =	strace $0x90000047  }
0x32: {  	s0 =	sadd.s32 @!p0 $0x100000, s1;
	[bflag:$0x2] =	sbarrier.arrive $0xFFFF  }
0x33: {  	[sflag:s0] =	ssyncadd.tile.s32 @!p0 $0x1;
	_ =	shalt  }
.Lfunc_end2:
_tile_overlayer_lowered:
.L_overlay_start_2:
0x34: {  	(tag) =	ssettag $0x2  }
0x35: {  	s0 =	rddreg [dreg:$0x0];
	s2 =	stileid.u32  }
0x36: {  	s1 =	rddreg [dreg:$0x1];
	p0 =	sne.s32 s2, $0x0  }
0x37: {  	s3 =	rddreg [dreg:$0x2];
	[bflag:$0x3] =	sbarrier.arrive $0xFFFF;
	s2 =	simm.s32 @!p0 $0x1C01  }
0x38: {  	[timem:s3], [sflag:s2] =	dma.local @!p0 [hbm:s0], s1  }
0x39: {  	s0 =	simm.s32 @!p0 $0x1  }
0x3a: {  	_ =	swait.ge @!p0 [sflag:s0], s1  }
0x3b: {  	s1 =	ssub.s32 @!p0 $0x0, s1;
	[sflag:s0] =	ssyncset.done @!p0 $0x0  }
0x3c: {  	[sflag:s0] =	ssyncadd.s32 @!p0 s1  }
0x3d: {  	[bflag:$0x3] =	sbarrier.arrive $0xFFFF  }
0x3e: {  	_ =	shalt  }

// kernel: kernel.16.cloned.1.call-start
scs
__scs_entry_jumppad:
0x0: {  	(pc) =	sbr.rel $0x88, $3  }
0x1: {  	(tag) =	ssettag $0x0;
	lr =	simm.s32 $0x1  }
0x2: {  	[smem:$0x3F95] =	sst lr;
	_ =	strace $0xD0000000  }
0x3: {  	_ = 	snop  }
0x4: {  	_ = 	snop  }
0x5: {  	_ = 	snop  }
0x6: {  	_ = 	snop  }
0x7: {  	_ = 	snop  }
__scs_overlays_trampoline_lowered:
0x8: {  	[smem:$0x3FA4] =	sst s0  }
0x9: {  	[smem:$0x3FA5] =	sst s1  }
0xa: {  	[smem:$0x3FA6] =	sst s2  }
0xb: {  	[smem:$0x3FA7] =	sst s3  }
0xc: {  	[smem:$0x3FA8] =	sst s4  }
0xd: {  	[smem:$0x3FA9] =	sst s5  }
0xe: {  	[smem:$0x3FAA] =	sst s6  }
0xf: {  	[smem:$0x3FAB] =	sst s7  }
0x10: {  	[smem:$0x3FAC] =	sst s8  }
0x11: {  	[smem:$0x3FAD] =	sst s9;
	s0 =	simm.s32 @!p0 $0x0  }
0x12: {  	s1 =	sld [smem:$0x3F93];
	s0 =	simm.s32 @p0 $0x1  }
0x13: {  	[smem:$0x3FAE] =	sst s0;
	s0 =	simm.s32 @!p1 $0x0  }
0x14: {  	s2 =	sld [smem:$0x3F92];
	s0 =	simm.s32 @p1 $0x1  }
0x15: {  	[smem:$0x3FAF] =	sst s0;
	s0 =	simm.s32 @!p2 $0x0  }
0x16: {  	s3 =	sld [smem:$0x3FDB];
	s0 =	simm.s32 @p2 $0x1  }
0x17: {  	s4 =	simm.s32 $0x1BF5;
	[smem:$0x3FB1] =	sst s0  }
0x18: {  	s0 =	sld [smem:$0x3F94];
	_ =	swait.ge [sflag:s4], $0x0  }
0x19: {  	s7 =	sld [smem:$0x3F95]  }
0x1a: {  	s8 =	sadd.s32 $0xFFFFE003, lr  }
0x1b: {  	s9 =	sadd.s32 $0xFFFFFEF7, lr;
	s5 =	simm.s32 $0xFFFFFFFF;
	p2 =	slt.u32 s8, $0xFFFFF086  }
0x1c: {  	p1 =	slt.u32 s9, $0xF7A;
	s5 =	simm.s32 @!p2 $0x0  }
0x1d: {  	s5 =	simm.s32 @p1 $0x1;
	p0 =	seq.s32 s7, s2  }
0x1e: {  	s7 =	smul.u32 @!p0 $0xF7A, s2;
	p2 =	seq.s32 @!p0 s5, $0x0  }
0x1f: {  	s9 =	smul.u32 $0xF7A, s1;
	s8 =	simm.s32 @!p0 $0x1BF5;
	p2 =	por !p2, p0  }
0x20: {  	[sflag:s8] =	ssyncset.s32 @!p0 $0xFFFFF086;
	s6 =	sadd.s32 @!p0 s3, s7;
	s7 =	simm.s32 @!p0 $0x108  }
0x21: {  	s3 =	sadd.s32 s3, s9;
	s6 =	sadd.s32 @!p0 $0x88, s6;
	s7 =	simm.s32 @p2 $0x1082  }
0x22: {  	[simem:s7], [sflag:s8] =	dma.local @!p0 [hbm:s6], $0xF7A  }
0x23: {  	s9 =	sor.u32 $0xD0000000, s2;
	s6 =	simm.s32 $0x108;
	_ =	swait.ge @!p0 [sflag:s8], $0x0  }
0x24: {  	s3 =	sadd.s32 $0x88, s3;
	s6 =	simm.s32 @!p1 $0x1082;
	[sflag:s4] =	ssyncset.s32 $0xFFFFF086  }
0x25: {  	[simem:s6], [sflag:s4] =	dma.local [hbm:s3], $0xF7A  }
0x26: {  	[smem:$0x3F95] =	sst s1;
	(tag) =	ssettag s2;
	_ =	strace s9  }
0x27: {  	s1 =	sld [smem:$0x3FA5]  }
0x28: {  	s2 =	sld [smem:$0x3FA6]  }
0x29: {  	s4 =	sld [smem:$0x3FA8]  }
0x2a: {  	p0 =	seq.s32 s5, $0x0;
	s5 =	sld [smem:$0x3FA9]  }
0x2b: {  	s6 =	sld [smem:$0x3FAA]  }
0x2c: {  	s7 =	sld [smem:$0x3FAB]  }
0x2d: {  	s3 =	simm.s32 $0x108;
	s8 =	sld [smem:$0x3FAC]  }
0x2e: {  	s3 =	simm.s32 @!p0 $0x1082;
	s9 =	sld [smem:$0x3FAD]  }
0x2f: {  	lr =	sadd.s32 s0, s3;
	s0 =	sld [smem:$0x3FA4]  }
0x30: {  	s3 =	sld [smem:$0x3FA7]  }
0x31: {  	[smem:$0x3FB0] =	sst s10  }
0x32: {  	s10 =	sld [smem:$0x3FAE];
	_ =	sdelay $0x3  }
0x33: {  	p0 =	seq.s32 s10, $0x1;
	s10 =	sld [smem:$0x3FB0];
	_ =	sdelay $0x3  }
0x34: {  	[smem:$0x3FB0] =	sst s10  }
0x35: {  	s10 =	sld [smem:$0x3FAF];
	_ =	sdelay $0x3  }
0x36: {  	p1 =	seq.s32 s10, $0x1;
	s10 =	sld [smem:$0x3FB0];
	_ =	sdelay $0x3  }
0x37: {  	[smem:$0x3FB0] =	sst s10  }
0x38: {  	s10 =	sld [smem:$0x3FB1]  }
0x39: {  	_ = 	snop;
	(pc) =	sbr.ind lr, $3  }
0x3a: {  	_ = 	snop  }
0x3b: {  	_ = 	snop  }
0x3c: {  	p2 =	seq.s32 s10, $0x1;
	s10 =	sld [smem:$0x3FB0]  }
0x3d: {  	_ =	shalt  }
0x3e: {  	_ =	shalt  }
0x3f: {  	_ =	shalt  }
0x40: {  	_ =	shalt  }
0x41: {  	_ =	shalt  }
0x42: {  	_ =	shalt  }
0x43: {  	_ =	shalt  }
0x44: {  	_ =	shalt  }
0x45: {  	_ =	shalt  }
0x46: {  	_ =	shalt  }
0x47: {  	_ =	shalt  }
0x48: {  	_ =	shalt  }
0x49: {  	_ =	shalt  }
0x4a: {  	_ =	shalt  }
0x4b: {  	_ =	shalt  }
0x4c: {  	_ =	shalt  }
0x4d: {  	_ =	shalt  }
0x4e: {  	_ =	shalt  }
0x4f: {  	_ =	shalt  }
0x50: {  	_ =	shalt  }
0x51: {  	_ =	shalt  }
0x52: {  	_ =	shalt  }
0x53: {  	_ =	shalt  }
0x54: {  	_ =	shalt  }
0x55: {  	_ =	shalt  }
0x56: {  	_ =	shalt  }
0x57: {  	_ =	shalt  }
0x58: {  	_ =	shalt  }
0x59: {  	_ =	shalt  }
0x5a: {  	_ =	shalt  }
0x5b: {  	_ =	shalt  }
0x5c: {  	_ =	shalt  }
0x5d: {  	_ =	shalt  }
0x5e: {  	_ =	shalt  }
0x5f: {  	_ =	shalt  }
0x60: {  	_ =	shalt  }
0x61: {  	_ =	shalt  }
0x62: {  	_ =	shalt  }
0x63: {  	_ =	shalt  }
0x64: {  	_ =	shalt  }
0x65: {  	_ =	shalt  }
0x66: {  	_ =	shalt  }
0x67: {  	_ =	shalt  }
0x68: {  	_ =	shalt  }
0x69: {  	_ =	shalt  }
0x6a: {  	_ =	shalt  }
0x6b: {  	_ =	shalt  }
0x6c: {  	_ =	shalt  }
0x6d: {  	_ =	shalt  }
0x6e: {  	_ =	shalt  }
0x6f: {  	_ =	shalt  }
0x70: {  	_ =	shalt  }
0x71: {  	_ =	shalt  }
0x72: {  	_ =	shalt  }
0x73: {  	_ =	shalt  }
0x74: {  	_ =	shalt  }
0x75: {  	_ =	shalt  }
0x76: {  	_ =	shalt  }
0x77: {  	_ =	shalt  }
0x78: {  	_ =	shalt  }
0x79: {  	_ =	shalt  }
0x7a: {  	_ =	shalt  }
0x7b: {  	_ =	shalt  }
0x7c: {  	_ =	shalt  }
0x7d: {  	_ =	shalt  }
0x7e: {  	_ =	shalt  }
0x7f: {  	_ =	shalt  }
0x80: {  	_ =	shalt  }
0x81: {  	_ =	shalt  }
0x82: {  	_ =	shalt  }
0x83: {  	_ =	shalt  }
0x84: {  	_ =	shalt  }
0x85: {  	_ =	shalt  }
0x86: {  	_ =	shalt  }
0x87: {  	_ =	shalt  }
.Lfunc_end0:
.L_simem_size_0:
called_computation.1_lowered:
.L_overlay_start_0:
0x88: {  	s2 =	sld [smem:$0x3FD9]  }
0x89: {  	s3 =	sld [smem:$0x3FFE];
	_ =	sdelay $0x1  }
0x8a: {  	s1 =	srdreg.scid  }
0x8b: {  	s0 =	sand.u32 $0x1, s1  }
0x8c: {  	s17 =	sshll.u32 s0, $0xA;
	s2 =	sadd.s32 s3, s2  }
0x8d: {  	s2 =	sadd.s32 s2, s17  }
0x8e: {  	[smem:$0x3FBC] =	sst s2  }
0x8f: {  	_ = 	snop  }
0x90: {  	s2 =	sld [smem:$0x3FD0];
	(tm) =	ssettm $0x1  }
0x91: {  	s18 =	sld [smem:$0x3FFB];
	_ =	sdelay $0x3  }
0x92: {  	_ =	strace s18  }
0x93: {  	s3 =	sld [smem:$0x3FFC];
	_ =	sdelay $0x3  }
0x94: {  	_ =	strace s3  }
0x95: {  	s3 =	sld [smem:$0x3FFD];
	_ =	sdelay $0x3  }
0x96: {  	_ =	strace s3  }
0x97: {  	_ =	strace $0x8FFFFFFF  }
0x98: {  	s19 =	sld [smem:$0x3FDB];
	_ =	sdelay $0x1  }
0x99: {  	s4 =	simm.s32 $_scs_section_size  }
0x9a: {  	s5 =	simm.s32 $_size__tile_overlayer_lowered;
	s6 =	simm.s32 $_tile_overlayer_lowered  }
0x9b: {  	s22 =	simm.s32 $0x1BFF;
	s21 =	sshll.u32 s6, $0x1;
	s3 =	sadd.s32 s4, s19  }
0x9c: {  	s7 =	simm.s32 $0x0;
	s20 =	sshll.u32 s5, $0x1;
	s5 =	sadd.s32 s21, s3  }
0x9d: {  	[timem:s7], [sflag:s22] =	dma.local [hbm:s5], s20  }
0x9e: {  	_ =	swait.ge [sflag:s22], s20  }
0x9f: {  	s4 =	ssub.s32 $0x0, s20;
	[sflag:s22] =	ssyncset.done $0x0  }
0xa0: {  	[sflag:s22] =	ssyncadd.s32 s4;
	_ =	sdelay $0x1  }
0xa1: {  	s23 =	simm.s32 $0x1B8B  }
0xa2: {  	_ =	swait.ge [sflag:s23], $0x1  }
0xa3: {  	[sflag:s23] =	ssyncset.done $0x0  }
0xa4: {  	s25 =	simm.s32 $0x1B8E;
	s24 =	sld [smem:$0x3FFE];
	[sflag:s23] =	ssyncadd.s32 $0xFFFFFFFF  }
0xa5: {  	s26 =	simm.s32 $execute0_lowered;
	[smem:$0x3FD2] =	sst s25  }
0xa6: {  	s5 =	sshll.u32 s26, $0x1;
	_ =	strace $0x80000049;
	[dreg:$0x1] =	wrdreg $0xFFFFFFFF  }
0xa7: {  	s28 =	simm.s32 $_size_execute0_lowered;
	s3 =	sadd.s32 s3, s5;
	[dreg:$0x0] =	wrdreg $0x0  }
0xa8: {  	s5 =	sshll.u32 s28, $0x1;
	[dreg:$0x2] =	wrdreg s3  }
0xa9: {  	[dreg:$0x3] =	wrdreg s5  }
0xaa: {  	[dreg:$0x4] =	wrdreg $0xC0  }
0xab: {  	_ =	task [dreg:s7], $0x5FFFF  }
0xac: {  	[dreg:$0x1] =	wrdreg $0xFFFFFFFF  }
0xad: {  	[dreg:$0x0] =	wrdreg $0x60  }
0xae: {  	[dreg:$0x2] =	wrdreg s24  }
0xaf: {  	[dreg:$0x3] =	wrdreg s2  }
0xb0: {  	[dreg:$0x4] =	wrdreg $0xB0000  }
0xb1: {  	[dreg:$0x5] =	wrdreg $0x14E000  }
0xb2: {  	[dreg:$0x6] =	wrdreg $0x9  }
0xb3: {  	_ =	task.clear_ibuf [dreg:s7], $0x7FFFF;
	_ =	strace $0x90000049  }
0xb4: {  	s29 =	simm.s32 $0x9;
	_ =	strace $0x8000004B  }
0xb5: {  	_ =	swait.ge [sflag:s29], $0x1  }
0xb6: {  	[sflag:s29] =	ssyncadd.s32 $0xFFFFFFFF  }
0xb7: {  	_ =	strace $0x9000004B  }
0xb8: {  	_ =	sfence  }
0xb9: {  	s30 =	sld [smem:$0x0];
	_ =	sdelay $0x2  }
0xba: {  	s31 =	sshll.u32 s1, $0xD;
	s1 =	sshrl.u32 s1, $0x2  }
0xbb: {  	s3 =	sand.u32 $0x4000, s31;
	s1 =	sadd.s32 s1, s30  }
0xbc: {  	s0 =	sor.u32 s3, s0;
	s1 =	sshll.u32 s1, $0x11  }
0xbd: {  	s0 =	sor.u32 s1, s0  }
0xbe: {  	s0 =	sadd.s32 $0x8F2B, s0  }
0xbf: {  	[sflag:s0] =	ssyncadd.remote.s32 $0x1  }
0xc0: {  	_ =	sfence.sel $0xFFFF  }
0xc1: {  	[dreg:$0x0] =	wrdreg $0xFFFFFFFF;
	(pc) =	sbr.abs _section_cstart, $3  }
0xc2: {  	[dreg:$0x1] =	wrdreg $0xFFFFFFFF  }
0xc3: {  	_ =	task.clear_ibuf [dreg:s7], $0x2FFFF;
	_ =	strace $0x9FFFFFFF  }
0xc4: {  	(tm) =	ssettm $0x7FFFFFFF  }
0xc5: {  	_ =	shalt  }
tec
execute0_lowered:
.L_overlay_start_1:
0x0: {  	(tag) =	ssettag $0x1  }
0x1: {  	s0 =	rddreg [dreg:$0x0]  }
0x2: {  	s6 =	rddreg [dreg:$0x1]  }
0x3: {  	s1 =	srdreg.scid;
	s2 =	rddreg [dreg:$0x2]  }
0x4: {  	s14 =	stileid.u32;
	s3 =	rddreg [dreg:$0x3];
	s13 =	simm.s32 $0x7  }
0x5: {  	s18 =	simm.s32 $0x1;
	s19 =	simm.s32 $0x8;
	s28 =	simm.s32 $0x3  }
0x6: {  	s29 =	simm.s32 $0x4;
	s30 =	simm.s32 $0x5;
	s5 =	smul.u32 $0x13C00, s14  }
0x7: {  	s31 =	simm.s32 $0x6;
	s1 =	sand.u32 $0x1, s1;
	s12 =	smul.u32 $0x9E00, s14  }
0x8: {  	s26 =	sshll.u32 s14, $0x6;
	s4 =	sshll.u32 s1, $0x4;
	s9 =	smul.u32 $0x13C000, s1  }
0x9: {  	s1 =	ssub.s32 $0x2, s1;
	s15 =	sor.u32 $0x1C07, s26;
	s26 =	simm.s32 $0x2  }
0xa: {  	s7 =	sor.u32 s14, s4;
	s4 =	simm.s32 $0x0;
	s8 =	sshrl.u32 s5, $0x3  }
0xb: {  	s11 =	sshrl.u32 s1, $0x1;
	s21 =	sadd.s32 s12, s2;
	s22 =	sadd.s32 s12, s3  }
0xc: {  	s14 =	simm.s32 $0x4E00;
	s7 =	smul.u32 $0x500, s7;
	[smem:$0x7FF] =	sst s4  }
0xd: {  	s8 =	sadd.s32 s8, s0;
	s5 =	sadd.s32 s5, s9;
	s1 =	ssub.s32 s1, s11  }
0xe: {  	s16 =	sshrl.u32 s21, $0x3;
	s17 =	sshrl.u32 s22, $0x3;
	s21 =	simm.s32 $0x80  }
0xf: {  	s22 =	simm.s32 $0x5000;
	_ =	strace $0x8000004A;
	s9 =	sshrl.u32 s5, $0x3  }
0x10: {  	s5 =	sadd.s32 $0x3A00, s0;
	s23 =	sadd.s32 $0x17E00, s8;
	s8 =	sadd.s32 $0x17E08, s8  }
0x11: {  	s25 =	smax.u32 s1, $0x1;
	s1 =	simm.s32 $0x4D80;
	[dreg:$0x7] =	wrdreg s23  }
0x12: {  	s10 =	sadd.s32 s7, s0;
	s0 =	sadd.s32 s9, s0;
	[dreg:$0x9] =	wrdreg s8  }
0x13: {  	s6 =	sadd.s32 s6, s7;
	[dreg:$0xb] =	wrdreg s25;
	s23 =	simm.s32 $0x7000  }
0x14: {  	s25 =	simm.s32 $0x9000;
	s7 =	simm.s32 $0x4E80;
	s8 =	simm.s32 $0x4F00  }
0x15: {  	s9 =	simm.s32 $0x4F80;
	s20 =	sadd.s32 $0xDE00, s10;
	[dreg:$0x6] =	wrdreg s6  }
0x16: {  	s24 =	sadd.s32 $0x3F600, s0;
	s0 =	sadd.s32 $0x3F608, s0;
	[dreg:$0x5] =	wrdreg s20  }
0x17: {  	s6 =	simm.s32 $0x2780;
	s10 =	simm.s32 $0x0;
	[dreg:$0x8] =	wrdreg s24  }
0x18: {  	[dreg:$0xa] =	wrdreg s0;
	s20 =	simm.s32 $0x10;
	s0 =	simm.s32 $0x2700  }
.LBB2_1:
0x19: {  	s11 =	rddreg [dreg:$0x5]  }
0x1a: {  	[tilespmem:s4], [sflag:$0x7] =	stream.linear.gather [hbm4b:s11+s4], $0x2800, $0x38;
	[tilespmem:$0x1EC00] =	vst v63  }
0x1b: {  	_ =	swait.ge [sflag:s13], $0x2800  }
0x1c: {  	[sflag:s13] =	ssyncset.done $0x0  }
0x1d: {  	s12 =	simm.s32 $0x2800;
	s24 =	rddreg [dreg:$0x6];
	[sflag:s13] =	ssyncadd.s32 $0xFFFFD800  }
0x1e: {  	[tilespmem:s12], [sflag:$0x7] =	stream.linear.gather [hbm4b:s24+s4], $0x2800, $0x38;
	[tilespmem:$0x1EC00] =	vst v63  }
0x1f: {  	_ =	swait.ge [sflag:s13], $0x2800  }
0x20: {  	[sflag:s13] =	ssyncset.done $0x0  }
0x21: {  	[sflag:s13] =	ssyncadd.s32 $0xFFFFD800  }
0x22: {  	[spmem:s16], [sflag:s15] =	dma.local [hbm:s5], $0x13C0  }
0x23: {  	_ =	swait.ge [sflag:s13], $0x13C0  }
0x24: {  	[sflag:s13] =	ssyncset.done $0x0  }
0x25: {  	s24 =	rddreg [dreg:$0x7];
	[sflag:s13] =	ssyncadd.s32 $0xFFFFEC40  }
0x26: {  	[spmem:s17@s19], [sflag:s15] =	dma.strided [hbm:s24@s20], $0x13C0, s18, $0x8   }
0x27: {  	_ =	swait.ge [sflag:s13], $0x13C0  }
0x28: {  	[sflag:s13] =	ssyncset.done $0x0  }
0x29: {  	[sflag:s13] =	ssyncadd.s32 $0xFFFFEC40  }
0x2a: {  	[bflag:$0x0] =	sbarrier.arrive $0xFFFF  }
0x2b: {  	[tilespmem:s22], [sflag:$0x1] =	stream.indirect.gather [spmem:s3], $0x40, s4, s21, $0xb8;
	[tilespmem:$0x1EC00] =	vst v63  }
0x2c: {  	_ = 	snop  }
0x2d: {  	[tilespmem:s23], [sflag:$0x2] =	stream.indirect.gather [spmem:s3], $0x40, s21, s21, $0xb8;
	[tilespmem:$0x1EC00] =	vst v63  }
0x2e: {  	s12 =	simm.s32 $0x100  }
0x2f: {  	[tilespmem:s25], [sflag:$0x3] =	stream.indirect.gather [spmem:s3], $0x40, s12, s21, $0xb8;
	[tilespmem:$0x1EC00] =	vst v63  }
0x30: {  	_ =	swait.ge [sflag:s18], $0x2000  }
0x31: {  	[sflag:s18] =	ssyncset.done $0x0  }
0x32: {  	s24 =	simm.s32 $0x2800;
	[sflag:s18] =	ssyncadd.s32 $0xFFFFE000  }
0x33: {  	[spmem:s2] =	stream.indirect.scatter.add.f32 [tilespmem:s22], [sflag:$0x4], $0x40, s24, s21, $0xb8;
	[tilespmem:$0x1EC00] =	vst v63  }
0x34: {  	_ =	swait.ge [sflag:s26], $0x2000  }
0x35: {  	[sflag:s26] =	ssyncset.done $0x0  }
0x36: {  	s12 =	simm.s32 $0x2880;
	[sflag:s26] =	ssyncadd.s32 $0xFFFFE000  }
0x37: {  	[spmem:s2] =	stream.indirect.scatter.add.f32 [tilespmem:s23], [sflag:$0x5], $0x40, s12, s21, $0xb8;
	[tilespmem:$0x1EC00] =	vst v63  }
0x38: {  	_ =	swait.ge [sflag:s28], $0x2000  }
0x39: {  	[sflag:s28] =	ssyncset.done $0x0  }
0x3a: {  	s24 =	simm.s32 $0x2900;
	[sflag:s28] =	ssyncadd.s32 $0xFFFFE000  }
0x3b: {  	[spmem:s2] =	stream.indirect.scatter.add.f32 [tilespmem:s25], [sflag:$0x6], $0x40, s24, s21, $0xb8;
	[tilespmem:$0x1EC00] =	vst v63  }
0x3c: {  	_ =	swait.ge [sflag:s29], $0x2000  }
0x3d: {  	[sflag:s29] =	ssyncset.done $0x0  }
0x3e: {  	s12 =	simm.s32 $0x180;
	[sflag:s29] =	ssyncadd.s32 $0xFFFFE000  }
0x3f: {  	[tilespmem:s22], [sflag:$0x1] =	stream.indirect.gather [spmem:s3], $0x40, s12, s21, $0xb8;
	[tilespmem:$0x1EC00] =	vst v63  }
0x40: {  	_ =	swait.ge [sflag:s30], $0x2000  }
0x41: {  	[sflag:s30] =	ssyncset.done $0x0  }
0x42: {  	s24 =	simm.s32 $0x200;
	[sflag:s30] =	ssyncadd.s32 $0xFFFFE000  }
0x43: {  	[tilespmem:s23], [sflag:$0x2] =	stream.indirect.gather [spmem:s3], $0x40, s24, s21, $0xb8;
	[tilespmem:$0x1EC00] =	vst v63  }
0x44: {  	_ =	swait.ge [sflag:s31], $0x2000  }
0x45: {  	[sflag:s31] =	ssyncset.done $0x0  }
0x46: {  	s11 =	simm.s32 $0x600;
	s12 =	simm.s32 $0x280;
	[sflag:s31] =	ssyncadd.s32 $0xFFFFE000  }
.LBB2_2:
0x47: {  	[tilespmem:s25], [sflag:$0x3] =	stream.indirect.gather [spmem:s3], $0x40, s12, s21, $0xb8;
	[tilespmem:$0x1EC00] =	vst v63  }
0x48: {  	s12 =	smov.u32 s11  }
0x49: {  	p0 =	sne.s32 s11, $0x9000;
	s11 =	sadd.s32 $0x600, s11;
	_ =	swait.ge [sflag:s18], $0x2000  }
0x4a: {  	s12 =	sshra.s32 s12, $0x2;
	[sflag:s18] =	ssyncset.done $0x0  }
0x4b: {  	s24 =	sadd.s32 $0x2800, s12;
	[sflag:s18] =	ssyncadd.s32 $0xFFFFE000  }
0x4c: {  	[spmem:s2] =	stream.indirect.scatter.add.f32 [tilespmem:s22], [sflag:$0x4], $0x40, s24, s21, $0xb8;
	[tilespmem:$0x1EC00] =	vst v63  }
0x4d: {  	_ =	swait.ge [sflag:s26], $0x2000  }
0x4e: {  	[sflag:s26] =	ssyncset.done $0x0  }
0x4f: {  	s24 =	sadd.s32 $0x2880, s12;
	[sflag:s26] =	ssyncadd.s32 $0xFFFFE000  }
0x50: {  	[spmem:s2] =	stream.indirect.scatter.add.f32 [tilespmem:s23], [sflag:$0x5], $0x40, s24, s21, $0xb8;
	[tilespmem:$0x1EC00] =	vst v63  }
0x51: {  	_ =	swait.ge [sflag:s28], $0x2000  }
0x52: {  	[sflag:s28] =	ssyncset.done $0x0  }
0x53: {  	s24 =	sadd.s32 $0x2900, s12;
	[sflag:s28] =	ssyncadd.s32 $0xFFFFE000  }
0x54: {  	[spmem:s2] =	stream.indirect.scatter.add.f32 [tilespmem:s25], [sflag:$0x6], $0x40, s24, s21, $0xb8;
	[tilespmem:$0x1EC00] =	vst v63  }
0x55: {  	_ =	swait.ge [sflag:s29], $0x2000  }
0x56: {  	[sflag:s29] =	ssyncset.done $0x0  }
0x57: {  	s24 =	sadd.s32 $0x180, s12;
	[sflag:s29] =	ssyncadd.s32 $0xFFFFE000  }
0x58: {  	[tilespmem:s22], [sflag:$0x1] =	stream.indirect.gather [spmem:s3], $0x40, s24, s21, $0xb8;
	[tilespmem:$0x1EC00] =	vst v63  }
0x59: {  	_ =	swait.ge [sflag:s30], $0x2000  }
0x5a: {  	[sflag:s30] =	ssyncset.done $0x0  }
.Ltmp0:
0x5b: {  	s24 =	sadd.s32 $0x200, s12;
	[sflag:s30] =	ssyncadd.s32 $0xFFFFE000;
	(pc) =	sbr.rel @p0 .LBB2_2-.Ltmp0, $4  }
0x5c: {  	[tilespmem:s23], [sflag:$0x2] =	stream.indirect.gather [spmem:s3], $0x40, s24, s21, $0xb8;
	[tilespmem:$0x1EC00] =	vst v63  }
0x5d: {  	_ =	swait.ge [sflag:s31], $0x2000  }
0x5e: {  	[sflag:s31] =	ssyncset.done $0x0  }
0x5f: {  	s12 =	sadd.s32 $0x280, s12;
	[sflag:s31] =	ssyncadd.s32 $0xFFFFE000  }
0x60: {  	[tilespmem:s25], [sflag:$0x3] =	stream.indirect.gather [spmem:s3], $0x40, s12, s21, $0xb8;
	[tilespmem:$0x1EC00] =	vst v63  }
0x61: {  	_ =	swait.ge [sflag:s18], $0x2000  }
0x62: {  	[sflag:s18] =	ssyncset.done $0x0  }
0x63: {  	[sflag:s18] =	ssyncadd.s32 $0xFFFFE000  }
0x64: {  	[spmem:s2] =	stream.indirect.scatter.add.f32 [tilespmem:s22], [sflag:$0x4], $0x40, s1, s21, $0xb8;
	[tilespmem:$0x1EC00] =	vst v63  }
0x65: {  	_ =	swait.ge [sflag:s29], $0x2000  }
0x66: {  	[sflag:s29] =	ssyncset.done $0x0  }
0x67: {  	[sflag:s29] =	ssyncadd.s32 $0xFFFFE000  }
0x68: {  	[tilespmem:s22], [sflag:$0x1] =	stream.indirect.gather [spmem:s3], $0x40, s0, s21, $0xb8;
	[tilespmem:$0x1EC00] =	vst v63  }
0x69: {  	_ =	swait.ge [sflag:s26], $0x2000  }
0x6a: {  	[sflag:s26] =	ssyncset.done $0x0  }
0x6b: {  	[sflag:s26] =	ssyncadd.s32 $0xFFFFE000  }
0x6c: {  	[spmem:s2] =	stream.indirect.scatter.add.f32 [tilespmem:s23], [sflag:$0x5], $0x40, s14, s21, $0xb8;
	[tilespmem:$0x1EC00] =	vst v63  }
0x6d: {  	_ =	swait.ge [sflag:s30], $0x2000  }
0x6e: {  	[sflag:s30] =	ssyncset.done $0x0  }
0x6f: {  	[sflag:s30] =	ssyncadd.s32 $0xFFFFE000  }
0x70: {  	[tilespmem:s23], [sflag:$0x2] =	stream.indirect.gather [spmem:s3], $0x40, s6, s21, $0xb8;
	[tilespmem:$0x1EC00] =	vst v63  }
0x71: {  	_ =	swait.ge [sflag:s28], $0x2000  }
0x72: {  	[sflag:s28] =	ssyncset.done $0x0  }
0x73: {  	[sflag:s28] =	ssyncadd.s32 $0xFFFFE000  }
0x74: {  	[spmem:s2] =	stream.indirect.scatter.add.f32 [tilespmem:s25], [sflag:$0x6], $0x40, s7, s21, $0xb8;
	[tilespmem:$0x1EC00] =	vst v63  }
0x75: {  	_ =	swait.ge [sflag:s18], $0x2000  }
0x76: {  	[sflag:s18] =	ssyncset.done $0x0  }
0x77: {  	[sflag:s18] =	ssyncadd.s32 $0xFFFFE000  }
0x78: {  	[spmem:s2] =	stream.indirect.scatter.add.f32 [tilespmem:s22], [sflag:$0x4], $0x40, s8, s21, $0xb8;
	[tilespmem:$0x1EC00] =	vst v63  }
0x79: {  	_ =	swait.ge [sflag:s26], $0x2000  }
0x7a: {  	[sflag:s26] =	ssyncset.done $0x0  }
0x7b: {  	[sflag:s26] =	ssyncadd.s32 $0xFFFFE000  }
0x7c: {  	[spmem:s2] =	stream.indirect.scatter.add.f32 [tilespmem:s23], [sflag:$0x5], $0x40, s9, s21, $0xb8;
	[tilespmem:$0x1EC00] =	vst v63  }
0x7d: {  	_ =	swait.ge [sflag:s31], $0x2000  }
0x7e: {  	[sflag:s31] =	ssyncset.done $0x0  }
0x7f: {  	[sflag:s31] =	ssyncadd.s32 $0xFFFFE000  }
0x80: {  	_ =	swait.ge [sflag:s29], $0x2000  }
0x81: {  	[sflag:s29] =	ssyncset.done $0x0  }
0x82: {  	[sflag:s29] =	ssyncadd.s32 $0xFFFFE000  }
0x83: {  	_ =	swait.ge [sflag:s30], $0x2000  }
0x84: {  	[sflag:s30] =	ssyncset.done $0x0  }
0x85: {  	[sflag:s30] =	ssyncadd.s32 $0xFFFFE000  }
0x86: {  	[bflag:$0x0] =	sbarrier.arrive $0xFFFF  }
0x87: {  	s11 =	rddreg [dreg:$0x8]  }
0x88: {  	[hbm:s11@s20], [sflag:s15] =	dma.strided [spmem:s16@s19], $0x13C0, s18, $0x8   }
0x89: {  	_ =	swait.ge [sflag:s13], $0x13C0  }
0x8a: {  	[sflag:s13] =	ssyncset.done $0x0  }
0x8b: {  	[sflag:s13] =	ssyncadd.s32 $0xFFFFEC40  }
0x8c: {  	[spmem:s16], [sflag:s15] =	dma.local [hbm:s5], $0x13C0  }
0x8d: {  	_ =	swait.ge [sflag:s13], $0x13C0  }
0x8e: {  	[sflag:s13] =	ssyncset.done $0x0  }
0x8f: {  	s12 =	rddreg [dreg:$0x9];
	[sflag:s13] =	ssyncadd.s32 $0xFFFFEC40  }
0x90: {  	[spmem:s17@s19], [sflag:s15] =	dma.strided [hbm:s12@s20], $0x13C0, s18, $0x8   }
0x91: {  	_ =	swait.ge [sflag:s13], $0x13C0  }
0x92: {  	[sflag:s13] =	ssyncset.done $0x0  }
0x93: {  	[sflag:s13] =	ssyncadd.s32 $0xFFFFEC40  }
0x94: {  	s24 =	simm.s32 $0x0;
	[bflag:$0x0] =	sbarrier.arrive $0xFFFF  }
0x95: {  	[tilespmem:s22], [sflag:$0x1] =	stream.indirect.gather [spmem:s3], $0x40, s24, s21, $0xb8;
	[tilespmem:$0x1EC00] =	vst v63  }
0x96: {  	_ = 	snop  }
0x97: {  	[tilespmem:s23], [sflag:$0x2] =	stream.indirect.gather [spmem:s3], $0x40, s21, s21, $0xb8;
	[tilespmem:$0x1EC00] =	vst v63  }
0x98: {  	s12 =	simm.s32 $0x100  }
0x99: {  	[tilespmem:s25], [sflag:$0x3] =	stream.indirect.gather [spmem:s3], $0x40, s12, s21, $0xb8;
	[tilespmem:$0x1EC00] =	vst v63  }
0x9a: {  	_ =	swait.ge [sflag:s18], $0x2000  }
0x9b: {  	[sflag:s18] =	ssyncset.done $0x0  }
0x9c: {  	s24 =	simm.s32 $0x2800;
	[sflag:s18] =	ssyncadd.s32 $0xFFFFE000  }
0x9d: {  	[spmem:s2] =	stream.indirect.scatter.add.f32 [tilespmem:s22], [sflag:$0x4], $0x40, s24, s21, $0xb8;
	[tilespmem:$0x1EC00] =	vst v63  }
0x9e: {  	_ =	swait.ge [sflag:s26], $0x2000  }
0x9f: {  	[sflag:s26] =	ssyncset.done $0x0  }
0xa0: {  	s12 =	simm.s32 $0x2880;
	[sflag:s26] =	ssyncadd.s32 $0xFFFFE000  }
0xa1: {  	[spmem:s2] =	stream.indirect.scatter.add.f32 [tilespmem:s23], [sflag:$0x5], $0x40, s12, s21, $0xb8;
	[tilespmem:$0x1EC00] =	vst v63  }
0xa2: {  	_ =	swait.ge [sflag:s28], $0x2000  }
0xa3: {  	[sflag:s28] =	ssyncset.done $0x0  }
0xa4: {  	s24 =	simm.s32 $0x2900;
	[sflag:s28] =	ssyncadd.s32 $0xFFFFE000  }
0xa5: {  	[spmem:s2] =	stream.indirect.scatter.add.f32 [tilespmem:s25], [sflag:$0x6], $0x40, s24, s21, $0xb8;
	[tilespmem:$0x1EC00] =	vst v63  }
0xa6: {  	_ =	swait.ge [sflag:s29], $0x2000  }
0xa7: {  	[sflag:s29] =	ssyncset.done $0x0  }
0xa8: {  	s12 =	simm.s32 $0x180;
	[sflag:s29] =	ssyncadd.s32 $0xFFFFE000  }
0xa9: {  	[tilespmem:s22], [sflag:$0x1] =	stream.indirect.gather [spmem:s3], $0x40, s12, s21, $0xb8;
	[tilespmem:$0x1EC00] =	vst v63  }
0xaa: {  	_ =	swait.ge [sflag:s30], $0x2000  }
0xab: {  	[sflag:s30] =	ssyncset.done $0x0  }
0xac: {  	s24 =	simm.s32 $0x200;
	[sflag:s30] =	ssyncadd.s32 $0xFFFFE000  }
0xad: {  	[tilespmem:s23], [sflag:$0x2] =	stream.indirect.gather [spmem:s3], $0x40, s24, s21, $0xb8;
	[tilespmem:$0x1EC00] =	vst v63  }
0xae: {  	_ =	swait.ge [sflag:s31], $0x2000  }
0xaf: {  	[sflag:s31] =	ssyncset.done $0x0  }
0xb0: {  	s11 =	simm.s32 $0x600;
	s12 =	simm.s32 $0x280;
	[sflag:s31] =	ssyncadd.s32 $0xFFFFE000  }
.LBB2_4:
0xb1: {  	[tilespmem:s25], [sflag:$0x3] =	stream.indirect.gather [spmem:s3], $0x40, s12, s21, $0xb8;
	[tilespmem:$0x1EC00] =	vst v63  }
0xb2: {  	s12 =	smov.u32 s11  }
0xb3: {  	p0 =	sne.s32 s11, $0x9000;
	s11 =	sadd.s32 $0x600, s11;
	_ =	swait.ge [sflag:s18], $0x2000  }
0xb4: {  	s12 =	sshra.s32 s12, $0x2;
	[sflag:s18] =	ssyncset.done $0x0  }
0xb5: {  	s24 =	sadd.s32 $0x2800, s12;
	[sflag:s18] =	ssyncadd.s32 $0xFFFFE000  }
0xb6: {  	[spmem:s2] =	stream.indirect.scatter.add.f32 [tilespmem:s22], [sflag:$0x4], $0x40, s24, s21, $0xb8;
	[tilespmem:$0x1EC00] =	vst v63  }
0xb7: {  	_ =	swait.ge [sflag:s26], $0x2000  }
0xb8: {  	[sflag:s26] =	ssyncset.done $0x0  }
0xb9: {  	s24 =	sadd.s32 $0x2880, s12;
	[sflag:s26] =	ssyncadd.s32 $0xFFFFE000  }
0xba: {  	[spmem:s2] =	stream.indirect.scatter.add.f32 [tilespmem:s23], [sflag:$0x5], $0x40, s24, s21, $0xb8;
	[tilespmem:$0x1EC00] =	vst v63  }
0xbb: {  	_ =	swait.ge [sflag:s28], $0x2000  }
0xbc: {  	[sflag:s28] =	ssyncset.done $0x0  }
0xbd: {  	s24 =	sadd.s32 $0x2900, s12;
	[sflag:s28] =	ssyncadd.s32 $0xFFFFE000  }
0xbe: {  	[spmem:s2] =	stream.indirect.scatter.add.f32 [tilespmem:s25], [sflag:$0x6], $0x40, s24, s21, $0xb8;
	[tilespmem:$0x1EC00] =	vst v63  }
0xbf: {  	_ =	swait.ge [sflag:s29], $0x2000  }
0xc0: {  	[sflag:s29] =	ssyncset.done $0x0  }
0xc1: {  	s24 =	sadd.s32 $0x180, s12;
	[sflag:s29] =	ssyncadd.s32 $0xFFFFE000  }
0xc2: {  	[tilespmem:s22], [sflag:$0x1] =	stream.indirect.gather [spmem:s3], $0x40, s24, s21, $0xb8;
	[tilespmem:$0x1EC00] =	vst v63  }
0xc3: {  	_ =	swait.ge [sflag:s30], $0x2000  }
0xc4: {  	[sflag:s30] =	ssyncset.done $0x0  }
.Ltmp1:
0xc5: {  	s24 =	sadd.s32 $0x200, s12;
	[sflag:s30] =	ssyncadd.s32 $0xFFFFE000;
	(pc) =	sbr.rel @p0 .LBB2_4-.Ltmp1, $4  }
0xc6: {  	[tilespmem:s23], [sflag:$0x2] =	stream.indirect.gather [spmem:s3], $0x40, s24, s21, $0xb8;
	[tilespmem:$0x1EC00] =	vst v63  }
0xc7: {  	_ =	swait.ge [sflag:s31], $0x2000  }
0xc8: {  	[sflag:s31] =	ssyncset.done $0x0  }
0xc9: {  	s12 =	sadd.s32 $0x280, s12;
	[sflag:s31] =	ssyncadd.s32 $0xFFFFE000  }
0xca: {  	[tilespmem:s25], [sflag:$0x3] =	stream.indirect.gather [spmem:s3], $0x40, s12, s21, $0xb8;
	[tilespmem:$0x1EC00] =	vst v63  }
0xcb: {  	_ =	swait.ge [sflag:s18], $0x2000  }
0xcc: {  	[sflag:s18] =	ssyncset.done $0x0  }
0xcd: {  	[sflag:s18] =	ssyncadd.s32 $0xFFFFE000  }
0xce: {  	[spmem:s2] =	stream.indirect.scatter.add.f32 [tilespmem:s22], [sflag:$0x4], $0x40, s1, s21, $0xb8;
	[tilespmem:$0x1EC00] =	vst v63  }
0xcf: {  	_ =	swait.ge [sflag:s29], $0x2000  }
0xd0: {  	[sflag:s29] =	ssyncset.done $0x0  }
0xd1: {  	[sflag:s29] =	ssyncadd.s32 $0xFFFFE000  }
0xd2: {  	[tilespmem:s22], [sflag:$0x1] =	stream.indirect.gather [spmem:s3], $0x40, s0, s21, $0xb8;
	[tilespmem:$0x1EC00] =	vst v63  }
0xd3: {  	_ =	swait.ge [sflag:s26], $0x2000  }
0xd4: {  	[sflag:s26] =	ssyncset.done $0x0  }
0xd5: {  	[sflag:s26] =	ssyncadd.s32 $0xFFFFE000  }
0xd6: {  	[spmem:s2] =	stream.indirect.scatter.add.f32 [tilespmem:s23], [sflag:$0x5], $0x40, s14, s21, $0xb8;
	[tilespmem:$0x1EC00] =	vst v63  }
0xd7: {  	_ =	swait.ge [sflag:s30], $0x2000  }
0xd8: {  	[sflag:s30] =	ssyncset.done $0x0  }
0xd9: {  	[sflag:s30] =	ssyncadd.s32 $0xFFFFE000  }
0xda: {  	[tilespmem:s23], [sflag:$0x2] =	stream.indirect.gather [spmem:s3], $0x40, s6, s21, $0xb8;
	[tilespmem:$0x1EC00] =	vst v63  }
0xdb: {  	_ =	swait.ge [sflag:s28], $0x2000  }
0xdc: {  	[sflag:s28] =	ssyncset.done $0x0  }
0xdd: {  	[sflag:s28] =	ssyncadd.s32 $0xFFFFE000  }
0xde: {  	[spmem:s2] =	stream.indirect.scatter.add.f32 [tilespmem:s25], [sflag:$0x6], $0x40, s7, s21, $0xb8;
	[tilespmem:$0x1EC00] =	vst v63  }
0xdf: {  	_ =	swait.ge [sflag:s18], $0x2000  }
0xe0: {  	[sflag:s18] =	ssyncset.done $0x0  }
0xe1: {  	[sflag:s18] =	ssyncadd.s32 $0xFFFFE000  }
0xe2: {  	[spmem:s2] =	stream.indirect.scatter.add.f32 [tilespmem:s22], [sflag:$0x4], $0x40, s8, s21, $0xb8;
	[tilespmem:$0x1EC00] =	vst v63  }
0xe3: {  	_ =	swait.ge [sflag:s26], $0x2000  }
0xe4: {  	[sflag:s26] =	ssyncset.done $0x0  }
0xe5: {  	[sflag:s26] =	ssyncadd.s32 $0xFFFFE000  }
0xe6: {  	[spmem:s2] =	stream.indirect.scatter.add.f32 [tilespmem:s23], [sflag:$0x5], $0x40, s9, s21, $0xb8;
	[tilespmem:$0x1EC00] =	vst v63  }
0xe7: {  	_ =	swait.ge [sflag:s31], $0x2000  }
0xe8: {  	[sflag:s31] =	ssyncset.done $0x0  }
0xe9: {  	[sflag:s31] =	ssyncadd.s32 $0xFFFFE000  }
0xea: {  	_ =	swait.ge [sflag:s29], $0x2000  }
0xeb: {  	[sflag:s29] =	ssyncset.done $0x0  }
0xec: {  	[sflag:s29] =	ssyncadd.s32 $0xFFFFE000  }
0xed: {  	_ =	swait.ge [sflag:s30], $0x2000  }
0xee: {  	[sflag:s30] =	ssyncset.done $0x0  }
0xef: {  	[sflag:s30] =	ssyncadd.s32 $0xFFFFE000  }
0xf0: {  	[bflag:$0x0] =	sbarrier.arrive $0xFFFF  }
0xf1: {  	s11 =	rddreg [dreg:$0xa]  }
0xf2: {  	[hbm:s11@s20], [sflag:s15] =	dma.strided [spmem:s16@s19], $0x13C0, s18, $0x8   }
0xf3: {  	_ =	swait.ge [sflag:s13], $0x13C0  }
0xf4: {  	s10 =	sadd.s32 $0x1, s10;
	s24 =	rddreg [dreg:$0xb]  }
0xf5: {  	p0 =	sne.s32 s10, s24  }
.Ltmp2:
0xf6: {  	_ = 	snop;
	(pc) =	sbr.rel @p0 .LBB2_1-.Ltmp2, $3  }
0xf7: {  	_ =	sdelay $0x1  }
0xf8: {  	[sflag:s13] =	ssyncset.done $0x0  }
0xf9: {  	[sflag:s13] =	ssyncadd.s32 $0xFFFFEC40  }
0xfa: {  	_ =	sfence.sel $0x180000  }
0xfb: {  	[bflag:$0x0] =	sbarrier.arrive $0xFFFF  }
0xfc: {  	_ =	strace $0x9000004A  }
0xfd: {  	s0 =	stileid.u32;
	[bflag:$0x2] =	sbarrier.arrive $0xFFFF  }
0xfe: {  	p0 =	sne.s32 s0, $0x0;
	s0 =	rddreg [dreg:$0x4]  }
0xff: {  	s0 =	sadd.s32 @!p0 $0x100000, s0  }
0x100: {  	[sflag:s0] =	ssyncadd.tile.s32 @!p0 $0x1;
	_ =	shalt  }
.Lfunc_end2:
_tile_overlayer_lowered:
.L_overlay_start_2:
0x101: {  	(tag) =	ssettag $0x2  }
0x102: {  	s0 =	rddreg [dreg:$0x0];
	s2 =	stileid.u32  }
0x103: {  	s1 =	rddreg [dreg:$0x1];
	p0 =	sne.s32 s2, $0x0  }
0x104: {  	s3 =	rddreg [dreg:$0x2];
	[bflag:$0x3] =	sbarrier.arrive $0xFFFF;
	s2 =	simm.s32 @!p0 $0x1C07  }
0x105: {  	[timem:s3], [sflag:s2] =	dma.local @!p0 [hbm:s0], s1  }
0x106: {  	s0 =	simm.s32 @!p0 $0x7  }
0x107: {  	_ =	swait.ge @!p0 [sflag:s0], s1  }
0x108: {  	s1 =	ssub.s32 @!p0 $0x0, s1;
	[sflag:s0] =	ssyncset.done @!p0 $0x0  }
0x109: {  	[sflag:s0] =	ssyncadd.s32 @!p0 s1  }
0x10a: {  	[bflag:$0x3] =	sbarrier.arrive $0xFFFF  }
0x10b: {  	_ =	shalt  }

// kernel: kernel.19.cloned.1.call-start
scs
__scs_entry_jumppad:
0x0: {  	(pc) =	sbr.rel $0x88, $3  }
0x1: {  	(tag) =	ssettag $0x0;
	lr =	simm.s32 $0x1  }
0x2: {  	[smem:$0x3F95] =	sst lr;
	_ =	strace $0xD0000000  }
0x3: {  	_ = 	snop  }
0x4: {  	_ = 	snop  }
0x5: {  	_ = 	snop  }
0x6: {  	_ = 	snop  }
0x7: {  	_ = 	snop  }
__scs_overlays_trampoline_lowered:
0x8: {  	[smem:$0x3FA4] =	sst s0  }
0x9: {  	[smem:$0x3FA5] =	sst s1  }
0xa: {  	[smem:$0x3FA6] =	sst s2  }
0xb: {  	[smem:$0x3FA7] =	sst s3  }
0xc: {  	[smem:$0x3FA8] =	sst s4  }
0xd: {  	[smem:$0x3FA9] =	sst s5  }
0xe: {  	[smem:$0x3FAA] =	sst s6  }
0xf: {  	[smem:$0x3FAB] =	sst s7  }
0x10: {  	[smem:$0x3FAC] =	sst s8  }
0x11: {  	[smem:$0x3FAD] =	sst s9;
	s0 =	simm.s32 @!p0 $0x0  }
0x12: {  	s1 =	sld [smem:$0x3F93];
	s0 =	simm.s32 @p0 $0x1  }
0x13: {  	[smem:$0x3FAE] =	sst s0;
	s0 =	simm.s32 @!p1 $0x0  }
0x14: {  	s2 =	sld [smem:$0x3F92];
	s0 =	simm.s32 @p1 $0x1  }
0x15: {  	[smem:$0x3FAF] =	sst s0;
	s0 =	simm.s32 @!p2 $0x0  }
0x16: {  	s3 =	sld [smem:$0x3FDB];
	s0 =	simm.s32 @p2 $0x1  }
0x17: {  	s4 =	simm.s32 $0x1BF5;
	[smem:$0x3FB1] =	sst s0  }
0x18: {  	s0 =	sld [smem:$0x3F94];
	_ =	swait.ge [sflag:s4], $0x0  }
0x19: {  	s7 =	sld [smem:$0x3F95]  }
0x1a: {  	s8 =	sadd.s32 $0xFFFFE003, lr  }
0x1b: {  	s9 =	sadd.s32 $0xFFFFFEF7, lr;
	s5 =	simm.s32 $0xFFFFFFFF;
	p2 =	slt.u32 s8, $0xFFFFF086  }
0x1c: {  	p1 =	slt.u32 s9, $0xF7A;
	s5 =	simm.s32 @!p2 $0x0  }
0x1d: {  	s5 =	simm.s32 @p1 $0x1;
	p0 =	seq.s32 s7, s2  }
0x1e: {  	s7 =	smul.u32 @!p0 $0xF7A, s2;
	p2 =	seq.s32 @!p0 s5, $0x0  }
0x1f: {  	s9 =	smul.u32 $0xF7A, s1;
	s8 =	simm.s32 @!p0 $0x1BF5;
	p2 =	por !p2, p0  }
0x20: {  	[sflag:s8] =	ssyncset.s32 @!p0 $0xFFFFF086;
	s6 =	sadd.s32 @!p0 s3, s7;
	s7 =	simm.s32 @!p0 $0x108  }
0x21: {  	s3 =	sadd.s32 s3, s9;
	s6 =	sadd.s32 @!p0 $0x88, s6;
	s7 =	simm.s32 @p2 $0x1082  }
0x22: {  	[simem:s7], [sflag:s8] =	dma.local @!p0 [hbm:s6], $0xF7A  }
0x23: {  	s9 =	sor.u32 $0xD0000000, s2;
	s6 =	simm.s32 $0x108;
	_ =	swait.ge @!p0 [sflag:s8], $0x0  }
0x24: {  	s3 =	sadd.s32 $0x88, s3;
	s6 =	simm.s32 @!p1 $0x1082;
	[sflag:s4] =	ssyncset.s32 $0xFFFFF086  }
0x25: {  	[simem:s6], [sflag:s4] =	dma.local [hbm:s3], $0xF7A  }
0x26: {  	[smem:$0x3F95] =	sst s1;
	(tag) =	ssettag s2;
	_ =	strace s9  }
0x27: {  	s1 =	sld [smem:$0x3FA5]  }
0x28: {  	s2 =	sld [smem:$0x3FA6]  }
0x29: {  	s4 =	sld [smem:$0x3FA8]  }
0x2a: {  	p0 =	seq.s32 s5, $0x0;
	s5 =	sld [smem:$0x3FA9]  }
0x2b: {  	s6 =	sld [smem:$0x3FAA]  }
0x2c: {  	s7 =	sld [smem:$0x3FAB]  }
0x2d: {  	s3 =	simm.s32 $0x108;
	s8 =	sld [smem:$0x3FAC]  }
0x2e: {  	s3 =	simm.s32 @!p0 $0x1082;
	s9 =	sld [smem:$0x3FAD]  }
0x2f: {  	lr =	sadd.s32 s0, s3;
	s0 =	sld [smem:$0x3FA4]  }
0x30: {  	s3 =	sld [smem:$0x3FA7]  }
0x31: {  	[smem:$0x3FB0] =	sst s10  }
0x32: {  	s10 =	sld [smem:$0x3FAE];
	_ =	sdelay $0x3  }
0x33: {  	p0 =	seq.s32 s10, $0x1;
	s10 =	sld [smem:$0x3FB0];
	_ =	sdelay $0x3  }
0x34: {  	[smem:$0x3FB0] =	sst s10  }
0x35: {  	s10 =	sld [smem:$0x3FAF];
	_ =	sdelay $0x3  }
0x36: {  	p1 =	seq.s32 s10, $0x1;
	s10 =	sld [smem:$0x3FB0];
	_ =	sdelay $0x3  }
0x37: {  	[smem:$0x3FB0] =	sst s10  }
0x38: {  	s10 =	sld [smem:$0x3FB1]  }
0x39: {  	_ = 	snop;
	(pc) =	sbr.ind lr, $3  }
0x3a: {  	_ = 	snop  }
0x3b: {  	_ = 	snop  }
0x3c: {  	p2 =	seq.s32 s10, $0x1;
	s10 =	sld [smem:$0x3FB0]  }
0x3d: {  	_ =	shalt  }
0x3e: {  	_ =	shalt  }
0x3f: {  	_ =	shalt  }
0x40: {  	_ =	shalt  }
0x41: {  	_ =	shalt  }
0x42: {  	_ =	shalt  }
0x43: {  	_ =	shalt  }
0x44: {  	_ =	shalt  }
0x45: {  	_ =	shalt  }
0x46: {  	_ =	shalt  }
0x47: {  	_ =	shalt  }
0x48: {  	_ =	shalt  }
0x49: {  	_ =	shalt  }
0x4a: {  	_ =	shalt  }
0x4b: {  	_ =	shalt  }
0x4c: {  	_ =	shalt  }
0x4d: {  	_ =	shalt  }
0x4e: {  	_ =	shalt  }
0x4f: {  	_ =	shalt  }
0x50: {  	_ =	shalt  }
0x51: {  	_ =	shalt  }
0x52: {  	_ =	shalt  }
0x53: {  	_ =	shalt  }
0x54: {  	_ =	shalt  }
0x55: {  	_ =	shalt  }
0x56: {  	_ =	shalt  }
0x57: {  	_ =	shalt  }
0x58: {  	_ =	shalt  }
0x59: {  	_ =	shalt  }
0x5a: {  	_ =	shalt  }
0x5b: {  	_ =	shalt  }
0x5c: {  	_ =	shalt  }
0x5d: {  	_ =	shalt  }
0x5e: {  	_ =	shalt  }
0x5f: {  	_ =	shalt  }
0x60: {  	_ =	shalt  }
0x61: {  	_ =	shalt  }
0x62: {  	_ =	shalt  }
0x63: {  	_ =	shalt  }
0x64: {  	_ =	shalt  }
0x65: {  	_ =	shalt  }
0x66: {  	_ =	shalt  }
0x67: {  	_ =	shalt  }
0x68: {  	_ =	shalt  }
0x69: {  	_ =	shalt  }
0x6a: {  	_ =	shalt  }
0x6b: {  	_ =	shalt  }
0x6c: {  	_ =	shalt  }
0x6d: {  	_ =	shalt  }
0x6e: {  	_ =	shalt  }
0x6f: {  	_ =	shalt  }
0x70: {  	_ =	shalt  }
0x71: {  	_ =	shalt  }
0x72: {  	_ =	shalt  }
0x73: {  	_ =	shalt  }
0x74: {  	_ =	shalt  }
0x75: {  	_ =	shalt  }
0x76: {  	_ =	shalt  }
0x77: {  	_ =	shalt  }
0x78: {  	_ =	shalt  }
0x79: {  	_ =	shalt  }
0x7a: {  	_ =	shalt  }
0x7b: {  	_ =	shalt  }
0x7c: {  	_ =	shalt  }
0x7d: {  	_ =	shalt  }
0x7e: {  	_ =	shalt  }
0x7f: {  	_ =	shalt  }
0x80: {  	_ =	shalt  }
0x81: {  	_ =	shalt  }
0x82: {  	_ =	shalt  }
0x83: {  	_ =	shalt  }
0x84: {  	_ =	shalt  }
0x85: {  	_ =	shalt  }
0x86: {  	_ =	shalt  }
0x87: {  	_ =	shalt  }
.Lfunc_end0:
.L_simem_size_0:
called_computation.2_lowered:
.L_overlay_start_0:
0x88: {  	s2 =	sld [smem:$0x3FD9]  }
0x89: {  	s3 =	sld [smem:$0x3FFE];
	_ =	sdelay $0x1  }
0x8a: {  	s1 =	srdreg.scid  }
0x8b: {  	s0 =	sand.u32 $0x1, s1  }
0x8c: {  	s17 =	sshll.u32 s0, $0xA;
	s2 =	sadd.s32 s3, s2  }
0x8d: {  	s2 =	sadd.s32 s2, s17  }
0x8e: {  	[smem:$0x3FBC] =	sst s2  }
0x8f: {  	_ = 	snop  }
0x90: {  	s2 =	sld [smem:$0x3FD0];
	(tm) =	ssettm $0x1  }
0x91: {  	s18 =	sld [smem:$0x3FFB];
	_ =	sdelay $0x3  }
0x92: {  	_ =	strace s18  }
0x93: {  	s3 =	sld [smem:$0x3FFC];
	_ =	sdelay $0x3  }
0x94: {  	_ =	strace s3  }
0x95: {  	s3 =	sld [smem:$0x3FFD];
	_ =	sdelay $0x3  }
0x96: {  	_ =	strace s3  }
0x97: {  	_ =	strace $0x8FFFFFFF  }
0x98: {  	s19 =	sld [smem:$0x3FDB];
	_ =	sdelay $0x1  }
0x99: {  	s4 =	simm.s32 $_scs_section_size  }
0x9a: {  	s5 =	simm.s32 $_size__tile_overlayer_lowered;
	s6 =	simm.s32 $_tile_overlayer_lowered  }
0x9b: {  	s22 =	simm.s32 $0x1BFF;
	s21 =	sshll.u32 s6, $0x1;
	s3 =	sadd.s32 s4, s19  }
0x9c: {  	s7 =	simm.s32 $0x0;
	s20 =	sshll.u32 s5, $0x1;
	s5 =	sadd.s32 s21, s3  }
0x9d: {  	[timem:s7], [sflag:s22] =	dma.local [hbm:s5], s20  }
0x9e: {  	_ =	swait.ge [sflag:s22], s20  }
0x9f: {  	s4 =	ssub.s32 $0x0, s20;
	[sflag:s22] =	ssyncset.done $0x0  }
0xa0: {  	[sflag:s22] =	ssyncadd.s32 s4;
	_ =	sdelay $0x1  }
0xa1: {  	s23 =	simm.s32 $0x1B8B  }
0xa2: {  	_ =	swait.ge [sflag:s23], $0x1  }
0xa3: {  	[sflag:s23] =	ssyncset.done $0x0  }
0xa4: {  	s25 =	simm.s32 $0x1B8E;
	s24 =	sld [smem:$0x3FFE];
	[sflag:s23] =	ssyncadd.s32 $0xFFFFFFFF  }
0xa5: {  	s26 =	simm.s32 $execute0_lowered;
	[smem:$0x3FD2] =	sst s25  }
0xa6: {  	s5 =	sshll.u32 s26, $0x1;
	_ =	strace $0x8000004C;
	[dreg:$0x1] =	wrdreg $0xFFFFFFFF  }
0xa7: {  	s28 =	simm.s32 $_size_execute0_lowered;
	s3 =	sadd.s32 s3, s5;
	[dreg:$0x0] =	wrdreg $0x0  }
0xa8: {  	s5 =	sshll.u32 s28, $0x1;
	[dreg:$0x2] =	wrdreg s3  }
0xa9: {  	[dreg:$0x3] =	wrdreg s5  }
0xaa: {  	[dreg:$0x4] =	wrdreg $0xC0  }
0xab: {  	_ =	task [dreg:s7], $0x5FFFF  }
0xac: {  	[dreg:$0x1] =	wrdreg $0xFFFFFFFF  }
0xad: {  	[dreg:$0x0] =	wrdreg $0x60  }
0xae: {  	[dreg:$0x2] =	wrdreg s24  }
0xaf: {  	[dreg:$0x3] =	wrdreg s2  }
0xb0: {  	[dreg:$0x4] =	wrdreg $0xB0000  }
0xb1: {  	[dreg:$0x5] =	wrdreg $0x14E000  }
0xb2: {  	[dreg:$0x6] =	wrdreg $0x9  }
0xb3: {  	_ =	task.clear_ibuf [dreg:s7], $0x7FFFF;
	_ =	strace $0x9000004C  }
0xb4: {  	s29 =	simm.s32 $0x9;
	_ =	strace $0x8000004E  }
0xb5: {  	_ =	swait.ge [sflag:s29], $0x1  }
0xb6: {  	[sflag:s29] =	ssyncadd.s32 $0xFFFFFFFF  }
0xb7: {  	_ =	strace $0x9000004E  }
0xb8: {  	_ =	sfence  }
0xb9: {  	s30 =	sld [smem:$0x0];
	_ =	sdelay $0x2  }
0xba: {  	s31 =	sshll.u32 s1, $0xD;
	s1 =	sshrl.u32 s1, $0x2  }
0xbb: {  	s3 =	sand.u32 $0x4000, s31;
	s1 =	sadd.s32 s1, s30  }
0xbc: {  	s0 =	sor.u32 s3, s0;
	s1 =	sshll.u32 s1, $0x11  }
0xbd: {  	s0 =	sor.u32 s1, s0  }
0xbe: {  	s0 =	sadd.s32 $0x8F2B, s0  }
0xbf: {  	[sflag:s0] =	ssyncadd.remote.s32 $0x1  }
0xc0: {  	_ =	sfence.sel $0xFFFF  }
0xc1: {  	[dreg:$0x0] =	wrdreg $0xFFFFFFFF;
	(pc) =	sbr.abs _section_cstart, $3  }
0xc2: {  	[dreg:$0x1] =	wrdreg $0xFFFFFFFF  }
0xc3: {  	_ =	task.clear_ibuf [dreg:s7], $0x2FFFF;
	_ =	strace $0x9FFFFFFF  }
0xc4: {  	(tm) =	ssettm $0x7FFFFFFF  }
0xc5: {  	_ =	shalt  }
tec
execute0_lowered:
.L_overlay_start_1:
0x0: {  	(tag) =	ssettag $0x1  }
0x1: {  	s0 =	rddreg [dreg:$0x0]  }
0x2: {  	s6 =	rddreg [dreg:$0x1]  }
0x3: {  	s1 =	srdreg.scid;
	s2 =	rddreg [dreg:$0x2]  }
0x4: {  	s14 =	stileid.u32;
	s3 =	rddreg [dreg:$0x3];
	s13 =	simm.s32 $0x7  }
0x5: {  	s18 =	simm.s32 $0x1;
	s19 =	simm.s32 $0x8;
	s28 =	simm.s32 $0x3  }
0x6: {  	s29 =	simm.s32 $0x4;
	s30 =	simm.s32 $0x5;
	s5 =	smul.u32 $0x13C00, s14  }
0x7: {  	s31 =	simm.s32 $0x6;
	s1 =	sand.u32 $0x1, s1;
	s12 =	smul.u32 $0x9E00, s14  }
0x8: {  	s26 =	sshll.u32 s14, $0x6;
	s4 =	sshll.u32 s1, $0x4;
	s9 =	smul.u32 $0x13C000, s1  }
0x9: {  	s1 =	ssub.s32 $0x2, s1;
	s15 =	sor.u32 $0x1C07, s26;
	s26 =	simm.s32 $0x2  }
0xa: {  	s7 =	sor.u32 s14, s4;
	s4 =	simm.s32 $0x0;
	s8 =	sshrl.u32 s5, $0x3  }
0xb: {  	s11 =	sshrl.u32 s1, $0x1;
	s21 =	sadd.s32 s12, s2;
	s22 =	sadd.s32 s12, s3  }
0xc: {  	s14 =	simm.s32 $0x4E00;
	s7 =	smul.u32 $0x500, s7;
	[smem:$0x7FF] =	sst s4  }
0xd: {  	s8 =	sadd.s32 s8, s0;
	s5 =	sadd.s32 s5, s9;
	s1 =	ssub.s32 s1, s11  }
0xe: {  	s16 =	sshrl.u32 s21, $0x3;
	s17 =	sshrl.u32 s22, $0x3;
	s21 =	simm.s32 $0x80  }
0xf: {  	s22 =	simm.s32 $0x5000;
	_ =	strace $0x8000004D;
	s9 =	sshrl.u32 s5, $0x3  }
0x10: {  	s5 =	sadd.s32 $0x3A00, s0;
	s23 =	sadd.s32 $0x17E00, s8;
	s8 =	sadd.s32 $0x17E08, s8  }
0x11: {  	s25 =	smax.u32 s1, $0x1;
	s1 =	simm.s32 $0x4D80;
	[dreg:$0x7] =	wrdreg s23  }
0x12: {  	s10 =	sadd.s32 s7, s0;
	s0 =	sadd.s32 s9, s0;
	[dreg:$0x9] =	wrdreg s8  }
0x13: {  	s6 =	sadd.s32 s6, s7;
	[dreg:$0xb] =	wrdreg s25;
	s23 =	simm.s32 $0x7000  }
0x14: {  	s25 =	simm.s32 $0x9000;
	s7 =	simm.s32 $0x4E80;
	s8 =	simm.s32 $0x4F00  }
0x15: {  	s9 =	simm.s32 $0x4F80;
	s20 =	sadd.s32 $0xDE00, s10;
	[dreg:$0x6] =	wrdreg s6  }
0x16: {  	s24 =	sadd.s32 $0x3F600, s0;
	s0 =	sadd.s32 $0x3F608, s0;
	[dreg:$0x5] =	wrdreg s20  }
0x17: {  	s6 =	simm.s32 $0x2780;
	s10 =	simm.s32 $0x0;
	[dreg:$0x8] =	wrdreg s24  }
0x18: {  	[dreg:$0xa] =	wrdreg s0;
	s20 =	simm.s32 $0x10;
	s0 =	simm.s32 $0x2700  }
.LBB2_1:
0x19: {  	s11 =	rddreg [dreg:$0x5]  }
0x1a: {  	[tilespmem:s4], [sflag:$0x7] =	stream.linear.gather [hbm4b:s11+s4], $0x2800, $0x38;
	[tilespmem:$0x1EC00] =	vst v63  }
0x1b: {  	_ =	swait.ge [sflag:s13], $0x2800  }
0x1c: {  	[sflag:s13] =	ssyncset.done $0x0  }
0x1d: {  	s12 =	simm.s32 $0x2800;
	s24 =	rddreg [dreg:$0x6];
	[sflag:s13] =	ssyncadd.s32 $0xFFFFD800  }
0x1e: {  	[tilespmem:s12], [sflag:$0x7] =	stream.linear.gather [hbm4b:s24+s4], $0x2800, $0x38;
	[tilespmem:$0x1EC00] =	vst v63  }
0x1f: {  	_ =	swait.ge [sflag:s13], $0x2800  }
0x20: {  	[sflag:s13] =	ssyncset.done $0x0  }
0x21: {  	[sflag:s13] =	ssyncadd.s32 $0xFFFFD800  }
0x22: {  	[spmem:s16], [sflag:s15] =	dma.local [hbm:s5], $0x13C0  }
0x23: {  	_ =	swait.ge [sflag:s13], $0x13C0  }
0x24: {  	[sflag:s13] =	ssyncset.done $0x0  }
0x25: {  	s24 =	rddreg [dreg:$0x7];
	[sflag:s13] =	ssyncadd.s32 $0xFFFFEC40  }
0x26: {  	[spmem:s17@s19], [sflag:s15] =	dma.strided [hbm:s24@s20], $0x13C0, s18, $0x8   }
0x27: {  	_ =	swait.ge [sflag:s13], $0x13C0  }
0x28: {  	[sflag:s13] =	ssyncset.done $0x0  }
0x29: {  	[sflag:s13] =	ssyncadd.s32 $0xFFFFEC40  }
0x2a: {  	[bflag:$0x0] =	sbarrier.arrive $0xFFFF  }
0x2b: {  	[tilespmem:s22], [sflag:$0x1] =	stream.indirect.gather [spmem:s3], $0x40, s4, s21, $0xb8;
	[tilespmem:$0x1EC00] =	vst v63  }
0x2c: {  	_ = 	snop  }
0x2d: {  	[tilespmem:s23], [sflag:$0x2] =	stream.indirect.gather [spmem:s3], $0x40, s21, s21, $0xb8;
	[tilespmem:$0x1EC00] =	vst v63  }
0x2e: {  	s12 =	simm.s32 $0x100  }
0x2f: {  	[tilespmem:s25], [sflag:$0x3] =	stream.indirect.gather [spmem:s3], $0x40, s12, s21, $0xb8;
	[tilespmem:$0x1EC00] =	vst v63  }
0x30: {  	_ =	swait.ge [sflag:s18], $0x2000  }
0x31: {  	[sflag:s18] =	ssyncset.done $0x0  }
0x32: {  	s24 =	simm.s32 $0x2800;
	[sflag:s18] =	ssyncadd.s32 $0xFFFFE000  }
0x33: {  	[spmem:s2] =	stream.indirect.scatter.add.f32 [tilespmem:s22], [sflag:$0x4], $0x40, s24, s21, $0xb8;
	[tilespmem:$0x1EC00] =	vst v63  }
0x34: {  	_ =	swait.ge [sflag:s26], $0x2000  }
0x35: {  	[sflag:s26] =	ssyncset.done $0x0  }
0x36: {  	s12 =	simm.s32 $0x2880;
	[sflag:s26] =	ssyncadd.s32 $0xFFFFE000  }
0x37: {  	[spmem:s2] =	stream.indirect.scatter.add.f32 [tilespmem:s23], [sflag:$0x5], $0x40, s12, s21, $0xb8;
	[tilespmem:$0x1EC00] =	vst v63  }
0x38: {  	_ =	swait.ge [sflag:s28], $0x2000  }
0x39: {  	[sflag:s28] =	ssyncset.done $0x0  }
0x3a: {  	s24 =	simm.s32 $0x2900;
	[sflag:s28] =	ssyncadd.s32 $0xFFFFE000  }
0x3b: {  	[spmem:s2] =	stream.indirect.scatter.add.f32 [tilespmem:s25], [sflag:$0x6], $0x40, s24, s21, $0xb8;
	[tilespmem:$0x1EC00] =	vst v63  }
0x3c: {  	_ =	swait.ge [sflag:s29], $0x2000  }
0x3d: {  	[sflag:s29] =	ssyncset.done $0x0  }
0x3e: {  	s12 =	simm.s32 $0x180;
	[sflag:s29] =	ssyncadd.s32 $0xFFFFE000  }
0x3f: {  	[tilespmem:s22], [sflag:$0x1] =	stream.indirect.gather [spmem:s3], $0x40, s12, s21, $0xb8;
	[tilespmem:$0x1EC00] =	vst v63  }
0x40: {  	_ =	swait.ge [sflag:s30], $0x2000  }
0x41: {  	[sflag:s30] =	ssyncset.done $0x0  }
0x42: {  	s24 =	simm.s32 $0x200;
	[sflag:s30] =	ssyncadd.s32 $0xFFFFE000  }
0x43: {  	[tilespmem:s23], [sflag:$0x2] =	stream.indirect.gather [spmem:s3], $0x40, s24, s21, $0xb8;
	[tilespmem:$0x1EC00] =	vst v63  }
0x44: {  	_ =	swait.ge [sflag:s31], $0x2000  }
0x45: {  	[sflag:s31] =	ssyncset.done $0x0  }
0x46: {  	s11 =	simm.s32 $0x600;
	s12 =	simm.s32 $0x280;
	[sflag:s31] =	ssyncadd.s32 $0xFFFFE000  }
.LBB2_2:
0x47: {  	[tilespmem:s25], [sflag:$0x3] =	stream.indirect.gather [spmem:s3], $0x40, s12, s21, $0xb8;
	[tilespmem:$0x1EC00] =	vst v63  }
0x48: {  	s12 =	smov.u32 s11  }
0x49: {  	p0 =	sne.s32 s11, $0x9000;
	s11 =	sadd.s32 $0x600, s11;
	_ =	swait.ge [sflag:s18], $0x2000  }
0x4a: {  	s12 =	sshra.s32 s12, $0x2;
	[sflag:s18] =	ssyncset.done $0x0  }
0x4b: {  	s24 =	sadd.s32 $0x2800, s12;
	[sflag:s18] =	ssyncadd.s32 $0xFFFFE000  }
0x4c: {  	[spmem:s2] =	stream.indirect.scatter.add.f32 [tilespmem:s22], [sflag:$0x4], $0x40, s24, s21, $0xb8;
	[tilespmem:$0x1EC00] =	vst v63  }
0x4d: {  	_ =	swait.ge [sflag:s26], $0x2000  }
0x4e: {  	[sflag:s26] =	ssyncset.done $0x0  }
0x4f: {  	s24 =	sadd.s32 $0x2880, s12;
	[sflag:s26] =	ssyncadd.s32 $0xFFFFE000  }
0x50: {  	[spmem:s2] =	stream.indirect.scatter.add.f32 [tilespmem:s23], [sflag:$0x5], $0x40, s24, s21, $0xb8;
	[tilespmem:$0x1EC00] =	vst v63  }
0x51: {  	_ =	swait.ge [sflag:s28], $0x2000  }
0x52: {  	[sflag:s28] =	ssyncset.done $0x0  }
0x53: {  	s24 =	sadd.s32 $0x2900, s12;
	[sflag:s28] =	ssyncadd.s32 $0xFFFFE000  }
0x54: {  	[spmem:s2] =	stream.indirect.scatter.add.f32 [tilespmem:s25], [sflag:$0x6], $0x40, s24, s21, $0xb8;
	[tilespmem:$0x1EC00] =	vst v63  }
0x55: {  	_ =	swait.ge [sflag:s29], $0x2000  }
0x56: {  	[sflag:s29] =	ssyncset.done $0x0  }
0x57: {  	s24 =	sadd.s32 $0x180, s12;
	[sflag:s29] =	ssyncadd.s32 $0xFFFFE000  }
0x58: {  	[tilespmem:s22], [sflag:$0x1] =	stream.indirect.gather [spmem:s3], $0x40, s24, s21, $0xb8;
	[tilespmem:$0x1EC00] =	vst v63  }
0x59: {  	_ =	swait.ge [sflag:s30], $0x2000  }
0x5a: {  	[sflag:s30] =	ssyncset.done $0x0  }
.Ltmp0:
0x5b: {  	s24 =	sadd.s32 $0x200, s12;
	[sflag:s30] =	ssyncadd.s32 $0xFFFFE000;
	(pc) =	sbr.rel @p0 .LBB2_2-.Ltmp0, $4  }
0x5c: {  	[tilespmem:s23], [sflag:$0x2] =	stream.indirect.gather [spmem:s3], $0x40, s24, s21, $0xb8;
	[tilespmem:$0x1EC00] =	vst v63  }
0x5d: {  	_ =	swait.ge [sflag:s31], $0x2000  }
0x5e: {  	[sflag:s31] =	ssyncset.done $0x0  }
0x5f: {  	s12 =	sadd.s32 $0x280, s12;
	[sflag:s31] =	ssyncadd.s32 $0xFFFFE000  }
0x60: {  	[tilespmem:s25], [sflag:$0x3] =	stream.indirect.gather [spmem:s3], $0x40, s12, s21, $0xb8;
	[tilespmem:$0x1EC00] =	vst v63  }
0x61: {  	_ =	swait.ge [sflag:s18], $0x2000  }
0x62: {  	[sflag:s18] =	ssyncset.done $0x0  }
0x63: {  	[sflag:s18] =	ssyncadd.s32 $0xFFFFE000  }
0x64: {  	[spmem:s2] =	stream.indirect.scatter.add.f32 [tilespmem:s22], [sflag:$0x4], $0x40, s1, s21, $0xb8;
	[tilespmem:$0x1EC00] =	vst v63  }
0x65: {  	_ =	swait.ge [sflag:s29], $0x2000  }
0x66: {  	[sflag:s29] =	ssyncset.done $0x0  }
0x67: {  	[sflag:s29] =	ssyncadd.s32 $0xFFFFE000  }
0x68: {  	[tilespmem:s22], [sflag:$0x1] =	stream.indirect.gather [spmem:s3], $0x40, s0, s21, $0xb8;
	[tilespmem:$0x1EC00] =	vst v63  }
0x69: {  	_ =	swait.ge [sflag:s26], $0x2000  }
0x6a: {  	[sflag:s26] =	ssyncset.done $0x0  }
0x6b: {  	[sflag:s26] =	ssyncadd.s32 $0xFFFFE000  }
0x6c: {  	[spmem:s2] =	stream.indirect.scatter.add.f32 [tilespmem:s23], [sflag:$0x5], $0x40, s14, s21, $0xb8;
	[tilespmem:$0x1EC00] =	vst v63  }
0x6d: {  	_ =	swait.ge [sflag:s30], $0x2000  }
0x6e: {  	[sflag:s30] =	ssyncset.done $0x0  }
0x6f: {  	[sflag:s30] =	ssyncadd.s32 $0xFFFFE000  }
0x70: {  	[tilespmem:s23], [sflag:$0x2] =	stream.indirect.gather [spmem:s3], $0x40, s6, s21, $0xb8;
	[tilespmem:$0x1EC00] =	vst v63  }
0x71: {  	_ =	swait.ge [sflag:s28], $0x2000  }
0x72: {  	[sflag:s28] =	ssyncset.done $0x0  }
0x73: {  	[sflag:s28] =	ssyncadd.s32 $0xFFFFE000  }
0x74: {  	[spmem:s2] =	stream.indirect.scatter.add.f32 [tilespmem:s25], [sflag:$0x6], $0x40, s7, s21, $0xb8;
	[tilespmem:$0x1EC00] =	vst v63  }
0x75: {  	_ =	swait.ge [sflag:s18], $0x2000  }
0x76: {  	[sflag:s18] =	ssyncset.done $0x0  }
0x77: {  	[sflag:s18] =	ssyncadd.s32 $0xFFFFE000  }
0x78: {  	[spmem:s2] =	stream.indirect.scatter.add.f32 [tilespmem:s22], [sflag:$0x4], $0x40, s8, s21, $0xb8;
	[tilespmem:$0x1EC00] =	vst v63  }
0x79: {  	_ =	swait.ge [sflag:s26], $0x2000  }
0x7a: {  	[sflag:s26] =	ssyncset.done $0x0  }
0x7b: {  	[sflag:s26] =	ssyncadd.s32 $0xFFFFE000  }
0x7c: {  	[spmem:s2] =	stream.indirect.scatter.add.f32 [tilespmem:s23], [sflag:$0x5], $0x40, s9, s21, $0xb8;
	[tilespmem:$0x1EC00] =	vst v63  }
0x7d: {  	_ =	swait.ge [sflag:s31], $0x2000  }
0x7e: {  	[sflag:s31] =	ssyncset.done $0x0  }
0x7f: {  	[sflag:s31] =	ssyncadd.s32 $0xFFFFE000  }
0x80: {  	_ =	swait.ge [sflag:s29], $0x2000  }
0x81: {  	[sflag:s29] =	ssyncset.done $0x0  }
0x82: {  	[sflag:s29] =	ssyncadd.s32 $0xFFFFE000  }
0x83: {  	_ =	swait.ge [sflag:s30], $0x2000  }
0x84: {  	[sflag:s30] =	ssyncset.done $0x0  }
0x85: {  	[sflag:s30] =	ssyncadd.s32 $0xFFFFE000  }
0x86: {  	[bflag:$0x0] =	sbarrier.arrive $0xFFFF  }
0x87: {  	s11 =	rddreg [dreg:$0x8]  }
0x88: {  	[hbm:s11@s20], [sflag:s15] =	dma.strided [spmem:s16@s19], $0x13C0, s18, $0x8   }
0x89: {  	_ =	swait.ge [sflag:s13], $0x13C0  }
0x8a: {  	[sflag:s13] =	ssyncset.done $0x0  }
0x8b: {  	[sflag:s13] =	ssyncadd.s32 $0xFFFFEC40  }
0x8c: {  	[spmem:s16], [sflag:s15] =	dma.local [hbm:s5], $0x13C0  }
0x8d: {  	_ =	swait.ge [sflag:s13], $0x13C0  }
0x8e: {  	[sflag:s13] =	ssyncset.done $0x0  }
0x8f: {  	s12 =	rddreg [dreg:$0x9];
	[sflag:s13] =	ssyncadd.s32 $0xFFFFEC40  }
0x90: {  	[spmem:s17@s19], [sflag:s15] =	dma.strided [hbm:s12@s20], $0x13C0, s18, $0x8   }
0x91: {  	_ =	swait.ge [sflag:s13], $0x13C0  }
0x92: {  	[sflag:s13] =	ssyncset.done $0x0  }
0x93: {  	[sflag:s13] =	ssyncadd.s32 $0xFFFFEC40  }
0x94: {  	s24 =	simm.s32 $0x0;
	[bflag:$0x0] =	sbarrier.arrive $0xFFFF  }
0x95: {  	[tilespmem:s22], [sflag:$0x1] =	stream.indirect.gather [spmem:s3], $0x40, s24, s21, $0xb8;
	[tilespmem:$0x1EC00] =	vst v63  }
0x96: {  	_ = 	snop  }
0x97: {  	[tilespmem:s23], [sflag:$0x2] =	stream.indirect.gather [spmem:s3], $0x40, s21, s21, $0xb8;
	[tilespmem:$0x1EC00] =	vst v63  }
0x98: {  	s12 =	simm.s32 $0x100  }
0x99: {  	[tilespmem:s25], [sflag:$0x3] =	stream.indirect.gather [spmem:s3], $0x40, s12, s21, $0xb8;
	[tilespmem:$0x1EC00] =	vst v63  }
0x9a: {  	_ =	swait.ge [sflag:s18], $0x2000  }
0x9b: {  	[sflag:s18] =	ssyncset.done $0x0  }
0x9c: {  	s24 =	simm.s32 $0x2800;
	[sflag:s18] =	ssyncadd.s32 $0xFFFFE000  }
0x9d: {  	[spmem:s2] =	stream.indirect.scatter.add.f32 [tilespmem:s22], [sflag:$0x4], $0x40, s24, s21, $0xb8;
	[tilespmem:$0x1EC00] =	vst v63  }
0x9e: {  	_ =	swait.ge [sflag:s26], $0x2000  }
0x9f: {  	[sflag:s26] =	ssyncset.done $0x0  }
0xa0: {  	s12 =	simm.s32 $0x2880;
	[sflag:s26] =	ssyncadd.s32 $0xFFFFE000  }
0xa1: {  	[spmem:s2] =	stream.indirect.scatter.add.f32 [tilespmem:s23], [sflag:$0x5], $0x40, s12, s21, $0xb8;
	[tilespmem:$0x1EC00] =	vst v63  }
0xa2: {  	_ =	swait.ge [sflag:s28], $0x2000  }
0xa3: {  	[sflag:s28] =	ssyncset.done $0x0  }
0xa4: {  	s24 =	simm.s32 $0x2900;
	[sflag:s28] =	ssyncadd.s32 $0xFFFFE000  }
0xa5: {  	[spmem:s2] =	stream.indirect.scatter.add.f32 [tilespmem:s25], [sflag:$0x6], $0x40, s24, s21, $0xb8;
	[tilespmem:$0x1EC00] =	vst v63  }
0xa6: {  	_ =	swait.ge [sflag:s29], $0x2000  }
0xa7: {  	[sflag:s29] =	ssyncset.done $0x0  }
0xa8: {  	s12 =	simm.s32 $0x180;
	[sflag:s29] =	ssyncadd.s32 $0xFFFFE000  }
0xa9: {  	[tilespmem:s22], [sflag:$0x1] =	stream.indirect.gather [spmem:s3], $0x40, s12, s21, $0xb8;
	[tilespmem:$0x1EC00] =	vst v63  }
0xaa: {  	_ =	swait.ge [sflag:s30], $0x2000  }
0xab: {  	[sflag:s30] =	ssyncset.done $0x0  }
0xac: {  	s24 =	simm.s32 $0x200;
	[sflag:s30] =	ssyncadd.s32 $0xFFFFE000  }
0xad: {  	[tilespmem:s23], [sflag:$0x2] =	stream.indirect.gather [spmem:s3], $0x40, s24, s21, $0xb8;
	[tilespmem:$0x1EC00] =	vst v63  }
0xae: {  	_ =	swait.ge [sflag:s31], $0x2000  }
0xaf: {  	[sflag:s31] =	ssyncset.done $0x0  }
0xb0: {  	s11 =	simm.s32 $0x600;
	s12 =	simm.s32 $0x280;
	[sflag:s31] =	ssyncadd.s32 $0xFFFFE000  }
.LBB2_4:
0xb1: {  	[tilespmem:s25], [sflag:$0x3] =	stream.indirect.gather [spmem:s3], $0x40, s12, s21, $0xb8;
	[tilespmem:$0x1EC00] =	vst v63  }
0xb2: {  	s12 =	smov.u32 s11  }
0xb3: {  	p0 =	sne.s32 s11, $0x9000;
	s11 =	sadd.s32 $0x600, s11;
	_ =	swait.ge [sflag:s18], $0x2000  }
0xb4: {  	s12 =	sshra.s32 s12, $0x2;
	[sflag:s18] =	ssyncset.done $0x0  }
0xb5: {  	s24 =	sadd.s32 $0x2800, s12;
	[sflag:s18] =	ssyncadd.s32 $0xFFFFE000  }
0xb6: {  	[spmem:s2] =	stream.indirect.scatter.add.f32 [tilespmem:s22], [sflag:$0x4], $0x40, s24, s21, $0xb8;
	[tilespmem:$0x1EC00] =	vst v63  }
0xb7: {  	_ =	swait.ge [sflag:s26], $0x2000  }
0xb8: {  	[sflag:s26] =	ssyncset.done $0x0  }
0xb9: {  	s24 =	sadd.s32 $0x2880, s12;
	[sflag:s26] =	ssyncadd.s32 $0xFFFFE000  }
0xba: {  	[spmem:s2] =	stream.indirect.scatter.add.f32 [tilespmem:s23], [sflag:$0x5], $0x40, s24, s21, $0xb8;
	[tilespmem:$0x1EC00] =	vst v63  }
0xbb: {  	_ =	swait.ge [sflag:s28], $0x2000  }
0xbc: {  	[sflag:s28] =	ssyncset.done $0x0  }
0xbd: {  	s24 =	sadd.s32 $0x2900, s12;
	[sflag:s28] =	ssyncadd.s32 $0xFFFFE000  }
0xbe: {  	[spmem:s2] =	stream.indirect.scatter.add.f32 [tilespmem:s25], [sflag:$0x6], $0x40, s24, s21, $0xb8;
	[tilespmem:$0x1EC00] =	vst v63  }
0xbf: {  	_ =	swait.ge [sflag:s29], $0x2000  }
0xc0: {  	[sflag:s29] =	ssyncset.done $0x0  }
0xc1: {  	s24 =	sadd.s32 $0x180, s12;
	[sflag:s29] =	ssyncadd.s32 $0xFFFFE000  }
0xc2: {  	[tilespmem:s22], [sflag:$0x1] =	stream.indirect.gather [spmem:s3], $0x40, s24, s21, $0xb8;
	[tilespmem:$0x1EC00] =	vst v63  }
0xc3: {  	_ =	swait.ge [sflag:s30], $0x2000  }
0xc4: {  	[sflag:s30] =	ssyncset.done $0x0  }
.Ltmp1:
0xc5: {  	s24 =	sadd.s32 $0x200, s12;
	[sflag:s30] =	ssyncadd.s32 $0xFFFFE000;
	(pc) =	sbr.rel @p0 .LBB2_4-.Ltmp1, $4  }
0xc6: {  	[tilespmem:s23], [sflag:$0x2] =	stream.indirect.gather [spmem:s3], $0x40, s24, s21, $0xb8;
	[tilespmem:$0x1EC00] =	vst v63  }
0xc7: {  	_ =	swait.ge [sflag:s31], $0x2000  }
0xc8: {  	[sflag:s31] =	ssyncset.done $0x0  }
0xc9: {  	s12 =	sadd.s32 $0x280, s12;
	[sflag:s31] =	ssyncadd.s32 $0xFFFFE000  }
0xca: {  	[tilespmem:s25], [sflag:$0x3] =	stream.indirect.gather [spmem:s3], $0x40, s12, s21, $0xb8;
	[tilespmem:$0x1EC00] =	vst v63  }
0xcb: {  	_ =	swait.ge [sflag:s18], $0x2000  }
0xcc: {  	[sflag:s18] =	ssyncset.done $0x0  }
0xcd: {  	[sflag:s18] =	ssyncadd.s32 $0xFFFFE000  }
0xce: {  	[spmem:s2] =	stream.indirect.scatter.add.f32 [tilespmem:s22], [sflag:$0x4], $0x40, s1, s21, $0xb8;
	[tilespmem:$0x1EC00] =	vst v63  }
0xcf: {  	_ =	swait.ge [sflag:s29], $0x2000  }
0xd0: {  	[sflag:s29] =	ssyncset.done $0x0  }
0xd1: {  	[sflag:s29] =	ssyncadd.s32 $0xFFFFE000  }
0xd2: {  	[tilespmem:s22], [sflag:$0x1] =	stream.indirect.gather [spmem:s3], $0x40, s0, s21, $0xb8;
	[tilespmem:$0x1EC00] =	vst v63  }
0xd3: {  	_ =	swait.ge [sflag:s26], $0x2000  }
0xd4: {  	[sflag:s26] =	ssyncset.done $0x0  }
0xd5: {  	[sflag:s26] =	ssyncadd.s32 $0xFFFFE000  }
0xd6: {  	[spmem:s2] =	stream.indirect.scatter.add.f32 [tilespmem:s23], [sflag:$0x5], $0x40, s14, s21, $0xb8;
	[tilespmem:$0x1EC00] =	vst v63  }
0xd7: {  	_ =	swait.ge [sflag:s30], $0x2000  }
0xd8: {  	[sflag:s30] =	ssyncset.done $0x0  }
0xd9: {  	[sflag:s30] =	ssyncadd.s32 $0xFFFFE000  }
0xda: {  	[tilespmem:s23], [sflag:$0x2] =	stream.indirect.gather [spmem:s3], $0x40, s6, s21, $0xb8;
	[tilespmem:$0x1EC00] =	vst v63  }
0xdb: {  	_ =	swait.ge [sflag:s28], $0x2000  }
0xdc: {  	[sflag:s28] =	ssyncset.done $0x0  }
0xdd: {  	[sflag:s28] =	ssyncadd.s32 $0xFFFFE000  }
0xde: {  	[spmem:s2] =	stream.indirect.scatter.add.f32 [tilespmem:s25], [sflag:$0x6], $0x40, s7, s21, $0xb8;
	[tilespmem:$0x1EC00] =	vst v63  }
0xdf: {  	_ =	swait.ge [sflag:s18], $0x2000  }
0xe0: {  	[sflag:s18] =	ssyncset.done $0x0  }
0xe1: {  	[sflag:s18] =	ssyncadd.s32 $0xFFFFE000  }
0xe2: {  	[spmem:s2] =	stream.indirect.scatter.add.f32 [tilespmem:s22], [sflag:$0x4], $0x40, s8, s21, $0xb8;
	[tilespmem:$0x1EC00] =	vst v63  }
0xe3: {  	_ =	swait.ge [sflag:s26], $0x2000  }
0xe4: {  	[sflag:s26] =	ssyncset.done $0x0  }
0xe5: {  	[sflag:s26] =	ssyncadd.s32 $0xFFFFE000  }
0xe6: {  	[spmem:s2] =	stream.indirect.scatter.add.f32 [tilespmem:s23], [sflag:$0x5], $0x40, s9, s21, $0xb8;
	[tilespmem:$0x1EC00] =	vst v63  }
0xe7: {  	_ =	swait.ge [sflag:s31], $0x2000  }
0xe8: {  	[sflag:s31] =	ssyncset.done $0x0  }
0xe9: {  	[sflag:s31] =	ssyncadd.s32 $0xFFFFE000  }
0xea: {  	_ =	swait.ge [sflag:s29], $0x2000  }
0xeb: {  	[sflag:s29] =	ssyncset.done $0x0  }
0xec: {  	[sflag:s29] =	ssyncadd.s32 $0xFFFFE000  }
0xed: {  	_ =	swait.ge [sflag:s30], $0x2000  }
0xee: {  	[sflag:s30] =	ssyncset.done $0x0  }
0xef: {  	[sflag:s30] =	ssyncadd.s32 $0xFFFFE000  }
0xf0: {  	[bflag:$0x0] =	sbarrier.arrive $0xFFFF  }
0xf1: {  	s11 =	rddreg [dreg:$0xa]  }
0xf2: {  	[hbm:s11@s20], [sflag:s15] =	dma.strided [spmem:s16@s19], $0x13C0, s18, $0x8   }
0xf3: {  	_ =	swait.ge [sflag:s13], $0x13C0  }
0xf4: {  	s10 =	sadd.s32 $0x1, s10;
	s24 =	rddreg [dreg:$0xb]  }
0xf5: {  	p0 =	sne.s32 s10, s24  }
.Ltmp2:
0xf6: {  	_ = 	snop;
	(pc) =	sbr.rel @p0 .LBB2_1-.Ltmp2, $3  }
0xf7: {  	_ =	sdelay $0x1  }
0xf8: {  	[sflag:s13] =	ssyncset.done $0x0  }
0xf9: {  	[sflag:s13] =	ssyncadd.s32 $0xFFFFEC40  }
0xfa: {  	_ =	sfence.sel $0x180000  }
0xfb: {  	[bflag:$0x0] =	sbarrier.arrive $0xFFFF  }
0xfc: {  	_ =	strace $0x9000004D  }
0xfd: {  	s0 =	stileid.u32;
	[bflag:$0x2] =	sbarrier.arrive $0xFFFF  }
0xfe: {  	p0 =	sne.s32 s0, $0x0;
	s0 =	rddreg [dreg:$0x4]  }
0xff: {  	s0 =	sadd.s32 @!p0 $0x100000, s0  }
0x100: {  	[sflag:s0] =	ssyncadd.tile.s32 @!p0 $0x1;
	_ =	shalt  }
.Lfunc_end2:
_tile_overlayer_lowered:
.L_overlay_start_2:
0x101: {  	(tag) =	ssettag $0x2  }
0x102: {  	s0 =	rddreg [dreg:$0x0];
	s2 =	stileid.u32  }
0x103: {  	s1 =	rddreg [dreg:$0x1];
	p0 =	sne.s32 s2, $0x0  }
0x104: {  	s3 =	rddreg [dreg:$0x2];
	[bflag:$0x3] =	sbarrier.arrive $0xFFFF;
	s2 =	simm.s32 @!p0 $0x1C07  }
0x105: {  	[timem:s3], [sflag:s2] =	dma.local @!p0 [hbm:s0], s1  }
0x106: {  	s0 =	simm.s32 @!p0 $0x7  }
0x107: {  	_ =	swait.ge @!p0 [sflag:s0], s1  }
0x108: {  	s1 =	ssub.s32 @!p0 $0x0, s1;
	[sflag:s0] =	ssyncset.done @!p0 $0x0  }
0x109: {  	[sflag:s0] =	ssyncadd.s32 @!p0 s1  }
0x10a: {  	[bflag:$0x3] =	sbarrier.arrive $0xFFFF  }
0x10b: {  	_ =	shalt  }

// kernel: kernel.22.cloned.1.call-start
scs
__scs_entry_jumppad:
0x0: {  	(pc) =	sbr.rel $0x88, $3  }
0x1: {  	(tag) =	ssettag $0x0;
	lr =	simm.s32 $0x1  }
0x2: {  	[smem:$0x3F95] =	sst lr;
	_ =	strace $0xD0000000  }
0x3: {  	_ = 	snop  }
0x4: {  	_ = 	snop  }
0x5: {  	_ = 	snop  }
0x6: {  	_ = 	snop  }
0x7: {  	_ = 	snop  }
__scs_overlays_trampoline_lowered:
0x8: {  	[smem:$0x3FA4] =	sst s0  }
0x9: {  	[smem:$0x3FA5] =	sst s1  }
0xa: {  	[smem:$0x3FA6] =	sst s2  }
0xb: {  	[smem:$0x3FA7] =	sst s3  }
0xc: {  	[smem:$0x3FA8] =	sst s4  }
0xd: {  	[smem:$0x3FA9] =	sst s5  }
0xe: {  	[smem:$0x3FAA] =	sst s6  }
0xf: {  	[smem:$0x3FAB] =	sst s7  }
0x10: {  	[smem:$0x3FAC] =	sst s8  }
0x11: {  	[smem:$0x3FAD] =	sst s9;
	s0 =	simm.s32 @!p0 $0x0  }
0x12: {  	s1 =	sld [smem:$0x3F93];
	s0 =	simm.s32 @p0 $0x1  }
0x13: {  	[smem:$0x3FAE] =	sst s0;
	s0 =	simm.s32 @!p1 $0x0  }
0x14: {  	s2 =	sld [smem:$0x3F92];
	s0 =	simm.s32 @p1 $0x1  }
0x15: {  	[smem:$0x3FAF] =	sst s0;
	s0 =	simm.s32 @!p2 $0x0  }
0x16: {  	s3 =	sld [smem:$0x3FDB];
	s0 =	simm.s32 @p2 $0x1  }
0x17: {  	s4 =	simm.s32 $0x1BF5;
	[smem:$0x3FB1] =	sst s0  }
0x18: {  	s0 =	sld [smem:$0x3F94];
	_ =	swait.ge [sflag:s4], $0x0  }
0x19: {  	s7 =	sld [smem:$0x3F95]  }
0x1a: {  	s8 =	sadd.s32 $0xFFFFE003, lr  }
0x1b: {  	s9 =	sadd.s32 $0xFFFFFEF7, lr;
	s5 =	simm.s32 $0xFFFFFFFF;
	p2 =	slt.u32 s8, $0xFFFFF086  }
0x1c: {  	p1 =	slt.u32 s9, $0xF7A;
	s5 =	simm.s32 @!p2 $0x0  }
0x1d: {  	s5 =	simm.s32 @p1 $0x1;
	p0 =	seq.s32 s7, s2  }
0x1e: {  	s7 =	smul.u32 @!p0 $0xF7A, s2;
	p2 =	seq.s32 @!p0 s5, $0x0  }
0x1f: {  	s9 =	smul.u32 $0xF7A, s1;
	s8 =	simm.s32 @!p0 $0x1BF5;
	p2 =	por !p2, p0  }
0x20: {  	[sflag:s8] =	ssyncset.s32 @!p0 $0xFFFFF086;
	s6 =	sadd.s32 @!p0 s3, s7;
	s7 =	simm.s32 @!p0 $0x108  }
0x21: {  	s3 =	sadd.s32 s3, s9;
	s6 =	sadd.s32 @!p0 $0x88, s6;
	s7 =	simm.s32 @p2 $0x1082  }
0x22: {  	[simem:s7], [sflag:s8] =	dma.local @!p0 [hbm:s6], $0xF7A  }
0x23: {  	s9 =	sor.u32 $0xD0000000, s2;
	s6 =	simm.s32 $0x108;
	_ =	swait.ge @!p0 [sflag:s8], $0x0  }
0x24: {  	s3 =	sadd.s32 $0x88, s3;
	s6 =	simm.s32 @!p1 $0x1082;
	[sflag:s4] =	ssyncset.s32 $0xFFFFF086  }
0x25: {  	[simem:s6], [sflag:s4] =	dma.local [hbm:s3], $0xF7A  }
0x26: {  	[smem:$0x3F95] =	sst s1;
	(tag) =	ssettag s2;
	_ =	strace s9  }
0x27: {  	s1 =	sld [smem:$0x3FA5]  }
0x28: {  	s2 =	sld [smem:$0x3FA6]  }
0x29: {  	s4 =	sld [smem:$0x3FA8]  }
0x2a: {  	p0 =	seq.s32 s5, $0x0;
	s5 =	sld [smem:$0x3FA9]  }
0x2b: {  	s6 =	sld [smem:$0x3FAA]  }
0x2c: {  	s7 =	sld [smem:$0x3FAB]  }
0x2d: {  	s3 =	simm.s32 $0x108;
	s8 =	sld [smem:$0x3FAC]  }
0x2e: {  	s3 =	simm.s32 @!p0 $0x1082;
	s9 =	sld [smem:$0x3FAD]  }
0x2f: {  	lr =	sadd.s32 s0, s3;
	s0 =	sld [smem:$0x3FA4]  }
0x30: {  	s3 =	sld [smem:$0x3FA7]  }
0x31: {  	[smem:$0x3FB0] =	sst s10  }
0x32: {  	s10 =	sld [smem:$0x3FAE];
	_ =	sdelay $0x3  }
0x33: {  	p0 =	seq.s32 s10, $0x1;
	s10 =	sld [smem:$0x3FB0];
	_ =	sdelay $0x3  }
0x34: {  	[smem:$0x3FB0] =	sst s10  }
0x35: {  	s10 =	sld [smem:$0x3FAF];
	_ =	sdelay $0x3  }
0x36: {  	p1 =	seq.s32 s10, $0x1;
	s10 =	sld [smem:$0x3FB0];
	_ =	sdelay $0x3  }
0x37: {  	[smem:$0x3FB0] =	sst s10  }
0x38: {  	s10 =	sld [smem:$0x3FB1]  }
0x39: {  	_ = 	snop;
	(pc) =	sbr.ind lr, $3  }
0x3a: {  	_ = 	snop  }
0x3b: {  	_ = 	snop  }
0x3c: {  	p2 =	seq.s32 s10, $0x1;
	s10 =	sld [smem:$0x3FB0]  }
0x3d: {  	_ =	shalt  }
0x3e: {  	_ =	shalt  }
0x3f: {  	_ =	shalt  }
0x40: {  	_ =	shalt  }
0x41: {  	_ =	shalt  }
0x42: {  	_ =	shalt  }
0x43: {  	_ =	shalt  }
0x44: {  	_ =	shalt  }
0x45: {  	_ =	shalt  }
0x46: {  	_ =	shalt  }
0x47: {  	_ =	shalt  }
0x48: {  	_ =	shalt  }
0x49: {  	_ =	shalt  }
0x4a: {  	_ =	shalt  }
0x4b: {  	_ =	shalt  }
0x4c: {  	_ =	shalt  }
0x4d: {  	_ =	shalt  }
0x4e: {  	_ =	shalt  }
0x4f: {  	_ =	shalt  }
0x50: {  	_ =	shalt  }
0x51: {  	_ =	shalt  }
0x52: {  	_ =	shalt  }
0x53: {  	_ =	shalt  }
0x54: {  	_ =	shalt  }
0x55: {  	_ =	shalt  }
0x56: {  	_ =	shalt  }
0x57: {  	_ =	shalt  }
0x58: {  	_ =	shalt  }
0x59: {  	_ =	shalt  }
0x5a: {  	_ =	shalt  }
0x5b: {  	_ =	shalt  }
0x5c: {  	_ =	shalt  }
0x5d: {  	_ =	shalt  }
0x5e: {  	_ =	shalt  }
0x5f: {  	_ =	shalt  }
0x60: {  	_ =	shalt  }
0x61: {  	_ =	shalt  }
0x62: {  	_ =	shalt  }
0x63: {  	_ =	shalt  }
0x64: {  	_ =	shalt  }
0x65: {  	_ =	shalt  }
0x66: {  	_ =	shalt  }
0x67: {  	_ =	shalt  }
0x68: {  	_ =	shalt  }
0x69: {  	_ =	shalt  }
0x6a: {  	_ =	shalt  }
0x6b: {  	_ =	shalt  }
0x6c: {  	_ =	shalt  }
0x6d: {  	_ =	shalt  }
0x6e: {  	_ =	shalt  }
0x6f: {  	_ =	shalt  }
0x70: {  	_ =	shalt  }
0x71: {  	_ =	shalt  }
0x72: {  	_ =	shalt  }
0x73: {  	_ =	shalt  }
0x74: {  	_ =	shalt  }
0x75: {  	_ =	shalt  }
0x76: {  	_ =	shalt  }
0x77: {  	_ =	shalt  }
0x78: {  	_ =	shalt  }
0x79: {  	_ =	shalt  }
0x7a: {  	_ =	shalt  }
0x7b: {  	_ =	shalt  }
0x7c: {  	_ =	shalt  }
0x7d: {  	_ =	shalt  }
0x7e: {  	_ =	shalt  }
0x7f: {  	_ =	shalt  }
0x80: {  	_ =	shalt  }
0x81: {  	_ =	shalt  }
0x82: {  	_ =	shalt  }
0x83: {  	_ =	shalt  }
0x84: {  	_ =	shalt  }
0x85: {  	_ =	shalt  }
0x86: {  	_ =	shalt  }
0x87: {  	_ =	shalt  }
.Lfunc_end0:
.L_simem_size_0:
called_computation.3_lowered:
.L_overlay_start_0:
0x88: {  	s2 =	sld [smem:$0x3FD9]  }
0x89: {  	s3 =	sld [smem:$0x3FFE];
	_ =	sdelay $0x1  }
0x8a: {  	s1 =	srdreg.scid  }
0x8b: {  	s0 =	sand.u32 $0x1, s1  }
0x8c: {  	s17 =	sshll.u32 s0, $0xA;
	s2 =	sadd.s32 s3, s2  }
0x8d: {  	s2 =	sadd.s32 s2, s17  }
0x8e: {  	[smem:$0x3FBC] =	sst s2  }
0x8f: {  	_ = 	snop  }
0x90: {  	s2 =	sld [smem:$0x3FD0];
	(tm) =	ssettm $0x1  }
0x91: {  	s18 =	sld [smem:$0x3FFB];
	_ =	sdelay $0x3  }
0x92: {  	_ =	strace s18  }
0x93: {  	s3 =	sld [smem:$0x3FFC];
	_ =	sdelay $0x3  }
0x94: {  	_ =	strace s3  }
0x95: {  	s3 =	sld [smem:$0x3FFD];
	_ =	sdelay $0x3  }
0x96: {  	_ =	strace s3  }
0x97: {  	_ =	strace $0x8FFFFFFF  }
0x98: {  	s19 =	sld [smem:$0x3FDB];
	_ =	sdelay $0x1  }
0x99: {  	s4 =	simm.s32 $_scs_section_size  }
0x9a: {  	s5 =	simm.s32 $_size__tile_overlayer_lowered;
	s6 =	simm.s32 $_tile_overlayer_lowered  }
0x9b: {  	s22 =	simm.s32 $0x1BFF;
	s21 =	sshll.u32 s6, $0x1;
	s3 =	sadd.s32 s4, s19  }
0x9c: {  	s7 =	simm.s32 $0x0;
	s20 =	sshll.u32 s5, $0x1;
	s5 =	sadd.s32 s21, s3  }
0x9d: {  	[timem:s7], [sflag:s22] =	dma.local [hbm:s5], s20  }
0x9e: {  	_ =	swait.ge [sflag:s22], s20  }
0x9f: {  	s4 =	ssub.s32 $0x0, s20;
	[sflag:s22] =	ssyncset.done $0x0  }
0xa0: {  	[sflag:s22] =	ssyncadd.s32 s4;
	_ =	sdelay $0x1  }
0xa1: {  	s23 =	simm.s32 $0x1B8B  }
0xa2: {  	_ =	swait.ge [sflag:s23], $0x1  }
0xa3: {  	[sflag:s23] =	ssyncset.done $0x0  }
0xa4: {  	s25 =	simm.s32 $0x1B8E;
	s24 =	sld [smem:$0x3FFE];
	[sflag:s23] =	ssyncadd.s32 $0xFFFFFFFF  }
0xa5: {  	s26 =	simm.s32 $execute0_lowered;
	[smem:$0x3FD2] =	sst s25  }
0xa6: {  	s5 =	sshll.u32 s26, $0x1;
	_ =	strace $0x8000004F;
	[dreg:$0x1] =	wrdreg $0xFFFFFFFF  }
0xa7: {  	s28 =	simm.s32 $_size_execute0_lowered;
	s3 =	sadd.s32 s3, s5;
	[dreg:$0x0] =	wrdreg $0x0  }
0xa8: {  	s5 =	sshll.u32 s28, $0x1;
	[dreg:$0x2] =	wrdreg s3  }
0xa9: {  	[dreg:$0x3] =	wrdreg s5  }
0xaa: {  	[dreg:$0x4] =	wrdreg $0xC0  }
0xab: {  	_ =	task [dreg:s7], $0x5FFFF  }
0xac: {  	[dreg:$0x1] =	wrdreg $0xFFFFFFFF  }
0xad: {  	[dreg:$0x0] =	wrdreg $0x60  }
0xae: {  	[dreg:$0x2] =	wrdreg s24  }
0xaf: {  	[dreg:$0x3] =	wrdreg s2  }
0xb0: {  	[dreg:$0x4] =	wrdreg $0x98000  }
0xb1: {  	[dreg:$0x5] =	wrdreg $0x10E800  }
0xb2: {  	[dreg:$0x6] =	wrdreg $0x9  }
0xb3: {  	_ =	task.clear_ibuf [dreg:s7], $0x7FFFF;
	_ =	strace $0x9000004F  }
0xb4: {  	s29 =	simm.s32 $0x9;
	_ =	strace $0x80000051  }
0xb5: {  	_ =	swait.ge [sflag:s29], $0x1  }
0xb6: {  	[sflag:s29] =	ssyncadd.s32 $0xFFFFFFFF  }
0xb7: {  	_ =	strace $0x90000051  }
0xb8: {  	_ =	sfence  }
0xb9: {  	s30 =	sld [smem:$0x0];
	_ =	sdelay $0x2  }
0xba: {  	s31 =	sshll.u32 s1, $0xD;
	s1 =	sshrl.u32 s1, $0x2  }
0xbb: {  	s3 =	sand.u32 $0x4000, s31;
	s1 =	sadd.s32 s1, s30  }
0xbc: {  	s0 =	sor.u32 s3, s0;
	s1 =	sshll.u32 s1, $0x11  }
0xbd: {  	s0 =	sor.u32 s1, s0  }
0xbe: {  	s0 =	sadd.s32 $0x8F2B, s0  }
0xbf: {  	[sflag:s0] =	ssyncadd.remote.s32 $0x1  }
0xc0: {  	_ =	sfence.sel $0xFFFF  }
0xc1: {  	[dreg:$0x0] =	wrdreg $0xFFFFFFFF;
	(pc) =	sbr.abs _section_cstart, $3  }
0xc2: {  	[dreg:$0x1] =	wrdreg $0xFFFFFFFF  }
0xc3: {  	_ =	task.clear_ibuf [dreg:s7], $0x2FFFF;
	_ =	strace $0x9FFFFFFF  }
0xc4: {  	(tm) =	ssettm $0x7FFFFFFF  }
0xc5: {  	_ =	shalt  }
tec
execute0_lowered:
.L_overlay_start_1:
0x0: {  	(tag) =	ssettag $0x1  }
0x1: {  	s0 =	rddreg [dreg:$0x0]  }
0x2: {  	s1 =	srdreg.scid;
	s7 =	rddreg [dreg:$0x1]  }
0x3: {  	s2 =	rddreg [dreg:$0x2];
	s13 =	stileid.u32  }
0x4: {  	s3 =	rddreg [dreg:$0x3];
	s16 =	simm.s32 $0x1;
	s17 =	simm.s32 $0x6  }
0x5: {  	s18 =	simm.s32 $0x10;
	s19 =	simm.s32 $0x80;
	s20 =	simm.s32 $0x5000  }
0x6: {  	s21 =	simm.s32 $0x6800;
	s23 =	simm.s32 $0x8000;
	s24 =	simm.s32 $0x2  }
0x7: {  	s25 =	simm.s32 $0x3;
	s28 =	simm.s32 $0x5;
	s22 =	simm.s32 $0x4F80  }
0x8: {  	s29 =	simm.s32 $0x0;
	s1 =	sand.u32 $0x1, s1;
	s5 =	smul.u32 $0x13C00, s13  }
0x9: {  	s12 =	smul.u32 $0x7680, s13;
	s31 =	sshll.u32 s13, $0x6;
	s4 =	sshll.u32 s1, $0x4  }
0xa: {  	s9 =	smul.u32 $0x13C000, s1;
	s1 =	ssub.s32 $0x2, s1;
	s6 =	sor.u32 s13, s4  }
0xb: {  	s4 =	simm.s32 $0x0;
	s26 =	sshrl.u32 s5, $0x3;
	s11 =	sshrl.u32 s1, $0x1  }
0xc: {  	s14 =	sadd.s32 s12, s2;
	s12 =	sadd.s32 s12, s3;
	s13 =	sor.u32 $0x1C07, s31  }
0xd: {  	s8 =	smul.u32 $0x500, s6;
	[smem:$0x7FF] =	sst s4;
	s10 =	sadd.s32 s26, s0  }
0xe: {  	s5 =	sadd.s32 s5, s9;
	s1 =	ssub.s32 s1, s11;
	s11 =	simm.s32 $0x7  }
0xf: {  	s14 =	sshrl.u32 s14, $0x3;
	s15 =	sshrl.u32 s12, $0x3;
	s26 =	simm.s32 $0x4  }
0x10: {  	s12 =	simm.s32 $0x4F00;
	_ =	strace $0x80000050;
	s9 =	sshrl.u32 s5, $0x3  }
0x11: {  	s5 =	sadd.s32 $0x3A00, s0;
	s30 =	sadd.s32 s8, s0;
	s0 =	sadd.s32 s9, s0  }
0x12: {  	s7 =	sadd.s32 s7, s8;
	s8 =	sadd.s32 $0x17E00, s10;
	s10 =	smax.u32 s1, $0x1  }
0x13: {  	s6 =	sadd.s32 $0xDE00, s30;
	s9 =	sadd.s32 $0x3F600, s0;
	s0 =	simm.s32 $0x4E80  }
.LBB2_1:
0x14: {  	[tilespmem:s4], [sflag:$0x7] =	stream.linear.gather [hbm4b:s6+s4], $0x2800, $0x38;
	[tilespmem:$0x18500] =	vst v63  }
0x15: {  	_ =	swait.ge [sflag:s11], $0x2800  }
0x16: {  	[sflag:s11] =	ssyncset.done $0x0  }
0x17: {  	s1 =	simm.s32 $0x2800;
	[sflag:s11] =	ssyncadd.s32 $0xFFFFD800  }
0x18: {  	[tilespmem:s1], [sflag:$0x7] =	stream.linear.gather [hbm4b:s7+s4], $0x2800, $0x38;
	[tilespmem:$0x18500] =	vst v63  }
0x19: {  	_ =	swait.ge [sflag:s11], $0x2800  }
0x1a: {  	[sflag:s11] =	ssyncset.done $0x0  }
0x1b: {  	[sflag:s11] =	ssyncadd.s32 $0xFFFFD800  }
0x1c: {  	[spmem:s14], [sflag:s13] =	dma.local [hbm:s5], $0xED0  }
0x1d: {  	_ =	swait.ge [sflag:s11], $0xED0  }
0x1e: {  	[sflag:s11] =	ssyncset.done $0x0  }
0x1f: {  	[sflag:s11] =	ssyncadd.s32 $0xFFFFF130  }
0x20: {  	[spmem:s15@s17], [sflag:s13] =	dma.strided [hbm:s8@s18], $0xED0, s16, $0x6   }
0x21: {  	_ =	swait.ge [sflag:s11], $0xED0  }
0x22: {  	[sflag:s11] =	ssyncset.done $0x0  }
0x23: {  	[sflag:s11] =	ssyncadd.s32 $0xFFFFF130  }
0x24: {  	[bflag:$0x0] =	sbarrier.arrive $0xFFFF  }
0x25: {  	[tilespmem:s20], [sflag:$0x1] =	stream.indirect.gather [spmem:s3], $0x30, s4, s19, $0xb8;
	[tilespmem:$0x18500] =	vst v63  }
0x26: {  	_ = 	snop  }
0x27: {  	[tilespmem:s21], [sflag:$0x2] =	stream.indirect.gather [spmem:s3], $0x30, s19, s19, $0xb8;
	[tilespmem:$0x18500] =	vst v63  }
0x28: {  	s1 =	simm.s32 $0x100  }
0x29: {  	[tilespmem:s23], [sflag:$0x3] =	stream.indirect.gather [spmem:s3], $0x30, s1, s19, $0xb8;
	[tilespmem:$0x18500] =	vst v63  }
0x2a: {  	_ =	swait.ge [sflag:s16], $0x1800  }
0x2b: {  	[sflag:s16] =	ssyncset.done $0x0  }
0x2c: {  	s30 =	simm.s32 $0x2800;
	[sflag:s16] =	ssyncadd.s32 $0xFFFFE800  }
0x2d: {  	[spmem:s2] =	stream.indirect.scatter.add.f32 [tilespmem:s20], [sflag:$0x4], $0x30, s30, s19, $0xb8;
	[tilespmem:$0x18500] =	vst v63  }
0x2e: {  	_ =	swait.ge [sflag:s24], $0x1800  }
0x2f: {  	[sflag:s24] =	ssyncset.done $0x0  }
0x30: {  	s30 =	simm.s32 $0x2880;
	[sflag:s24] =	ssyncadd.s32 $0xFFFFE800  }
0x31: {  	[spmem:s2] =	stream.indirect.scatter.add.f32 [tilespmem:s21], [sflag:$0x5], $0x30, s30, s19, $0xb8;
	[tilespmem:$0x18500] =	vst v63  }
0x32: {  	_ =	swait.ge [sflag:s25], $0x1800  }
0x33: {  	[sflag:s25] =	ssyncset.done $0x0  }
0x34: {  	s30 =	simm.s32 $0x2900;
	[sflag:s25] =	ssyncadd.s32 $0xFFFFE800  }
0x35: {  	[spmem:s2] =	stream.indirect.scatter.add.f32 [tilespmem:s23], [sflag:$0x6], $0x30, s30, s19, $0xb8;
	[tilespmem:$0x18500] =	vst v63  }
0x36: {  	_ =	swait.ge [sflag:s26], $0x1800  }
0x37: {  	[sflag:s26] =	ssyncset.done $0x0  }
0x38: {  	s30 =	simm.s32 $0x180;
	[sflag:s26] =	ssyncadd.s32 $0xFFFFE800  }
0x39: {  	[tilespmem:s20], [sflag:$0x1] =	stream.indirect.gather [spmem:s3], $0x30, s30, s19, $0xb8;
	[tilespmem:$0x18500] =	vst v63  }
0x3a: {  	_ =	swait.ge [sflag:s28], $0x1800  }
0x3b: {  	[sflag:s28] =	ssyncset.done $0x0  }
0x3c: {  	s30 =	simm.s32 $0x200;
	[sflag:s28] =	ssyncadd.s32 $0xFFFFE800  }
0x3d: {  	[tilespmem:s21], [sflag:$0x2] =	stream.indirect.gather [spmem:s3], $0x30, s30, s19, $0xb8;
	[tilespmem:$0x18500] =	vst v63  }
0x3e: {  	_ =	swait.ge [sflag:s17], $0x1800  }
0x3f: {  	[sflag:s17] =	ssyncset.done $0x0  }
0x40: {  	s31 =	simm.s32 $0x280;
	s30 =	simm.s32 $0x600;
	[sflag:s17] =	ssyncadd.s32 $0xFFFFE800  }
.LBB2_2:
0x41: {  	[tilespmem:s23], [sflag:$0x3] =	stream.indirect.gather [spmem:s3], $0x30, s31, s19, $0xb8;
	[tilespmem:$0x18500] =	vst v63  }
0x42: {  	s31 =	smov.u32 s30  }
0x43: {  	p0 =	sne.s32 s30, $0x9000;
	s30 =	sadd.s32 $0x600, s30;
	_ =	swait.ge [sflag:s16], $0x1800  }
0x44: {  	s31 =	sshra.s32 s31, $0x2;
	[sflag:s16] =	ssyncset.done $0x0  }
0x45: {  	s1 =	sadd.s32 $0x2800, s31;
	[sflag:s16] =	ssyncadd.s32 $0xFFFFE800  }
0x46: {  	[spmem:s2] =	stream.indirect.scatter.add.f32 [tilespmem:s20], [sflag:$0x4], $0x30, s1, s19, $0xb8;
	[tilespmem:$0x18500] =	vst v63  }
0x47: {  	_ =	swait.ge [sflag:s24], $0x1800  }
0x48: {  	[sflag:s24] =	ssyncset.done $0x0  }
0x49: {  	s1 =	sadd.s32 $0x2880, s31;
	[sflag:s24] =	ssyncadd.s32 $0xFFFFE800  }
0x4a: {  	[spmem:s2] =	stream.indirect.scatter.add.f32 [tilespmem:s21], [sflag:$0x5], $0x30, s1, s19, $0xb8;
	[tilespmem:$0x18500] =	vst v63  }
0x4b: {  	_ =	swait.ge [sflag:s25], $0x1800  }
0x4c: {  	[sflag:s25] =	ssyncset.done $0x0  }
0x4d: {  	s1 =	sadd.s32 $0x2900, s31;
	[sflag:s25] =	ssyncadd.s32 $0xFFFFE800  }
0x4e: {  	[spmem:s2] =	stream.indirect.scatter.add.f32 [tilespmem:s23], [sflag:$0x6], $0x30, s1, s19, $0xb8;
	[tilespmem:$0x18500] =	vst v63  }
0x4f: {  	_ =	swait.ge [sflag:s26], $0x1800  }
0x50: {  	[sflag:s26] =	ssyncset.done $0x0  }
0x51: {  	s1 =	sadd.s32 $0x180, s31;
	[sflag:s26] =	ssyncadd.s32 $0xFFFFE800  }
0x52: {  	[tilespmem:s20], [sflag:$0x1] =	stream.indirect.gather [spmem:s3], $0x30, s1, s19, $0xb8;
	[tilespmem:$0x18500] =	vst v63  }
0x53: {  	_ =	swait.ge [sflag:s28], $0x1800  }
0x54: {  	[sflag:s28] =	ssyncset.done $0x0  }
.Ltmp0:
0x55: {  	s1 =	sadd.s32 $0x200, s31;
	[sflag:s28] =	ssyncadd.s32 $0xFFFFE800;
	(pc) =	sbr.rel @p0 .LBB2_2-.Ltmp0, $4  }
0x56: {  	[tilespmem:s21], [sflag:$0x2] =	stream.indirect.gather [spmem:s3], $0x30, s1, s19, $0xb8;
	[tilespmem:$0x18500] =	vst v63  }
0x57: {  	_ =	swait.ge [sflag:s17], $0x1800  }
0x58: {  	[sflag:s17] =	ssyncset.done $0x0  }
0x59: {  	s31 =	sadd.s32 $0x280, s31;
	[sflag:s17] =	ssyncadd.s32 $0xFFFFE800  }
0x5a: {  	[tilespmem:s23], [sflag:$0x3] =	stream.indirect.gather [spmem:s3], $0x30, s31, s19, $0xb8;
	[tilespmem:$0x18500] =	vst v63  }
0x5b: {  	_ =	swait.ge [sflag:s16], $0x1800  }
0x5c: {  	[sflag:s16] =	ssyncset.done $0x0  }
0x5d: {  	s1 =	simm.s32 $0x4D80;
	[sflag:s16] =	ssyncadd.s32 $0xFFFFE800  }
0x5e: {  	[spmem:s2] =	stream.indirect.scatter.add.f32 [tilespmem:s20], [sflag:$0x4], $0x30, s1, s19, $0xb8;
	[tilespmem:$0x18500] =	vst v63  }
0x5f: {  	_ =	swait.ge [sflag:s26], $0x1800  }
0x60: {  	[sflag:s26] =	ssyncset.done $0x0  }
0x61: {  	s31 =	simm.s32 $0x2700;
	[sflag:s26] =	ssyncadd.s32 $0xFFFFE800  }
0x62: {  	[tilespmem:s20], [sflag:$0x1] =	stream.indirect.gather [spmem:s3], $0x30, s31, s19, $0xb8;
	[tilespmem:$0x18500] =	vst v63  }
0x63: {  	_ =	swait.ge [sflag:s24], $0x1800  }
0x64: {  	[sflag:s24] =	ssyncset.done $0x0  }
0x65: {  	s30 =	simm.s32 $0x4E00;
	[sflag:s24] =	ssyncadd.s32 $0xFFFFE800  }
0x66: {  	[spmem:s2] =	stream.indirect.scatter.add.f32 [tilespmem:s21], [sflag:$0x5], $0x30, s30, s19, $0xb8;
	[tilespmem:$0x18500] =	vst v63  }
0x67: {  	_ =	swait.ge [sflag:s28], $0x1800  }
0x68: {  	[sflag:s28] =	ssyncset.done $0x0  }
0x69: {  	s31 =	simm.s32 $0x2780;
	[sflag:s28] =	ssyncadd.s32 $0xFFFFE800  }
0x6a: {  	[tilespmem:s21], [sflag:$0x2] =	stream.indirect.gather [spmem:s3], $0x30, s31, s19, $0xb8;
	[tilespmem:$0x18500] =	vst v63  }
0x6b: {  	_ =	swait.ge [sflag:s25], $0x1800  }
0x6c: {  	[sflag:s25] =	ssyncset.done $0x0  }
0x6d: {  	[sflag:s25] =	ssyncadd.s32 $0xFFFFE800  }
0x6e: {  	[spmem:s2] =	stream.indirect.scatter.add.f32 [tilespmem:s23], [sflag:$0x6], $0x30, s0, s19, $0xb8;
	[tilespmem:$0x18500] =	vst v63  }
0x6f: {  	_ =	swait.ge [sflag:s16], $0x1800  }
0x70: {  	[sflag:s16] =	ssyncset.done $0x0  }
0x71: {  	[sflag:s16] =	ssyncadd.s32 $0xFFFFE800  }
0x72: {  	[spmem:s2] =	stream.indirect.scatter.add.f32 [tilespmem:s20], [sflag:$0x4], $0x30, s12, s19, $0xb8;
	[tilespmem:$0x18500] =	vst v63  }
0x73: {  	_ =	swait.ge [sflag:s24], $0x1800  }
0x74: {  	[sflag:s24] =	ssyncset.done $0x0  }
0x75: {  	[sflag:s24] =	ssyncadd.s32 $0xFFFFE800  }
0x76: {  	[spmem:s2] =	stream.indirect.scatter.add.f32 [tilespmem:s21], [sflag:$0x5], $0x30, s22, s19, $0xb8;
	[tilespmem:$0x18500] =	vst v63  }
0x77: {  	_ =	swait.ge [sflag:s17], $0x1800  }
0x78: {  	[sflag:s17] =	ssyncset.done $0x0  }
0x79: {  	[sflag:s17] =	ssyncadd.s32 $0xFFFFE800  }
0x7a: {  	_ =	swait.ge [sflag:s26], $0x1800  }
0x7b: {  	[sflag:s26] =	ssyncset.done $0x0  }
0x7c: {  	[sflag:s26] =	ssyncadd.s32 $0xFFFFE800  }
0x7d: {  	_ =	swait.ge [sflag:s28], $0x1800  }
0x7e: {  	s29 =	sadd.s32 $0x1, s29;
	[sflag:s28] =	ssyncset.done $0x0  }
0x7f: {  	p0 =	sne.s32 s29, s10;
	[sflag:s28] =	ssyncadd.s32 $0xFFFFE800  }
.Ltmp1:
0x80: {  	[bflag:$0x0] =	sbarrier.arrive $0xFFFF;
	(pc) =	sbr.rel @p0 .LBB2_1-.Ltmp1, $4  }
0x81: {  	[hbm:s9@s18], [sflag:s13] =	dma.strided [spmem:s14@s17], $0xED0, s16, $0x6   }
0x82: {  	_ =	swait.ge [sflag:s11], $0xED0  }
0x83: {  	[sflag:s11] =	ssyncset.done $0x0  }
0x84: {  	[sflag:s11] =	ssyncadd.s32 $0xFFFFF130  }
0x85: {  	_ =	sfence.sel $0x180000  }
0x86: {  	[bflag:$0x0] =	sbarrier.arrive $0xFFFF  }
0x87: {  	_ =	strace $0x90000050  }
0x88: {  	s0 =	stileid.u32;
	[bflag:$0x2] =	sbarrier.arrive $0xFFFF  }
0x89: {  	p0 =	sne.s32 s0, $0x0;
	s0 =	rddreg [dreg:$0x4]  }
0x8a: {  	s0 =	sadd.s32 @!p0 $0x100000, s0  }
0x8b: {  	[sflag:s0] =	ssyncadd.tile.s32 @!p0 $0x1;
	_ =	shalt  }
.Lfunc_end2:
_tile_overlayer_lowered:
.L_overlay_start_2:
0x8c: {  	(tag) =	ssettag $0x2  }
0x8d: {  	s0 =	rddreg [dreg:$0x0];
	s2 =	stileid.u32  }
0x8e: {  	s1 =	rddreg [dreg:$0x1];
	p0 =	sne.s32 s2, $0x0  }
0x8f: {  	s3 =	rddreg [dreg:$0x2];
	[bflag:$0x3] =	sbarrier.arrive $0xFFFF;
	s2 =	simm.s32 @!p0 $0x1C07  }
0x90: {  	[timem:s3], [sflag:s2] =	dma.local @!p0 [hbm:s0], s1  }
0x91: {  	s0 =	simm.s32 @!p0 $0x7  }
0x92: {  	_ =	swait.ge @!p0 [sflag:s0], s1  }
0x93: {  	s1 =	ssub.s32 @!p0 $0x0, s1;
	[sflag:s0] =	ssyncset.done @!p0 $0x0  }
0x94: {  	[sflag:s0] =	ssyncadd.s32 @!p0 s1  }
0x95: {  	[bflag:$0x3] =	sbarrier.arrive $0xFFFF  }
0x96: {  	_ =	shalt  }

</sc_bundles>
